<compile_context>
chip_gen: v7x
topology: tpu7x:2x2x1
jax: 0.10.2.dev20260603
libtpu: 0.0.44.dev20260713+nightly
codegen_flags: <defaults>
</compile_context>

<pallas_src>
import functools

import jax
import jax.numpy as jnp
from jax import lax
from jax.experimental import pallas as pl
from jax.experimental.pallas import tpu as pltpu
from jax.experimental.pallas import tpu_sc as plsc

N_NODES = 10000
D = 128
NC = 2
NS = 16
NW = NC * NS

NP = 10240
HALF = NP // 2
ACC_ROWS = 5760
DUMP = 5632
ROWS_PER_TILE = ACC_ROWS // NS
ZCHUNK = 24

K_EDGE = 128

_SC_MESH = dict(core_axis_name="c", subcore_axis_name="s",
                num_cores=NC, num_subcores=NS)


def _make_deg_kernel(E):
    P = E // NW

    @functools.partial(
        pl.kernel,
        out_type=jax.ShapeDtypeStruct((NW * N_NODES,), jnp.float32),
        mesh=plsc.VectorSubcoreMesh(**_SC_MESH),
        compiler_params=pltpu.CompilerParams(needs_layout_passes=False),
        scratch_types=[
            pltpu.VMEM((P,), jnp.int32),
            pltpu.VMEM((N_NODES,), jnp.float32),
        ],
    )
    def deg_kernel(dst_hbm, out_hbm, idx_v, acc_v):
        cid = lax.axis_index("c")
        sid = lax.axis_index("s")
        wid = cid * NS + sid
        pltpu.sync_copy(dst_hbm.at[pl.ds(wid * P, P)], idx_v)

        def zero_body(i, carry):
            acc_v[pl.ds(i * 16, 16)] = jnp.zeros((16,), jnp.float32)
            return carry
        lax.fori_loop(0, N_NODES // 16, zero_body, 0)

        ones = jnp.ones((16,), jnp.float32)

        def add_body(j, carry):
            idx = idx_v[pl.ds(j * 16, 16)]
            plsc.addupdate_scatter(acc_v, [idx], ones)
            return carry
        lax.fori_loop(0, P // 16, add_body, 0)

        pltpu.sync_copy(acc_v, out_hbm.at[pl.ds(wid * N_NODES, N_NODES)])

    return deg_kernel


def _make_scatter_kernel(E):
    P2 = E // NS
    K = K_EDGE
    NV = P2 // 16
    BUF = ((P2 + 127) // 128 + 1) * 128

    @functools.partial(
        pl.kernel,
        out_type=jax.ShapeDtypeStruct((NC, ACC_ROWS, D), jnp.float32),
        mesh=plsc.VectorSubcoreMesh(**_SC_MESH),
        compiler_params=pltpu.CompilerParams(needs_layout_passes=False),
        scratch_types=[
            pltpu.VMEM((BUF,), jnp.int32),
            pltpu.VMEM((BUF,), jnp.int32),
            pltpu.VMEM((2, K, D), jnp.float32),
            pltpu.VMEM((ZCHUNK, D), jnp.float32),
            pltpu.VMEM_SHARED((ACC_ROWS, D), jnp.float32),
            pltpu.SemaphoreType.DMA,
        ],
    )
    def scat_kernel(g_hbm, src_hbm, dst_hbm, out_hbm,
                    src_v, dst_v, rows_v, zbuf_v, acc, sem):
        cid = lax.axis_index("c")
        sid = lax.axis_index("s")
        base = cid * HALF

        pltpu.sync_copy(src_hbm.at[pl.ds(sid * P2, P2)], src_v.at[pl.ds(0, P2)])
        pltpu.sync_copy(dst_hbm.at[pl.ds(sid * P2, P2)], dst_v.at[pl.ds(0, P2)])

        def zb(i, carry):
            for cc in range(D // 16):
                zbuf_v[i, pl.ds(cc * 16, 16)] = jnp.zeros((16,), jnp.float32)
            return carry
        lax.fori_loop(0, ZCHUNK, zb, 0)
        for t in range(ROWS_PER_TILE // ZCHUNK):
            pltpu.sync_copy(
                zbuf_v, acc.at[pl.ds(sid * ROWS_PER_TILE + t * ZCHUNK, ZCHUNK)])

        def comp(i, cnt):
            sv = src_v[pl.ds(i * 16, 16)]
            dv = dst_v[pl.ds(i * 16, 16)]
            local = dv - base
            m = (local >= 0) & (local < HALF)
            plsc.store_compressed(src_v.at[pl.ds(cnt, 16)], sv, mask=m)
            plsc.store_compressed(dst_v.at[pl.ds(cnt, 16)], local, mask=m)
            return cnt + jnp.sum(m.astype(jnp.int32))
        cnt = lax.fori_loop(0, NV, comp, jnp.int32(0))

        nchunks = jnp.maximum((cnt + (K - 1)) // K, 1)
        padend = nchunks * K
        iota = lax.iota(jnp.int32, 16)
        w0 = (cnt // 16) * 16
        for t in range(K // 16 + 1):
            w = w0 + t * 16
            pos = w + iota
            inpad = (pos >= cnt) & (pos < padend)
            src_v[pl.ds(w, 16)] = jnp.where(inpad, iota * 8, src_v[pl.ds(w, 16)])
            dst_v[pl.ds(w, 16)] = jnp.where(inpad, DUMP + iota, dst_v[pl.ds(w, 16)])

        plsc.subcore_barrier()

        def gather_start(j, b):
            pltpu.async_copy(
                g_hbm.at[src_v.at[pl.ds(j * K, K)]], rows_v.at[b], sem)

        def gather_wait(j, b):
            pltpu.make_async_copy(
                g_hbm.at[src_v.at[pl.ds(j * K, K)]], rows_v.at[b], sem).wait()

        gather_start(0, jnp.int32(0))

        def body(j, carry):
            b = lax.rem(j, 2)
            nb = lax.rem(j + 1, 2)

            @pl.when(j + 1 < nchunks)
            def _():
                gather_start(j + 1, nb)

            gather_wait(j, b)
            pltpu.sync_copy(rows_v.at[b], acc.at[dst_v.at[pl.ds(j * K, K)]],
                            add=True)
            return carry
        lax.fori_loop(0, nchunks, body, 0)

        plsc.subcore_barrier()
        pltpu.sync_copy(
            acc.at[pl.ds(sid * ROWS_PER_TILE, ROWS_PER_TILE)],
            out_hbm.at[cid, pl.ds(sid * ROWS_PER_TILE, ROWS_PER_TILE)])

    return scat_kernel


R_BLK = 640
GRID = NP // R_BLK
HB = GRID // 2


def _dot(a, b):
    return lax.dot_general(a, b, (((1,), (0,)), ((), ())),
                           precision=lax.Precision.HIGHEST,
                           preferred_element_type=jnp.float32)


def _pre_body(dp_ref, x_ref, w_ref, g_ref, dinv_ref):
    deg = jnp.sum(dp_ref[...], axis=1) + 1.0
    dinv = lax.rsqrt(deg)
    dcol = dinv[:, None]
    g_ref[...] = _dot(x_ref[...], w_ref[...]) * dcol
    dinv_ref[...] = dcol


def _pre_call(degp, X, W0):
    return pl.pallas_call(
        _pre_body,
        grid=(GRID,),
        in_specs=[
            pl.BlockSpec((R_BLK, NW), lambda i: (i, 0)),
            pl.BlockSpec((R_BLK, D), lambda i: (i, 0)),
            pl.BlockSpec((D, D), lambda i: (0, 0)),
        ],
        out_specs=[
            pl.BlockSpec((R_BLK, D), lambda i: (i, 0)),
            pl.BlockSpec((R_BLK, 1), lambda i: (i, 0)),
        ],
        out_shape=[
            jax.ShapeDtypeStruct((NP, D), jnp.float32),
            jax.ShapeDtypeStruct((NP, 1), jnp.float32),
        ],
    )(degp, X, W0)


def _leaky(v):
    return jnp.where(v >= 0.0, v, 0.01 * v)


_S_SPEC = pl.BlockSpec((1, R_BLK, D), lambda i: (i // HB, i % HB, 0))
_ROW_SPEC = pl.BlockSpec((R_BLK, D), lambda i: (i, 0))
_DINV_SPEC = pl.BlockSpec((R_BLK, 1), lambda i: (i, 0))
_ROW_SHAPE = jax.ShapeDtypeStruct((NP, D), jnp.float32)


def _mid_body(rscale, s_ref, g_ref, dinv_ref, x_ref, res_ref, b_ref, w_ref,
              x1_ref, res1_ref, g1_ref):
    dcol = dinv_ref[...]
    conv = (s_ref[0] + g_ref[...]) * dcol + b_ref[...]
    x1 = _leaky(conv) + x_ref[...]
    x1_ref[...] = x1
    res1_ref[...] = res_ref[...] + x1 * rscale
    g1_ref[...] = _dot(x1, w_ref[...]) * dcol


def _mid_call(layer, S, g, dinv, x, res, b, Wn):
    return pl.pallas_call(
        functools.partial(_mid_body, 1.0 / (layer + 2)),
        grid=(GRID,),
        in_specs=[
            _S_SPEC, _ROW_SPEC, _DINV_SPEC, _ROW_SPEC, _ROW_SPEC,
            pl.BlockSpec((1, D), lambda i: (0, 0)),
            pl.BlockSpec((D, D), lambda i: (0, 0)),
        ],
        out_specs=[_ROW_SPEC, _ROW_SPEC, _ROW_SPEC],
        out_shape=[_ROW_SHAPE, _ROW_SHAPE, _ROW_SHAPE],
    )(S, g, dinv, x, res, b, Wn)


def _last_body(rscale, s_ref, g_ref, dinv_ref, x_ref, res_ref, b_ref, res1_ref):
    dcol = dinv_ref[...]
    conv = (s_ref[0] + g_ref[...]) * dcol + b_ref[...]
    x1 = _leaky(conv) + x_ref[...]
    res1_ref[...] = res_ref[...] + x1 * rscale


def _last_call(layer, S, g, dinv, x, res, b):
    return pl.pallas_call(
        functools.partial(_last_body, 1.0 / (layer + 2)),
        grid=(GRID,),
        in_specs=[
            _S_SPEC, _ROW_SPEC, _DINV_SPEC, _ROW_SPEC, _ROW_SPEC,
            pl.BlockSpec((1, D), lambda i: (0, 0)),
        ],
        out_specs=_ROW_SPEC,
        out_shape=_ROW_SHAPE,
    )(S, g, dinv, x, res, b)


def kernel(X, adj_indices, W0, b0, W1, b1, W2, b2):
    src = adj_indices[0].astype(jnp.int32)
    dst = adj_indices[1].astype(jnp.int32)
    E = src.shape[0]

    deg_k = _make_deg_kernel(E)
    scat_k = _make_scatter_kernel(E)

    X_pad = jnp.pad(X, ((0, NP - N_NODES), (0, 0)))

    degp = deg_k(dst)
    degp_t = jnp.pad(jnp.transpose(degp.reshape(NW, N_NODES)),
                     ((0, NP - N_NODES), (0, 0)))
    g0, dinv = _pre_call(degp_t, X_pad, W0)

    S0 = scat_k(g0, src, dst)
    x1, res1, g1 = _mid_call(0, S0, g0, dinv, X_pad, X_pad, b0.reshape(1, D), W1)

    S1 = scat_k(g1, src, dst)
    x2, res2, g2 = _mid_call(1, S1, g1, dinv, x1, res1, b1.reshape(1, D), W2)

    S2 = scat_k(g2, src, dst)
    res3 = _last_call(2, S2, g2, dinv, x2, res2, b2.reshape(1, D))
    return res3[:N_NODES]

# --- scband reference (transcript-rebuilt; emitter-appended) ---
"""Pipeline reference for scband-gat-73031623901535 (READ-ONLY COPY).

The authoritative reference and input builder live on the scoring server;
editing this copy changes nothing except your own understanding.
"""

import jax, jax.numpy as jnp
import numpy as np

N_NODES = 10000
N_EDGES = 320000
D = 128
N_LAYERS = 3


def gcn_conv(x, src, dst, W, b, n_nodes):
    # PyG GCNConv with add_self_loops=True, normalize=True, bias=True
    loop = jnp.arange(n_nodes, dtype=src.dtype)
    src_sl = jnp.concatenate([src, loop])
    dst_sl = jnp.concatenate([dst, loop])
    ew = jnp.ones(src_sl.shape[0], dtype=x.dtype)
    deg = jax.ops.segment_sum(ew, dst_sl, num_segments=n_nodes)
    dinv = jnp.where(deg > 0, 1.0 / jnp.sqrt(deg), 0.0)
    norm = dinv[src_sl] * ew * dinv[dst_sl]
    h = x @ W
    msg = h[src_sl] * norm[:, None]
    agg = jax.ops.segment_sum(msg, dst_sl, num_segments=n_nodes)
    return agg + b


def setup_inputs(seed: int = 0) -> dict:
    key = jax.random.key(seed)
    ks = jax.random.split(key, 2 + 2 * N_LAYERS)
    X = jax.random.normal(ks[0], (N_NODES, D), dtype=jnp.float32)
    adj_indices = jax.random.randint(ks[1], (2, N_EDGES), 0, N_NODES, dtype=jnp.int64 if jax.config.jax_enable_x64 else jnp.int32)
    inp = {"X": X, "adj_indices": adj_indices}
    scale = 1.0 / np.sqrt(D)
    for i in range(N_LAYERS):
        inp[f"W{i}"] = jax.random.normal(ks[2 + 2 * i], (D, D), dtype=jnp.float32) * scale
        inp[f"b{i}"] = jax.random.normal(ks[3 + 2 * i], (D,), dtype=jnp.float32) * 0.01
    return inp


def reference(X, adj_indices, W0, b0, W1, b1, W2, b2):
    src = adj_indices[0]
    dst = adj_indices[1]
    params = [(W0, b0), (W1, b1), (W2, b2)]
    res_embed = X
    x = X
    for i, (W, b) in enumerate(params):
        conv = gcn_conv(x, src, dst, W, b, X.shape[0])
        x = jax.nn.leaky_relu(conv, negative_slope=0.01) + x
        res_embed = res_embed + x * (1.0 / (i + 2))
    return res_embed

if __name__ == "__main__":
    import jax
    _d = setup_inputs()
    print(jax.jit(kernel)(*tuple(_d.values())))

</pallas_src>

<mosaic_0001>
#map = affine_map<(d0, d1) -> (0)>
module attributes {stable_mosaic.version = 14 : i64} {
  func.func @deg_kernel(%arg0: i32, %arg1: i32, %arg2: memref<320000xi32, #tpu.memory_space<hbm>>, %arg3: memref<320000xf32, #tpu.memory_space<hbm>>, %arg4: memref<10000xi32, #tpu.memory_space<vmem>>, %arg5: memref<10000xf32, #tpu.memory_space<vmem>>) attributes {dimension_semantics = [#tpu.dimension_semantics<core_parallel>, #tpu.dimension_semantics<subcore_parallel>], iteration_bounds = array<i64: 2, 16>, scalar_prefetch = 0 : i64, scratch_operands = 2 : i64, tpu.core_type = #tpu.core_type<sc_vector_subcore>, window_params = [{transform_indices = #map}, {transform_indices = #map}]} {
    %mul3A = arith.constant 16 : i32
    %mul3A_0 = arith.muli %arg0, %mul3A : i32
    %add3A = arith.addi %mul3A_0, %arg1 : i32
    %mul3A_1 = arith.constant 10000 : i32
    %mul3A_2 = arith.muli %add3A, %mul3A_1 : i32
    "tpu.region"() ({
      %run_scoped3A = tpu.sem_alloc : memref<!tpu.dma_semaphore, #tpu.memory_space<semaphore_mem>>
      %dma_start3A = tpu.memref_slice %arg2[%mul3A_2] : memref<320000xi32, #tpu.memory_space<hbm>> -> memref<10000xi32, #tpu.memory_space<hbm>>
      %dma_start3A_17 = tpu.memref_slice %arg2[%mul3A_2] : memref<320000xi32, #tpu.memory_space<hbm>> -> memref<10000xi32, #tpu.memory_space<hbm>>
      tpu.enqueue_dma source(%dma_start3A_17 : memref<10000xi32, #tpu.memory_space<hbm>>) target(%arg4 : memref<10000xi32, #tpu.memory_space<vmem>>) target_semaphore(%run_scoped3A : memref<!tpu.dma_semaphore, #tpu.memory_space<semaphore_mem>>)
      %dma_wait3A = tpu.memref_slice %arg2[%mul3A_2] : memref<320000xi32, #tpu.memory_space<hbm>> -> memref<10000xi32, #tpu.memory_space<hbm>>
      %dma_wait3A_18 = tpu.memref_slice %arg2[%mul3A_2] : memref<320000xi32, #tpu.memory_space<hbm>> -> memref<10000xi32, #tpu.memory_space<hbm>>
      tpu.wait_dma2 semaphore(%run_scoped3A : memref<!tpu.dma_semaphore, #tpu.memory_space<semaphore_mem>>) src(%dma_wait3A_18 : memref<10000xi32, #tpu.memory_space<hbm>>) dst(%arg4 : memref<10000xi32, #tpu.memory_space<vmem>>)
      tpu.yield
    }) : () -> ()
    %scan3A = arith.constant 0 : i32
    %scan3A_3 = arith.constant 0 : i32
    %scan3A_4 = arith.constant 625 : i32
    %scan3A_5 = arith.addi %scan3A_3, %scan3A_4 : i32
    %scan3A_6 = arith.constant 1 : i32
    scf.for %scan3A_17 = %scan3A_3 to %scan3A_5 step %scan3A_6  : i32 {
      %broadcast_in_dim3A_18 = arith.constant 0.000000e+00 : f32
      %broadcast_in_dim3A_19 = vector.broadcast %broadcast_in_dim3A_18 : f32 to vector<16xf32>
      %mul3A_20 = arith.constant 16 : i32
      %mul3A_21 = arith.muli %scan3A_17, %mul3A_20 : i32
      %swap3A = arith.index_cast %mul3A_21 : i32 to index
      %swap3A_22 = tpu.vector_load %arg5[%swap3A] {strides = array<i32>} : memref<10000xf32, #tpu.memory_space<vmem>>, vector<16xf32>,
      tpu.vector_store %arg5[%swap3A], %broadcast_in_dim3A_19 {strides = array<i32>} : memref<10000xf32, #tpu.memory_space<vmem>>, vector<16xf32>,
    }
    %scan3A_7 = arith.constant 625 : i32
    %broadcast_in_dim3A = arith.constant 1.000000e+00 : f32
    %broadcast_in_dim3A_8 = vector.broadcast %broadcast_in_dim3A : f32 to vector<16xf32>
    %scan3A_9 = arith.constant 0 : i32
    %scan3A_10 = arith.constant 0 : i32
    %scan3A_11 = arith.constant 625 : i32
    %scan3A_12 = arith.addi %scan3A_10, %scan3A_11 : i32
    %scan3A_13 = arith.constant 1 : i32
    scf.for %scan3A_17 = %scan3A_10 to %scan3A_12 step %scan3A_13  : i32 {
      %mul3A_18 = arith.constant 16 : i32
      %mul3A_19 = arith.muli %scan3A_17, %mul3A_18 : i32
      %get3A = arith.index_cast %mul3A_19 : i32 to index
      %get3A_20 = tpu.vector_load %arg4[%get3A] {strides = array<i32>} : memref<10000xi32, #tpu.memory_space<vmem>>, vector<16xi32>,
      tpu.vector_store_idx %arg5[%get3A_20], %broadcast_in_dim3A_8 {add = true} : memref<10000xf32, #tpu.memory_space<vmem>>[vector<16xi32>], vector<16xf32>,
    }
    %scan3A_14 = arith.constant 625 : i32
    %mul3A_15 = arith.constant 10000 : i32
    %mul3A_16 = arith.muli %add3A, %mul3A_15 : i32
    "tpu.region"() ({
      %run_scoped3A = tpu.sem_alloc : memref<!tpu.dma_semaphore, #tpu.memory_space<semaphore_mem>>
      %dma_start3A = tpu.memref_slice %arg3[%mul3A_16] : memref<320000xf32, #tpu.memory_space<hbm>> -> memref<10000xf32, #tpu.memory_space<hbm>>
      %dma_start3A_17 = tpu.memref_slice %arg3[%mul3A_16] : memref<320000xf32, #tpu.memory_space<hbm>> -> memref<10000xf32, #tpu.memory_space<hbm>>
      tpu.enqueue_dma source(%arg5 : memref<10000xf32, #tpu.memory_space<vmem>>) target(%dma_start3A_17 : memref<10000xf32, #tpu.memory_space<hbm>>) target_semaphore(%run_scoped3A : memref<!tpu.dma_semaphore, #tpu.memory_space<semaphore_mem>>)
      %dma_wait3A = tpu.memref_slice %arg3[%mul3A_16] : memref<320000xf32, #tpu.memory_space<hbm>> -> memref<10000xf32, #tpu.memory_space<hbm>>
      %dma_wait3A_18 = tpu.memref_slice %arg3[%mul3A_16] : memref<320000xf32, #tpu.memory_space<hbm>> -> memref<10000xf32, #tpu.memory_space<hbm>>
      tpu.wait_dma2 semaphore(%run_scoped3A : memref<!tpu.dma_semaphore, #tpu.memory_space<semaphore_mem>>) src(%arg5 : memref<10000xf32, #tpu.memory_space<vmem>>) dst(%dma_wait3A_18 : memref<10000xf32, #tpu.memory_space<hbm>>)
      tpu.yield
    }) : () -> ()
    return
  }
}

#map = affine_map<(d0, d1) -> (0, 0)>
#map1 = affine_map<(d0, d1) -> (0)>
#map2 = affine_map<(d0, d1) -> (0, 0, 0)>
module attributes {stable_mosaic.version = 14 : i64} {
  func.func @scat_kernel(%arg0: i32, %arg1: i32, %arg2: memref<10240x128xf32, #tpu.memory_space<hbm>>, %arg3: memref<320000xi32, #tpu.memory_space<hbm>>, %arg4: memref<320000xi32, #tpu.memory_space<hbm>>, %arg5: memref<2x5760x128xf32, #tpu.memory_space<hbm>>, %arg6: memref<20224xi32, #tpu.memory_space<vmem>>, %arg7: memref<20224xi32, #tpu.memory_space<vmem>>, %arg8: memref<2x128x128xf32, #tpu.memory_space<vmem>>, %arg9: memref<24x128xf32, #tpu.memory_space<vmem>>, %arg10: memref<5760x128xf32, #tpu.memory_space<vmem_shared>>, %arg11: memref<!tpu.dma_semaphore, #tpu.memory_space<semaphore_mem>>) attributes {dimension_semantics = [#tpu.dimension_semantics<core_parallel>, #tpu.dimension_semantics<subcore_parallel>], iteration_bounds = array<i64: 2, 16>, scalar_prefetch = 0 : i64, scratch_operands = 6 : i64, tpu.core_type = #tpu.core_type<sc_vector_subcore>, window_params = [{transform_indices = #map}, {transform_indices = #map1}, {transform_indices = #map1}, {transform_indices = #map2}]} {
    %mul3A = arith.constant 5120 : i32
    %mul3A_0 = arith.muli %arg0, %mul3A : i32
    %mul3A_1 = arith.constant 20000 : i32
    %mul3A_2 = arith.muli %arg1, %mul3A_1 : i32
    "tpu.region"() ({
      %run_scoped3A = tpu.sem_alloc : memref<!tpu.dma_semaphore, #tpu.memory_space<semaphore_mem>>
      %dma_start3A_367 = arith.constant 0 : i32
      %dma_start3A_368 = tpu.memref_slice %arg6[%dma_start3A_367] : memref<20224xi32, #tpu.memory_space<vmem>> -> memref<20000xi32, #tpu.memory_space<vmem>>
      %dma_start3A_369 = tpu.memref_slice %arg3[%mul3A_2] : memref<320000xi32, #tpu.memory_space<hbm>> -> memref<20000xi32, #tpu.memory_space<hbm>>
      %dma_start3A_370 = arith.constant 0 : i32
      %dma_start3A_371 = tpu.memref_slice %arg6[%dma_start3A_370] : memref<20224xi32, #tpu.memory_space<vmem>> -> memref<20000xi32, #tpu.memory_space<vmem>>
      %dma_start3A_372 = tpu.memref_slice %arg3[%mul3A_2] : memref<320000xi32, #tpu.memory_space<hbm>> -> memref<20000xi32, #tpu.memory_space<hbm>>
      tpu.enqueue_dma source(%dma_start3A_372 : memref<20000xi32, #tpu.memory_space<hbm>>) target(%dma_start3A_371 : memref<20000xi32, #tpu.memory_space<vmem>>) target_semaphore(%run_scoped3A : memref<!tpu.dma_semaphore, #tpu.memory_space<semaphore_mem>>)
      %dma_wait3A = arith.constant 0 : i32
      %dma_wait3A_373 = tpu.memref_slice %arg6[%dma_wait3A] : memref<20224xi32, #tpu.memory_space<vmem>> -> memref<20000xi32, #tpu.memory_space<vmem>>
      %dma_wait3A_374 = tpu.memref_slice %arg3[%mul3A_2] : memref<320000xi32, #tpu.memory_space<hbm>> -> memref<20000xi32, #tpu.memory_space<hbm>>
      %dma_wait3A_375 = arith.constant 0 : i32
      %dma_wait3A_376 = tpu.memref_slice %arg6[%dma_wait3A_375] : memref<20224xi32, #tpu.memory_space<vmem>> -> memref<20000xi32, #tpu.memory_space<vmem>>
      %dma_wait3A_377 = tpu.memref_slice %arg3[%mul3A_2] : memref<320000xi32, #tpu.memory_space<hbm>> -> memref<20000xi32, #tpu.memory_space<hbm>>
      tpu.wait_dma2 semaphore(%run_scoped3A : memref<!tpu.dma_semaphore, #tpu.memory_space<semaphore_mem>>) src(%dma_wait3A_377 : memref<20000xi32, #tpu.memory_space<hbm>>) dst(%dma_wait3A_376 : memref<20000xi32, #tpu.memory_space<vmem>>)
      tpu.yield
    }) : () -> ()
    %mul3A_3 = arith.constant 20000 : i32
    %mul3A_4 = arith.muli %arg1, %mul3A_3 : i32
    "tpu.region"() ({
      %run_scoped3A = tpu.sem_alloc : memref<!tpu.dma_semaphore, #tpu.memory_space<semaphore_mem>>
      %dma_start3A_367 = arith.constant 0 : i32
      %dma_start3A_368 = tpu.memref_slice %arg7[%dma_start3A_367] : memref<20224xi32, #tpu.memory_space<vmem>> -> memref<20000xi32, #tpu.memory_space<vmem>>
      %dma_start3A_369 = tpu.memref_slice %arg4[%mul3A_4] : memref<320000xi32, #tpu.memory_space<hbm>> -> memref<20000xi32, #tpu.memory_space<hbm>>
      %dma_start3A_370 = arith.constant 0 : i32
      %dma_start3A_371 = tpu.memref_slice %arg7[%dma_start3A_370] : memref<20224xi32, #tpu.memory_space<vmem>> -> memref<20000xi32, #tpu.memory_space<vmem>>
      %dma_start3A_372 = tpu.memref_slice %arg4[%mul3A_4] : memref<320000xi32, #tpu.memory_space<hbm>> -> memref<20000xi32, #tpu.memory_space<hbm>>
      tpu.enqueue_dma source(%dma_start3A_372 : memref<20000xi32, #tpu.memory_space<hbm>>) target(%dma_start3A_371 : memref<20000xi32, #tpu.memory_space<vmem>>) target_semaphore(%run_scoped3A : memref<!tpu.dma_semaphore, #tpu.memory_space<semaphore_mem>>)
      %dma_wait3A = arith.constant 0 : i32
      %dma_wait3A_373 = tpu.memref_slice %arg7[%dma_wait3A] : memref<20224xi32, #tpu.memory_space<vmem>> -> memref<20000xi32, #tpu.memory_space<vmem>>
      %dma_wait3A_374 = tpu.memref_slice %arg4[%mul3A_4] : memref<320000xi32, #tpu.memory_space<hbm>> -> memref<20000xi32, #tpu.memory_space<hbm>>
      %dma_wait3A_375 = arith.constant 0 : i32
      %dma_wait3A_376 = tpu.memref_slice %arg7[%dma_wait3A_375] : memref<20224xi32, #tpu.memory_space<vmem>> -> memref<20000xi32, #tpu.memory_space<vmem>>
      %dma_wait3A_377 = tpu.memref_slice %arg4[%mul3A_4] : memref<320000xi32, #tpu.memory_space<hbm>> -> memref<20000xi32, #tpu.memory_space<hbm>>
      tpu.wait_dma2 semaphore(%run_scoped3A : memref<!tpu.dma_semaphore, #tpu.memory_space<semaphore_mem>>) src(%dma_wait3A_377 : memref<20000xi32, #tpu.memory_space<hbm>>) dst(%dma_wait3A_376 : memref<20000xi32, #tpu.memory_space<vmem>>)
      tpu.yield
    }) : () -> ()
    %scan3A = arith.constant 0 : i32
    %scan3A_5 = arith.constant 0 : i32
    %scan3A_6 = arith.constant 24 : i32
    %scan3A_7 = arith.addi %scan3A_5, %scan3A_6 : i32
    %scan3A_8 = arith.constant 1 : i32
    scf.for %scan3A_367 = %scan3A_5 to %scan3A_7 step %scan3A_8  : i32 {
      %broadcast_in_dim3A = arith.constant 0.000000e+00 : f32
      %broadcast_in_dim3A_368 = vector.broadcast %broadcast_in_dim3A : f32 to vector<16xf32>
      %swap3A_369 = arith.index_cast %scan3A_367 : i32 to index
      %swap3A_370 = arith.constant 0 : index
      %swap3A_371 = tpu.vector_load %arg9[%swap3A_369, %swap3A_370] {strides = array<i32>} : memref<24x128xf32, #tpu.memory_space<vmem>>, vector<16xf32>,
      tpu.vector_store %arg9[%swap3A_369, %swap3A_370], %broadcast_in_dim3A_368 {strides = array<i32>} : memref<24x128xf32, #tpu.memory_space<vmem>>, vector<16xf32>,
      %broadcast_in_dim3A_372 = arith.constant 0.000000e+00 : f32
      %broadcast_in_dim3A_373 = vector.broadcast %broadcast_in_dim3A_372 : f32 to vector<16xf32>
      %swap3A_374 = arith.index_cast %scan3A_367 : i32 to index
      %swap3A_375 = arith.constant 16 : index
      %swap3A_376 = tpu.vector_load %arg9[%swap3A_374, %swap3A_375] {strides = array<i32>} : memref<24x128xf32, #tpu.memory_space<vmem>>, vector<16xf32>,
      tpu.vector_store %arg9[%swap3A_374, %swap3A_375], %broadcast_in_dim3A_373 {strides = array<i32>} : memref<24x128xf32, #tpu.memory_space<vmem>>, vector<16xf32>,
      %broadcast_in_dim3A_377 = arith.constant 0.000000e+00 : f32
      %broadcast_in_dim3A_378 = vector.broadcast %broadcast_in_dim3A_377 : f32 to vector<16xf32>
      %swap3A_379 = arith.index_cast %scan3A_367 : i32 to index
      %swap3A_380 = arith.constant 32 : index
      %swap3A_381 = tpu.vector_load %arg9[%swap3A_379, %swap3A_380] {strides = array<i32>} : memref<24x128xf32, #tpu.memory_space<vmem>>, vector<16xf32>,
      tpu.vector_store %arg9[%swap3A_379, %swap3A_380], %broadcast_in_dim3A_378 {strides = array<i32>} : memref<24x128xf32, #tpu.memory_space<vmem>>, vector<16xf32>,
      %broadcast_in_dim3A_382 = arith.constant 0.000000e+00 : f32
      %broadcast_in_dim3A_383 = vector.broadcast %broadcast_in_dim3A_382 : f32 to vector<16xf32>
      %swap3A_384 = arith.index_cast %scan3A_367 : i32 to index
      %swap3A_385 = arith.constant 48 : index
      %swap3A_386 = tpu.vector_load %arg9[%swap3A_384, %swap3A_385] {strides = array<i32>} : memref<24x128xf32, #tpu.memory_space<vmem>>, vector<16xf32>,
      tpu.vector_store %arg9[%swap3A_384, %swap3A_385], %broadcast_in_dim3A_383 {strides = array<i32>} : memref<24x128xf32, #tpu.memory_space<vmem>>, vector<16xf32>,
      %broadcast_in_dim3A_387 = arith.constant 0.000000e+00 : f32
      %broadcast_in_dim3A_388 = vector.broadcast %broadcast_in_dim3A_387 : f32 to vector<16xf32>
      %swap3A_389 = arith.index_cast %scan3A_367 : i32 to index
      %swap3A_390 = arith.constant 64 : index
      %swap3A_391 = tpu.vector_load %arg9[%swap3A_389, %swap3A_390] {strides = array<i32>} : memref<24x128xf32, #tpu.memory_space<vmem>>, vector<16xf32>,
      tpu.vector_store %arg9[%swap3A_389, %swap3A_390], %broadcast_in_dim3A_388 {strides = array<i32>} : memref<24x128xf32, #tpu.memory_space<vmem>>, vector<16xf32>,
      %broadcast_in_dim3A_392 = arith.constant 0.000000e+00 : f32
      %broadcast_in_dim3A_393 = vector.broadcast %broadcast_in_dim3A_392 : f32 to vector<16xf32>
      %swap3A_394 = arith.index_cast %scan3A_367 : i32 to index
      %swap3A_395 = arith.constant 80 : index
      %swap3A_396 = tpu.vector_load %arg9[%swap3A_394, %swap3A_395] {strides = array<i32>} : memref<24x128xf32, #tpu.memory_space<vmem>>, vector<16xf32>,
      tpu.vector_store %arg9[%swap3A_394, %swap3A_395], %broadcast_in_dim3A_393 {strides = array<i32>} : memref<24x128xf32, #tpu.memory_space<vmem>>, vector<16xf32>,
      %broadcast_in_dim3A_397 = arith.constant 0.000000e+00 : f32
      %broadcast_in_dim3A_398 = vector.broadcast %broadcast_in_dim3A_397 : f32 to vector<16xf32>
      %swap3A_399 = arith.index_cast %scan3A_367 : i32 to index
      %swap3A_400 = arith.constant 96 : index
      %swap3A_401 = tpu.vector_load %arg9[%swap3A_399, %swap3A_400] {strides = array<i32>} : memref<24x128xf32, #tpu.memory_space<vmem>>, vector<16xf32>,
      tpu.vector_store %arg9[%swap3A_399, %swap3A_400], %broadcast_in_dim3A_398 {strides = array<i32>} : memref<24x128xf32, #tpu.memory_space<vmem>>, vector<16xf32>,
      %broadcast_in_dim3A_402 = arith.constant 0.000000e+00 : f32
      %broadcast_in_dim3A_403 = vector.broadcast %broadcast_in_dim3A_402 : f32 to vector<16xf32>
      %swap3A_404 = arith.index_cast %scan3A_367 : i32 to index
      %swap3A_405 = arith.constant 112 : index
      %swap3A_406 = tpu.vector_load %arg9[%swap3A_404, %swap3A_405] {strides = array<i32>} : memref<24x128xf32, #tpu.memory_space<vmem>>, vector<16xf32>,
      tpu.vector_store %arg9[%swap3A_404, %swap3A_405], %broadcast_in_dim3A_403 {strides = array<i32>} : memref<24x128xf32, #tpu.memory_space<vmem>>, vector<16xf32>,
    }
    %scan3A_9 = arith.constant 24 : i32
    %mul3A_10 = arith.constant 360 : i32
    %mul3A_11 = arith.muli %arg1, %mul3A_10 : i32
    %add3A = arith.constant 0 : i32
    %add3A_12 = arith.addi %mul3A_11, %add3A : i32
    "tpu.region"() ({
      %run_scoped3A = tpu.sem_alloc : memref<!tpu.dma_semaphore, #tpu.memory_space<semaphore_mem>>
      %dma_start3A_367 = arith.constant 0 : i32
      %dma_start3A_368 = tpu.memref_slice %arg10[%add3A_12, %dma_start3A_367] : memref<5760x128xf32, #tpu.memory_space<vmem_shared>> -> memref<24x128xf32, #tpu.memory_space<vmem_shared>>
      %dma_start3A_369 = arith.constant 0 : i32
      %dma_start3A_370 = tpu.memref_slice %arg10[%add3A_12, %dma_start3A_369] : memref<5760x128xf32, #tpu.memory_space<vmem_shared>> -> memref<24x128xf32, #tpu.memory_space<vmem_shared>>
      tpu.enqueue_dma source(%arg9 : memref<24x128xf32, #tpu.memory_space<vmem>>) target(%dma_start3A_370 : memref<24x128xf32, #tpu.memory_space<vmem_shared>>) target_semaphore(%run_scoped3A : memref<!tpu.dma_semaphore, #tpu.memory_space<semaphore_mem>>)
      %dma_wait3A = arith.constant 0 : i32
      %dma_wait3A_371 = tpu.memref_slice %arg10[%add3A_12, %dma_wait3A] : memref<5760x128xf32, #tpu.memory_space<vmem_shared>> -> memref<24x128xf32, #tpu.memory_space<vmem_shared>>
      %dma_wait3A_372 = arith.constant 0 : i32
      %dma_wait3A_373 = tpu.memref_slice %arg10[%add3A_12, %dma_wait3A_372] : memref<5760x128xf32, #tpu.memory_space<vmem_shared>> -> memref<24x128xf32, #tpu.memory_space<vmem_shared>>
      tpu.wait_dma2 semaphore(%run_scoped3A : memref<!tpu.dma_semaphore, #tpu.memory_space<semaphore_mem>>) src(%arg9 : memref<24x128xf32, #tpu.memory_space<vmem>>) dst(%dma_wait3A_373 : memref<24x128xf32, #tpu.memory_space<vmem_shared>>)
      tpu.yield
    }) : () -> ()
    %mul3A_13 = arith.constant 360 : i32
    %mul3A_14 = arith.muli %arg1, %mul3A_13 : i32
    %add3A_15 = arith.constant 24 : i32
    %add3A_16 = arith.addi %mul3A_14, %add3A_15 : i32
    "tpu.region"() ({
      %run_scoped3A = tpu.sem_alloc : memref<!tpu.dma_semaphore, #tpu.memory_space<semaphore_mem>>
      %dma_start3A_367 = arith.constant 0 : i32
      %dma_start3A_368 = tpu.memref_slice %arg10[%add3A_16, %dma_start3A_367] : memref<5760x128xf32, #tpu.memory_space<vmem_shared>> -> memref<24x128xf32, #tpu.memory_space<vmem_shared>>
      %dma_start3A_369 = arith.constant 0 : i32
      %dma_start3A_370 = tpu.memref_slice %arg10[%add3A_16, %dma_start3A_369] : memref<5760x128xf32, #tpu.memory_space<vmem_shared>> -> memref<24x128xf32, #tpu.memory_space<vmem_shared>>
      tpu.enqueue_dma source(%arg9 : memref<24x128xf32, #tpu.memory_space<vmem>>) target(%dma_start3A_370 : memref<24x128xf32, #tpu.memory_space<vmem_shared>>) target_semaphore(%run_scoped3A : memref<!tpu.dma_semaphore, #tpu.memory_space<semaphore_mem>>)
      %dma_wait3A = arith.constant 0 : i32
      %dma_wait3A_371 = tpu.memref_slice %arg10[%add3A_16, %dma_wait3A] : memref<5760x128xf32, #tpu.memory_space<vmem_shared>> -> memref<24x128xf32, #tpu.memory_space<vmem_shared>>
      %dma_wait3A_372 = arith.constant 0 : i32
      %dma_wait3A_373 = tpu.memref_slice %arg10[%add3A_16, %dma_wait3A_372] : memref<5760x128xf32, #tpu.memory_space<vmem_shared>> -> memref<24x128xf32, #tpu.memory_space<vmem_shared>>
      tpu.wait_dma2 semaphore(%run_scoped3A : memref<!tpu.dma_semaphore, #tpu.memory_space<semaphore_mem>>) src(%arg9 : memref<24x128xf32, #tpu.memory_space<vmem>>) dst(%dma_wait3A_373 : memref<24x128xf32, #tpu.memory_space<vmem_shared>>)
      tpu.yield
    }) : () -> ()
    %mul3A_17 = arith.constant 360 : i32
    %mul3A_18 = arith.muli %arg1, %mul3A_17 : i32
    %add3A_19 = arith.constant 48 : i32
    %add3A_20 = arith.addi %mul3A_18, %add3A_19 : i32
    "tpu.region"() ({
      %run_scoped3A = tpu.sem_alloc : memref<!tpu.dma_semaphore, #tpu.memory_space<semaphore_mem>>
      %dma_start3A_367 = arith.constant 0 : i32
      %dma_start3A_368 = tpu.memref_slice %arg10[%add3A_20, %dma_start3A_367] : memref<5760x128xf32, #tpu.memory_space<vmem_shared>> -> memref<24x128xf32, #tpu.memory_space<vmem_shared>>
      %dma_start3A_369 = arith.constant 0 : i32
      %dma_start3A_370 = tpu.memref_slice %arg10[%add3A_20, %dma_start3A_369] : memref<5760x128xf32, #tpu.memory_space<vmem_shared>> -> memref<24x128xf32, #tpu.memory_space<vmem_shared>>
      tpu.enqueue_dma source(%arg9 : memref<24x128xf32, #tpu.memory_space<vmem>>) target(%dma_start3A_370 : memref<24x128xf32, #tpu.memory_space<vmem_shared>>) target_semaphore(%run_scoped3A : memref<!tpu.dma_semaphore, #tpu.memory_space<semaphore_mem>>)
      %dma_wait3A = arith.constant 0 : i32
      %dma_wait3A_371 = tpu.memref_slice %arg10[%add3A_20, %dma_wait3A] : memref<5760x128xf32, #tpu.memory_space<vmem_shared>> -> memref<24x128xf32, #tpu.memory_space<vmem_shared>>
      %dma_wait3A_372 = arith.constant 0 : i32
      %dma_wait3A_373 = tpu.memref_slice %arg10[%add3A_20, %dma_wait3A_372] : memref<5760x128xf32, #tpu.memory_space<vmem_shared>> -> memref<24x128xf32, #tpu.memory_space<vmem_shared>>
      tpu.wait_dma2 semaphore(%run_scoped3A : memref<!tpu.dma_semaphore, #tpu.memory_space<semaphore_mem>>) src(%arg9 : memref<24x128xf32, #tpu.memory_space<vmem>>) dst(%dma_wait3A_373 : memref<24x128xf32, #tpu.memory_space<vmem_shared>>)
      tpu.yield
    }) : () -> ()
    %mul3A_21 = arith.constant 360 : i32
    %mul3A_22 = arith.muli %arg1, %mul3A_21 : i32
    %add3A_23 = arith.constant 72 : i32
    %add3A_24 = arith.addi %mul3A_22, %add3A_23 : i32
    "tpu.region"() ({
      %run_scoped3A = tpu.sem_alloc : memref<!tpu.dma_semaphore, #tpu.memory_space<semaphore_mem>>
      %dma_start3A_367 = arith.constant 0 : i32
      %dma_start3A_368 = tpu.memref_slice %arg10[%add3A_24, %dma_start3A_367] : memref<5760x128xf32, #tpu.memory_space<vmem_shared>> -> memref<24x128xf32, #tpu.memory_space<vmem_shared>>
      %dma_start3A_369 = arith.constant 0 : i32
      %dma_start3A_370 = tpu.memref_slice %arg10[%add3A_24, %dma_start3A_369] : memref<5760x128xf32, #tpu.memory_space<vmem_shared>> -> memref<24x128xf32, #tpu.memory_space<vmem_shared>>
      tpu.enqueue_dma source(%arg9 : memref<24x128xf32, #tpu.memory_space<vmem>>) target(%dma_start3A_370 : memref<24x128xf32, #tpu.memory_space<vmem_shared>>) target_semaphore(%run_scoped3A : memref<!tpu.dma_semaphore, #tpu.memory_space<semaphore_mem>>)
      %dma_wait3A = arith.constant 0 : i32
      %dma_wait3A_371 = tpu.memref_slice %arg10[%add3A_24, %dma_wait3A] : memref<5760x128xf32, #tpu.memory_space<vmem_shared>> -> memref<24x128xf32, #tpu.memory_space<vmem_shared>>
      %dma_wait3A_372 = arith.constant 0 : i32
      %dma_wait3A_373 = tpu.memref_slice %arg10[%add3A_24, %dma_wait3A_372] : memref<5760x128xf32, #tpu.memory_space<vmem_shared>> -> memref<24x128xf32, #tpu.memory_space<vmem_shared>>
      tpu.wait_dma2 semaphore(%run_scoped3A : memref<!tpu.dma_semaphore, #tpu.memory_space<semaphore_mem>>) src(%arg9 : memref<24x128xf32, #tpu.memory_space<vmem>>) dst(%dma_wait3A_373 : memref<24x128xf32, #tpu.memory_space<vmem_shared>>)
      tpu.yield
    }) : () -> ()
    %mul3A_25 = arith.constant 360 : i32
    %mul3A_26 = arith.muli %arg1, %mul3A_25 : i32
    %add3A_27 = arith.constant 96 : i32
    %add3A_28 = arith.addi %mul3A_26, %add3A_27 : i32
    "tpu.region"() ({
      %run_scoped3A = tpu.sem_alloc : memref<!tpu.dma_semaphore, #tpu.memory_space<semaphore_mem>>
      %dma_start3A_367 = arith.constant 0 : i32
      %dma_start3A_368 = tpu.memref_slice %arg10[%add3A_28, %dma_start3A_367] : memref<5760x128xf32, #tpu.memory_space<vmem_shared>> -> memref<24x128xf32, #tpu.memory_space<vmem_shared>>
      %dma_start3A_369 = arith.constant 0 : i32
      %dma_start3A_370 = tpu.memref_slice %arg10[%add3A_28, %dma_start3A_369] : memref<5760x128xf32, #tpu.memory_space<vmem_shared>> -> memref<24x128xf32, #tpu.memory_space<vmem_shared>>
      tpu.enqueue_dma source(%arg9 : memref<24x128xf32, #tpu.memory_space<vmem>>) target(%dma_start3A_370 : memref<24x128xf32, #tpu.memory_space<vmem_shared>>) target_semaphore(%run_scoped3A : memref<!tpu.dma_semaphore, #tpu.memory_space<semaphore_mem>>)
      %dma_wait3A = arith.constant 0 : i32
      %dma_wait3A_371 = tpu.memref_slice %arg10[%add3A_28, %dma_wait3A] : memref<5760x128xf32, #tpu.memory_space<vmem_shared>> -> memref<24x128xf32, #tpu.memory_space<vmem_shared>>
      %dma_wait3A_372 = arith.constant 0 : i32
      %dma_wait3A_373 = tpu.memref_slice %arg10[%add3A_28, %dma_wait3A_372] : memref<5760x128xf32, #tpu.memory_space<vmem_shared>> -> memref<24x128xf32, #tpu.memory_space<vmem_shared>>
      tpu.wait_dma2 semaphore(%run_scoped3A : memref<!tpu.dma_semaphore, #tpu.memory_space<semaphore_mem>>) src(%arg9 : memref<24x128xf32, #tpu.memory_space<vmem>>) dst(%dma_wait3A_373 : memref<24x128xf32, #tpu.memory_space<vmem_shared>>)
      tpu.yield
    }) : () -> ()
    %mul3A_29 = arith.constant 360 : i32
    %mul3A_30 = arith.muli %arg1, %mul3A_29 : i32
    %add3A_31 = arith.constant 120 : i32
    %add3A_32 = arith.addi %mul3A_30, %add3A_31 : i32
    "tpu.region"() ({
      %run_scoped3A = tpu.sem_alloc : memref<!tpu.dma_semaphore, #tpu.memory_space<semaphore_mem>>
      %dma_start3A_367 = arith.constant 0 : i32
      %dma_start3A_368 = tpu.memref_slice %arg10[%add3A_32, %dma_start3A_367] : memref<5760x128xf32, #tpu.memory_space<vmem_shared>> -> memref<24x128xf32, #tpu.memory_space<vmem_shared>>
      %dma_start3A_369 = arith.constant 0 : i32
      %dma_start3A_370 = tpu.memref_slice %arg10[%add3A_32, %dma_start3A_369] : memref<5760x128xf32, #tpu.memory_space<vmem_shared>> -> memref<24x128xf32, #tpu.memory_space<vmem_shared>>
      tpu.enqueue_dma source(%arg9 : memref<24x128xf32, #tpu.memory_space<vmem>>) target(%dma_start3A_370 : memref<24x128xf32, #tpu.memory_space<vmem_shared>>) target_semaphore(%run_scoped3A : memref<!tpu.dma_semaphore, #tpu.memory_space<semaphore_mem>>)
      %dma_wait3A = arith.constant 0 : i32
      %dma_wait3A_371 = tpu.memref_slice %arg10[%add3A_32, %dma_wait3A] : memref<5760x128xf32, #tpu.memory_space<vmem_shared>> -> memref<24x128xf32, #tpu.memory_space<vmem_shared>>
      %dma_wait3A_372 = arith.constant 0 : i32
      %dma_wait3A_373 = tpu.memref_slice %arg10[%add3A_32, %dma_wait3A_372] : memref<5760x128xf32, #tpu.memory_space<vmem_shared>> -> memref<24x128xf32, #tpu.memory_space<vmem_shared>>
      tpu.wait_dma2 semaphore(%run_scoped3A : memref<!tpu.dma_semaphore, #tpu.memory_space<semaphore_mem>>) src(%arg9 : memref<24x128xf32, #tpu.memory_space<vmem>>) dst(%dma_wait3A_373 : memref<24x128xf32, #tpu.memory_space<vmem_shared>>)
      tpu.yield
    }) : () -> ()
    %mul3A_33 = arith.constant 360 : i32
    %mul3A_34 = arith.muli %arg1, %mul3A_33 : i32
    %add3A_35 = arith.constant 144 : i32
    %add3A_36 = arith.addi %mul3A_34, %add3A_35 : i32
    "tpu.region"() ({
      %run_scoped3A = tpu.sem_alloc : memref<!tpu.dma_semaphore, #tpu.memory_space<semaphore_mem>>
      %dma_start3A_367 = arith.constant 0 : i32
      %dma_start3A_368 = tpu.memref_slice %arg10[%add3A_36, %dma_start3A_367] : memref<5760x128xf32, #tpu.memory_space<vmem_shared>> -> memref<24x128xf32, #tpu.memory_space<vmem_shared>>
      %dma_start3A_369 = arith.constant 0 : i32
      %dma_start3A_370 = tpu.memref_slice %arg10[%add3A_36, %dma_start3A_369] : memref<5760x128xf32, #tpu.memory_space<vmem_shared>> -> memref<24x128xf32, #tpu.memory_space<vmem_shared>>
      tpu.enqueue_dma source(%arg9 : memref<24x128xf32, #tpu.memory_space<vmem>>) target(%dma_start3A_370 : memref<24x128xf32, #tpu.memory_space<vmem_shared>>) target_semaphore(%run_scoped3A : memref<!tpu.dma_semaphore, #tpu.memory_space<semaphore_mem>>)
      %dma_wait3A = arith.constant 0 : i32
      %dma_wait3A_371 = tpu.memref_slice %arg10[%add3A_36, %dma_wait3A] : memref<5760x128xf32, #tpu.memory_space<vmem_shared>> -> memref<24x128xf32, #tpu.memory_space<vmem_shared>>
      %dma_wait3A_372 = arith.constant 0 : i32
      %dma_wait3A_373 = tpu.memref_slice %arg10[%add3A_36, %dma_wait3A_372] : memref<5760x128xf32, #tpu.memory_space<vmem_shared>> -> memref<24x128xf32, #tpu.memory_space<vmem_shared>>
      tpu.wait_dma2 semaphore(%run_scoped3A : memref<!tpu.dma_semaphore, #tpu.memory_space<semaphore_mem>>) src(%arg9 : memref<24x128xf32, #tpu.memory_space<vmem>>) dst(%dma_wait3A_373 : memref<24x128xf32, #tpu.memory_space<vmem_shared>>)
      tpu.yield
    }) : () -> ()
    %mul3A_37 = arith.constant 360 : i32
    %mul3A_38 = arith.muli %arg1, %mul3A_37 : i32
    %add3A_39 = arith.constant 168 : i32
    %add3A_40 = arith.addi %mul3A_38, %add3A_39 : i32
    "tpu.region"() ({
      %run_scoped3A = tpu.sem_alloc : memref<!tpu.dma_semaphore, #tpu.memory_space<semaphore_mem>>
      %dma_start3A_367 = arith.constant 0 : i32
      %dma_start3A_368 = tpu.memref_slice %arg10[%add3A_40, %dma_start3A_367] : memref<5760x128xf32, #tpu.memory_space<vmem_shared>> -> memref<24x128xf32, #tpu.memory_space<vmem_shared>>
      %dma_start3A_369 = arith.constant 0 : i32
      %dma_start3A_370 = tpu.memref_slice %arg10[%add3A_40, %dma_start3A_369] : memref<5760x128xf32, #tpu.memory_space<vmem_shared>> -> memref<24x128xf32, #tpu.memory_space<vmem_shared>>
      tpu.enqueue_dma source(%arg9 : memref<24x128xf32, #tpu.memory_space<vmem>>) target(%dma_start3A_370 : memref<24x128xf32, #tpu.memory_space<vmem_shared>>) target_semaphore(%run_scoped3A : memref<!tpu.dma_semaphore, #tpu.memory_space<semaphore_mem>>)
      %dma_wait3A = arith.constant 0 : i32
      %dma_wait3A_371 = tpu.memref_slice %arg10[%add3A_40, %dma_wait3A] : memref<5760x128xf32, #tpu.memory_space<vmem_shared>> -> memref<24x128xf32, #tpu.memory_space<vmem_shared>>
      %dma_wait3A_372 = arith.constant 0 : i32
      %dma_wait3A_373 = tpu.memref_slice %arg10[%add3A_40, %dma_wait3A_372] : memref<5760x128xf32, #tpu.memory_space<vmem_shared>> -> memref<24x128xf32, #tpu.memory_space<vmem_shared>>
      tpu.wait_dma2 semaphore(%run_scoped3A : memref<!tpu.dma_semaphore, #tpu.memory_space<semaphore_mem>>) src(%arg9 : memref<24x128xf32, #tpu.memory_space<vmem>>) dst(%dma_wait3A_373 : memref<24x128xf32, #tpu.memory_space<vmem_shared>>)
      tpu.yield
    }) : () -> ()
    %mul3A_41 = arith.constant 360 : i32
    %mul3A_42 = arith.muli %arg1, %mul3A_41 : i32
    %add3A_43 = arith.constant 192 : i32
    %add3A_44 = arith.addi %mul3A_42, %add3A_43 : i32
    "tpu.region"() ({
      %run_scoped3A = tpu.sem_alloc : memref<!tpu.dma_semaphore, #tpu.memory_space<semaphore_mem>>
      %dma_start3A_367 = arith.constant 0 : i32
      %dma_start3A_368 = tpu.memref_slice %arg10[%add3A_44, %dma_start3A_367] : memref<5760x128xf32, #tpu.memory_space<vmem_shared>> -> memref<24x128xf32, #tpu.memory_space<vmem_shared>>
      %dma_start3A_369 = arith.constant 0 : i32
      %dma_start3A_370 = tpu.memref_slice %arg10[%add3A_44, %dma_start3A_369] : memref<5760x128xf32, #tpu.memory_space<vmem_shared>> -> memref<24x128xf32, #tpu.memory_space<vmem_shared>>
      tpu.enqueue_dma source(%arg9 : memref<24x128xf32, #tpu.memory_space<vmem>>) target(%dma_start3A_370 : memref<24x128xf32, #tpu.memory_space<vmem_shared>>) target_semaphore(%run_scoped3A : memref<!tpu.dma_semaphore, #tpu.memory_space<semaphore_mem>>)
      %dma_wait3A = arith.constant 0 : i32
      %dma_wait3A_371 = tpu.memref_slice %arg10[%add3A_44, %dma_wait3A] : memref<5760x128xf32, #tpu.memory_space<vmem_shared>> -> memref<24x128xf32, #tpu.memory_space<vmem_shared>>
      %dma_wait3A_372 = arith.constant 0 : i32
      %dma_wait3A_373 = tpu.memref_slice %arg10[%add3A_44, %dma_wait3A_372] : memref<5760x128xf32, #tpu.memory_space<vmem_shared>> -> memref<24x128xf32, #tpu.memory_space<vmem_shared>>
      tpu.wait_dma2 semaphore(%run_scoped3A : memref<!tpu.dma_semaphore, #tpu.memory_space<semaphore_mem>>) src(%arg9 : memref<24x128xf32, #tpu.memory_space<vmem>>) dst(%dma_wait3A_373 : memref<24x128xf32, #tpu.memory_space<vmem_shared>>)
      tpu.yield
    }) : () -> ()
    %mul3A_45 = arith.constant 360 : i32
    %mul3A_46 = arith.muli %arg1, %mul3A_45 : i32
    %add3A_47 = arith.constant 216 : i32
    %add3A_48 = arith.addi %mul3A_46, %add3A_47 : i32
    "tpu.region"() ({
      %run_scoped3A = tpu.sem_alloc : memref<!tpu.dma_semaphore, #tpu.memory_space<semaphore_mem>>
      %dma_start3A_367 = arith.constant 0 : i32
      %dma_start3A_368 = tpu.memref_slice %arg10[%add3A_48, %dma_start3A_367] : memref<5760x128xf32, #tpu.memory_space<vmem_shared>> -> memref<24x128xf32, #tpu.memory_space<vmem_shared>>
      %dma_start3A_369 = arith.constant 0 : i32
      %dma_start3A_370 = tpu.memref_slice %arg10[%add3A_48, %dma_start3A_369] : memref<5760x128xf32, #tpu.memory_space<vmem_shared>> -> memref<24x128xf32, #tpu.memory_space<vmem_shared>>
      tpu.enqueue_dma source(%arg9 : memref<24x128xf32, #tpu.memory_space<vmem>>) target(%dma_start3A_370 : memref<24x128xf32, #tpu.memory_space<vmem_shared>>) target_semaphore(%run_scoped3A : memref<!tpu.dma_semaphore, #tpu.memory_space<semaphore_mem>>)
      %dma_wait3A = arith.constant 0 : i32
      %dma_wait3A_371 = tpu.memref_slice %arg10[%add3A_48, %dma_wait3A] : memref<5760x128xf32, #tpu.memory_space<vmem_shared>> -> memref<24x128xf32, #tpu.memory_space<vmem_shared>>
      %dma_wait3A_372 = arith.constant 0 : i32
      %dma_wait3A_373 = tpu.memref_slice %arg10[%add3A_48, %dma_wait3A_372] : memref<5760x128xf32, #tpu.memory_space<vmem_shared>> -> memref<24x128xf32, #tpu.memory_space<vmem_shared>>
      tpu.wait_dma2 semaphore(%run_scoped3A : memref<!tpu.dma_semaphore, #tpu.memory_space<semaphore_mem>>) src(%arg9 : memref<24x128xf32, #tpu.memory_space<vmem>>) dst(%dma_wait3A_373 : memref<24x128xf32, #tpu.memory_space<vmem_shared>>)
      tpu.yield
    }) : () -> ()
    %mul3A_49 = arith.constant 360 : i32
    %mul3A_50 = arith.muli %arg1, %mul3A_49 : i32
    %add3A_51 = arith.constant 240 : i32
    %add3A_52 = arith.addi %mul3A_50, %add3A_51 : i32
    "tpu.region"() ({
      %run_scoped3A = tpu.sem_alloc : memref<!tpu.dma_semaphore, #tpu.memory_space<semaphore_mem>>
      %dma_start3A_367 = arith.constant 0 : i32
      %dma_start3A_368 = tpu.memref_slice %arg10[%add3A_52, %dma_start3A_367] : memref<5760x128xf32, #tpu.memory_space<vmem_shared>> -> memref<24x128xf32, #tpu.memory_space<vmem_shared>>
      %dma_start3A_369 = arith.constant 0 : i32
      %dma_start3A_370 = tpu.memref_slice %arg10[%add3A_52, %dma_start3A_369] : memref<5760x128xf32, #tpu.memory_space<vmem_shared>> -> memref<24x128xf32, #tpu.memory_space<vmem_shared>>
      tpu.enqueue_dma source(%arg9 : memref<24x128xf32, #tpu.memory_space<vmem>>) target(%dma_start3A_370 : memref<24x128xf32, #tpu.memory_space<vmem_shared>>) target_semaphore(%run_scoped3A : memref<!tpu.dma_semaphore, #tpu.memory_space<semaphore_mem>>)
      %dma_wait3A = arith.constant 0 : i32
      %dma_wait3A_371 = tpu.memref_slice %arg10[%add3A_52, %dma_wait3A] : memref<5760x128xf32, #tpu.memory_space<vmem_shared>> -> memref<24x128xf32, #tpu.memory_space<vmem_shared>>
      %dma_wait3A_372 = arith.constant 0 : i32
      %dma_wait3A_373 = tpu.memref_slice %arg10[%add3A_52, %dma_wait3A_372] : memref<5760x128xf32, #tpu.memory_space<vmem_shared>> -> memref<24x128xf32, #tpu.memory_space<vmem_shared>>
      tpu.wait_dma2 semaphore(%run_scoped3A : memref<!tpu.dma_semaphore, #tpu.memory_space<semaphore_mem>>) src(%arg9 : memref<24x128xf32, #tpu.memory_space<vmem>>) dst(%dma_wait3A_373 : memref<24x128xf32, #tpu.memory_space<vmem_shared>>)
      tpu.yield
    }) : () -> ()
    %mul3A_53 = arith.constant 360 : i32
    %mul3A_54 = arith.muli %arg1, %mul3A_53 : i32
    %add3A_55 = arith.constant 264 : i32
    %add3A_56 = arith.addi %mul3A_54, %add3A_55 : i32
    "tpu.region"() ({
      %run_scoped3A = tpu.sem_alloc : memref<!tpu.dma_semaphore, #tpu.memory_space<semaphore_mem>>
      %dma_start3A_367 = arith.constant 0 : i32
      %dma_start3A_368 = tpu.memref_slice %arg10[%add3A_56, %dma_start3A_367] : memref<5760x128xf32, #tpu.memory_space<vmem_shared>> -> memref<24x128xf32, #tpu.memory_space<vmem_shared>>
      %dma_start3A_369 = arith.constant 0 : i32
      %dma_start3A_370 = tpu.memref_slice %arg10[%add3A_56, %dma_start3A_369] : memref<5760x128xf32, #tpu.memory_space<vmem_shared>> -> memref<24x128xf32, #tpu.memory_space<vmem_shared>>
      tpu.enqueue_dma source(%arg9 : memref<24x128xf32, #tpu.memory_space<vmem>>) target(%dma_start3A_370 : memref<24x128xf32, #tpu.memory_space<vmem_shared>>) target_semaphore(%run_scoped3A : memref<!tpu.dma_semaphore, #tpu.memory_space<semaphore_mem>>)
      %dma_wait3A = arith.constant 0 : i32
      %dma_wait3A_371 = tpu.memref_slice %arg10[%add3A_56, %dma_wait3A] : memref<5760x128xf32, #tpu.memory_space<vmem_shared>> -> memref<24x128xf32, #tpu.memory_space<vmem_shared>>
      %dma_wait3A_372 = arith.constant 0 : i32
      %dma_wait3A_373 = tpu.memref_slice %arg10[%add3A_56, %dma_wait3A_372] : memref<5760x128xf32, #tpu.memory_space<vmem_shared>> -> memref<24x128xf32, #tpu.memory_space<vmem_shared>>
      tpu.wait_dma2 semaphore(%run_scoped3A : memref<!tpu.dma_semaphore, #tpu.memory_space<semaphore_mem>>) src(%arg9 : memref<24x128xf32, #tpu.memory_space<vmem>>) dst(%dma_wait3A_373 : memref<24x128xf32, #tpu.memory_space<vmem_shared>>)
      tpu.yield
    }) : () -> ()
    %mul3A_57 = arith.constant 360 : i32
    %mul3A_58 = arith.muli %arg1, %mul3A_57 : i32
    %add3A_59 = arith.constant 288 : i32
    %add3A_60 = arith.addi %mul3A_58, %add3A_59 : i32
    "tpu.region"() ({
      %run_scoped3A = tpu.sem_alloc : memref<!tpu.dma_semaphore, #tpu.memory_space<semaphore_mem>>
      %dma_start3A_367 = arith.constant 0 : i32
      %dma_start3A_368 = tpu.memref_slice %arg10[%add3A_60, %dma_start3A_367] : memref<5760x128xf32, #tpu.memory_space<vmem_shared>> -> memref<24x128xf32, #tpu.memory_space<vmem_shared>>
      %dma_start3A_369 = arith.constant 0 : i32
      %dma_start3A_370 = tpu.memref_slice %arg10[%add3A_60, %dma_start3A_369] : memref<5760x128xf32, #tpu.memory_space<vmem_shared>> -> memref<24x128xf32, #tpu.memory_space<vmem_shared>>
      tpu.enqueue_dma source(%arg9 : memref<24x128xf32, #tpu.memory_space<vmem>>) target(%dma_start3A_370 : memref<24x128xf32, #tpu.memory_space<vmem_shared>>) target_semaphore(%run_scoped3A : memref<!tpu.dma_semaphore, #tpu.memory_space<semaphore_mem>>)
      %dma_wait3A = arith.constant 0 : i32
      %dma_wait3A_371 = tpu.memref_slice %arg10[%add3A_60, %dma_wait3A] : memref<5760x128xf32, #tpu.memory_space<vmem_shared>> -> memref<24x128xf32, #tpu.memory_space<vmem_shared>>
      %dma_wait3A_372 = arith.constant 0 : i32
      %dma_wait3A_373 = tpu.memref_slice %arg10[%add3A_60, %dma_wait3A_372] : memref<5760x128xf32, #tpu.memory_space<vmem_shared>> -> memref<24x128xf32, #tpu.memory_space<vmem_shared>>
      tpu.wait_dma2 semaphore(%run_scoped3A : memref<!tpu.dma_semaphore, #tpu.memory_space<semaphore_mem>>) src(%arg9 : memref<24x128xf32, #tpu.memory_space<vmem>>) dst(%dma_wait3A_373 : memref<24x128xf32, #tpu.memory_space<vmem_shared>>)
      tpu.yield
    }) : () -> ()
    %mul3A_61 = arith.constant 360 : i32
    %mul3A_62 = arith.muli %arg1, %mul3A_61 : i32
    %add3A_63 = arith.constant 312 : i32
    %add3A_64 = arith.addi %mul3A_62, %add3A_63 : i32
    "tpu.region"() ({
      %run_scoped3A = tpu.sem_alloc : memref<!tpu.dma_semaphore, #tpu.memory_space<semaphore_mem>>
      %dma_start3A_367 = arith.constant 0 : i32
      %dma_start3A_368 = tpu.memref_slice %arg10[%add3A_64, %dma_start3A_367] : memref<5760x128xf32, #tpu.memory_space<vmem_shared>> -> memref<24x128xf32, #tpu.memory_space<vmem_shared>>
      %dma_start3A_369 = arith.constant 0 : i32
      %dma_start3A_370 = tpu.memref_slice %arg10[%add3A_64, %dma_start3A_369] : memref<5760x128xf32, #tpu.memory_space<vmem_shared>> -> memref<24x128xf32, #tpu.memory_space<vmem_shared>>
      tpu.enqueue_dma source(%arg9 : memref<24x128xf32, #tpu.memory_space<vmem>>) target(%dma_start3A_370 : memref<24x128xf32, #tpu.memory_space<vmem_shared>>) target_semaphore(%run_scoped3A : memref<!tpu.dma_semaphore, #tpu.memory_space<semaphore_mem>>)
      %dma_wait3A = arith.constant 0 : i32
      %dma_wait3A_371 = tpu.memref_slice %arg10[%add3A_64, %dma_wait3A] : memref<5760x128xf32, #tpu.memory_space<vmem_shared>> -> memref<24x128xf32, #tpu.memory_space<vmem_shared>>
      %dma_wait3A_372 = arith.constant 0 : i32
      %dma_wait3A_373 = tpu.memref_slice %arg10[%add3A_64, %dma_wait3A_372] : memref<5760x128xf32, #tpu.memory_space<vmem_shared>> -> memref<24x128xf32, #tpu.memory_space<vmem_shared>>
      tpu.wait_dma2 semaphore(%run_scoped3A : memref<!tpu.dma_semaphore, #tpu.memory_space<semaphore_mem>>) src(%arg9 : memref<24x128xf32, #tpu.memory_space<vmem>>) dst(%dma_wait3A_373 : memref<24x128xf32, #tpu.memory_space<vmem_shared>>)
      tpu.yield
    }) : () -> ()
    %mul3A_65 = arith.constant 360 : i32
    %mul3A_66 = arith.muli %arg1, %mul3A_65 : i32
    %add3A_67 = arith.constant 336 : i32
    %add3A_68 = arith.addi %mul3A_66, %add3A_67 : i32
    "tpu.region"() ({
      %run_scoped3A = tpu.sem_alloc : memref<!tpu.dma_semaphore, #tpu.memory_space<semaphore_mem>>
      %dma_start3A_367 = arith.constant 0 : i32
      %dma_start3A_368 = tpu.memref_slice %arg10[%add3A_68, %dma_start3A_367] : memref<5760x128xf32, #tpu.memory_space<vmem_shared>> -> memref<24x128xf32, #tpu.memory_space<vmem_shared>>
      %dma_start3A_369 = arith.constant 0 : i32
      %dma_start3A_370 = tpu.memref_slice %arg10[%add3A_68, %dma_start3A_369] : memref<5760x128xf32, #tpu.memory_space<vmem_shared>> -> memref<24x128xf32, #tpu.memory_space<vmem_shared>>
      tpu.enqueue_dma source(%arg9 : memref<24x128xf32, #tpu.memory_space<vmem>>) target(%dma_start3A_370 : memref<24x128xf32, #tpu.memory_space<vmem_shared>>) target_semaphore(%run_scoped3A : memref<!tpu.dma_semaphore, #tpu.memory_space<semaphore_mem>>)
      %dma_wait3A = arith.constant 0 : i32
      %dma_wait3A_371 = tpu.memref_slice %arg10[%add3A_68, %dma_wait3A] : memref<5760x128xf32, #tpu.memory_space<vmem_shared>> -> memref<24x128xf32, #tpu.memory_space<vmem_shared>>
      %dma_wait3A_372 = arith.constant 0 : i32
      %dma_wait3A_373 = tpu.memref_slice %arg10[%add3A_68, %dma_wait3A_372] : memref<5760x128xf32, #tpu.memory_space<vmem_shared>> -> memref<24x128xf32, #tpu.memory_space<vmem_shared>>
      tpu.wait_dma2 semaphore(%run_scoped3A : memref<!tpu.dma_semaphore, #tpu.memory_space<semaphore_mem>>) src(%arg9 : memref<24x128xf32, #tpu.memory_space<vmem>>) dst(%dma_wait3A_373 : memref<24x128xf32, #tpu.memory_space<vmem_shared>>)
      tpu.yield
    }) : () -> ()
    %scan3A_69 = arith.constant 0 : i32
    %scan3A_70 = arith.constant 0 : i32
    %scan3A_71 = arith.constant 1250 : i32
    %scan3A_72 = arith.addi %scan3A_70, %scan3A_71 : i32
    %scan3A_73 = arith.constant 1 : i32
    %scan3A_74 = scf.for %scan3A_367 = %scan3A_70 to %scan3A_72 step %scan3A_73 iter_args(%scan3A_368 = %scan3A_69) -> (i32)  : i32 {
      %mul3A_369 = arith.constant 16 : i32
      %mul3A_370 = arith.muli %scan3A_367, %mul3A_369 : i32
      %get3A_371 = arith.index_cast %mul3A_370 : i32 to index
      %get3A_372 = tpu.vector_load %arg6[%get3A_371] {strides = array<i32>} : memref<20224xi32, #tpu.memory_space<vmem>>, vector<16xi32>,
      %mul3A_373 = arith.constant 16 : i32
      %mul3A_374 = arith.muli %scan3A_367, %mul3A_373 : i32
      %get3A_375 = arith.index_cast %mul3A_374 : i32 to index
      %get3A_376 = tpu.vector_load %arg7[%get3A_375] {strides = array<i32>} : memref<20224xi32, #tpu.memory_space<vmem>>, vector<16xi32>,
      %sub3A_377 = vector.broadcast %mul3A_0 : i32 to vector<16xi32>
      %sub3A_378 = arith.subi %get3A_376, %sub3A_377 : vector<16xi32>
      %ge3A_379 = arith.constant 0 : i32
      %ge3A_380 = vector.broadcast %ge3A_379 : i32 to vector<16xi32>
      %ge3A_381 = arith.cmpi sge, %sub3A_378, %ge3A_380 : vector<16xi32>
      %lt3A_382 = arith.constant 5120 : i32
      %lt3A_383 = vector.broadcast %lt3A_382 : i32 to vector<16xi32>
      %lt3A_384 = arith.cmpi slt, %sub3A_378, %lt3A_383 : vector<16xi32>
      %and3A_385 = arith.andi %ge3A_381, %lt3A_384 : vector<16xi1>
      %swap3A_386 = arith.index_cast %scan3A_368 : i32 to index
      %swap3A_387 = tpu.vector_load %arg6[%swap3A_386] masked %and3A_385 {strides = array<i32>} : memref<20224xi32, #tpu.memory_space<vmem>>, vector<16xi32>, vector<16xi1>
      tpu.vector_store %arg6[%swap3A_386], %get3A_372 masked %and3A_385 {strides = array<i32>} : memref<20224xi32, #tpu.memory_space<vmem>>, vector<16xi32>, vector<16xi1>
      %swap3A_388 = arith.index_cast %scan3A_368 : i32 to index
      %swap3A_389 = tpu.vector_load %arg7[%swap3A_388] masked %and3A_385 {strides = array<i32>} : memref<20224xi32, #tpu.memory_space<vmem>>, vector<16xi32>, vector<16xi1>
      tpu.vector_store %arg7[%swap3A_388], %sub3A_378 masked %and3A_385 {strides = array<i32>} : memref<20224xi32, #tpu.memory_space<vmem>>, vector<16xi32>, vector<16xi1>
      %convert_element_type3A = arith.extui %and3A_385 : vector<16xi1> to vector<16xi32>
      %reduce_sum3A = arith.constant true
      %reduce_sum3A_390 = vector.broadcast %reduce_sum3A : i1 to vector<16xi1>
      %reduce_sum3A_391 = tpu.scan <sum>, %convert_element_type3A masked %reduce_sum3A_390 : vector<16xi32>, vector<16xi1> -> vector<16xi32>
      %reduce_sum3A_392 = vector.extract %reduce_sum3A_391[15] : i32 from vector<16xi32>
      %add3A_393 = arith.addi %scan3A_368, %reduce_sum3A_392 : i32
      scf.yield %add3A_393 : i32
    }
    %scan3A_75 = arith.constant 1250 : i32
    %add3A_76 = arith.constant 127 : i32
    %add3A_77 = arith.addi %scan3A_74, %add3A_76 : i32
    %jit3A = arith.constant 128 : i32
    %div3A = arith.divsi %add3A_77, %jit3A : i32
    %sign3A = arith.constant 0 : i32
    %sign3A_78 = arith.cmpi sgt, %add3A_77, %sign3A : i32
    %sign3A_79 = arith.extui %sign3A_78 : i1 to i32
    %sign3A_80 = arith.constant 0 : i32
    %sign3A_81 = arith.cmpi slt, %add3A_77, %sign3A_80 : i32
    %sign3A_82 = arith.extui %sign3A_81 : i1 to i32
    %sign3A_83 = arith.subi %sign3A_79, %sign3A_82 : i32
    %sign3A_84 = arith.constant 0 : i32
    %sign3A_85 = arith.cmpi sgt, %jit3A, %sign3A_84 : i32
    %sign3A_86 = arith.extui %sign3A_85 : i1 to i32
    %sign3A_87 = arith.constant 0 : i32
    %sign3A_88 = arith.cmpi slt, %jit3A, %sign3A_87 : i32
    %sign3A_89 = arith.extui %sign3A_88 : i1 to i32
    %sign3A_90 = arith.subi %sign3A_86, %sign3A_89 : i32
    %ne3A = arith.cmpi ne, %sign3A_83, %sign3A_90 : i32
    %rem3A = arith.remsi %add3A_77, %jit3A : i32
    %ne3A_91 = arith.constant 0 : i32
    %ne3A_92 = arith.cmpi ne, %rem3A, %ne3A_91 : i32
    %and3A = arith.andi %ne3A, %ne3A_92 : i1
    %sub3A = arith.constant 1 : i32
    %sub3A_93 = arith.subi %div3A, %sub3A : i32
    %select_n3A = arith.select %and3A, %sub3A_93, %div3A : i32
    %max3A = arith.constant 1 : i32
    %max3A_94 = arith.maxsi %select_n3A, %max3A : i32
    %mul3A_95 = arith.constant 128 : i32
    %mul3A_96 = arith.muli %max3A_94, %mul3A_95 : i32
    %iota3A = tpu.iota {dimensions = array<i32: 0>} : vector<16xi32>
    %jit3A_97 = arith.constant 16 : i32
    %div3A_98 = arith.divsi %scan3A_74, %jit3A_97 : i32
    %sign3A_99 = arith.constant 0 : i32
    %sign3A_100 = arith.cmpi sgt, %scan3A_74, %sign3A_99 : i32
    %sign3A_101 = arith.extui %sign3A_100 : i1 to i32
    %sign3A_102 = arith.constant 0 : i32
    %sign3A_103 = arith.cmpi slt, %scan3A_74, %sign3A_102 : i32
    %sign3A_104 = arith.extui %sign3A_103 : i1 to i32
    %sign3A_105 = arith.subi %sign3A_101, %sign3A_104 : i32
    %sign3A_106 = arith.constant 0 : i32
    %sign3A_107 = arith.cmpi sgt, %jit3A_97, %sign3A_106 : i32
    %sign3A_108 = arith.extui %sign3A_107 : i1 to i32
    %sign3A_109 = arith.constant 0 : i32
    %sign3A_110 = arith.cmpi slt, %jit3A_97, %sign3A_109 : i32
    %sign3A_111 = arith.extui %sign3A_110 : i1 to i32
    %sign3A_112 = arith.subi %sign3A_108, %sign3A_111 : i32
    %ne3A_113 = arith.cmpi ne, %sign3A_105, %sign3A_112 : i32
    %rem3A_114 = arith.remsi %scan3A_74, %jit3A_97 : i32
    %ne3A_115 = arith.constant 0 : i32
    %ne3A_116 = arith.cmpi ne, %rem3A_114, %ne3A_115 : i32
    %and3A_117 = arith.andi %ne3A_113, %ne3A_116 : i1
    %sub3A_118 = arith.constant 1 : i32
    %sub3A_119 = arith.subi %div3A_98, %sub3A_118 : i32
    %select_n3A_120 = arith.select %and3A_117, %sub3A_119, %div3A_98 : i32
    %mul3A_121 = arith.constant 16 : i32
    %mul3A_122 = arith.muli %select_n3A_120, %mul3A_121 : i32
    %add3A_123 = arith.constant 0 : i32
    %add3A_124 = arith.addi %mul3A_122, %add3A_123 : i32
    %add3A_125 = vector.broadcast %add3A_124 : i32 to vector<16xi32>
    %add3A_126 = arith.addi %add3A_125, %iota3A : vector<16xi32>
    %ge3A = vector.broadcast %scan3A_74 : i32 to vector<16xi32>
    %ge3A_127 = arith.cmpi sge, %add3A_126, %ge3A : vector<16xi32>
    %lt3A = vector.broadcast %mul3A_96 : i32 to vector<16xi32>
    %lt3A_128 = arith.cmpi slt, %add3A_126, %lt3A : vector<16xi32>
    %and3A_129 = arith.andi %ge3A_127, %lt3A_128 : vector<16xi1>
    %mul3A_130 = arith.constant 8 : i32
    %mul3A_131 = vector.broadcast %mul3A_130 : i32 to vector<16xi32>
    %mul3A_132 = arith.muli %iota3A, %mul3A_131 : vector<16xi32>
    %get3A = arith.index_cast %add3A_124 : i32 to index
    %get3A_133 = tpu.vector_load %arg6[%get3A] {strides = array<i32>} : memref<20224xi32, #tpu.memory_space<vmem>>, vector<16xi32>,
    %select_n3A_134 = arith.select %and3A_129, %mul3A_132, %get3A_133 : vector<16xi1>, vector<16xi32>
    %swap3A = arith.index_cast %add3A_124 : i32 to index
    %swap3A_135 = tpu.vector_load %arg6[%swap3A] {strides = array<i32>} : memref<20224xi32, #tpu.memory_space<vmem>>, vector<16xi32>,
    tpu.vector_store %arg6[%swap3A], %select_n3A_134 {strides = array<i32>} : memref<20224xi32, #tpu.memory_space<vmem>>, vector<16xi32>,
    %add3A_136 = arith.constant 5632 : i32
    %add3A_137 = vector.broadcast %add3A_136 : i32 to vector<16xi32>
    %add3A_138 = arith.addi %add3A_137, %iota3A : vector<16xi32>
    %get3A_139 = arith.index_cast %add3A_124 : i32 to index
    %get3A_140 = tpu.vector_load %arg7[%get3A_139] {strides = array<i32>} : memref<20224xi32, #tpu.memory_space<vmem>>, vector<16xi32>,
    %select_n3A_141 = arith.select %and3A_129, %add3A_138, %get3A_140 : vector<16xi1>, vector<16xi32>
    %swap3A_142 = arith.index_cast %add3A_124 : i32 to index
    %swap3A_143 = tpu.vector_load %arg7[%swap3A_142] {strides = array<i32>} : memref<20224xi32, #tpu.memory_space<vmem>>, vector<16xi32>,
    tpu.vector_store %arg7[%swap3A_142], %select_n3A_141 {strides = array<i32>} : memref<20224xi32, #tpu.memory_space<vmem>>, vector<16xi32>,
    %add3A_144 = arith.constant 16 : i32
    %add3A_145 = arith.addi %mul3A_122, %add3A_144 : i32
    %add3A_146 = vector.broadcast %add3A_145 : i32 to vector<16xi32>
    %add3A_147 = arith.addi %add3A_146, %iota3A : vector<16xi32>
    %ge3A_148 = vector.broadcast %scan3A_74 : i32 to vector<16xi32>
    %ge3A_149 = arith.cmpi sge, %add3A_147, %ge3A_148 : vector<16xi32>
    %lt3A_150 = vector.broadcast %mul3A_96 : i32 to vector<16xi32>
    %lt3A_151 = arith.cmpi slt, %add3A_147, %lt3A_150 : vector<16xi32>
    %and3A_152 = arith.andi %ge3A_149, %lt3A_151 : vector<16xi1>
    %mul3A_153 = arith.constant 8 : i32
    %mul3A_154 = vector.broadcast %mul3A_153 : i32 to vector<16xi32>
    %mul3A_155 = arith.muli %iota3A, %mul3A_154 : vector<16xi32>
    %get3A_156 = arith.index_cast %add3A_145 : i32 to index
    %get3A_157 = tpu.vector_load %arg6[%get3A_156] {strides = array<i32>} : memref<20224xi32, #tpu.memory_space<vmem>>, vector<16xi32>,
    %select_n3A_158 = arith.select %and3A_152, %mul3A_155, %get3A_157 : vector<16xi1>, vector<16xi32>
    %swap3A_159 = arith.index_cast %add3A_145 : i32 to index
    %swap3A_160 = tpu.vector_load %arg6[%swap3A_159] {strides = array<i32>} : memref<20224xi32, #tpu.memory_space<vmem>>, vector<16xi32>,
    tpu.vector_store %arg6[%swap3A_159], %select_n3A_158 {strides = array<i32>} : memref<20224xi32, #tpu.memory_space<vmem>>, vector<16xi32>,
    %add3A_161 = arith.constant 5632 : i32
    %add3A_162 = vector.broadcast %add3A_161 : i32 to vector<16xi32>
    %add3A_163 = arith.addi %add3A_162, %iota3A : vector<16xi32>
    %get3A_164 = arith.index_cast %add3A_145 : i32 to index
    %get3A_165 = tpu.vector_load %arg7[%get3A_164] {strides = array<i32>} : memref<20224xi32, #tpu.memory_space<vmem>>, vector<16xi32>,
    %select_n3A_166 = arith.select %and3A_152, %add3A_163, %get3A_165 : vector<16xi1>, vector<16xi32>
    %swap3A_167 = arith.index_cast %add3A_145 : i32 to index
    %swap3A_168 = tpu.vector_load %arg7[%swap3A_167] {strides = array<i32>} : memref<20224xi32, #tpu.memory_space<vmem>>, vector<16xi32>,
    tpu.vector_store %arg7[%swap3A_167], %select_n3A_166 {strides = array<i32>} : memref<20224xi32, #tpu.memory_space<vmem>>, vector<16xi32>,
    %add3A_169 = arith.constant 32 : i32
    %add3A_170 = arith.addi %mul3A_122, %add3A_169 : i32
    %add3A_171 = vector.broadcast %add3A_170 : i32 to vector<16xi32>
    %add3A_172 = arith.addi %add3A_171, %iota3A : vector<16xi32>
    %ge3A_173 = vector.broadcast %scan3A_74 : i32 to vector<16xi32>
    %ge3A_174 = arith.cmpi sge, %add3A_172, %ge3A_173 : vector<16xi32>
    %lt3A_175 = vector.broadcast %mul3A_96 : i32 to vector<16xi32>
    %lt3A_176 = arith.cmpi slt, %add3A_172, %lt3A_175 : vector<16xi32>
    %and3A_177 = arith.andi %ge3A_174, %lt3A_176 : vector<16xi1>
    %mul3A_178 = arith.constant 8 : i32
    %mul3A_179 = vector.broadcast %mul3A_178 : i32 to vector<16xi32>
    %mul3A_180 = arith.muli %iota3A, %mul3A_179 : vector<16xi32>
    %get3A_181 = arith.index_cast %add3A_170 : i32 to index
    %get3A_182 = tpu.vector_load %arg6[%get3A_181] {strides = array<i32>} : memref<20224xi32, #tpu.memory_space<vmem>>, vector<16xi32>,
    %select_n3A_183 = arith.select %and3A_177, %mul3A_180, %get3A_182 : vector<16xi1>, vector<16xi32>
    %swap3A_184 = arith.index_cast %add3A_170 : i32 to index
    %swap3A_185 = tpu.vector_load %arg6[%swap3A_184] {strides = array<i32>} : memref<20224xi32, #tpu.memory_space<vmem>>, vector<16xi32>,
    tpu.vector_store %arg6[%swap3A_184], %select_n3A_183 {strides = array<i32>} : memref<20224xi32, #tpu.memory_space<vmem>>, vector<16xi32>,
    %add3A_186 = arith.constant 5632 : i32
    %add3A_187 = vector.broadcast %add3A_186 : i32 to vector<16xi32>
    %add3A_188 = arith.addi %add3A_187, %iota3A : vector<16xi32>
    %get3A_189 = arith.index_cast %add3A_170 : i32 to index
    %get3A_190 = tpu.vector_load %arg7[%get3A_189] {strides = array<i32>} : memref<20224xi32, #tpu.memory_space<vmem>>, vector<16xi32>,
    %select_n3A_191 = arith.select %and3A_177, %add3A_188, %get3A_190 : vector<16xi1>, vector<16xi32>
    %swap3A_192 = arith.index_cast %add3A_170 : i32 to index
    %swap3A_193 = tpu.vector_load %arg7[%swap3A_192] {strides = array<i32>} : memref<20224xi32, #tpu.memory_space<vmem>>, vector<16xi32>,
    tpu.vector_store %arg7[%swap3A_192], %select_n3A_191 {strides = array<i32>} : memref<20224xi32, #tpu.memory_space<vmem>>, vector<16xi32>,
    %add3A_194 = arith.constant 48 : i32
    %add3A_195 = arith.addi %mul3A_122, %add3A_194 : i32
    %add3A_196 = vector.broadcast %add3A_195 : i32 to vector<16xi32>
    %add3A_197 = arith.addi %add3A_196, %iota3A : vector<16xi32>
    %ge3A_198 = vector.broadcast %scan3A_74 : i32 to vector<16xi32>
    %ge3A_199 = arith.cmpi sge, %add3A_197, %ge3A_198 : vector<16xi32>
    %lt3A_200 = vector.broadcast %mul3A_96 : i32 to vector<16xi32>
    %lt3A_201 = arith.cmpi slt, %add3A_197, %lt3A_200 : vector<16xi32>
    %and3A_202 = arith.andi %ge3A_199, %lt3A_201 : vector<16xi1>
    %mul3A_203 = arith.constant 8 : i32
    %mul3A_204 = vector.broadcast %mul3A_203 : i32 to vector<16xi32>
    %mul3A_205 = arith.muli %iota3A, %mul3A_204 : vector<16xi32>
    %get3A_206 = arith.index_cast %add3A_195 : i32 to index
    %get3A_207 = tpu.vector_load %arg6[%get3A_206] {strides = array<i32>} : memref<20224xi32, #tpu.memory_space<vmem>>, vector<16xi32>,
    %select_n3A_208 = arith.select %and3A_202, %mul3A_205, %get3A_207 : vector<16xi1>, vector<16xi32>
    %swap3A_209 = arith.index_cast %add3A_195 : i32 to index
    %swap3A_210 = tpu.vector_load %arg6[%swap3A_209] {strides = array<i32>} : memref<20224xi32, #tpu.memory_space<vmem>>, vector<16xi32>,
    tpu.vector_store %arg6[%swap3A_209], %select_n3A_208 {strides = array<i32>} : memref<20224xi32, #tpu.memory_space<vmem>>, vector<16xi32>,
    %add3A_211 = arith.constant 5632 : i32
    %add3A_212 = vector.broadcast %add3A_211 : i32 to vector<16xi32>
    %add3A_213 = arith.addi %add3A_212, %iota3A : vector<16xi32>
    %get3A_214 = arith.index_cast %add3A_195 : i32 to index
    %get3A_215 = tpu.vector_load %arg7[%get3A_214] {strides = array<i32>} : memref<20224xi32, #tpu.memory_space<vmem>>, vector<16xi32>,
    %select_n3A_216 = arith.select %and3A_202, %add3A_213, %get3A_215 : vector<16xi1>, vector<16xi32>
    %swap3A_217 = arith.index_cast %add3A_195 : i32 to index
    %swap3A_218 = tpu.vector_load %arg7[%swap3A_217] {strides = array<i32>} : memref<20224xi32, #tpu.memory_space<vmem>>, vector<16xi32>,
    tpu.vector_store %arg7[%swap3A_217], %select_n3A_216 {strides = array<i32>} : memref<20224xi32, #tpu.memory_space<vmem>>, vector<16xi32>,
    %add3A_219 = arith.constant 64 : i32
    %add3A_220 = arith.addi %mul3A_122, %add3A_219 : i32
    %add3A_221 = vector.broadcast %add3A_220 : i32 to vector<16xi32>
    %add3A_222 = arith.addi %add3A_221, %iota3A : vector<16xi32>
    %ge3A_223 = vector.broadcast %scan3A_74 : i32 to vector<16xi32>
    %ge3A_224 = arith.cmpi sge, %add3A_222, %ge3A_223 : vector<16xi32>
    %lt3A_225 = vector.broadcast %mul3A_96 : i32 to vector<16xi32>
    %lt3A_226 = arith.cmpi slt, %add3A_222, %lt3A_225 : vector<16xi32>
    %and3A_227 = arith.andi %ge3A_224, %lt3A_226 : vector<16xi1>
    %mul3A_228 = arith.constant 8 : i32
    %mul3A_229 = vector.broadcast %mul3A_228 : i32 to vector<16xi32>
    %mul3A_230 = arith.muli %iota3A, %mul3A_229 : vector<16xi32>
    %get3A_231 = arith.index_cast %add3A_220 : i32 to index
    %get3A_232 = tpu.vector_load %arg6[%get3A_231] {strides = array<i32>} : memref<20224xi32, #tpu.memory_space<vmem>>, vector<16xi32>,
    %select_n3A_233 = arith.select %and3A_227, %mul3A_230, %get3A_232 : vector<16xi1>, vector<16xi32>
    %swap3A_234 = arith.index_cast %add3A_220 : i32 to index
    %swap3A_235 = tpu.vector_load %arg6[%swap3A_234] {strides = array<i32>} : memref<20224xi32, #tpu.memory_space<vmem>>, vector<16xi32>,
    tpu.vector_store %arg6[%swap3A_234], %select_n3A_233 {strides = array<i32>} : memref<20224xi32, #tpu.memory_space<vmem>>, vector<16xi32>,
    %add3A_236 = arith.constant 5632 : i32
    %add3A_237 = vector.broadcast %add3A_236 : i32 to vector<16xi32>
    %add3A_238 = arith.addi %add3A_237, %iota3A : vector<16xi32>
    %get3A_239 = arith.index_cast %add3A_220 : i32 to index
    %get3A_240 = tpu.vector_load %arg7[%get3A_239] {strides = array<i32>} : memref<20224xi32, #tpu.memory_space<vmem>>, vector<16xi32>,
    %select_n3A_241 = arith.select %and3A_227, %add3A_238, %get3A_240 : vector<16xi1>, vector<16xi32>
    %swap3A_242 = arith.index_cast %add3A_220 : i32 to index
    %swap3A_243 = tpu.vector_load %arg7[%swap3A_242] {strides = array<i32>} : memref<20224xi32, #tpu.memory_space<vmem>>, vector<16xi32>,
    tpu.vector_store %arg7[%swap3A_242], %select_n3A_241 {strides = array<i32>} : memref<20224xi32, #tpu.memory_space<vmem>>, vector<16xi32>,
    %add3A_244 = arith.constant 80 : i32
    %add3A_245 = arith.addi %mul3A_122, %add3A_244 : i32
    %add3A_246 = vector.broadcast %add3A_245 : i32 to vector<16xi32>
    %add3A_247 = arith.addi %add3A_246, %iota3A : vector<16xi32>
    %ge3A_248 = vector.broadcast %scan3A_74 : i32 to vector<16xi32>
    %ge3A_249 = arith.cmpi sge, %add3A_247, %ge3A_248 : vector<16xi32>
    %lt3A_250 = vector.broadcast %mul3A_96 : i32 to vector<16xi32>
    %lt3A_251 = arith.cmpi slt, %add3A_247, %lt3A_250 : vector<16xi32>
    %and3A_252 = arith.andi %ge3A_249, %lt3A_251 : vector<16xi1>
    %mul3A_253 = arith.constant 8 : i32
    %mul3A_254 = vector.broadcast %mul3A_253 : i32 to vector<16xi32>
    %mul3A_255 = arith.muli %iota3A, %mul3A_254 : vector<16xi32>
    %get3A_256 = arith.index_cast %add3A_245 : i32 to index
    %get3A_257 = tpu.vector_load %arg6[%get3A_256] {strides = array<i32>} : memref<20224xi32, #tpu.memory_space<vmem>>, vector<16xi32>,
    %select_n3A_258 = arith.select %and3A_252, %mul3A_255, %get3A_257 : vector<16xi1>, vector<16xi32>
    %swap3A_259 = arith.index_cast %add3A_245 : i32 to index
    %swap3A_260 = tpu.vector_load %arg6[%swap3A_259] {strides = array<i32>} : memref<20224xi32, #tpu.memory_space<vmem>>, vector<16xi32>,
    tpu.vector_store %arg6[%swap3A_259], %select_n3A_258 {strides = array<i32>} : memref<20224xi32, #tpu.memory_space<vmem>>, vector<16xi32>,
    %add3A_261 = arith.constant 5632 : i32
    %add3A_262 = vector.broadcast %add3A_261 : i32 to vector<16xi32>
    %add3A_263 = arith.addi %add3A_262, %iota3A : vector<16xi32>
    %get3A_264 = arith.index_cast %add3A_245 : i32 to index
    %get3A_265 = tpu.vector_load %arg7[%get3A_264] {strides = array<i32>} : memref<20224xi32, #tpu.memory_space<vmem>>, vector<16xi32>,
    %select_n3A_266 = arith.select %and3A_252, %add3A_263, %get3A_265 : vector<16xi1>, vector<16xi32>
    %swap3A_267 = arith.index_cast %add3A_245 : i32 to index
    %swap3A_268 = tpu.vector_load %arg7[%swap3A_267] {strides = array<i32>} : memref<20224xi32, #tpu.memory_space<vmem>>, vector<16xi32>,
    tpu.vector_store %arg7[%swap3A_267], %select_n3A_266 {strides = array<i32>} : memref<20224xi32, #tpu.memory_space<vmem>>, vector<16xi32>,
    %add3A_269 = arith.constant 96 : i32
    %add3A_270 = arith.addi %mul3A_122, %add3A_269 : i32
    %add3A_271 = vector.broadcast %add3A_270 : i32 to vector<16xi32>
    %add3A_272 = arith.addi %add3A_271, %iota3A : vector<16xi32>
    %ge3A_273 = vector.broadcast %scan3A_74 : i32 to vector<16xi32>
    %ge3A_274 = arith.cmpi sge, %add3A_272, %ge3A_273 : vector<16xi32>
    %lt3A_275 = vector.broadcast %mul3A_96 : i32 to vector<16xi32>
    %lt3A_276 = arith.cmpi slt, %add3A_272, %lt3A_275 : vector<16xi32>
    %and3A_277 = arith.andi %ge3A_274, %lt3A_276 : vector<16xi1>
    %mul3A_278 = arith.constant 8 : i32
    %mul3A_279 = vector.broadcast %mul3A_278 : i32 to vector<16xi32>
    %mul3A_280 = arith.muli %iota3A, %mul3A_279 : vector<16xi32>
    %get3A_281 = arith.index_cast %add3A_270 : i32 to index
    %get3A_282 = tpu.vector_load %arg6[%get3A_281] {strides = array<i32>} : memref<20224xi32, #tpu.memory_space<vmem>>, vector<16xi32>,
    %select_n3A_283 = arith.select %and3A_277, %mul3A_280, %get3A_282 : vector<16xi1>, vector<16xi32>
    %swap3A_284 = arith.index_cast %add3A_270 : i32 to index
    %swap3A_285 = tpu.vector_load %arg6[%swap3A_284] {strides = array<i32>} : memref<20224xi32, #tpu.memory_space<vmem>>, vector<16xi32>,
    tpu.vector_store %arg6[%swap3A_284], %select_n3A_283 {strides = array<i32>} : memref<20224xi32, #tpu.memory_space<vmem>>, vector<16xi32>,
    %add3A_286 = arith.constant 5632 : i32
    %add3A_287 = vector.broadcast %add3A_286 : i32 to vector<16xi32>
    %add3A_288 = arith.addi %add3A_287, %iota3A : vector<16xi32>
    %get3A_289 = arith.index_cast %add3A_270 : i32 to index
    %get3A_290 = tpu.vector_load %arg7[%get3A_289] {strides = array<i32>} : memref<20224xi32, #tpu.memory_space<vmem>>, vector<16xi32>,
    %select_n3A_291 = arith.select %and3A_277, %add3A_288, %get3A_290 : vector<16xi1>, vector<16xi32>
    %swap3A_292 = arith.index_cast %add3A_270 : i32 to index
    %swap3A_293 = tpu.vector_load %arg7[%swap3A_292] {strides = array<i32>} : memref<20224xi32, #tpu.memory_space<vmem>>, vector<16xi32>,
    tpu.vector_store %arg7[%swap3A_292], %select_n3A_291 {strides = array<i32>} : memref<20224xi32, #tpu.memory_space<vmem>>, vector<16xi32>,
    %add3A_294 = arith.constant 112 : i32
    %add3A_295 = arith.addi %mul3A_122, %add3A_294 : i32
    %add3A_296 = vector.broadcast %add3A_295 : i32 to vector<16xi32>
    %add3A_297 = arith.addi %add3A_296, %iota3A : vector<16xi32>
    %ge3A_298 = vector.broadcast %scan3A_74 : i32 to vector<16xi32>
    %ge3A_299 = arith.cmpi sge, %add3A_297, %ge3A_298 : vector<16xi32>
    %lt3A_300 = vector.broadcast %mul3A_96 : i32 to vector<16xi32>
    %lt3A_301 = arith.cmpi slt, %add3A_297, %lt3A_300 : vector<16xi32>
    %and3A_302 = arith.andi %ge3A_299, %lt3A_301 : vector<16xi1>
    %mul3A_303 = arith.constant 8 : i32
    %mul3A_304 = vector.broadcast %mul3A_303 : i32 to vector<16xi32>
    %mul3A_305 = arith.muli %iota3A, %mul3A_304 : vector<16xi32>
    %get3A_306 = arith.index_cast %add3A_295 : i32 to index
    %get3A_307 = tpu.vector_load %arg6[%get3A_306] {strides = array<i32>} : memref<20224xi32, #tpu.memory_space<vmem>>, vector<16xi32>,
    %select_n3A_308 = arith.select %and3A_302, %mul3A_305, %get3A_307 : vector<16xi1>, vector<16xi32>
    %swap3A_309 = arith.index_cast %add3A_295 : i32 to index
    %swap3A_310 = tpu.vector_load %arg6[%swap3A_309] {strides = array<i32>} : memref<20224xi32, #tpu.memory_space<vmem>>, vector<16xi32>,
    tpu.vector_store %arg6[%swap3A_309], %select_n3A_308 {strides = array<i32>} : memref<20224xi32, #tpu.memory_space<vmem>>, vector<16xi32>,
    %add3A_311 = arith.constant 5632 : i32
    %add3A_312 = vector.broadcast %add3A_311 : i32 to vector<16xi32>
    %add3A_313 = arith.addi %add3A_312, %iota3A : vector<16xi32>
    %get3A_314 = arith.index_cast %add3A_295 : i32 to index
    %get3A_315 = tpu.vector_load %arg7[%get3A_314] {strides = array<i32>} : memref<20224xi32, #tpu.memory_space<vmem>>, vector<16xi32>,
    %select_n3A_316 = arith.select %and3A_302, %add3A_313, %get3A_315 : vector<16xi1>, vector<16xi32>
    %swap3A_317 = arith.index_cast %add3A_295 : i32 to index
    %swap3A_318 = tpu.vector_load %arg7[%swap3A_317] {strides = array<i32>} : memref<20224xi32, #tpu.memory_space<vmem>>, vector<16xi32>,
    tpu.vector_store %arg7[%swap3A_317], %select_n3A_316 {strides = array<i32>} : memref<20224xi32, #tpu.memory_space<vmem>>, vector<16xi32>,
    %add3A_319 = arith.constant 128 : i32
    %add3A_320 = arith.addi %mul3A_122, %add3A_319 : i32
    %add3A_321 = vector.broadcast %add3A_320 : i32 to vector<16xi32>
    %add3A_322 = arith.addi %add3A_321, %iota3A : vector<16xi32>
    %ge3A_323 = vector.broadcast %scan3A_74 : i32 to vector<16xi32>
    %ge3A_324 = arith.cmpi sge, %add3A_322, %ge3A_323 : vector<16xi32>
    %lt3A_325 = vector.broadcast %mul3A_96 : i32 to vector<16xi32>
    %lt3A_326 = arith.cmpi slt, %add3A_322, %lt3A_325 : vector<16xi32>
    %and3A_327 = arith.andi %ge3A_324, %lt3A_326 : vector<16xi1>
    %mul3A_328 = arith.constant 8 : i32
    %mul3A_329 = vector.broadcast %mul3A_328 : i32 to vector<16xi32>
    %mul3A_330 = arith.muli %iota3A, %mul3A_329 : vector<16xi32>
    %get3A_331 = arith.index_cast %add3A_320 : i32 to index
    %get3A_332 = tpu.vector_load %arg6[%get3A_331] {strides = array<i32>} : memref<20224xi32, #tpu.memory_space<vmem>>, vector<16xi32>,
    %select_n3A_333 = arith.select %and3A_327, %mul3A_330, %get3A_332 : vector<16xi1>, vector<16xi32>
    %swap3A_334 = arith.index_cast %add3A_320 : i32 to index
    %swap3A_335 = tpu.vector_load %arg6[%swap3A_334] {strides = array<i32>} : memref<20224xi32, #tpu.memory_space<vmem>>, vector<16xi32>,
    tpu.vector_store %arg6[%swap3A_334], %select_n3A_333 {strides = array<i32>} : memref<20224xi32, #tpu.memory_space<vmem>>, vector<16xi32>,
    %add3A_336 = arith.constant 5632 : i32
    %add3A_337 = vector.broadcast %add3A_336 : i32 to vector<16xi32>
    %add3A_338 = arith.addi %add3A_337, %iota3A : vector<16xi32>
    %get3A_339 = arith.index_cast %add3A_320 : i32 to index
    %get3A_340 = tpu.vector_load %arg7[%get3A_339] {strides = array<i32>} : memref<20224xi32, #tpu.memory_space<vmem>>, vector<16xi32>,
    %select_n3A_341 = arith.select %and3A_327, %add3A_338, %get3A_340 : vector<16xi1>, vector<16xi32>
    %swap3A_342 = arith.index_cast %add3A_320 : i32 to index
    %swap3A_343 = tpu.vector_load %arg7[%swap3A_342] {strides = array<i32>} : memref<20224xi32, #tpu.memory_space<vmem>>, vector<16xi32>,
    tpu.vector_store %arg7[%swap3A_342], %select_n3A_341 {strides = array<i32>} : memref<20224xi32, #tpu.memory_space<vmem>>, vector<16xi32>,
    %barrier3A = arith.constant 0 : index
    tpu.barrier barrier_id(%barrier3A)
    %dma_start3A = arith.constant 0 : i32
    %dma_start3A_344 = arith.constant 0 : i32
    %dma_start3A_345 = arith.constant 0 : i32
    %dma_start3A_346 = tpu.memref_slice %arg8[%dma_start3A, %dma_start3A_344, %dma_start3A_345] : memref<2x128x128xf32, #tpu.memory_space<vmem>> -> memref<1x128x128xf32, #tpu.memory_space<vmem>>
    %dma_start3A_347 = tpu.memref_squeeze %dma_start3A_346 : memref<1x128x128xf32, #tpu.memory_space<vmem>> -> memref<128x128xf32, #tpu.memory_space<vmem>>
    %dma_start3A_348 = arith.constant 0 : i32
    %dma_start3A_349 = tpu.memref_slice %arg6[%dma_start3A_348] : memref<20224xi32, #tpu.memory_space<vmem>> -> memref<128xi32, #tpu.memory_space<vmem>>
    %dma_start3A_350 = arith.constant 0 : i32
    %dma_start3A_351 = arith.constant 0 : i32
    %dma_start3A_352 = tpu.memref_slice %arg2[%dma_start3A_350, %dma_start3A_351] : memref<10240x128xf32, #tpu.memory_space<hbm>> -> memref<10240x128xf32, #tpu.memory_space<hbm>>
    tpu.enqueue_indirect_dma source(%dma_start3A_352 : memref<10240x128xf32, #tpu.memory_space<hbm>>) target(%dma_start3A_347 : memref<128x128xf32, #tpu.memory_space<vmem>>) offsets(%dma_start3A_349 : memref<128xi32, #tpu.memory_space<vmem>>) semaphore(%arg11 : memref<!tpu.dma_semaphore, #tpu.memory_space<semaphore_mem>>)
    %while3A = arith.constant 0 : i32
    %while3A_353 = arith.constant 0 : i32
    %while3A_354 = arith.subi %max3A_94, %while3A_353 : i32
    %while3A_355 = arith.addi %while3A_353, %while3A_354 : i32
    %while3A_356 = arith.constant 1 : i32
    %while3A_357 = arith.divsi %while3A_354, %while3A_356 : i32
    %while3A_358 = arith.muli %while3A_357, %while3A_356 : i32
    %while3A_359 = arith.addi %while3A_353, %while3A_358 : i32
    %while3A_360 = arith.constant 1 : i32
    scf.for %while3A_367 = %while3A_353 to %while3A_359 step %while3A_360  : i32 {
      %rem3A_368 = arith.constant 2 : i32
      %rem3A_369 = arith.remsi %while3A_367, %rem3A_368 : i32
      %add3A_370 = arith.constant 1 : i32
      %add3A_371 = arith.addi %while3A_367, %add3A_370 : i32
      %rem3A_372 = arith.constant 2 : i32
      %rem3A_373 = arith.remsi %add3A_371, %rem3A_372 : i32
      %add3A_374 = arith.constant 1 : i32
      %add3A_375 = arith.addi %while3A_367, %add3A_374 : i32
      %lt3A_376 = arith.cmpi slt, %add3A_375, %max3A_94 : i32
      %convert_element_type3A = arith.extui %lt3A_376 : i1 to i32
      %cond3A = arith.constant 0 : i32
      %cond3A_377 = arith.cmpi ne, %convert_element_type3A, %cond3A : i32
      scf.if %cond3A_377 {
        %add3A_389 = arith.constant 1 : i32
        %add3A_390 = arith.addi %while3A_367, %add3A_389 : i32
        %mul3A_391 = arith.constant 128 : i32
        %mul3A_392 = arith.muli %add3A_390, %mul3A_391 : i32
        %dma_start3A_393 = arith.constant 0 : i32
        %dma_start3A_394 = arith.constant 0 : i32
        %dma_start3A_395 = tpu.memref_slice %arg8[%rem3A_373, %dma_start3A_393, %dma_start3A_394] : memref<2x128x128xf32, #tpu.memory_space<vmem>> -> memref<1x128x128xf32, #tpu.memory_space<vmem>>
        %dma_start3A_396 = tpu.memref_squeeze %dma_start3A_395 : memref<1x128x128xf32, #tpu.memory_space<vmem>> -> memref<128x128xf32, #tpu.memory_space<vmem>>
        %dma_start3A_397 = tpu.memref_slice %arg6[%mul3A_392] : memref<20224xi32, #tpu.memory_space<vmem>> -> memref<128xi32, #tpu.memory_space<vmem>>
        %dma_start3A_398 = arith.constant 0 : i32
        %dma_start3A_399 = arith.constant 0 : i32
        %dma_start3A_400 = tpu.memref_slice %arg2[%dma_start3A_398, %dma_start3A_399] : memref<10240x128xf32, #tpu.memory_space<hbm>> -> memref<10240x128xf32, #tpu.memory_space<hbm>>
        tpu.enqueue_indirect_dma source(%dma_start3A_400 : memref<10240x128xf32, #tpu.memory_space<hbm>>) target(%dma_start3A_396 : memref<128x128xf32, #tpu.memory_space<vmem>>) offsets(%dma_start3A_397 : memref<128xi32, #tpu.memory_space<vmem>>) semaphore(%arg11 : memref<!tpu.dma_semaphore, #tpu.memory_space<semaphore_mem>>)
      } else {
      }
      %mul3A_378 = arith.constant 128 : i32
      %mul3A_379 = arith.muli %while3A_367, %mul3A_378 : i32
      %dma_wait3A = arith.constant 0 : i32
      %dma_wait3A_380 = arith.constant 0 : i32
      %dma_wait3A_381 = tpu.memref_slice %arg8[%rem3A_369, %dma_wait3A, %dma_wait3A_380] : memref<2x128x128xf32, #tpu.memory_space<vmem>> -> memref<1x128x128xf32, #tpu.memory_space<vmem>>
      %dma_wait3A_382 = tpu.memref_squeeze %dma_wait3A_381 : memref<1x128x128xf32, #tpu.memory_space<vmem>> -> memref<128x128xf32, #tpu.memory_space<vmem>>
      %dma_wait3A_383 = tpu.memref_slice %arg6[%mul3A_379] : memref<20224xi32, #tpu.memory_space<vmem>> -> memref<128xi32, #tpu.memory_space<vmem>>
      %dma_wait3A_384 = arith.constant 0 : i32
      %dma_wait3A_385 = arith.constant 0 : i32
      %dma_wait3A_386 = tpu.memref_slice %arg2[%dma_wait3A_384, %dma_wait3A_385] : memref<10240x128xf32, #tpu.memory_space<hbm>> -> memref<10240x128xf32, #tpu.memory_space<hbm>>
      tpu.wait_indirect_dma semaphore(%arg11 : memref<!tpu.dma_semaphore, #tpu.memory_space<semaphore_mem>>) src(%dma_wait3A_386 : memref<10240x128xf32, #tpu.memory_space<hbm>>) dst(%dma_wait3A_382 : memref<128x128xf32, #tpu.memory_space<vmem>>)
      %mul3A_387 = arith.constant 128 : i32
      %mul3A_388 = arith.muli %while3A_367, %mul3A_387 : i32
      "tpu.region"() ({
        %run_scoped3A = tpu.sem_alloc : memref<!tpu.dma_semaphore, #tpu.memory_space<semaphore_mem>>
        %dma_start3A_389 = arith.constant 0 : i32
        %dma_start3A_390 = arith.constant 0 : i32
        %dma_start3A_391 = tpu.memref_slice %arg8[%rem3A_369, %dma_start3A_389, %dma_start3A_390] : memref<2x128x128xf32, #tpu.memory_space<vmem>> -> memref<1x128x128xf32, #tpu.memory_space<vmem>>
        %dma_start3A_392 = tpu.memref_squeeze %dma_start3A_391 : memref<1x128x128xf32, #tpu.memory_space<vmem>> -> memref<128x128xf32, #tpu.memory_space<vmem>>
        %dma_start3A_393 = tpu.memref_slice %arg7[%mul3A_388] : memref<20224xi32, #tpu.memory_space<vmem>> -> memref<128xi32, #tpu.memory_space<vmem>>
        %dma_start3A_394 = arith.constant 0 : i32
        %dma_start3A_395 = arith.constant 0 : i32
        %dma_start3A_396 = tpu.memref_slice %arg10[%dma_start3A_394, %dma_start3A_395] : memref<5760x128xf32, #tpu.memory_space<vmem_shared>> -> memref<5760x128xf32, #tpu.memory_space<vmem_shared>>
        tpu.enqueue_indirect_dma source(%dma_start3A_392 : memref<128x128xf32, #tpu.memory_space<vmem>>) target(%dma_start3A_396 : memref<5760x128xf32, #tpu.memory_space<vmem_shared>>) offsets(%dma_start3A_393 : memref<128xi32, #tpu.memory_space<vmem>>) semaphore(%run_scoped3A : memref<!tpu.dma_semaphore, #tpu.memory_space<semaphore_mem>>) {add = true}
        %dma_wait3A_397 = arith.constant 0 : i32
        %dma_wait3A_398 = arith.constant 0 : i32
        %dma_wait3A_399 = tpu.memref_slice %arg8[%rem3A_369, %dma_wait3A_397, %dma_wait3A_398] : memref<2x128x128xf32, #tpu.memory_space<vmem>> -> memref<1x128x128xf32, #tpu.memory_space<vmem>>
        %dma_wait3A_400 = tpu.memref_squeeze %dma_wait3A_399 : memref<1x128x128xf32, #tpu.memory_space<vmem>> -> memref<128x128xf32, #tpu.memory_space<vmem>>
        %dma_wait3A_401 = tpu.memref_slice %arg7[%mul3A_388] : memref<20224xi32, #tpu.memory_space<vmem>> -> memref<128xi32, #tpu.memory_space<vmem>>
        %dma_wait3A_402 = arith.constant 0 : i32
        %dma_wait3A_403 = arith.constant 0 : i32
        %dma_wait3A_404 = tpu.memref_slice %arg10[%dma_wait3A_402, %dma_wait3A_403] : memref<5760x128xf32, #tpu.memory_space<vmem_shared>> -> memref<5760x128xf32, #tpu.memory_space<vmem_shared>>
        tpu.wait_indirect_dma semaphore(%run_scoped3A : memref<!tpu.dma_semaphore, #tpu.memory_space<semaphore_mem>>) src(%dma_wait3A_400 : memref<128x128xf32, #tpu.memory_space<vmem>>) dst(%dma_wait3A_404 : memref<5760x128xf32, #tpu.memory_space<vmem_shared>>)
        tpu.yield
      }) : () -> ()
    }
    %while3A_361 = arith.constant 1 : i32
    scf.for %while3A_367 = %while3A_359 to %while3A_355 step %while3A_361  : i32 {
      %rem3A_368 = arith.constant 2 : i32
      %rem3A_369 = arith.remsi %while3A_367, %rem3A_368 : i32
      %add3A_370 = arith.constant 1 : i32
      %add3A_371 = arith.addi %while3A_367, %add3A_370 : i32
      %rem3A_372 = arith.constant 2 : i32
      %rem3A_373 = arith.remsi %add3A_371, %rem3A_372 : i32
      %add3A_374 = arith.constant 1 : i32
      %add3A_375 = arith.addi %while3A_367, %add3A_374 : i32
      %lt3A_376 = arith.cmpi slt, %add3A_375, %max3A_94 : i32
      %convert_element_type3A = arith.extui %lt3A_376 : i1 to i32
      %cond3A = arith.constant 0 : i32
      %cond3A_377 = arith.cmpi ne, %convert_element_type3A, %cond3A : i32
      scf.if %cond3A_377 {
        %add3A_389 = arith.constant 1 : i32
        %add3A_390 = arith.addi %while3A_367, %add3A_389 : i32
        %mul3A_391 = arith.constant 128 : i32
        %mul3A_392 = arith.muli %add3A_390, %mul3A_391 : i32
        %dma_start3A_393 = arith.constant 0 : i32
        %dma_start3A_394 = arith.constant 0 : i32
        %dma_start3A_395 = tpu.memref_slice %arg8[%rem3A_373, %dma_start3A_393, %dma_start3A_394] : memref<2x128x128xf32, #tpu.memory_space<vmem>> -> memref<1x128x128xf32, #tpu.memory_space<vmem>>
        %dma_start3A_396 = tpu.memref_squeeze %dma_start3A_395 : memref<1x128x128xf32, #tpu.memory_space<vmem>> -> memref<128x128xf32, #tpu.memory_space<vmem>>
        %dma_start3A_397 = tpu.memref_slice %arg6[%mul3A_392] : memref<20224xi32, #tpu.memory_space<vmem>> -> memref<128xi32, #tpu.memory_space<vmem>>
        %dma_start3A_398 = arith.constant 0 : i32
        %dma_start3A_399 = arith.constant 0 : i32
        %dma_start3A_400 = tpu.memref_slice %arg2[%dma_start3A_398, %dma_start3A_399] : memref<10240x128xf32, #tpu.memory_space<hbm>> -> memref<10240x128xf32, #tpu.memory_space<hbm>>
        tpu.enqueue_indirect_dma source(%dma_start3A_400 : memref<10240x128xf32, #tpu.memory_space<hbm>>) target(%dma_start3A_396 : memref<128x128xf32, #tpu.memory_space<vmem>>) offsets(%dma_start3A_397 : memref<128xi32, #tpu.memory_space<vmem>>) semaphore(%arg11 : memref<!tpu.dma_semaphore, #tpu.memory_space<semaphore_mem>>)
      } else {
      }
      %mul3A_378 = arith.constant 128 : i32
      %mul3A_379 = arith.muli %while3A_367, %mul3A_378 : i32
      %dma_wait3A = arith.constant 0 : i32
      %dma_wait3A_380 = arith.constant 0 : i32
      %dma_wait3A_381 = tpu.memref_slice %arg8[%rem3A_369, %dma_wait3A, %dma_wait3A_380] : memref<2x128x128xf32, #tpu.memory_space<vmem>> -> memref<1x128x128xf32, #tpu.memory_space<vmem>>
      %dma_wait3A_382 = tpu.memref_squeeze %dma_wait3A_381 : memref<1x128x128xf32, #tpu.memory_space<vmem>> -> memref<128x128xf32, #tpu.memory_space<vmem>>
      %dma_wait3A_383 = tpu.memref_slice %arg6[%mul3A_379] : memref<20224xi32, #tpu.memory_space<vmem>> -> memref<128xi32, #tpu.memory_space<vmem>>
      %dma_wait3A_384 = arith.constant 0 : i32
      %dma_wait3A_385 = arith.constant 0 : i32
      %dma_wait3A_386 = tpu.memref_slice %arg2[%dma_wait3A_384, %dma_wait3A_385] : memref<10240x128xf32, #tpu.memory_space<hbm>> -> memref<10240x128xf32, #tpu.memory_space<hbm>>
      tpu.wait_indirect_dma semaphore(%arg11 : memref<!tpu.dma_semaphore, #tpu.memory_space<semaphore_mem>>) src(%dma_wait3A_386 : memref<10240x128xf32, #tpu.memory_space<hbm>>) dst(%dma_wait3A_382 : memref<128x128xf32, #tpu.memory_space<vmem>>)
      %mul3A_387 = arith.constant 128 : i32
      %mul3A_388 = arith.muli %while3A_367, %mul3A_387 : i32
      "tpu.region"() ({
        %run_scoped3A = tpu.sem_alloc : memref<!tpu.dma_semaphore, #tpu.memory_space<semaphore_mem>>
        %dma_start3A_389 = arith.constant 0 : i32
        %dma_start3A_390 = arith.constant 0 : i32
        %dma_start3A_391 = tpu.memref_slice %arg8[%rem3A_369, %dma_start3A_389, %dma_start3A_390] : memref<2x128x128xf32, #tpu.memory_space<vmem>> -> memref<1x128x128xf32, #tpu.memory_space<vmem>>
        %dma_start3A_392 = tpu.memref_squeeze %dma_start3A_391 : memref<1x128x128xf32, #tpu.memory_space<vmem>> -> memref<128x128xf32, #tpu.memory_space<vmem>>
        %dma_start3A_393 = tpu.memref_slice %arg7[%mul3A_388] : memref<20224xi32, #tpu.memory_space<vmem>> -> memref<128xi32, #tpu.memory_space<vmem>>
        %dma_start3A_394 = arith.constant 0 : i32
        %dma_start3A_395 = arith.constant 0 : i32
        %dma_start3A_396 = tpu.memref_slice %arg10[%dma_start3A_394, %dma_start3A_395] : memref<5760x128xf32, #tpu.memory_space<vmem_shared>> -> memref<5760x128xf32, #tpu.memory_space<vmem_shared>>
        tpu.enqueue_indirect_dma source(%dma_start3A_392 : memref<128x128xf32, #tpu.memory_space<vmem>>) target(%dma_start3A_396 : memref<5760x128xf32, #tpu.memory_space<vmem_shared>>) offsets(%dma_start3A_393 : memref<128xi32, #tpu.memory_space<vmem>>) semaphore(%run_scoped3A : memref<!tpu.dma_semaphore, #tpu.memory_space<semaphore_mem>>) {add = true}
        %dma_wait3A_397 = arith.constant 0 : i32
        %dma_wait3A_398 = arith.constant 0 : i32
        %dma_wait3A_399 = tpu.memref_slice %arg8[%rem3A_369, %dma_wait3A_397, %dma_wait3A_398] : memref<2x128x128xf32, #tpu.memory_space<vmem>> -> memref<1x128x128xf32, #tpu.memory_space<vmem>>
        %dma_wait3A_400 = tpu.memref_squeeze %dma_wait3A_399 : memref<1x128x128xf32, #tpu.memory_space<vmem>> -> memref<128x128xf32, #tpu.memory_space<vmem>>
        %dma_wait3A_401 = tpu.memref_slice %arg7[%mul3A_388] : memref<20224xi32, #tpu.memory_space<vmem>> -> memref<128xi32, #tpu.memory_space<vmem>>
        %dma_wait3A_402 = arith.constant 0 : i32
        %dma_wait3A_403 = arith.constant 0 : i32
        %dma_wait3A_404 = tpu.memref_slice %arg10[%dma_wait3A_402, %dma_wait3A_403] : memref<5760x128xf32, #tpu.memory_space<vmem_shared>> -> memref<5760x128xf32, #tpu.memory_space<vmem_shared>>
        tpu.wait_indirect_dma semaphore(%run_scoped3A : memref<!tpu.dma_semaphore, #tpu.memory_space<semaphore_mem>>) src(%dma_wait3A_400 : memref<128x128xf32, #tpu.memory_space<vmem>>) dst(%dma_wait3A_404 : memref<5760x128xf32, #tpu.memory_space<vmem_shared>>)
        tpu.yield
      }) : () -> ()
    }
    %barrier3A_362 = arith.constant 0 : index
    tpu.barrier barrier_id(%barrier3A_362)
    %mul3A_363 = arith.constant 360 : i32
    %mul3A_364 = arith.muli %arg1, %mul3A_363 : i32
    %mul3A_365 = arith.constant 360 : i32
    %mul3A_366 = arith.muli %arg1, %mul3A_365 : i32
    "tpu.region"() ({
      %run_scoped3A = tpu.sem_alloc : memref<!tpu.dma_semaphore, #tpu.memory_space<semaphore_mem>>
      %dma_start3A_367 = arith.constant 0 : i32
      %dma_start3A_368 = tpu.memref_slice %arg5[%arg0, %mul3A_366, %dma_start3A_367] : memref<2x5760x128xf32, #tpu.memory_space<hbm>> -> memref<1x360x128xf32, #tpu.memory_space<hbm>>
      %dma_start3A_369 = tpu.memref_squeeze %dma_start3A_368 : memref<1x360x128xf32, #tpu.memory_space<hbm>> -> memref<360x128xf32, #tpu.memory_space<hbm>>
      %dma_start3A_370 = arith.constant 0 : i32
      %dma_start3A_371 = tpu.memref_slice %arg10[%mul3A_364, %dma_start3A_370] : memref<5760x128xf32, #tpu.memory_space<vmem_shared>> -> memref<360x128xf32, #tpu.memory_space<vmem_shared>>
      tpu.enqueue_dma source(%dma_start3A_371 : memref<360x128xf32, #tpu.memory_space<vmem_shared>>) target(%dma_start3A_369 : memref<360x128xf32, #tpu.memory_space<hbm>>) target_semaphore(%run_scoped3A : memref<!tpu.dma_semaphore, #tpu.memory_space<semaphore_mem>>)
      %dma_wait3A = arith.constant 0 : i32
      %dma_wait3A_372 = tpu.memref_slice %arg5[%arg0, %mul3A_366, %dma_wait3A] : memref<2x5760x128xf32, #tpu.memory_space<hbm>> -> memref<1x360x128xf32, #tpu.memory_space<hbm>>
      %dma_wait3A_373 = tpu.memref_squeeze %dma_wait3A_372 : memref<1x360x128xf32, #tpu.memory_space<hbm>> -> memref<360x128xf32, #tpu.memory_space<hbm>>
      %dma_wait3A_374 = arith.constant 0 : i32
      %dma_wait3A_375 = tpu.memref_slice %arg10[%mul3A_364, %dma_wait3A_374] : memref<5760x128xf32, #tpu.memory_space<vmem_shared>> -> memref<360x128xf32, #tpu.memory_space<vmem_shared>>
      tpu.wait_dma2 semaphore(%run_scoped3A : memref<!tpu.dma_semaphore, #tpu.memory_space<semaphore_mem>>) src(%dma_wait3A_375 : memref<360x128xf32, #tpu.memory_space<vmem_shared>>) dst(%dma_wait3A_373 : memref<360x128xf32, #tpu.memory_space<hbm>>)
      tpu.yield
    }) : () -> ()
    return
  }
}

#map = affine_map<(d0, d1) -> (0, 0)>
#map1 = affine_map<(d0, d1) -> (0)>
#map2 = affine_map<(d0, d1) -> (0, 0, 0)>
module attributes {stable_mosaic.version = 14 : i64} {
  func.func @scat_kernel(%arg0: i32, %arg1: i32, %arg2: memref<10240x128xf32, #tpu.memory_space<hbm>>, %arg3: memref<320000xi32, #tpu.memory_space<hbm>>, %arg4: memref<320000xi32, #tpu.memory_space<hbm>>, %arg5: memref<2x5760x128xf32, #tpu.memory_space<hbm>>, %arg6: memref<20224xi32, #tpu.memory_space<vmem>>, %arg7: memref<20224xi32, #tpu.memory_space<vmem>>, %arg8: memref<2x128x128xf32, #tpu.memory_space<vmem>>, %arg9: memref<24x128xf32, #tpu.memory_space<vmem>>, %arg10: memref<5760x128xf32, #tpu.memory_space<vmem_shared>>, %arg11: memref<!tpu.dma_semaphore, #tpu.memory_space<semaphore_mem>>) attributes {dimension_semantics = [#tpu.dimension_semantics<core_parallel>, #tpu.dimension_semantics<subcore_parallel>], iteration_bounds = array<i64: 2, 16>, scalar_prefetch = 0 : i64, scratch_operands = 6 : i64, tpu.core_type = #tpu.core_type<sc_vector_subcore>, window_params = [{transform_indices = #map}, {transform_indices = #map1}, {transform_indices = #map1}, {transform_indices = #map2}]} {
    %mul3A = arith.constant 5120 : i32
    %mul3A_0 = arith.muli %arg0, %mul3A : i32
    %mul3A_1 = arith.constant 20000 : i32
    %mul3A_2 = arith.muli %arg1, %mul3A_1 : i32
    "tpu.region"() ({
      %run_scoped3A = tpu.sem_alloc : memref<!tpu.dma_semaphore, #tpu.memory_space<semaphore_mem>>
      %dma_start3A_367 = arith.constant 0 : i32
      %dma_start3A_368 = tpu.memref_slice %arg6[%dma_start3A_367] : memref<20224xi32, #tpu.memory_space<vmem>> -> memref<20000xi32, #tpu.memory_space<vmem>>
      %dma_start3A_369 = tpu.memref_slice %arg3[%mul3A_2] : memref<320000xi32, #tpu.memory_space<hbm>> -> memref<20000xi32, #tpu.memory_space<hbm>>
      %dma_start3A_370 = arith.constant 0 : i32
      %dma_start3A_371 = tpu.memref_slice %arg6[%dma_start3A_370] : memref<20224xi32, #tpu.memory_space<vmem>> -> memref<20000xi32, #tpu.memory_space<vmem>>
      %dma_start3A_372 = tpu.memref_slice %arg3[%mul3A_2] : memref<320000xi32, #tpu.memory_space<hbm>> -> memref<20000xi32, #tpu.memory_space<hbm>>
      tpu.enqueue_dma source(%dma_start3A_372 : memref<20000xi32, #tpu.memory_space<hbm>>) target(%dma_start3A_371 : memref<20000xi32, #tpu.memory_space<vmem>>) target_semaphore(%run_scoped3A : memref<!tpu.dma_semaphore, #tpu.memory_space<semaphore_mem>>)
      %dma_wait3A = arith.constant 0 : i32
      %dma_wait3A_373 = tpu.memref_slice %arg6[%dma_wait3A] : memref<20224xi32, #tpu.memory_space<vmem>> -> memref<20000xi32, #tpu.memory_space<vmem>>
      %dma_wait3A_374 = tpu.memref_slice %arg3[%mul3A_2] : memref<320000xi32, #tpu.memory_space<hbm>> -> memref<20000xi32, #tpu.memory_space<hbm>>
      %dma_wait3A_375 = arith.constant 0 : i32
      %dma_wait3A_376 = tpu.memref_slice %arg6[%dma_wait3A_375] : memref<20224xi32, #tpu.memory_space<vmem>> -> memref<20000xi32, #tpu.memory_space<vmem>>
      %dma_wait3A_377 = tpu.memref_slice %arg3[%mul3A_2] : memref<320000xi32, #tpu.memory_space<hbm>> -> memref<20000xi32, #tpu.memory_space<hbm>>
      tpu.wait_dma2 semaphore(%run_scoped3A : memref<!tpu.dma_semaphore, #tpu.memory_space<semaphore_mem>>) src(%dma_wait3A_377 : memref<20000xi32, #tpu.memory_space<hbm>>) dst(%dma_wait3A_376 : memref<20000xi32, #tpu.memory_space<vmem>>)
      tpu.yield
    }) : () -> ()
    %mul3A_3 = arith.constant 20000 : i32
    %mul3A_4 = arith.muli %arg1, %mul3A_3 : i32
    "tpu.region"() ({
      %run_scoped3A = tpu.sem_alloc : memref<!tpu.dma_semaphore, #tpu.memory_space<semaphore_mem>>
      %dma_start3A_367 = arith.constant 0 : i32
      %dma_start3A_368 = tpu.memref_slice %arg7[%dma_start3A_367] : memref<20224xi32, #tpu.memory_space<vmem>> -> memref<20000xi32, #tpu.memory_space<vmem>>
      %dma_start3A_369 = tpu.memref_slice %arg4[%mul3A_4] : memref<320000xi32, #tpu.memory_space<hbm>> -> memref<20000xi32, #tpu.memory_space<hbm>>
      %dma_start3A_370 = arith.constant 0 : i32
      %dma_start3A_371 = tpu.memref_slice %arg7[%dma_start3A_370] : memref<20224xi32, #tpu.memory_space<vmem>> -> memref<20000xi32, #tpu.memory_space<vmem>>
      %dma_start3A_372 = tpu.memref_slice %arg4[%mul3A_4] : memref<320000xi32, #tpu.memory_space<hbm>> -> memref<20000xi32, #tpu.memory_space<hbm>>
      tpu.enqueue_dma source(%dma_start3A_372 : memref<20000xi32, #tpu.memory_space<hbm>>) target(%dma_start3A_371 : memref<20000xi32, #tpu.memory_space<vmem>>) target_semaphore(%run_scoped3A : memref<!tpu.dma_semaphore, #tpu.memory_space<semaphore_mem>>)
      %dma_wait3A = arith.constant 0 : i32
      %dma_wait3A_373 = tpu.memref_slice %arg7[%dma_wait3A] : memref<20224xi32, #tpu.memory_space<vmem>> -> memref<20000xi32, #tpu.memory_space<vmem>>
      %dma_wait3A_374 = tpu.memref_slice %arg4[%mul3A_4] : memref<320000xi32, #tpu.memory_space<hbm>> -> memref<20000xi32, #tpu.memory_space<hbm>>
      %dma_wait3A_375 = arith.constant 0 : i32
      %dma_wait3A_376 = tpu.memref_slice %arg7[%dma_wait3A_375] : memref<20224xi32, #tpu.memory_space<vmem>> -> memref<20000xi32, #tpu.memory_space<vmem>>
      %dma_wait3A_377 = tpu.memref_slice %arg4[%mul3A_4] : memref<320000xi32, #tpu.memory_space<hbm>> -> memref<20000xi32, #tpu.memory_space<hbm>>
      tpu.wait_dma2 semaphore(%run_scoped3A : memref<!tpu.dma_semaphore, #tpu.memory_space<semaphore_mem>>) src(%dma_wait3A_377 : memref<20000xi32, #tpu.memory_space<hbm>>) dst(%dma_wait3A_376 : memref<20000xi32, #tpu.memory_space<vmem>>)
      tpu.yield
    }) : () -> ()
    %scan3A = arith.constant 0 : i32
    %scan3A_5 = arith.constant 0 : i32
    %scan3A_6 = arith.constant 24 : i32
    %scan3A_7 = arith.addi %scan3A_5, %scan3A_6 : i32
    %scan3A_8 = arith.constant 1 : i32
    scf.for %scan3A_367 = %scan3A_5 to %scan3A_7 step %scan3A_8  : i32 {
      %broadcast_in_dim3A = arith.constant 0.000000e+00 : f32
      %broadcast_in_dim3A_368 = vector.broadcast %broadcast_in_dim3A : f32 to vector<16xf32>
      %swap3A_369 = arith.index_cast %scan3A_367 : i32 to index
      %swap3A_370 = arith.constant 0 : index
      %swap3A_371 = tpu.vector_load %arg9[%swap3A_369, %swap3A_370] {strides = array<i32>} : memref<24x128xf32, #tpu.memory_space<vmem>>, vector<16xf32>,
      tpu.vector_store %arg9[%swap3A_369, %swap3A_370], %broadcast_in_dim3A_368 {strides = array<i32>} : memref<24x128xf32, #tpu.memory_space<vmem>>, vector<16xf32>,
      %broadcast_in_dim3A_372 = arith.constant 0.000000e+00 : f32
      %broadcast_in_dim3A_373 = vector.broadcast %broadcast_in_dim3A_372 : f32 to vector<16xf32>
      %swap3A_374 = arith.index_cast %scan3A_367 : i32 to index
      %swap3A_375 = arith.constant 16 : index
      %swap3A_376 = tpu.vector_load %arg9[%swap3A_374, %swap3A_375] {strides = array<i32>} : memref<24x128xf32, #tpu.memory_space<vmem>>, vector<16xf32>,
      tpu.vector_store %arg9[%swap3A_374, %swap3A_375], %broadcast_in_dim3A_373 {strides = array<i32>} : memref<24x128xf32, #tpu.memory_space<vmem>>, vector<16xf32>,
      %broadcast_in_dim3A_377 = arith.constant 0.000000e+00 : f32
      %broadcast_in_dim3A_378 = vector.broadcast %broadcast_in_dim3A_377 : f32 to vector<16xf32>
      %swap3A_379 = arith.index_cast %scan3A_367 : i32 to index
      %swap3A_380 = arith.constant 32 : index
      %swap3A_381 = tpu.vector_load %arg9[%swap3A_379, %swap3A_380] {strides = array<i32>} : memref<24x128xf32, #tpu.memory_space<vmem>>, vector<16xf32>,
      tpu.vector_store %arg9[%swap3A_379, %swap3A_380], %broadcast_in_dim3A_378 {strides = array<i32>} : memref<24x128xf32, #tpu.memory_space<vmem>>, vector<16xf32>,
      %broadcast_in_dim3A_382 = arith.constant 0.000000e+00 : f32
      %broadcast_in_dim3A_383 = vector.broadcast %broadcast_in_dim3A_382 : f32 to vector<16xf32>
      %swap3A_384 = arith.index_cast %scan3A_367 : i32 to index
      %swap3A_385 = arith.constant 48 : index
      %swap3A_386 = tpu.vector_load %arg9[%swap3A_384, %swap3A_385] {strides = array<i32>} : memref<24x128xf32, #tpu.memory_space<vmem>>, vector<16xf32>,
      tpu.vector_store %arg9[%swap3A_384, %swap3A_385], %broadcast_in_dim3A_383 {strides = array<i32>} : memref<24x128xf32, #tpu.memory_space<vmem>>, vector<16xf32>,
      %broadcast_in_dim3A_387 = arith.constant 0.000000e+00 : f32
      %broadcast_in_dim3A_388 = vector.broadcast %broadcast_in_dim3A_387 : f32 to vector<16xf32>
      %swap3A_389 = arith.index_cast %scan3A_367 : i32 to index
      %swap3A_390 = arith.constant 64 : index
      %swap3A_391 = tpu.vector_load %arg9[%swap3A_389, %swap3A_390] {strides = array<i32>} : memref<24x128xf32, #tpu.memory_space<vmem>>, vector<16xf32>,
      tpu.vector_store %arg9[%swap3A_389, %swap3A_390], %broadcast_in_dim3A_388 {strides = array<i32>} : memref<24x128xf32, #tpu.memory_space<vmem>>, vector<16xf32>,
      %broadcast_in_dim3A_392 = arith.constant 0.000000e+00 : f32
      %broadcast_in_dim3A_393 = vector.broadcast %broadcast_in_dim3A_392 : f32 to vector<16xf32>
      %swap3A_394 = arith.index_cast %scan3A_367 : i32 to index
      %swap3A_395 = arith.constant 80 : index
      %swap3A_396 = tpu.vector_load %arg9[%swap3A_394, %swap3A_395] {strides = array<i32>} : memref<24x128xf32, #tpu.memory_space<vmem>>, vector<16xf32>,
      tpu.vector_store %arg9[%swap3A_394, %swap3A_395], %broadcast_in_dim3A_393 {strides = array<i32>} : memref<24x128xf32, #tpu.memory_space<vmem>>, vector<16xf32>,
      %broadcast_in_dim3A_397 = arith.constant 0.000000e+00 : f32
      %broadcast_in_dim3A_398 = vector.broadcast %broadcast_in_dim3A_397 : f32 to vector<16xf32>
      %swap3A_399 = arith.index_cast %scan3A_367 : i32 to index
      %swap3A_400 = arith.constant 96 : index
      %swap3A_401 = tpu.vector_load %arg9[%swap3A_399, %swap3A_400] {strides = array<i32>} : memref<24x128xf32, #tpu.memory_space<vmem>>, vector<16xf32>,
      tpu.vector_store %arg9[%swap3A_399, %swap3A_400], %broadcast_in_dim3A_398 {strides = array<i32>} : memref<24x128xf32, #tpu.memory_space<vmem>>, vector<16xf32>,
      %broadcast_in_dim3A_402 = arith.constant 0.000000e+00 : f32
      %broadcast_in_dim3A_403 = vector.broadcast %broadcast_in_dim3A_402 : f32 to vector<16xf32>
      %swap3A_404 = arith.index_cast %scan3A_367 : i32 to index
      %swap3A_405 = arith.constant 112 : index
      %swap3A_406 = tpu.vector_load %arg9[%swap3A_404, %swap3A_405] {strides = array<i32>} : memref<24x128xf32, #tpu.memory_space<vmem>>, vector<16xf32>,
      tpu.vector_store %arg9[%swap3A_404, %swap3A_405], %broadcast_in_dim3A_403 {strides = array<i32>} : memref<24x128xf32, #tpu.memory_space<vmem>>, vector<16xf32>,
    }
    %scan3A_9 = arith.constant 24 : i32
    %mul3A_10 = arith.constant 360 : i32
    %mul3A_11 = arith.muli %arg1, %mul3A_10 : i32
    %add3A = arith.constant 0 : i32
    %add3A_12 = arith.addi %mul3A_11, %add3A : i32
    "tpu.region"() ({
      %run_scoped3A = tpu.sem_alloc : memref<!tpu.dma_semaphore, #tpu.memory_space<semaphore_mem>>
      %dma_start3A_367 = arith.constant 0 : i32
      %dma_start3A_368 = tpu.memref_slice %arg10[%add3A_12, %dma_start3A_367] : memref<5760x128xf32, #tpu.memory_space<vmem_shared>> -> memref<24x128xf32, #tpu.memory_space<vmem_shared>>
      %dma_start3A_369 = arith.constant 0 : i32
      %dma_start3A_370 = tpu.memref_slice %arg10[%add3A_12, %dma_start3A_369] : memref<5760x128xf32, #tpu.memory_space<vmem_shared>> -> memref<24x128xf32, #tpu.memory_space<vmem_shared>>
      tpu.enqueue_dma source(%arg9 : memref<24x128xf32, #tpu.memory_space<vmem>>) target(%dma_start3A_370 : memref<24x128xf32, #tpu.memory_space<vmem_shared>>) target_semaphore(%run_scoped3A : memref<!tpu.dma_semaphore, #tpu.memory_space<semaphore_mem>>)
      %dma_wait3A = arith.constant 0 : i32
      %dma_wait3A_371 = tpu.memref_slice %arg10[%add3A_12, %dma_wait3A] : memref<5760x128xf32, #tpu.memory_space<vmem_shared>> -> memref<24x128xf32, #tpu.memory_space<vmem_shared>>
      %dma_wait3A_372 = arith.constant 0 : i32
      %dma_wait3A_373 = tpu.memref_slice %arg10[%add3A_12, %dma_wait3A_372] : memref<5760x128xf32, #tpu.memory_space<vmem_shared>> -> memref<24x128xf32, #tpu.memory_space<vmem_shared>>
      tpu.wait_dma2 semaphore(%run_scoped3A : memref<!tpu.dma_semaphore, #tpu.memory_space<semaphore_mem>>) src(%arg9 : memref<24x128xf32, #tpu.memory_space<vmem>>) dst(%dma_wait3A_373 : memref<24x128xf32, #tpu.memory_space<vmem_shared>>)
      tpu.yield
    }) : () -> ()
    %mul3A_13 = arith.constant 360 : i32
    %mul3A_14 = arith.muli %arg1, %mul3A_13 : i32
    %add3A_15 = arith.constant 24 : i32
    %add3A_16 = arith.addi %mul3A_14, %add3A_15 : i32
    "tpu.region"() ({
      %run_scoped3A = tpu.sem_alloc : memref<!tpu.dma_semaphore, #tpu.memory_space<semaphore_mem>>
      %dma_start3A_367 = arith.constant 0 : i32
      %dma_start3A_368 = tpu.memref_slice %arg10[%add3A_16, %dma_start3A_367] : memref<5760x128xf32, #tpu.memory_space<vmem_shared>> -> memref<24x128xf32, #tpu.memory_space<vmem_shared>>
      %dma_start3A_369 = arith.constant 0 : i32
      %dma_start3A_370 = tpu.memref_slice %arg10[%add3A_16, %dma_start3A_369] : memref<5760x128xf32, #tpu.memory_space<vmem_shared>> -> memref<24x128xf32, #tpu.memory_space<vmem_shared>>
      tpu.enqueue_dma source(%arg9 : memref<24x128xf32, #tpu.memory_space<vmem>>) target(%dma_start3A_370 : memref<24x128xf32, #tpu.memory_space<vmem_shared>>) target_semaphore(%run_scoped3A : memref<!tpu.dma_semaphore, #tpu.memory_space<semaphore_mem>>)
      %dma_wait3A = arith.constant 0 : i32
      %dma_wait3A_371 = tpu.memref_slice %arg10[%add3A_16, %dma_wait3A] : memref<5760x128xf32, #tpu.memory_space<vmem_shared>> -> memref<24x128xf32, #tpu.memory_space<vmem_shared>>
      %dma_wait3A_372 = arith.constant 0 : i32
      %dma_wait3A_373 = tpu.memref_slice %arg10[%add3A_16, %dma_wait3A_372] : memref<5760x128xf32, #tpu.memory_space<vmem_shared>> -> memref<24x128xf32, #tpu.memory_space<vmem_shared>>
      tpu.wait_dma2 semaphore(%run_scoped3A : memref<!tpu.dma_semaphore, #tpu.memory_space<semaphore_mem>>) src(%arg9 : memref<24x128xf32, #tpu.memory_space<vmem>>) dst(%dma_wait3A_373 : memref<24x128xf32, #tpu.memory_space<vmem_shared>>)
      tpu.yield
    }) : () -> ()
    %mul3A_17 = arith.constant 360 : i32
    %mul3A_18 = arith.muli %arg1, %mul3A_17 : i32
    %add3A_19 = arith.constant 48 : i32
    %add3A_20 = arith.addi %mul3A_18, %add3A_19 : i32
    "tpu.region"() ({
      %run_scoped3A = tpu.sem_alloc : memref<!tpu.dma_semaphore, #tpu.memory_space<semaphore_mem>>
      %dma_start3A_367 = arith.constant 0 : i32
      %dma_start3A_368 = tpu.memref_slice %arg10[%add3A_20, %dma_start3A_367] : memref<5760x128xf32, #tpu.memory_space<vmem_shared>> -> memref<24x128xf32, #tpu.memory_space<vmem_shared>>
      %dma_start3A_369 = arith.constant 0 : i32
      %dma_start3A_370 = tpu.memref_slice %arg10[%add3A_20, %dma_start3A_369] : memref<5760x128xf32, #tpu.memory_space<vmem_shared>> -> memref<24x128xf32, #tpu.memory_space<vmem_shared>>
      tpu.enqueue_dma source(%arg9 : memref<24x128xf32, #tpu.memory_space<vmem>>) target(%dma_start3A_370 : memref<24x128xf32, #tpu.memory_space<vmem_shared>>) target_semaphore(%run_scoped3A : memref<!tpu.dma_semaphore, #tpu.memory_space<semaphore_mem>>)
      %dma_wait3A = arith.constant 0 : i32
      %dma_wait3A_371 = tpu.memref_slice %arg10[%add3A_20, %dma_wait3A] : memref<5760x128xf32, #tpu.memory_space<vmem_shared>> -> memref<24x128xf32, #tpu.memory_space<vmem_shared>>
      %dma_wait3A_372 = arith.constant 0 : i32
      %dma_wait3A_373 = tpu.memref_slice %arg10[%add3A_20, %dma_wait3A_372] : memref<5760x128xf32, #tpu.memory_space<vmem_shared>> -> memref<24x128xf32, #tpu.memory_space<vmem_shared>>
      tpu.wait_dma2 semaphore(%run_scoped3A : memref<!tpu.dma_semaphore, #tpu.memory_space<semaphore_mem>>) src(%arg9 : memref<24x128xf32, #tpu.memory_space<vmem>>) dst(%dma_wait3A_373 : memref<24x128xf32, #tpu.memory_space<vmem_shared>>)
      tpu.yield
    }) : () -> ()
    %mul3A_21 = arith.constant 360 : i32
    %mul3A_22 = arith.muli %arg1, %mul3A_21 : i32
    %add3A_23 = arith.constant 72 : i32
    %add3A_24 = arith.addi %mul3A_22, %add3A_23 : i32
    "tpu.region"() ({
      %run_scoped3A = tpu.sem_alloc : memref<!tpu.dma_semaphore, #tpu.memory_space<semaphore_mem>>
      %dma_start3A_367 = arith.constant 0 : i32
      %dma_start3A_368 = tpu.memref_slice %arg10[%add3A_24, %dma_start3A_367] : memref<5760x128xf32, #tpu.memory_space<vmem_shared>> -> memref<24x128xf32, #tpu.memory_space<vmem_shared>>
      %dma_start3A_369 = arith.constant 0 : i32
      %dma_start3A_370 = tpu.memref_slice %arg10[%add3A_24, %dma_start3A_369] : memref<5760x128xf32, #tpu.memory_space<vmem_shared>> -> memref<24x128xf32, #tpu.memory_space<vmem_shared>>
      tpu.enqueue_dma source(%arg9 : memref<24x128xf32, #tpu.memory_space<vmem>>) target(%dma_start3A_370 : memref<24x128xf32, #tpu.memory_space<vmem_shared>>) target_semaphore(%run_scoped3A : memref<!tpu.dma_semaphore, #tpu.memory_space<semaphore_mem>>)
      %dma_wait3A = arith.constant 0 : i32
      %dma_wait3A_371 = tpu.memref_slice %arg10[%add3A_24, %dma_wait3A] : memref<5760x128xf32, #tpu.memory_space<vmem_shared>> -> memref<24x128xf32, #tpu.memory_space<vmem_shared>>
      %dma_wait3A_372 = arith.constant 0 : i32
      %dma_wait3A_373 = tpu.memref_slice %arg10[%add3A_24, %dma_wait3A_372] : memref<5760x128xf32, #tpu.memory_space<vmem_shared>> -> memref<24x128xf32, #tpu.memory_space<vmem_shared>>
      tpu.wait_dma2 semaphore(%run_scoped3A : memref<!tpu.dma_semaphore, #tpu.memory_space<semaphore_mem>>) src(%arg9 : memref<24x128xf32, #tpu.memory_space<vmem>>) dst(%dma_wait3A_373 : memref<24x128xf32, #tpu.memory_space<vmem_shared>>)
      tpu.yield
    }) : () -> ()
    %mul3A_25 = arith.constant 360 : i32
    %mul3A_26 = arith.muli %arg1, %mul3A_25 : i32
    %add3A_27 = arith.constant 96 : i32
    %add3A_28 = arith.addi %mul3A_26, %add3A_27 : i32
    "tpu.region"() ({
      %run_scoped3A = tpu.sem_alloc : memref<!tpu.dma_semaphore, #tpu.memory_space<semaphore_mem>>
      %dma_start3A_367 = arith.constant 0 : i32
      %dma_start3A_368 = tpu.memref_slice %arg10[%add3A_28, %dma_start3A_367] : memref<5760x128xf32, #tpu.memory_space<vmem_shared>> -> memref<24x128xf32, #tpu.memory_space<vmem_shared>>
      %dma_start3A_369 = arith.constant 0 : i32
      %dma_start3A_370 = tpu.memref_slice %arg10[%add3A_28, %dma_start3A_369] : memref<5760x128xf32, #tpu.memory_space<vmem_shared>> -> memref<24x128xf32, #tpu.memory_space<vmem_shared>>
      tpu.enqueue_dma source(%arg9 : memref<24x128xf32, #tpu.memory_space<vmem>>) target(%dma_start3A_370 : memref<24x128xf32, #tpu.memory_space<vmem_shared>>) target_semaphore(%run_scoped3A : memref<!tpu.dma_semaphore, #tpu.memory_space<semaphore_mem>>)
      %dma_wait3A = arith.constant 0 : i32
      %dma_wait3A_371 = tpu.memref_slice %arg10[%add3A_28, %dma_wait3A] : memref<5760x128xf32, #tpu.memory_space<vmem_shared>> -> memref<24x128xf32, #tpu.memory_space<vmem_shared>>
      %dma_wait3A_372 = arith.constant 0 : i32
      %dma_wait3A_373 = tpu.memref_slice %arg10[%add3A_28, %dma_wait3A_372] : memref<5760x128xf32, #tpu.memory_space<vmem_shared>> -> memref<24x128xf32, #tpu.memory_space<vmem_shared>>
      tpu.wait_dma2 semaphore(%run_scoped3A : memref<!tpu.dma_semaphore, #tpu.memory_space<semaphore_mem>>) src(%arg9 : memref<24x128xf32, #tpu.memory_space<vmem>>) dst(%dma_wait3A_373 : memref<24x128xf32, #tpu.memory_space<vmem_shared>>)
      tpu.yield
    }) : () -> ()
    %mul3A_29 = arith.constant 360 : i32
    %mul3A_30 = arith.muli %arg1, %mul3A_29 : i32
    %add3A_31 = arith.constant 120 : i32
    %add3A_32 = arith.addi %mul3A_30, %add3A_31 : i32
    "tpu.region"() ({
      %run_scoped3A = tpu.sem_alloc : memref<!tpu.dma_semaphore, #tpu.memory_space<semaphore_mem>>
      %dma_start3A_367 = arith.constant 0 : i32
      %dma_start3A_368 = tpu.memref_slice %arg10[%add3A_32, %dma_start3A_367] : memref<5760x128xf32, #tpu.memory_space<vmem_shared>> -> memref<24x128xf32, #tpu.memory_space<vmem_shared>>
      %dma_start3A_369 = arith.constant 0 : i32
      %dma_start3A_370 = tpu.memref_slice %arg10[%add3A_32, %dma_start3A_369] : memref<5760x128xf32, #tpu.memory_space<vmem_shared>> -> memref<24x128xf32, #tpu.memory_space<vmem_shared>>
      tpu.enqueue_dma source(%arg9 : memref<24x128xf32, #tpu.memory_space<vmem>>) target(%dma_start3A_370 : memref<24x128xf32, #tpu.memory_space<vmem_shared>>) target_semaphore(%run_scoped3A : memref<!tpu.dma_semaphore, #tpu.memory_space<semaphore_mem>>)
      %dma_wait3A = arith.constant 0 : i32
      %dma_wait3A_371 = tpu.memref_slice %arg10[%add3A_32, %dma_wait3A] : memref<5760x128xf32, #tpu.memory_space<vmem_shared>> -> memref<24x128xf32, #tpu.memory_space<vmem_shared>>
      %dma_wait3A_372 = arith.constant 0 : i32
      %dma_wait3A_373 = tpu.memref_slice %arg10[%add3A_32, %dma_wait3A_372] : memref<5760x128xf32, #tpu.memory_space<vmem_shared>> -> memref<24x128xf32, #tpu.memory_space<vmem_shared>>
      tpu.wait_dma2 semaphore(%run_scoped3A : memref<!tpu.dma_semaphore, #tpu.memory_space<semaphore_mem>>) src(%arg9 : memref<24x128xf32, #tpu.memory_space<vmem>>) dst(%dma_wait3A_373 : memref<24x128xf32, #tpu.memory_space<vmem_shared>>)
      tpu.yield
    }) : () -> ()
    %mul3A_33 = arith.constant 360 : i32
    %mul3A_34 = arith.muli %arg1, %mul3A_33 : i32
    %add3A_35 = arith.constant 144 : i32
    %add3A_36 = arith.addi %mul3A_34, %add3A_35 : i32
    "tpu.region"() ({
      %run_scoped3A = tpu.sem_alloc : memref<!tpu.dma_semaphore, #tpu.memory_space<semaphore_mem>>
      %dma_start3A_367 = arith.constant 0 : i32
      %dma_start3A_368 = tpu.memref_slice %arg10[%add3A_36, %dma_start3A_367] : memref<5760x128xf32, #tpu.memory_space<vmem_shared>> -> memref<24x128xf32, #tpu.memory_space<vmem_shared>>
      %dma_start3A_369 = arith.constant 0 : i32
      %dma_start3A_370 = tpu.memref_slice %arg10[%add3A_36, %dma_start3A_369] : memref<5760x128xf32, #tpu.memory_space<vmem_shared>> -> memref<24x128xf32, #tpu.memory_space<vmem_shared>>
      tpu.enqueue_dma source(%arg9 : memref<24x128xf32, #tpu.memory_space<vmem>>) target(%dma_start3A_370 : memref<24x128xf32, #tpu.memory_space<vmem_shared>>) target_semaphore(%run_scoped3A : memref<!tpu.dma_semaphore, #tpu.memory_space<semaphore_mem>>)
      %dma_wait3A = arith.constant 0 : i32
      %dma_wait3A_371 = tpu.memref_slice %arg10[%add3A_36, %dma_wait3A] : memref<5760x128xf32, #tpu.memory_space<vmem_shared>> -> memref<24x128xf32, #tpu.memory_space<vmem_shared>>
      %dma_wait3A_372 = arith.constant 0 : i32
      %dma_wait3A_373 = tpu.memref_slice %arg10[%add3A_36, %dma_wait3A_372] : memref<5760x128xf32, #tpu.memory_space<vmem_shared>> -> memref<24x128xf32, #tpu.memory_space<vmem_shared>>
      tpu.wait_dma2 semaphore(%run_scoped3A : memref<!tpu.dma_semaphore, #tpu.memory_space<semaphore_mem>>) src(%arg9 : memref<24x128xf32, #tpu.memory_space<vmem>>) dst(%dma_wait3A_373 : memref<24x128xf32, #tpu.memory_space<vmem_shared>>)
      tpu.yield
    }) : () -> ()
    %mul3A_37 = arith.constant 360 : i32
    %mul3A_38 = arith.muli %arg1, %mul3A_37 : i32
    %add3A_39 = arith.constant 168 : i32
    %add3A_40 = arith.addi %mul3A_38, %add3A_39 : i32
    "tpu.region"() ({
      %run_scoped3A = tpu.sem_alloc : memref<!tpu.dma_semaphore, #tpu.memory_space<semaphore_mem>>
      %dma_start3A_367 = arith.constant 0 : i32
      %dma_start3A_368 = tpu.memref_slice %arg10[%add3A_40, %dma_start3A_367] : memref<5760x128xf32, #tpu.memory_space<vmem_shared>> -> memref<24x128xf32, #tpu.memory_space<vmem_shared>>
      %dma_start3A_369 = arith.constant 0 : i32
      %dma_start3A_370 = tpu.memref_slice %arg10[%add3A_40, %dma_start3A_369] : memref<5760x128xf32, #tpu.memory_space<vmem_shared>> -> memref<24x128xf32, #tpu.memory_space<vmem_shared>>
      tpu.enqueue_dma source(%arg9 : memref<24x128xf32, #tpu.memory_space<vmem>>) target(%dma_start3A_370 : memref<24x128xf32, #tpu.memory_space<vmem_shared>>) target_semaphore(%run_scoped3A : memref<!tpu.dma_semaphore, #tpu.memory_space<semaphore_mem>>)
      %dma_wait3A = arith.constant 0 : i32
      %dma_wait3A_371 = tpu.memref_slice %arg10[%add3A_40, %dma_wait3A] : memref<5760x128xf32, #tpu.memory_space<vmem_shared>> -> memref<24x128xf32, #tpu.memory_space<vmem_shared>>
      %dma_wait3A_372 = arith.constant 0 : i32
      %dma_wait3A_373 = tpu.memref_slice %arg10[%add3A_40, %dma_wait3A_372] : memref<5760x128xf32, #tpu.memory_space<vmem_shared>> -> memref<24x128xf32, #tpu.memory_space<vmem_shared>>
      tpu.wait_dma2 semaphore(%run_scoped3A : memref<!tpu.dma_semaphore, #tpu.memory_space<semaphore_mem>>) src(%arg9 : memref<24x128xf32, #tpu.memory_space<vmem>>) dst(%dma_wait3A_373 : memref<24x128xf32, #tpu.memory_space<vmem_shared>>)
      tpu.yield
    }) : () -> ()
    %mul3A_41 = arith.constant 360 : i32
    %mul3A_42 = arith.muli %arg1, %mul3A_41 : i32
    %add3A_43 = arith.constant 192 : i32
    %add3A_44 = arith.addi %mul3A_42, %add3A_43 : i32
    "tpu.region"() ({
      %run_scoped3A = tpu.sem_alloc : memref<!tpu.dma_semaphore, #tpu.memory_space<semaphore_mem>>
      %dma_start3A_367 = arith.constant 0 : i32
      %dma_start3A_368 = tpu.memref_slice %arg10[%add3A_44, %dma_start3A_367] : memref<5760x128xf32, #tpu.memory_space<vmem_shared>> -> memref<24x128xf32, #tpu.memory_space<vmem_shared>>
      %dma_start3A_369 = arith.constant 0 : i32
      %dma_start3A_370 = tpu.memref_slice %arg10[%add3A_44, %dma_start3A_369] : memref<5760x128xf32, #tpu.memory_space<vmem_shared>> -> memref<24x128xf32, #tpu.memory_space<vmem_shared>>
      tpu.enqueue_dma source(%arg9 : memref<24x128xf32, #tpu.memory_space<vmem>>) target(%dma_start3A_370 : memref<24x128xf32, #tpu.memory_space<vmem_shared>>) target_semaphore(%run_scoped3A : memref<!tpu.dma_semaphore, #tpu.memory_space<semaphore_mem>>)
      %dma_wait3A = arith.constant 0 : i32
      %dma_wait3A_371 = tpu.memref_slice %arg10[%add3A_44, %dma_wait3A] : memref<5760x128xf32, #tpu.memory_space<vmem_shared>> -> memref<24x128xf32, #tpu.memory_space<vmem_shared>>
      %dma_wait3A_372 = arith.constant 0 : i32
      %dma_wait3A_373 = tpu.memref_slice %arg10[%add3A_44, %dma_wait3A_372] : memref<5760x128xf32, #tpu.memory_space<vmem_shared>> -> memref<24x128xf32, #tpu.memory_space<vmem_shared>>
      tpu.wait_dma2 semaphore(%run_scoped3A : memref<!tpu.dma_semaphore, #tpu.memory_space<semaphore_mem>>) src(%arg9 : memref<24x128xf32, #tpu.memory_space<vmem>>) dst(%dma_wait3A_373 : memref<24x128xf32, #tpu.memory_space<vmem_shared>>)
      tpu.yield
    }) : () -> ()
    %mul3A_45 = arith.constant 360 : i32
    %mul3A_46 = arith.muli %arg1, %mul3A_45 : i32
    %add3A_47 = arith.constant 216 : i32
    %add3A_48 = arith.addi %mul3A_46, %add3A_47 : i32
    "tpu.region"() ({
      %run_scoped3A = tpu.sem_alloc : memref<!tpu.dma_semaphore, #tpu.memory_space<semaphore_mem>>
      %dma_start3A_367 = arith.constant 0 : i32
      %dma_start3A_368 = tpu.memref_slice %arg10[%add3A_48, %dma_start3A_367] : memref<5760x128xf32, #tpu.memory_space<vmem_shared>> -> memref<24x128xf32, #tpu.memory_space<vmem_shared>>
      %dma_start3A_369 = arith.constant 0 : i32
      %dma_start3A_370 = tpu.memref_slice %arg10[%add3A_48, %dma_start3A_369] : memref<5760x128xf32, #tpu.memory_space<vmem_shared>> -> memref<24x128xf32, #tpu.memory_space<vmem_shared>>
      tpu.enqueue_dma source(%arg9 : memref<24x128xf32, #tpu.memory_space<vmem>>) target(%dma_start3A_370 : memref<24x128xf32, #tpu.memory_space<vmem_shared>>) target_semaphore(%run_scoped3A : memref<!tpu.dma_semaphore, #tpu.memory_space<semaphore_mem>>)
      %dma_wait3A = arith.constant 0 : i32
      %dma_wait3A_371 = tpu.memref_slice %arg10[%add3A_48, %dma_wait3A] : memref<5760x128xf32, #tpu.memory_space<vmem_shared>> -> memref<24x128xf32, #tpu.memory_space<vmem_shared>>
      %dma_wait3A_372 = arith.constant 0 : i32
      %dma_wait3A_373 = tpu.memref_slice %arg10[%add3A_48, %dma_wait3A_372] : memref<5760x128xf32, #tpu.memory_space<vmem_shared>> -> memref<24x128xf32, #tpu.memory_space<vmem_shared>>
      tpu.wait_dma2 semaphore(%run_scoped3A : memref<!tpu.dma_semaphore, #tpu.memory_space<semaphore_mem>>) src(%arg9 : memref<24x128xf32, #tpu.memory_space<vmem>>) dst(%dma_wait3A_373 : memref<24x128xf32, #tpu.memory_space<vmem_shared>>)
      tpu.yield
    }) : () -> ()
    %mul3A_49 = arith.constant 360 : i32
    %mul3A_50 = arith.muli %arg1, %mul3A_49 : i32
    %add3A_51 = arith.constant 240 : i32
    %add3A_52 = arith.addi %mul3A_50, %add3A_51 : i32
    "tpu.region"() ({
      %run_scoped3A = tpu.sem_alloc : memref<!tpu.dma_semaphore, #tpu.memory_space<semaphore_mem>>
      %dma_start3A_367 = arith.constant 0 : i32
      %dma_start3A_368 = tpu.memref_slice %arg10[%add3A_52, %dma_start3A_367] : memref<5760x128xf32, #tpu.memory_space<vmem_shared>> -> memref<24x128xf32, #tpu.memory_space<vmem_shared>>
      %dma_start3A_369 = arith.constant 0 : i32
      %dma_start3A_370 = tpu.memref_slice %arg10[%add3A_52, %dma_start3A_369] : memref<5760x128xf32, #tpu.memory_space<vmem_shared>> -> memref<24x128xf32, #tpu.memory_space<vmem_shared>>
      tpu.enqueue_dma source(%arg9 : memref<24x128xf32, #tpu.memory_space<vmem>>) target(%dma_start3A_370 : memref<24x128xf32, #tpu.memory_space<vmem_shared>>) target_semaphore(%run_scoped3A : memref<!tpu.dma_semaphore, #tpu.memory_space<semaphore_mem>>)
      %dma_wait3A = arith.constant 0 : i32
      %dma_wait3A_371 = tpu.memref_slice %arg10[%add3A_52, %dma_wait3A] : memref<5760x128xf32, #tpu.memory_space<vmem_shared>> -> memref<24x128xf32, #tpu.memory_space<vmem_shared>>
      %dma_wait3A_372 = arith.constant 0 : i32
      %dma_wait3A_373 = tpu.memref_slice %arg10[%add3A_52, %dma_wait3A_372] : memref<5760x128xf32, #tpu.memory_space<vmem_shared>> -> memref<24x128xf32, #tpu.memory_space<vmem_shared>>
      tpu.wait_dma2 semaphore(%run_scoped3A : memref<!tpu.dma_semaphore, #tpu.memory_space<semaphore_mem>>) src(%arg9 : memref<24x128xf32, #tpu.memory_space<vmem>>) dst(%dma_wait3A_373 : memref<24x128xf32, #tpu.memory_space<vmem_shared>>)
      tpu.yield
    }) : () -> ()
    %mul3A_53 = arith.constant 360 : i32
    %mul3A_54 = arith.muli %arg1, %mul3A_53 : i32
    %add3A_55 = arith.constant 264 : i32
    %add3A_56 = arith.addi %mul3A_54, %add3A_55 : i32
    "tpu.region"() ({
      %run_scoped3A = tpu.sem_alloc : memref<!tpu.dma_semaphore, #tpu.memory_space<semaphore_mem>>
      %dma_start3A_367 = arith.constant 0 : i32
      %dma_start3A_368 = tpu.memref_slice %arg10[%add3A_56, %dma_start3A_367] : memref<5760x128xf32, #tpu.memory_space<vmem_shared>> -> memref<24x128xf32, #tpu.memory_space<vmem_shared>>
      %dma_start3A_369 = arith.constant 0 : i32
      %dma_start3A_370 = tpu.memref_slice %arg10[%add3A_56, %dma_start3A_369] : memref<5760x128xf32, #tpu.memory_space<vmem_shared>> -> memref<24x128xf32, #tpu.memory_space<vmem_shared>>
      tpu.enqueue_dma source(%arg9 : memref<24x128xf32, #tpu.memory_space<vmem>>) target(%dma_start3A_370 : memref<24x128xf32, #tpu.memory_space<vmem_shared>>) target_semaphore(%run_scoped3A : memref<!tpu.dma_semaphore, #tpu.memory_space<semaphore_mem>>)
      %dma_wait3A = arith.constant 0 : i32
      %dma_wait3A_371 = tpu.memref_slice %arg10[%add3A_56, %dma_wait3A] : memref<5760x128xf32, #tpu.memory_space<vmem_shared>> -> memref<24x128xf32, #tpu.memory_space<vmem_shared>>
      %dma_wait3A_372 = arith.constant 0 : i32
      %dma_wait3A_373 = tpu.memref_slice %arg10[%add3A_56, %dma_wait3A_372] : memref<5760x128xf32, #tpu.memory_space<vmem_shared>> -> memref<24x128xf32, #tpu.memory_space<vmem_shared>>
      tpu.wait_dma2 semaphore(%run_scoped3A : memref<!tpu.dma_semaphore, #tpu.memory_space<semaphore_mem>>) src(%arg9 : memref<24x128xf32, #tpu.memory_space<vmem>>) dst(%dma_wait3A_373 : memref<24x128xf32, #tpu.memory_space<vmem_shared>>)
      tpu.yield
    }) : () -> ()
    %mul3A_57 = arith.constant 360 : i32
    %mul3A_58 = arith.muli %arg1, %mul3A_57 : i32
    %add3A_59 = arith.constant 288 : i32
    %add3A_60 = arith.addi %mul3A_58, %add3A_59 : i32
    "tpu.region"() ({
      %run_scoped3A = tpu.sem_alloc : memref<!tpu.dma_semaphore, #tpu.memory_space<semaphore_mem>>
      %dma_start3A_367 = arith.constant 0 : i32
      %dma_start3A_368 = tpu.memref_slice %arg10[%add3A_60, %dma_start3A_367] : memref<5760x128xf32, #tpu.memory_space<vmem_shared>> -> memref<24x128xf32, #tpu.memory_space<vmem_shared>>
      %dma_start3A_369 = arith.constant 0 : i32
      %dma_start3A_370 = tpu.memref_slice %arg10[%add3A_60, %dma_start3A_369] : memref<5760x128xf32, #tpu.memory_space<vmem_shared>> -> memref<24x128xf32, #tpu.memory_space<vmem_shared>>
      tpu.enqueue_dma source(%arg9 : memref<24x128xf32, #tpu.memory_space<vmem>>) target(%dma_start3A_370 : memref<24x128xf32, #tpu.memory_space<vmem_shared>>) target_semaphore(%run_scoped3A : memref<!tpu.dma_semaphore, #tpu.memory_space<semaphore_mem>>)
      %dma_wait3A = arith.constant 0 : i32
      %dma_wait3A_371 = tpu.memref_slice %arg10[%add3A_60, %dma_wait3A] : memref<5760x128xf32, #tpu.memory_space<vmem_shared>> -> memref<24x128xf32, #tpu.memory_space<vmem_shared>>
      %dma_wait3A_372 = arith.constant 0 : i32
      %dma_wait3A_373 = tpu.memref_slice %arg10[%add3A_60, %dma_wait3A_372] : memref<5760x128xf32, #tpu.memory_space<vmem_shared>> -> memref<24x128xf32, #tpu.memory_space<vmem_shared>>
      tpu.wait_dma2 semaphore(%run_scoped3A : memref<!tpu.dma_semaphore, #tpu.memory_space<semaphore_mem>>) src(%arg9 : memref<24x128xf32, #tpu.memory_space<vmem>>) dst(%dma_wait3A_373 : memref<24x128xf32, #tpu.memory_space<vmem_shared>>)
      tpu.yield
    }) : () -> ()
    %mul3A_61 = arith.constant 360 : i32
    %mul3A_62 = arith.muli %arg1, %mul3A_61 : i32
    %add3A_63 = arith.constant 312 : i32
    %add3A_64 = arith.addi %mul3A_62, %add3A_63 : i32
    "tpu.region"() ({
      %run_scoped3A = tpu.sem_alloc : memref<!tpu.dma_semaphore, #tpu.memory_space<semaphore_mem>>
      %dma_start3A_367 = arith.constant 0 : i32
      %dma_start3A_368 = tpu.memref_slice %arg10[%add3A_64, %dma_start3A_367] : memref<5760x128xf32, #tpu.memory_space<vmem_shared>> -> memref<24x128xf32, #tpu.memory_space<vmem_shared>>
      %dma_start3A_369 = arith.constant 0 : i32
      %dma_start3A_370 = tpu.memref_slice %arg10[%add3A_64, %dma_start3A_369] : memref<5760x128xf32, #tpu.memory_space<vmem_shared>> -> memref<24x128xf32, #tpu.memory_space<vmem_shared>>
      tpu.enqueue_dma source(%arg9 : memref<24x128xf32, #tpu.memory_space<vmem>>) target(%dma_start3A_370 : memref<24x128xf32, #tpu.memory_space<vmem_shared>>) target_semaphore(%run_scoped3A : memref<!tpu.dma_semaphore, #tpu.memory_space<semaphore_mem>>)
      %dma_wait3A = arith.constant 0 : i32
      %dma_wait3A_371 = tpu.memref_slice %arg10[%add3A_64, %dma_wait3A] : memref<5760x128xf32, #tpu.memory_space<vmem_shared>> -> memref<24x128xf32, #tpu.memory_space<vmem_shared>>
      %dma_wait3A_372 = arith.constant 0 : i32
      %dma_wait3A_373 = tpu.memref_slice %arg10[%add3A_64, %dma_wait3A_372] : memref<5760x128xf32, #tpu.memory_space<vmem_shared>> -> memref<24x128xf32, #tpu.memory_space<vmem_shared>>
      tpu.wait_dma2 semaphore(%run_scoped3A : memref<!tpu.dma_semaphore, #tpu.memory_space<semaphore_mem>>) src(%arg9 : memref<24x128xf32, #tpu.memory_space<vmem>>) dst(%dma_wait3A_373 : memref<24x128xf32, #tpu.memory_space<vmem_shared>>)
      tpu.yield
    }) : () -> ()
    %mul3A_65 = arith.constant 360 : i32
    %mul3A_66 = arith.muli %arg1, %mul3A_65 : i32
    %add3A_67 = arith.constant 336 : i32
    %add3A_68 = arith.addi %mul3A_66, %add3A_67 : i32
    "tpu.region"() ({
      %run_scoped3A = tpu.sem_alloc : memref<!tpu.dma_semaphore, #tpu.memory_space<semaphore_mem>>
      %dma_start3A_367 = arith.constant 0 : i32
      %dma_start3A_368 = tpu.memref_slice %arg10[%add3A_68, %dma_start3A_367] : memref<5760x128xf32, #tpu.memory_space<vmem_shared>> -> memref<24x128xf32, #tpu.memory_space<vmem_shared>>
      %dma_start3A_369 = arith.constant 0 : i32
      %dma_start3A_370 = tpu.memref_slice %arg10[%add3A_68, %dma_start3A_369] : memref<5760x128xf32, #tpu.memory_space<vmem_shared>> -> memref<24x128xf32, #tpu.memory_space<vmem_shared>>
      tpu.enqueue_dma source(%arg9 : memref<24x128xf32, #tpu.memory_space<vmem>>) target(%dma_start3A_370 : memref<24x128xf32, #tpu.memory_space<vmem_shared>>) target_semaphore(%run_scoped3A : memref<!tpu.dma_semaphore, #tpu.memory_space<semaphore_mem>>)
      %dma_wait3A = arith.constant 0 : i32
      %dma_wait3A_371 = tpu.memref_slice %arg10[%add3A_68, %dma_wait3A] : memref<5760x128xf32, #tpu.memory_space<vmem_shared>> -> memref<24x128xf32, #tpu.memory_space<vmem_shared>>
      %dma_wait3A_372 = arith.constant 0 : i32
      %dma_wait3A_373 = tpu.memref_slice %arg10[%add3A_68, %dma_wait3A_372] : memref<5760x128xf32, #tpu.memory_space<vmem_shared>> -> memref<24x128xf32, #tpu.memory_space<vmem_shared>>
      tpu.wait_dma2 semaphore(%run_scoped3A : memref<!tpu.dma_semaphore, #tpu.memory_space<semaphore_mem>>) src(%arg9 : memref<24x128xf32, #tpu.memory_space<vmem>>) dst(%dma_wait3A_373 : memref<24x128xf32, #tpu.memory_space<vmem_shared>>)
      tpu.yield
    }) : () -> ()
    %scan3A_69 = arith.constant 0 : i32
    %scan3A_70 = arith.constant 0 : i32
    %scan3A_71 = arith.constant 1250 : i32
    %scan3A_72 = arith.addi %scan3A_70, %scan3A_71 : i32
    %scan3A_73 = arith.constant 1 : i32
    %scan3A_74 = scf.for %scan3A_367 = %scan3A_70 to %scan3A_72 step %scan3A_73 iter_args(%scan3A_368 = %scan3A_69) -> (i32)  : i32 {
      %mul3A_369 = arith.constant 16 : i32
      %mul3A_370 = arith.muli %scan3A_367, %mul3A_369 : i32
      %get3A_371 = arith.index_cast %mul3A_370 : i32 to index
      %get3A_372 = tpu.vector_load %arg6[%get3A_371] {strides = array<i32>} : memref<20224xi32, #tpu.memory_space<vmem>>, vector<16xi32>,
      %mul3A_373 = arith.constant 16 : i32
      %mul3A_374 = arith.muli %scan3A_367, %mul3A_373 : i32
      %get3A_375 = arith.index_cast %mul3A_374 : i32 to index
      %get3A_376 = tpu.vector_load %arg7[%get3A_375] {strides = array<i32>} : memref<20224xi32, #tpu.memory_space<vmem>>, vector<16xi32>,
      %sub3A_377 = vector.broadcast %mul3A_0 : i32 to vector<16xi32>
      %sub3A_378 = arith.subi %get3A_376, %sub3A_377 : vector<16xi32>
      %ge3A_379 = arith.constant 0 : i32
      %ge3A_380 = vector.broadcast %ge3A_379 : i32 to vector<16xi32>
      %ge3A_381 = arith.cmpi sge, %sub3A_378, %ge3A_380 : vector<16xi32>
      %lt3A_382 = arith.constant 5120 : i32
      %lt3A_383 = vector.broadcast %lt3A_382 : i32 to vector<16xi32>
      %lt3A_384 = arith.cmpi slt, %sub3A_378, %lt3A_383 : vector<16xi32>
      %and3A_385 = arith.andi %ge3A_381, %lt3A_384 : vector<16xi1>
      %swap3A_386 = arith.index_cast %scan3A_368 : i32 to index
      %swap3A_387 = tpu.vector_load %arg6[%swap3A_386] masked %and3A_385 {strides = array<i32>} : memref<20224xi32, #tpu.memory_space<vmem>>, vector<16xi32>, vector<16xi1>
      tpu.vector_store %arg6[%swap3A_386], %get3A_372 masked %and3A_385 {strides = array<i32>} : memref<20224xi32, #tpu.memory_space<vmem>>, vector<16xi32>, vector<16xi1>
      %swap3A_388 = arith.index_cast %scan3A_368 : i32 to index
      %swap3A_389 = tpu.vector_load %arg7[%swap3A_388] masked %and3A_385 {strides = array<i32>} : memref<20224xi32, #tpu.memory_space<vmem>>, vector<16xi32>, vector<16xi1>
      tpu.vector_store %arg7[%swap3A_388], %sub3A_378 masked %and3A_385 {strides = array<i32>} : memref<20224xi32, #tpu.memory_space<vmem>>, vector<16xi32>, vector<16xi1>
      %convert_element_type3A = arith.extui %and3A_385 : vector<16xi1> to vector<16xi32>
      %reduce_sum3A = arith.constant true
      %reduce_sum3A_390 = vector.broadcast %reduce_sum3A : i1 to vector<16xi1>
      %reduce_sum3A_391 = tpu.scan <sum>, %convert_element_type3A masked %reduce_sum3A_390 : vector<16xi32>, vector<16xi1> -> vector<16xi32>
      %reduce_sum3A_392 = vector.extract %reduce_sum3A_391[15] : i32 from vector<16xi32>
      %add3A_393 = arith.addi %scan3A_368, %reduce_sum3A_392 : i32
      scf.yield %add3A_393 : i32
    }
    %scan3A_75 = arith.constant 1250 : i32
    %add3A_76 = arith.constant 127 : i32
    %add3A_77 = arith.addi %scan3A_74, %add3A_76 : i32
    %jit3A = arith.constant 128 : i32
    %div3A = arith.divsi %add3A_77, %jit3A : i32
    %sign3A = arith.constant 0 : i32
    %sign3A_78 = arith.cmpi sgt, %add3A_77, %sign3A : i32
    %sign3A_79 = arith.extui %sign3A_78 : i1 to i32
    %sign3A_80 = arith.constant 0 : i32
    %sign3A_81 = arith.cmpi slt, %add3A_77, %sign3A_80 : i32
    %sign3A_82 = arith.extui %sign3A_81 : i1 to i32
    %sign3A_83 = arith.subi %sign3A_79, %sign3A_82 : i32
    %sign3A_84 = arith.constant 0 : i32
    %sign3A_85 = arith.cmpi sgt, %jit3A, %sign3A_84 : i32
    %sign3A_86 = arith.extui %sign3A_85 : i1 to i32
    %sign3A_87 = arith.constant 0 : i32
    %sign3A_88 = arith.cmpi slt, %jit3A, %sign3A_87 : i32
    %sign3A_89 = arith.extui %sign3A_88 : i1 to i32
    %sign3A_90 = arith.subi %sign3A_86, %sign3A_89 : i32
    %ne3A = arith.cmpi ne, %sign3A_83, %sign3A_90 : i32
    %rem3A = arith.remsi %add3A_77, %jit3A : i32
    %ne3A_91 = arith.constant 0 : i32
    %ne3A_92 = arith.cmpi ne, %rem3A, %ne3A_91 : i32
    %and3A = arith.andi %ne3A, %ne3A_92 : i1
    %sub3A = arith.constant 1 : i32
    %sub3A_93 = arith.subi %div3A, %sub3A : i32
    %select_n3A = arith.select %and3A, %sub3A_93, %div3A : i32
    %max3A = arith.constant 1 : i32
    %max3A_94 = arith.maxsi %select_n3A, %max3A : i32
    %mul3A_95 = arith.constant 128 : i32
    %mul3A_96 = arith.muli %max3A_94, %mul3A_95 : i32
    %iota3A = tpu.iota {dimensions = array<i32: 0>} : vector<16xi32>
    %jit3A_97 = arith.constant 16 : i32
    %div3A_98 = arith.divsi %scan3A_74, %jit3A_97 : i32
    %sign3A_99 = arith.constant 0 : i32
    %sign3A_100 = arith.cmpi sgt, %scan3A_74, %sign3A_99 : i32
    %sign3A_101 = arith.extui %sign3A_100 : i1 to i32
    %sign3A_102 = arith.constant 0 : i32
    %sign3A_103 = arith.cmpi slt, %scan3A_74, %sign3A_102 : i32
    %sign3A_104 = arith.extui %sign3A_103 : i1 to i32
    %sign3A_105 = arith.subi %sign3A_101, %sign3A_104 : i32
    %sign3A_106 = arith.constant 0 : i32
    %sign3A_107 = arith.cmpi sgt, %jit3A_97, %sign3A_106 : i32
    %sign3A_108 = arith.extui %sign3A_107 : i1 to i32
    %sign3A_109 = arith.constant 0 : i32
    %sign3A_110 = arith.cmpi slt, %jit3A_97, %sign3A_109 : i32
    %sign3A_111 = arith.extui %sign3A_110 : i1 to i32
    %sign3A_112 = arith.subi %sign3A_108, %sign3A_111 : i32
    %ne3A_113 = arith.cmpi ne, %sign3A_105, %sign3A_112 : i32
    %rem3A_114 = arith.remsi %scan3A_74, %jit3A_97 : i32
    %ne3A_115 = arith.constant 0 : i32
    %ne3A_116 = arith.cmpi ne, %rem3A_114, %ne3A_115 : i32
    %and3A_117 = arith.andi %ne3A_113, %ne3A_116 : i1
    %sub3A_118 = arith.constant 1 : i32
    %sub3A_119 = arith.subi %div3A_98, %sub3A_118 : i32
    %select_n3A_120 = arith.select %and3A_117, %sub3A_119, %div3A_98 : i32
    %mul3A_121 = arith.constant 16 : i32
    %mul3A_122 = arith.muli %select_n3A_120, %mul3A_121 : i32
    %add3A_123 = arith.constant 0 : i32
    %add3A_124 = arith.addi %mul3A_122, %add3A_123 : i32
    %add3A_125 = vector.broadcast %add3A_124 : i32 to vector<16xi32>
    %add3A_126 = arith.addi %add3A_125, %iota3A : vector<16xi32>
    %ge3A = vector.broadcast %scan3A_74 : i32 to vector<16xi32>
    %ge3A_127 = arith.cmpi sge, %add3A_126, %ge3A : vector<16xi32>
    %lt3A = vector.broadcast %mul3A_96 : i32 to vector<16xi32>
    %lt3A_128 = arith.cmpi slt, %add3A_126, %lt3A : vector<16xi32>
    %and3A_129 = arith.andi %ge3A_127, %lt3A_128 : vector<16xi1>
    %mul3A_130 = arith.constant 8 : i32
    %mul3A_131 = vector.broadcast %mul3A_130 : i32 to vector<16xi32>
    %mul3A_132 = arith.muli %iota3A, %mul3A_131 : vector<16xi32>
    %get3A = arith.index_cast %add3A_124 : i32 to index
    %get3A_133 = tpu.vector_load %arg6[%get3A] {strides = array<i32>} : memref<20224xi32, #tpu.memory_space<vmem>>, vector<16xi32>,
    %select_n3A_134 = arith.select %and3A_129, %mul3A_132, %get3A_133 : vector<16xi1>, vector<16xi32>
    %swap3A = arith.index_cast %add3A_124 : i32 to index
    %swap3A_135 = tpu.vector_load %arg6[%swap3A] {strides = array<i32>} : memref<20224xi32, #tpu.memory_space<vmem>>, vector<16xi32>,
    tpu.vector_store %arg6[%swap3A], %select_n3A_134 {strides = array<i32>} : memref<20224xi32, #tpu.memory_space<vmem>>, vector<16xi32>,
    %add3A_136 = arith.constant 5632 : i32
    %add3A_137 = vector.broadcast %add3A_136 : i32 to vector<16xi32>
    %add3A_138 = arith.addi %add3A_137, %iota3A : vector<16xi32>
    %get3A_139 = arith.index_cast %add3A_124 : i32 to index
    %get3A_140 = tpu.vector_load %arg7[%get3A_139] {strides = array<i32>} : memref<20224xi32, #tpu.memory_space<vmem>>, vector<16xi32>,
    %select_n3A_141 = arith.select %and3A_129, %add3A_138, %get3A_140 : vector<16xi1>, vector<16xi32>
    %swap3A_142 = arith.index_cast %add3A_124 : i32 to index
    %swap3A_143 = tpu.vector_load %arg7[%swap3A_142] {strides = array<i32>} : memref<20224xi32, #tpu.memory_space<vmem>>, vector<16xi32>,
    tpu.vector_store %arg7[%swap3A_142], %select_n3A_141 {strides = array<i32>} : memref<20224xi32, #tpu.memory_space<vmem>>, vector<16xi32>,
    %add3A_144 = arith.constant 16 : i32
    %add3A_145 = arith.addi %mul3A_122, %add3A_144 : i32
    %add3A_146 = vector.broadcast %add3A_145 : i32 to vector<16xi32>
    %add3A_147 = arith.addi %add3A_146, %iota3A : vector<16xi32>
    %ge3A_148 = vector.broadcast %scan3A_74 : i32 to vector<16xi32>
    %ge3A_149 = arith.cmpi sge, %add3A_147, %ge3A_148 : vector<16xi32>
    %lt3A_150 = vector.broadcast %mul3A_96 : i32 to vector<16xi32>
    %lt3A_151 = arith.cmpi slt, %add3A_147, %lt3A_150 : vector<16xi32>
    %and3A_152 = arith.andi %ge3A_149, %lt3A_151 : vector<16xi1>
    %mul3A_153 = arith.constant 8 : i32
    %mul3A_154 = vector.broadcast %mul3A_153 : i32 to vector<16xi32>
    %mul3A_155 = arith.muli %iota3A, %mul3A_154 : vector<16xi32>
    %get3A_156 = arith.index_cast %add3A_145 : i32 to index
    %get3A_157 = tpu.vector_load %arg6[%get3A_156] {strides = array<i32>} : memref<20224xi32, #tpu.memory_space<vmem>>, vector<16xi32>,
    %select_n3A_158 = arith.select %and3A_152, %mul3A_155, %get3A_157 : vector<16xi1>, vector<16xi32>
    %swap3A_159 = arith.index_cast %add3A_145 : i32 to index
    %swap3A_160 = tpu.vector_load %arg6[%swap3A_159] {strides = array<i32>} : memref<20224xi32, #tpu.memory_space<vmem>>, vector<16xi32>,
    tpu.vector_store %arg6[%swap3A_159], %select_n3A_158 {strides = array<i32>} : memref<20224xi32, #tpu.memory_space<vmem>>, vector<16xi32>,
    %add3A_161 = arith.constant 5632 : i32
    %add3A_162 = vector.broadcast %add3A_161 : i32 to vector<16xi32>
    %add3A_163 = arith.addi %add3A_162, %iota3A : vector<16xi32>
    %get3A_164 = arith.index_cast %add3A_145 : i32 to index
    %get3A_165 = tpu.vector_load %arg7[%get3A_164] {strides = array<i32>} : memref<20224xi32, #tpu.memory_space<vmem>>, vector<16xi32>,
    %select_n3A_166 = arith.select %and3A_152, %add3A_163, %get3A_165 : vector<16xi1>, vector<16xi32>
    %swap3A_167 = arith.index_cast %add3A_145 : i32 to index
    %swap3A_168 = tpu.vector_load %arg7[%swap3A_167] {strides = array<i32>} : memref<20224xi32, #tpu.memory_space<vmem>>, vector<16xi32>,
    tpu.vector_store %arg7[%swap3A_167], %select_n3A_166 {strides = array<i32>} : memref<20224xi32, #tpu.memory_space<vmem>>, vector<16xi32>,
    %add3A_169 = arith.constant 32 : i32
    %add3A_170 = arith.addi %mul3A_122, %add3A_169 : i32
    %add3A_171 = vector.broadcast %add3A_170 : i32 to vector<16xi32>
    %add3A_172 = arith.addi %add3A_171, %iota3A : vector<16xi32>
    %ge3A_173 = vector.broadcast %scan3A_74 : i32 to vector<16xi32>
    %ge3A_174 = arith.cmpi sge, %add3A_172, %ge3A_173 : vector<16xi32>
    %lt3A_175 = vector.broadcast %mul3A_96 : i32 to vector<16xi32>
    %lt3A_176 = arith.cmpi slt, %add3A_172, %lt3A_175 : vector<16xi32>
    %and3A_177 = arith.andi %ge3A_174, %lt3A_176 : vector<16xi1>
    %mul3A_178 = arith.constant 8 : i32
    %mul3A_179 = vector.broadcast %mul3A_178 : i32 to vector<16xi32>
    %mul3A_180 = arith.muli %iota3A, %mul3A_179 : vector<16xi32>
    %get3A_181 = arith.index_cast %add3A_170 : i32 to index
    %get3A_182 = tpu.vector_load %arg6[%get3A_181] {strides = array<i32>} : memref<20224xi32, #tpu.memory_space<vmem>>, vector<16xi32>,
    %select_n3A_183 = arith.select %and3A_177, %mul3A_180, %get3A_182 : vector<16xi1>, vector<16xi32>
    %swap3A_184 = arith.index_cast %add3A_170 : i32 to index
    %swap3A_185 = tpu.vector_load %arg6[%swap3A_184] {strides = array<i32>} : memref<20224xi32, #tpu.memory_space<vmem>>, vector<16xi32>,
    tpu.vector_store %arg6[%swap3A_184], %select_n3A_183 {strides = array<i32>} : memref<20224xi32, #tpu.memory_space<vmem>>, vector<16xi32>,
    %add3A_186 = arith.constant 5632 : i32
    %add3A_187 = vector.broadcast %add3A_186 : i32 to vector<16xi32>
    %add3A_188 = arith.addi %add3A_187, %iota3A : vector<16xi32>
    %get3A_189 = arith.index_cast %add3A_170 : i32 to index
    %get3A_190 = tpu.vector_load %arg7[%get3A_189] {strides = array<i32>} : memref<20224xi32, #tpu.memory_space<vmem>>, vector<16xi32>,
    %select_n3A_191 = arith.select %and3A_177, %add3A_188, %get3A_190 : vector<16xi1>, vector<16xi32>
    %swap3A_192 = arith.index_cast %add3A_170 : i32 to index
    %swap3A_193 = tpu.vector_load %arg7[%swap3A_192] {strides = array<i32>} : memref<20224xi32, #tpu.memory_space<vmem>>, vector<16xi32>,
    tpu.vector_store %arg7[%swap3A_192], %select_n3A_191 {strides = array<i32>} : memref<20224xi32, #tpu.memory_space<vmem>>, vector<16xi32>,
    %add3A_194 = arith.constant 48 : i32
    %add3A_195 = arith.addi %mul3A_122, %add3A_194 : i32
    %add3A_196 = vector.broadcast %add3A_195 : i32 to vector<16xi32>
    %add3A_197 = arith.addi %add3A_196, %iota3A : vector<16xi32>
    %ge3A_198 = vector.broadcast %scan3A_74 : i32 to vector<16xi32>
    %ge3A_199 = arith.cmpi sge, %add3A_197, %ge3A_198 : vector<16xi32>
    %lt3A_200 = vector.broadcast %mul3A_96 : i32 to vector<16xi32>
    %lt3A_201 = arith.cmpi slt, %add3A_197, %lt3A_200 : vector<16xi32>
    %and3A_202 = arith.andi %ge3A_199, %lt3A_201 : vector<16xi1>
    %mul3A_203 = arith.constant 8 : i32
    %mul3A_204 = vector.broadcast %mul3A_203 : i32 to vector<16xi32>
    %mul3A_205 = arith.muli %iota3A, %mul3A_204 : vector<16xi32>
    %get3A_206 = arith.index_cast %add3A_195 : i32 to index
    %get3A_207 = tpu.vector_load %arg6[%get3A_206] {strides = array<i32>} : memref<20224xi32, #tpu.memory_space<vmem>>, vector<16xi32>,
    %select_n3A_208 = arith.select %and3A_202, %mul3A_205, %get3A_207 : vector<16xi1>, vector<16xi32>
    %swap3A_209 = arith.index_cast %add3A_195 : i32 to index
    %swap3A_210 = tpu.vector_load %arg6[%swap3A_209] {strides = array<i32>} : memref<20224xi32, #tpu.memory_space<vmem>>, vector<16xi32>,
    tpu.vector_store %arg6[%swap3A_209], %select_n3A_208 {strides = array<i32>} : memref<20224xi32, #tpu.memory_space<vmem>>, vector<16xi32>,
    %add3A_211 = arith.constant 5632 : i32
    %add3A_212 = vector.broadcast %add3A_211 : i32 to vector<16xi32>
    %add3A_213 = arith.addi %add3A_212, %iota3A : vector<16xi32>
    %get3A_214 = arith.index_cast %add3A_195 : i32 to index
    %get3A_215 = tpu.vector_load %arg7[%get3A_214] {strides = array<i32>} : memref<20224xi32, #tpu.memory_space<vmem>>, vector<16xi32>,
    %select_n3A_216 = arith.select %and3A_202, %add3A_213, %get3A_215 : vector<16xi1>, vector<16xi32>
    %swap3A_217 = arith.index_cast %add3A_195 : i32 to index
    %swap3A_218 = tpu.vector_load %arg7[%swap3A_217] {strides = array<i32>} : memref<20224xi32, #tpu.memory_space<vmem>>, vector<16xi32>,
    tpu.vector_store %arg7[%swap3A_217], %select_n3A_216 {strides = array<i32>} : memref<20224xi32, #tpu.memory_space<vmem>>, vector<16xi32>,
    %add3A_219 = arith.constant 64 : i32
    %add3A_220 = arith.addi %mul3A_122, %add3A_219 : i32
    %add3A_221 = vector.broadcast %add3A_220 : i32 to vector<16xi32>
    %add3A_222 = arith.addi %add3A_221, %iota3A : vector<16xi32>
    %ge3A_223 = vector.broadcast %scan3A_74 : i32 to vector<16xi32>
    %ge3A_224 = arith.cmpi sge, %add3A_222, %ge3A_223 : vector<16xi32>
    %lt3A_225 = vector.broadcast %mul3A_96 : i32 to vector<16xi32>
    %lt3A_226 = arith.cmpi slt, %add3A_222, %lt3A_225 : vector<16xi32>
    %and3A_227 = arith.andi %ge3A_224, %lt3A_226 : vector<16xi1>
    %mul3A_228 = arith.constant 8 : i32
    %mul3A_229 = vector.broadcast %mul3A_228 : i32 to vector<16xi32>
    %mul3A_230 = arith.muli %iota3A, %mul3A_229 : vector<16xi32>
    %get3A_231 = arith.index_cast %add3A_220 : i32 to index
    %get3A_232 = tpu.vector_load %arg6[%get3A_231] {strides = array<i32>} : memref<20224xi32, #tpu.memory_space<vmem>>, vector<16xi32>,
    %select_n3A_233 = arith.select %and3A_227, %mul3A_230, %get3A_232 : vector<16xi1>, vector<16xi32>
    %swap3A_234 = arith.index_cast %add3A_220 : i32 to index
    %swap3A_235 = tpu.vector_load %arg6[%swap3A_234] {strides = array<i32>} : memref<20224xi32, #tpu.memory_space<vmem>>, vector<16xi32>,
    tpu.vector_store %arg6[%swap3A_234], %select_n3A_233 {strides = array<i32>} : memref<20224xi32, #tpu.memory_space<vmem>>, vector<16xi32>,
    %add3A_236 = arith.constant 5632 : i32
    %add3A_237 = vector.broadcast %add3A_236 : i32 to vector<16xi32>
    %add3A_238 = arith.addi %add3A_237, %iota3A : vector<16xi32>
    %get3A_239 = arith.index_cast %add3A_220 : i32 to index
    %get3A_240 = tpu.vector_load %arg7[%get3A_239] {strides = array<i32>} : memref<20224xi32, #tpu.memory_space<vmem>>, vector<16xi32>,
    %select_n3A_241 = arith.select %and3A_227, %add3A_238, %get3A_240 : vector<16xi1>, vector<16xi32>
    %swap3A_242 = arith.index_cast %add3A_220 : i32 to index
    %swap3A_243 = tpu.vector_load %arg7[%swap3A_242] {strides = array<i32>} : memref<20224xi32, #tpu.memory_space<vmem>>, vector<16xi32>,
    tpu.vector_store %arg7[%swap3A_242], %select_n3A_241 {strides = array<i32>} : memref<20224xi32, #tpu.memory_space<vmem>>, vector<16xi32>,
    %add3A_244 = arith.constant 80 : i32
    %add3A_245 = arith.addi %mul3A_122, %add3A_244 : i32
    %add3A_246 = vector.broadcast %add3A_245 : i32 to vector<16xi32>
    %add3A_247 = arith.addi %add3A_246, %iota3A : vector<16xi32>
    %ge3A_248 = vector.broadcast %scan3A_74 : i32 to vector<16xi32>
    %ge3A_249 = arith.cmpi sge, %add3A_247, %ge3A_248 : vector<16xi32>
    %lt3A_250 = vector.broadcast %mul3A_96 : i32 to vector<16xi32>
    %lt3A_251 = arith.cmpi slt, %add3A_247, %lt3A_250 : vector<16xi32>
    %and3A_252 = arith.andi %ge3A_249, %lt3A_251 : vector<16xi1>
    %mul3A_253 = arith.constant 8 : i32
    %mul3A_254 = vector.broadcast %mul3A_253 : i32 to vector<16xi32>
    %mul3A_255 = arith.muli %iota3A, %mul3A_254 : vector<16xi32>
    %get3A_256 = arith.index_cast %add3A_245 : i32 to index
    %get3A_257 = tpu.vector_load %arg6[%get3A_256] {strides = array<i32>} : memref<20224xi32, #tpu.memory_space<vmem>>, vector<16xi32>,
    %select_n3A_258 = arith.select %and3A_252, %mul3A_255, %get3A_257 : vector<16xi1>, vector<16xi32>
    %swap3A_259 = arith.index_cast %add3A_245 : i32 to index
    %swap3A_260 = tpu.vector_load %arg6[%swap3A_259] {strides = array<i32>} : memref<20224xi32, #tpu.memory_space<vmem>>, vector<16xi32>,
    tpu.vector_store %arg6[%swap3A_259], %select_n3A_258 {strides = array<i32>} : memref<20224xi32, #tpu.memory_space<vmem>>, vector<16xi32>,
    %add3A_261 = arith.constant 5632 : i32
    %add3A_262 = vector.broadcast %add3A_261 : i32 to vector<16xi32>
    %add3A_263 = arith.addi %add3A_262, %iota3A : vector<16xi32>
    %get3A_264 = arith.index_cast %add3A_245 : i32 to index
    %get3A_265 = tpu.vector_load %arg7[%get3A_264] {strides = array<i32>} : memref<20224xi32, #tpu.memory_space<vmem>>, vector<16xi32>,
    %select_n3A_266 = arith.select %and3A_252, %add3A_263, %get3A_265 : vector<16xi1>, vector<16xi32>
    %swap3A_267 = arith.index_cast %add3A_245 : i32 to index
    %swap3A_268 = tpu.vector_load %arg7[%swap3A_267] {strides = array<i32>} : memref<20224xi32, #tpu.memory_space<vmem>>, vector<16xi32>,
    tpu.vector_store %arg7[%swap3A_267], %select_n3A_266 {strides = array<i32>} : memref<20224xi32, #tpu.memory_space<vmem>>, vector<16xi32>,
    %add3A_269 = arith.constant 96 : i32
    %add3A_270 = arith.addi %mul3A_122, %add3A_269 : i32
    %add3A_271 = vector.broadcast %add3A_270 : i32 to vector<16xi32>
    %add3A_272 = arith.addi %add3A_271, %iota3A : vector<16xi32>
    %ge3A_273 = vector.broadcast %scan3A_74 : i32 to vector<16xi32>
    %ge3A_274 = arith.cmpi sge, %add3A_272, %ge3A_273 : vector<16xi32>
    %lt3A_275 = vector.broadcast %mul3A_96 : i32 to vector<16xi32>
    %lt3A_276 = arith.cmpi slt, %add3A_272, %lt3A_275 : vector<16xi32>
    %and3A_277 = arith.andi %ge3A_274, %lt3A_276 : vector<16xi1>
    %mul3A_278 = arith.constant 8 : i32
    %mul3A_279 = vector.broadcast %mul3A_278 : i32 to vector<16xi32>
    %mul3A_280 = arith.muli %iota3A, %mul3A_279 : vector<16xi32>
    %get3A_281 = arith.index_cast %add3A_270 : i32 to index
    %get3A_282 = tpu.vector_load %arg6[%get3A_281] {strides = array<i32>} : memref<20224xi32, #tpu.memory_space<vmem>>, vector<16xi32>,
    %select_n3A_283 = arith.select %and3A_277, %mul3A_280, %get3A_282 : vector<16xi1>, vector<16xi32>
    %swap3A_284 = arith.index_cast %add3A_270 : i32 to index
    %swap3A_285 = tpu.vector_load %arg6[%swap3A_284] {strides = array<i32>} : memref<20224xi32, #tpu.memory_space<vmem>>, vector<16xi32>,
    tpu.vector_store %arg6[%swap3A_284], %select_n3A_283 {strides = array<i32>} : memref<20224xi32, #tpu.memory_space<vmem>>, vector<16xi32>,
    %add3A_286 = arith.constant 5632 : i32
    %add3A_287 = vector.broadcast %add3A_286 : i32 to vector<16xi32>
    %add3A_288 = arith.addi %add3A_287, %iota3A : vector<16xi32>
    %get3A_289 = arith.index_cast %add3A_270 : i32 to index
    %get3A_290 = tpu.vector_load %arg7[%get3A_289] {strides = array<i32>} : memref<20224xi32, #tpu.memory_space<vmem>>, vector<16xi32>,
    %select_n3A_291 = arith.select %and3A_277, %add3A_288, %get3A_290 : vector<16xi1>, vector<16xi32>
    %swap3A_292 = arith.index_cast %add3A_270 : i32 to index
    %swap3A_293 = tpu.vector_load %arg7[%swap3A_292] {strides = array<i32>} : memref<20224xi32, #tpu.memory_space<vmem>>, vector<16xi32>,
    tpu.vector_store %arg7[%swap3A_292], %select_n3A_291 {strides = array<i32>} : memref<20224xi32, #tpu.memory_space<vmem>>, vector<16xi32>,
    %add3A_294 = arith.constant 112 : i32
    %add3A_295 = arith.addi %mul3A_122, %add3A_294 : i32
    %add3A_296 = vector.broadcast %add3A_295 : i32 to vector<16xi32>
    %add3A_297 = arith.addi %add3A_296, %iota3A : vector<16xi32>
    %ge3A_298 = vector.broadcast %scan3A_74 : i32 to vector<16xi32>
    %ge3A_299 = arith.cmpi sge, %add3A_297, %ge3A_298 : vector<16xi32>
    %lt3A_300 = vector.broadcast %mul3A_96 : i32 to vector<16xi32>
    %lt3A_301 = arith.cmpi slt, %add3A_297, %lt3A_300 : vector<16xi32>
    %and3A_302 = arith.andi %ge3A_299, %lt3A_301 : vector<16xi1>
    %mul3A_303 = arith.constant 8 : i32
    %mul3A_304 = vector.broadcast %mul3A_303 : i32 to vector<16xi32>
    %mul3A_305 = arith.muli %iota3A, %mul3A_304 : vector<16xi32>
    %get3A_306 = arith.index_cast %add3A_295 : i32 to index
    %get3A_307 = tpu.vector_load %arg6[%get3A_306] {strides = array<i32>} : memref<20224xi32, #tpu.memory_space<vmem>>, vector<16xi32>,
    %select_n3A_308 = arith.select %and3A_302, %mul3A_305, %get3A_307 : vector<16xi1>, vector<16xi32>
    %swap3A_309 = arith.index_cast %add3A_295 : i32 to index
    %swap3A_310 = tpu.vector_load %arg6[%swap3A_309] {strides = array<i32>} : memref<20224xi32, #tpu.memory_space<vmem>>, vector<16xi32>,
    tpu.vector_store %arg6[%swap3A_309], %select_n3A_308 {strides = array<i32>} : memref<20224xi32, #tpu.memory_space<vmem>>, vector<16xi32>,
    %add3A_311 = arith.constant 5632 : i32
    %add3A_312 = vector.broadcast %add3A_311 : i32 to vector<16xi32>
    %add3A_313 = arith.addi %add3A_312, %iota3A : vector<16xi32>
    %get3A_314 = arith.index_cast %add3A_295 : i32 to index
    %get3A_315 = tpu.vector_load %arg7[%get3A_314] {strides = array<i32>} : memref<20224xi32, #tpu.memory_space<vmem>>, vector<16xi32>,
    %select_n3A_316 = arith.select %and3A_302, %add3A_313, %get3A_315 : vector<16xi1>, vector<16xi32>
    %swap3A_317 = arith.index_cast %add3A_295 : i32 to index
    %swap3A_318 = tpu.vector_load %arg7[%swap3A_317] {strides = array<i32>} : memref<20224xi32, #tpu.memory_space<vmem>>, vector<16xi32>,
    tpu.vector_store %arg7[%swap3A_317], %select_n3A_316 {strides = array<i32>} : memref<20224xi32, #tpu.memory_space<vmem>>, vector<16xi32>,
    %add3A_319 = arith.constant 128 : i32
    %add3A_320 = arith.addi %mul3A_122, %add3A_319 : i32
    %add3A_321 = vector.broadcast %add3A_320 : i32 to vector<16xi32>
    %add3A_322 = arith.addi %add3A_321, %iota3A : vector<16xi32>
    %ge3A_323 = vector.broadcast %scan3A_74 : i32 to vector<16xi32>
    %ge3A_324 = arith.cmpi sge, %add3A_322, %ge3A_323 : vector<16xi32>
    %lt3A_325 = vector.broadcast %mul3A_96 : i32 to vector<16xi32>
    %lt3A_326 = arith.cmpi slt, %add3A_322, %lt3A_325 : vector<16xi32>
    %and3A_327 = arith.andi %ge3A_324, %lt3A_326 : vector<16xi1>
    %mul3A_328 = arith.constant 8 : i32
    %mul3A_329 = vector.broadcast %mul3A_328 : i32 to vector<16xi32>
    %mul3A_330 = arith.muli %iota3A, %mul3A_329 : vector<16xi32>
    %get3A_331 = arith.index_cast %add3A_320 : i32 to index
    %get3A_332 = tpu.vector_load %arg6[%get3A_331] {strides = array<i32>} : memref<20224xi32, #tpu.memory_space<vmem>>, vector<16xi32>,
    %select_n3A_333 = arith.select %and3A_327, %mul3A_330, %get3A_332 : vector<16xi1>, vector<16xi32>
    %swap3A_334 = arith.index_cast %add3A_320 : i32 to index
    %swap3A_335 = tpu.vector_load %arg6[%swap3A_334] {strides = array<i32>} : memref<20224xi32, #tpu.memory_space<vmem>>, vector<16xi32>,
    tpu.vector_store %arg6[%swap3A_334], %select_n3A_333 {strides = array<i32>} : memref<20224xi32, #tpu.memory_space<vmem>>, vector<16xi32>,
    %add3A_336 = arith.constant 5632 : i32
    %add3A_337 = vector.broadcast %add3A_336 : i32 to vector<16xi32>
    %add3A_338 = arith.addi %add3A_337, %iota3A : vector<16xi32>
    %get3A_339 = arith.index_cast %add3A_320 : i32 to index
    %get3A_340 = tpu.vector_load %arg7[%get3A_339] {strides = array<i32>} : memref<20224xi32, #tpu.memory_space<vmem>>, vector<16xi32>,
    %select_n3A_341 = arith.select %and3A_327, %add3A_338, %get3A_340 : vector<16xi1>, vector<16xi32>
    %swap3A_342 = arith.index_cast %add3A_320 : i32 to index
    %swap3A_343 = tpu.vector_load %arg7[%swap3A_342] {strides = array<i32>} : memref<20224xi32, #tpu.memory_space<vmem>>, vector<16xi32>,
    tpu.vector_store %arg7[%swap3A_342], %select_n3A_341 {strides = array<i32>} : memref<20224xi32, #tpu.memory_space<vmem>>, vector<16xi32>,
    %barrier3A = arith.constant 0 : index
    tpu.barrier barrier_id(%barrier3A)
    %dma_start3A = arith.constant 0 : i32
    %dma_start3A_344 = arith.constant 0 : i32
    %dma_start3A_345 = arith.constant 0 : i32
    %dma_start3A_346 = tpu.memref_slice %arg8[%dma_start3A, %dma_start3A_344, %dma_start3A_345] : memref<2x128x128xf32, #tpu.memory_space<vmem>> -> memref<1x128x128xf32, #tpu.memory_space<vmem>>
    %dma_start3A_347 = tpu.memref_squeeze %dma_start3A_346 : memref<1x128x128xf32, #tpu.memory_space<vmem>> -> memref<128x128xf32, #tpu.memory_space<vmem>>
    %dma_start3A_348 = arith.constant 0 : i32
    %dma_start3A_349 = tpu.memref_slice %arg6[%dma_start3A_348] : memref<20224xi32, #tpu.memory_space<vmem>> -> memref<128xi32, #tpu.memory_space<vmem>>
    %dma_start3A_350 = arith.constant 0 : i32
    %dma_start3A_351 = arith.constant 0 : i32
    %dma_start3A_352 = tpu.memref_slice %arg2[%dma_start3A_350, %dma_start3A_351] : memref<10240x128xf32, #tpu.memory_space<hbm>> -> memref<10240x128xf32, #tpu.memory_space<hbm>>
    tpu.enqueue_indirect_dma source(%dma_start3A_352 : memref<10240x128xf32, #tpu.memory_space<hbm>>) target(%dma_start3A_347 : memref<128x128xf32, #tpu.memory_space<vmem>>) offsets(%dma_start3A_349 : memref<128xi32, #tpu.memory_space<vmem>>) semaphore(%arg11 : memref<!tpu.dma_semaphore, #tpu.memory_space<semaphore_mem>>)
    %while3A = arith.constant 0 : i32
    %while3A_353 = arith.constant 0 : i32
    %while3A_354 = arith.subi %max3A_94, %while3A_353 : i32
    %while3A_355 = arith.addi %while3A_353, %while3A_354 : i32
    %while3A_356 = arith.constant 1 : i32
    %while3A_357 = arith.divsi %while3A_354, %while3A_356 : i32
    %while3A_358 = arith.muli %while3A_357, %while3A_356 : i32
    %while3A_359 = arith.addi %while3A_353, %while3A_358 : i32
    %while3A_360 = arith.constant 1 : i32
    scf.for %while3A_367 = %while3A_353 to %while3A_359 step %while3A_360  : i32 {
      %rem3A_368 = arith.constant 2 : i32
      %rem3A_369 = arith.remsi %while3A_367, %rem3A_368 : i32
      %add3A_370 = arith.constant 1 : i32
      %add3A_371 = arith.addi %while3A_367, %add3A_370 : i32
      %rem3A_372 = arith.constant 2 : i32
      %rem3A_373 = arith.remsi %add3A_371, %rem3A_372 : i32
      %add3A_374 = arith.constant 1 : i32
      %add3A_375 = arith.addi %while3A_367, %add3A_374 : i32
      %lt3A_376 = arith.cmpi slt, %add3A_375, %max3A_94 : i32
      %convert_element_type3A = arith.extui %lt3A_376 : i1 to i32
      %cond3A = arith.constant 0 : i32
      %cond3A_377 = arith.cmpi ne, %convert_element_type3A, %cond3A : i32
      scf.if %cond3A_377 {
        %add3A_389 = arith.constant 1 : i32
        %add3A_390 = arith.addi %while3A_367, %add3A_389 : i32
        %mul3A_391 = arith.constant 128 : i32
        %mul3A_392 = arith.muli %add3A_390, %mul3A_391 : i32
        %dma_start3A_393 = arith.constant 0 : i32
        %dma_start3A_394 = arith.constant 0 : i32
        %dma_start3A_395 = tpu.memref_slice %arg8[%rem3A_373, %dma_start3A_393, %dma_start3A_394] : memref<2x128x128xf32, #tpu.memory_space<vmem>> -> memref<1x128x128xf32, #tpu.memory_space<vmem>>
        %dma_start3A_396 = tpu.memref_squeeze %dma_start3A_395 : memref<1x128x128xf32, #tpu.memory_space<vmem>> -> memref<128x128xf32, #tpu.memory_space<vmem>>
        %dma_start3A_397 = tpu.memref_slice %arg6[%mul3A_392] : memref<20224xi32, #tpu.memory_space<vmem>> -> memref<128xi32, #tpu.memory_space<vmem>>
        %dma_start3A_398 = arith.constant 0 : i32
        %dma_start3A_399 = arith.constant 0 : i32
        %dma_start3A_400 = tpu.memref_slice %arg2[%dma_start3A_398, %dma_start3A_399] : memref<10240x128xf32, #tpu.memory_space<hbm>> -> memref<10240x128xf32, #tpu.memory_space<hbm>>
        tpu.enqueue_indirect_dma source(%dma_start3A_400 : memref<10240x128xf32, #tpu.memory_space<hbm>>) target(%dma_start3A_396 : memref<128x128xf32, #tpu.memory_space<vmem>>) offsets(%dma_start3A_397 : memref<128xi32, #tpu.memory_space<vmem>>) semaphore(%arg11 : memref<!tpu.dma_semaphore, #tpu.memory_space<semaphore_mem>>)
      } else {
      }
      %mul3A_378 = arith.constant 128 : i32
      %mul3A_379 = arith.muli %while3A_367, %mul3A_378 : i32
      %dma_wait3A = arith.constant 0 : i32
      %dma_wait3A_380 = arith.constant 0 : i32
      %dma_wait3A_381 = tpu.memref_slice %arg8[%rem3A_369, %dma_wait3A, %dma_wait3A_380] : memref<2x128x128xf32, #tpu.memory_space<vmem>> -> memref<1x128x128xf32, #tpu.memory_space<vmem>>
      %dma_wait3A_382 = tpu.memref_squeeze %dma_wait3A_381 : memref<1x128x128xf32, #tpu.memory_space<vmem>> -> memref<128x128xf32, #tpu.memory_space<vmem>>
      %dma_wait3A_383 = tpu.memref_slice %arg6[%mul3A_379] : memref<20224xi32, #tpu.memory_space<vmem>> -> memref<128xi32, #tpu.memory_space<vmem>>
      %dma_wait3A_384 = arith.constant 0 : i32
      %dma_wait3A_385 = arith.constant 0 : i32
      %dma_wait3A_386 = tpu.memref_slice %arg2[%dma_wait3A_384, %dma_wait3A_385] : memref<10240x128xf32, #tpu.memory_space<hbm>> -> memref<10240x128xf32, #tpu.memory_space<hbm>>
      tpu.wait_indirect_dma semaphore(%arg11 : memref<!tpu.dma_semaphore, #tpu.memory_space<semaphore_mem>>) src(%dma_wait3A_386 : memref<10240x128xf32, #tpu.memory_space<hbm>>) dst(%dma_wait3A_382 : memref<128x128xf32, #tpu.memory_space<vmem>>)
      %mul3A_387 = arith.constant 128 : i32
      %mul3A_388 = arith.muli %while3A_367, %mul3A_387 : i32
      "tpu.region"() ({
        %run_scoped3A = tpu.sem_alloc : memref<!tpu.dma_semaphore, #tpu.memory_space<semaphore_mem>>
        %dma_start3A_389 = arith.constant 0 : i32
        %dma_start3A_390 = arith.constant 0 : i32
        %dma_start3A_391 = tpu.memref_slice %arg8[%rem3A_369, %dma_start3A_389, %dma_start3A_390] : memref<2x128x128xf32, #tpu.memory_space<vmem>> -> memref<1x128x128xf32, #tpu.memory_space<vmem>>
        %dma_start3A_392 = tpu.memref_squeeze %dma_start3A_391 : memref<1x128x128xf32, #tpu.memory_space<vmem>> -> memref<128x128xf32, #tpu.memory_space<vmem>>
        %dma_start3A_393 = tpu.memref_slice %arg7[%mul3A_388] : memref<20224xi32, #tpu.memory_space<vmem>> -> memref<128xi32, #tpu.memory_space<vmem>>
        %dma_start3A_394 = arith.constant 0 : i32
        %dma_start3A_395 = arith.constant 0 : i32
        %dma_start3A_396 = tpu.memref_slice %arg10[%dma_start3A_394, %dma_start3A_395] : memref<5760x128xf32, #tpu.memory_space<vmem_shared>> -> memref<5760x128xf32, #tpu.memory_space<vmem_shared>>
        tpu.enqueue_indirect_dma source(%dma_start3A_392 : memref<128x128xf32, #tpu.memory_space<vmem>>) target(%dma_start3A_396 : memref<5760x128xf32, #tpu.memory_space<vmem_shared>>) offsets(%dma_start3A_393 : memref<128xi32, #tpu.memory_space<vmem>>) semaphore(%run_scoped3A : memref<!tpu.dma_semaphore, #tpu.memory_space<semaphore_mem>>) {add = true}
        %dma_wait3A_397 = arith.constant 0 : i32
        %dma_wait3A_398 = arith.constant 0 : i32
        %dma_wait3A_399 = tpu.memref_slice %arg8[%rem3A_369, %dma_wait3A_397, %dma_wait3A_398] : memref<2x128x128xf32, #tpu.memory_space<vmem>> -> memref<1x128x128xf32, #tpu.memory_space<vmem>>
        %dma_wait3A_400 = tpu.memref_squeeze %dma_wait3A_399 : memref<1x128x128xf32, #tpu.memory_space<vmem>> -> memref<128x128xf32, #tpu.memory_space<vmem>>
        %dma_wait3A_401 = tpu.memref_slice %arg7[%mul3A_388] : memref<20224xi32, #tpu.memory_space<vmem>> -> memref<128xi32, #tpu.memory_space<vmem>>
        %dma_wait3A_402 = arith.constant 0 : i32
        %dma_wait3A_403 = arith.constant 0 : i32
        %dma_wait3A_404 = tpu.memref_slice %arg10[%dma_wait3A_402, %dma_wait3A_403] : memref<5760x128xf32, #tpu.memory_space<vmem_shared>> -> memref<5760x128xf32, #tpu.memory_space<vmem_shared>>
        tpu.wait_indirect_dma semaphore(%run_scoped3A : memref<!tpu.dma_semaphore, #tpu.memory_space<semaphore_mem>>) src(%dma_wait3A_400 : memref<128x128xf32, #tpu.memory_space<vmem>>) dst(%dma_wait3A_404 : memref<5760x128xf32, #tpu.memory_space<vmem_shared>>)
        tpu.yield
      }) : () -> ()
    }
    %while3A_361 = arith.constant 1 : i32
    scf.for %while3A_367 = %while3A_359 to %while3A_355 step %while3A_361  : i32 {
      %rem3A_368 = arith.constant 2 : i32
      %rem3A_369 = arith.remsi %while3A_367, %rem3A_368 : i32
      %add3A_370 = arith.constant 1 : i32
      %add3A_371 = arith.addi %while3A_367, %add3A_370 : i32
      %rem3A_372 = arith.constant 2 : i32
      %rem3A_373 = arith.remsi %add3A_371, %rem3A_372 : i32
      %add3A_374 = arith.constant 1 : i32
      %add3A_375 = arith.addi %while3A_367, %add3A_374 : i32
      %lt3A_376 = arith.cmpi slt, %add3A_375, %max3A_94 : i32
      %convert_element_type3A = arith.extui %lt3A_376 : i1 to i32
      %cond3A = arith.constant 0 : i32
      %cond3A_377 = arith.cmpi ne, %convert_element_type3A, %cond3A : i32
      scf.if %cond3A_377 {
        %add3A_389 = arith.constant 1 : i32
        %add3A_390 = arith.addi %while3A_367, %add3A_389 : i32
        %mul3A_391 = arith.constant 128 : i32
        %mul3A_392 = arith.muli %add3A_390, %mul3A_391 : i32
        %dma_start3A_393 = arith.constant 0 : i32
        %dma_start3A_394 = arith.constant 0 : i32
        %dma_start3A_395 = tpu.memref_slice %arg8[%rem3A_373, %dma_start3A_393, %dma_start3A_394] : memref<2x128x128xf32, #tpu.memory_space<vmem>> -> memref<1x128x128xf32, #tpu.memory_space<vmem>>
        %dma_start3A_396 = tpu.memref_squeeze %dma_start3A_395 : memref<1x128x128xf32, #tpu.memory_space<vmem>> -> memref<128x128xf32, #tpu.memory_space<vmem>>
        %dma_start3A_397 = tpu.memref_slice %arg6[%mul3A_392] : memref<20224xi32, #tpu.memory_space<vmem>> -> memref<128xi32, #tpu.memory_space<vmem>>
        %dma_start3A_398 = arith.constant 0 : i32
        %dma_start3A_399 = arith.constant 0 : i32
        %dma_start3A_400 = tpu.memref_slice %arg2[%dma_start3A_398, %dma_start3A_399] : memref<10240x128xf32, #tpu.memory_space<hbm>> -> memref<10240x128xf32, #tpu.memory_space<hbm>>
        tpu.enqueue_indirect_dma source(%dma_start3A_400 : memref<10240x128xf32, #tpu.memory_space<hbm>>) target(%dma_start3A_396 : memref<128x128xf32, #tpu.memory_space<vmem>>) offsets(%dma_start3A_397 : memref<128xi32, #tpu.memory_space<vmem>>) semaphore(%arg11 : memref<!tpu.dma_semaphore, #tpu.memory_space<semaphore_mem>>)
      } else {
      }
      %mul3A_378 = arith.constant 128 : i32
      %mul3A_379 = arith.muli %while3A_367, %mul3A_378 : i32
      %dma_wait3A = arith.constant 0 : i32
      %dma_wait3A_380 = arith.constant 0 : i32
      %dma_wait3A_381 = tpu.memref_slice %arg8[%rem3A_369, %dma_wait3A, %dma_wait3A_380] : memref<2x128x128xf32, #tpu.memory_space<vmem>> -> memref<1x128x128xf32, #tpu.memory_space<vmem>>
      %dma_wait3A_382 = tpu.memref_squeeze %dma_wait3A_381 : memref<1x128x128xf32, #tpu.memory_space<vmem>> -> memref<128x128xf32, #tpu.memory_space<vmem>>
      %dma_wait3A_383 = tpu.memref_slice %arg6[%mul3A_379] : memref<20224xi32, #tpu.memory_space<vmem>> -> memref<128xi32, #tpu.memory_space<vmem>>
      %dma_wait3A_384 = arith.constant 0 : i32
      %dma_wait3A_385 = arith.constant 0 : i32
      %dma_wait3A_386 = tpu.memref_slice %arg2[%dma_wait3A_384, %dma_wait3A_385] : memref<10240x128xf32, #tpu.memory_space<hbm>> -> memref<10240x128xf32, #tpu.memory_space<hbm>>
      tpu.wait_indirect_dma semaphore(%arg11 : memref<!tpu.dma_semaphore, #tpu.memory_space<semaphore_mem>>) src(%dma_wait3A_386 : memref<10240x128xf32, #tpu.memory_space<hbm>>) dst(%dma_wait3A_382 : memref<128x128xf32, #tpu.memory_space<vmem>>)
      %mul3A_387 = arith.constant 128 : i32
      %mul3A_388 = arith.muli %while3A_367, %mul3A_387 : i32
      "tpu.region"() ({
        %run_scoped3A = tpu.sem_alloc : memref<!tpu.dma_semaphore, #tpu.memory_space<semaphore_mem>>
        %dma_start3A_389 = arith.constant 0 : i32
        %dma_start3A_390 = arith.constant 0 : i32
        %dma_start3A_391 = tpu.memref_slice %arg8[%rem3A_369, %dma_start3A_389, %dma_start3A_390] : memref<2x128x128xf32, #tpu.memory_space<vmem>> -> memref<1x128x128xf32, #tpu.memory_space<vmem>>
        %dma_start3A_392 = tpu.memref_squeeze %dma_start3A_391 : memref<1x128x128xf32, #tpu.memory_space<vmem>> -> memref<128x128xf32, #tpu.memory_space<vmem>>
        %dma_start3A_393 = tpu.memref_slice %arg7[%mul3A_388] : memref<20224xi32, #tpu.memory_space<vmem>> -> memref<128xi32, #tpu.memory_space<vmem>>
        %dma_start3A_394 = arith.constant 0 : i32
        %dma_start3A_395 = arith.constant 0 : i32
        %dma_start3A_396 = tpu.memref_slice %arg10[%dma_start3A_394, %dma_start3A_395] : memref<5760x128xf32, #tpu.memory_space<vmem_shared>> -> memref<5760x128xf32, #tpu.memory_space<vmem_shared>>
        tpu.enqueue_indirect_dma source(%dma_start3A_392 : memref<128x128xf32, #tpu.memory_space<vmem>>) target(%dma_start3A_396 : memref<5760x128xf32, #tpu.memory_space<vmem_shared>>) offsets(%dma_start3A_393 : memref<128xi32, #tpu.memory_space<vmem>>) semaphore(%run_scoped3A : memref<!tpu.dma_semaphore, #tpu.memory_space<semaphore_mem>>) {add = true}
        %dma_wait3A_397 = arith.constant 0 : i32
        %dma_wait3A_398 = arith.constant 0 : i32
        %dma_wait3A_399 = tpu.memref_slice %arg8[%rem3A_369, %dma_wait3A_397, %dma_wait3A_398] : memref<2x128x128xf32, #tpu.memory_space<vmem>> -> memref<1x128x128xf32, #tpu.memory_space<vmem>>
        %dma_wait3A_400 = tpu.memref_squeeze %dma_wait3A_399 : memref<1x128x128xf32, #tpu.memory_space<vmem>> -> memref<128x128xf32, #tpu.memory_space<vmem>>
        %dma_wait3A_401 = tpu.memref_slice %arg7[%mul3A_388] : memref<20224xi32, #tpu.memory_space<vmem>> -> memref<128xi32, #tpu.memory_space<vmem>>
        %dma_wait3A_402 = arith.constant 0 : i32
        %dma_wait3A_403 = arith.constant 0 : i32
        %dma_wait3A_404 = tpu.memref_slice %arg10[%dma_wait3A_402, %dma_wait3A_403] : memref<5760x128xf32, #tpu.memory_space<vmem_shared>> -> memref<5760x128xf32, #tpu.memory_space<vmem_shared>>
        tpu.wait_indirect_dma semaphore(%run_scoped3A : memref<!tpu.dma_semaphore, #tpu.memory_space<semaphore_mem>>) src(%dma_wait3A_400 : memref<128x128xf32, #tpu.memory_space<vmem>>) dst(%dma_wait3A_404 : memref<5760x128xf32, #tpu.memory_space<vmem_shared>>)
        tpu.yield
      }) : () -> ()
    }
    %barrier3A_362 = arith.constant 0 : index
    tpu.barrier barrier_id(%barrier3A_362)
    %mul3A_363 = arith.constant 360 : i32
    %mul3A_364 = arith.muli %arg1, %mul3A_363 : i32
    %mul3A_365 = arith.constant 360 : i32
    %mul3A_366 = arith.muli %arg1, %mul3A_365 : i32
    "tpu.region"() ({
      %run_scoped3A = tpu.sem_alloc : memref<!tpu.dma_semaphore, #tpu.memory_space<semaphore_mem>>
      %dma_start3A_367 = arith.constant 0 : i32
      %dma_start3A_368 = tpu.memref_slice %arg5[%arg0, %mul3A_366, %dma_start3A_367] : memref<2x5760x128xf32, #tpu.memory_space<hbm>> -> memref<1x360x128xf32, #tpu.memory_space<hbm>>
      %dma_start3A_369 = tpu.memref_squeeze %dma_start3A_368 : memref<1x360x128xf32, #tpu.memory_space<hbm>> -> memref<360x128xf32, #tpu.memory_space<hbm>>
      %dma_start3A_370 = arith.constant 0 : i32
      %dma_start3A_371 = tpu.memref_slice %arg10[%mul3A_364, %dma_start3A_370] : memref<5760x128xf32, #tpu.memory_space<vmem_shared>> -> memref<360x128xf32, #tpu.memory_space<vmem_shared>>
      tpu.enqueue_dma source(%dma_start3A_371 : memref<360x128xf32, #tpu.memory_space<vmem_shared>>) target(%dma_start3A_369 : memref<360x128xf32, #tpu.memory_space<hbm>>) target_semaphore(%run_scoped3A : memref<!tpu.dma_semaphore, #tpu.memory_space<semaphore_mem>>)
      %dma_wait3A = arith.constant 0 : i32
      %dma_wait3A_372 = tpu.memref_slice %arg5[%arg0, %mul3A_366, %dma_wait3A] : memref<2x5760x128xf32, #tpu.memory_space<hbm>> -> memref<1x360x128xf32, #tpu.memory_space<hbm>>
      %dma_wait3A_373 = tpu.memref_squeeze %dma_wait3A_372 : memref<1x360x128xf32, #tpu.memory_space<hbm>> -> memref<360x128xf32, #tpu.memory_space<hbm>>
      %dma_wait3A_374 = arith.constant 0 : i32
      %dma_wait3A_375 = tpu.memref_slice %arg10[%mul3A_364, %dma_wait3A_374] : memref<5760x128xf32, #tpu.memory_space<vmem_shared>> -> memref<360x128xf32, #tpu.memory_space<vmem_shared>>
      tpu.wait_dma2 semaphore(%run_scoped3A : memref<!tpu.dma_semaphore, #tpu.memory_space<semaphore_mem>>) src(%dma_wait3A_375 : memref<360x128xf32, #tpu.memory_space<vmem_shared>>) dst(%dma_wait3A_373 : memref<360x128xf32, #tpu.memory_space<hbm>>)
      tpu.yield
    }) : () -> ()
    return
  }
}

#map = affine_map<(d0, d1) -> (0, 0)>
#map1 = affine_map<(d0, d1) -> (0)>
#map2 = affine_map<(d0, d1) -> (0, 0, 0)>
module attributes {stable_mosaic.version = 14 : i64} {
  func.func @scat_kernel(%arg0: i32, %arg1: i32, %arg2: memref<10240x128xf32, #tpu.memory_space<hbm>>, %arg3: memref<320000xi32, #tpu.memory_space<hbm>>, %arg4: memref<320000xi32, #tpu.memory_space<hbm>>, %arg5: memref<2x5760x128xf32, #tpu.memory_space<hbm>>, %arg6: memref<20224xi32, #tpu.memory_space<vmem>>, %arg7: memref<20224xi32, #tpu.memory_space<vmem>>, %arg8: memref<2x128x128xf32, #tpu.memory_space<vmem>>, %arg9: memref<24x128xf32, #tpu.memory_space<vmem>>, %arg10: memref<5760x128xf32, #tpu.memory_space<vmem_shared>>, %arg11: memref<!tpu.dma_semaphore, #tpu.memory_space<semaphore_mem>>) attributes {dimension_semantics = [#tpu.dimension_semantics<core_parallel>, #tpu.dimension_semantics<subcore_parallel>], iteration_bounds = array<i64: 2, 16>, scalar_prefetch = 0 : i64, scratch_operands = 6 : i64, tpu.core_type = #tpu.core_type<sc_vector_subcore>, window_params = [{transform_indices = #map}, {transform_indices = #map1}, {transform_indices = #map1}, {transform_indices = #map2}]} {
    %mul3A = arith.constant 5120 : i32
    %mul3A_0 = arith.muli %arg0, %mul3A : i32
    %mul3A_1 = arith.constant 20000 : i32
    %mul3A_2 = arith.muli %arg1, %mul3A_1 : i32
    "tpu.region"() ({
      %run_scoped3A = tpu.sem_alloc : memref<!tpu.dma_semaphore, #tpu.memory_space<semaphore_mem>>
      %dma_start3A_367 = arith.constant 0 : i32
      %dma_start3A_368 = tpu.memref_slice %arg6[%dma_start3A_367] : memref<20224xi32, #tpu.memory_space<vmem>> -> memref<20000xi32, #tpu.memory_space<vmem>>
      %dma_start3A_369 = tpu.memref_slice %arg3[%mul3A_2] : memref<320000xi32, #tpu.memory_space<hbm>> -> memref<20000xi32, #tpu.memory_space<hbm>>
      %dma_start3A_370 = arith.constant 0 : i32
      %dma_start3A_371 = tpu.memref_slice %arg6[%dma_start3A_370] : memref<20224xi32, #tpu.memory_space<vmem>> -> memref<20000xi32, #tpu.memory_space<vmem>>
      %dma_start3A_372 = tpu.memref_slice %arg3[%mul3A_2] : memref<320000xi32, #tpu.memory_space<hbm>> -> memref<20000xi32, #tpu.memory_space<hbm>>
      tpu.enqueue_dma source(%dma_start3A_372 : memref<20000xi32, #tpu.memory_space<hbm>>) target(%dma_start3A_371 : memref<20000xi32, #tpu.memory_space<vmem>>) target_semaphore(%run_scoped3A : memref<!tpu.dma_semaphore, #tpu.memory_space<semaphore_mem>>)
      %dma_wait3A = arith.constant 0 : i32
      %dma_wait3A_373 = tpu.memref_slice %arg6[%dma_wait3A] : memref<20224xi32, #tpu.memory_space<vmem>> -> memref<20000xi32, #tpu.memory_space<vmem>>
      %dma_wait3A_374 = tpu.memref_slice %arg3[%mul3A_2] : memref<320000xi32, #tpu.memory_space<hbm>> -> memref<20000xi32, #tpu.memory_space<hbm>>
      %dma_wait3A_375 = arith.constant 0 : i32
      %dma_wait3A_376 = tpu.memref_slice %arg6[%dma_wait3A_375] : memref<20224xi32, #tpu.memory_space<vmem>> -> memref<20000xi32, #tpu.memory_space<vmem>>
      %dma_wait3A_377 = tpu.memref_slice %arg3[%mul3A_2] : memref<320000xi32, #tpu.memory_space<hbm>> -> memref<20000xi32, #tpu.memory_space<hbm>>
      tpu.wait_dma2 semaphore(%run_scoped3A : memref<!tpu.dma_semaphore, #tpu.memory_space<semaphore_mem>>) src(%dma_wait3A_377 : memref<20000xi32, #tpu.memory_space<hbm>>) dst(%dma_wait3A_376 : memref<20000xi32, #tpu.memory_space<vmem>>)
      tpu.yield
    }) : () -> ()
    %mul3A_3 = arith.constant 20000 : i32
    %mul3A_4 = arith.muli %arg1, %mul3A_3 : i32
    "tpu.region"() ({
      %run_scoped3A = tpu.sem_alloc : memref<!tpu.dma_semaphore, #tpu.memory_space<semaphore_mem>>
      %dma_start3A_367 = arith.constant 0 : i32
      %dma_start3A_368 = tpu.memref_slice %arg7[%dma_start3A_367] : memref<20224xi32, #tpu.memory_space<vmem>> -> memref<20000xi32, #tpu.memory_space<vmem>>
      %dma_start3A_369 = tpu.memref_slice %arg4[%mul3A_4] : memref<320000xi32, #tpu.memory_space<hbm>> -> memref<20000xi32, #tpu.memory_space<hbm>>
      %dma_start3A_370 = arith.constant 0 : i32
      %dma_start3A_371 = tpu.memref_slice %arg7[%dma_start3A_370] : memref<20224xi32, #tpu.memory_space<vmem>> -> memref<20000xi32, #tpu.memory_space<vmem>>
      %dma_start3A_372 = tpu.memref_slice %arg4[%mul3A_4] : memref<320000xi32, #tpu.memory_space<hbm>> -> memref<20000xi32, #tpu.memory_space<hbm>>
      tpu.enqueue_dma source(%dma_start3A_372 : memref<20000xi32, #tpu.memory_space<hbm>>) target(%dma_start3A_371 : memref<20000xi32, #tpu.memory_space<vmem>>) target_semaphore(%run_scoped3A : memref<!tpu.dma_semaphore, #tpu.memory_space<semaphore_mem>>)
      %dma_wait3A = arith.constant 0 : i32
      %dma_wait3A_373 = tpu.memref_slice %arg7[%dma_wait3A] : memref<20224xi32, #tpu.memory_space<vmem>> -> memref<20000xi32, #tpu.memory_space<vmem>>
      %dma_wait3A_374 = tpu.memref_slice %arg4[%mul3A_4] : memref<320000xi32, #tpu.memory_space<hbm>> -> memref<20000xi32, #tpu.memory_space<hbm>>
      %dma_wait3A_375 = arith.constant 0 : i32
      %dma_wait3A_376 = tpu.memref_slice %arg7[%dma_wait3A_375] : memref<20224xi32, #tpu.memory_space<vmem>> -> memref<20000xi32, #tpu.memory_space<vmem>>
      %dma_wait3A_377 = tpu.memref_slice %arg4[%mul3A_4] : memref<320000xi32, #tpu.memory_space<hbm>> -> memref<20000xi32, #tpu.memory_space<hbm>>
      tpu.wait_dma2 semaphore(%run_scoped3A : memref<!tpu.dma_semaphore, #tpu.memory_space<semaphore_mem>>) src(%dma_wait3A_377 : memref<20000xi32, #tpu.memory_space<hbm>>) dst(%dma_wait3A_376 : memref<20000xi32, #tpu.memory_space<vmem>>)
      tpu.yield
    }) : () -> ()
    %scan3A = arith.constant 0 : i32
    %scan3A_5 = arith.constant 0 : i32
    %scan3A_6 = arith.constant 24 : i32
    %scan3A_7 = arith.addi %scan3A_5, %scan3A_6 : i32
    %scan3A_8 = arith.constant 1 : i32
    scf.for %scan3A_367 = %scan3A_5 to %scan3A_7 step %scan3A_8  : i32 {
      %broadcast_in_dim3A = arith.constant 0.000000e+00 : f32
      %broadcast_in_dim3A_368 = vector.broadcast %broadcast_in_dim3A : f32 to vector<16xf32>
      %swap3A_369 = arith.index_cast %scan3A_367 : i32 to index
      %swap3A_370 = arith.constant 0 : index
      %swap3A_371 = tpu.vector_load %arg9[%swap3A_369, %swap3A_370] {strides = array<i32>} : memref<24x128xf32, #tpu.memory_space<vmem>>, vector<16xf32>,
      tpu.vector_store %arg9[%swap3A_369, %swap3A_370], %broadcast_in_dim3A_368 {strides = array<i32>} : memref<24x128xf32, #tpu.memory_space<vmem>>, vector<16xf32>,
      %broadcast_in_dim3A_372 = arith.constant 0.000000e+00 : f32
      %broadcast_in_dim3A_373 = vector.broadcast %broadcast_in_dim3A_372 : f32 to vector<16xf32>
      %swap3A_374 = arith.index_cast %scan3A_367 : i32 to index
      %swap3A_375 = arith.constant 16 : index
      %swap3A_376 = tpu.vector_load %arg9[%swap3A_374, %swap3A_375] {strides = array<i32>} : memref<24x128xf32, #tpu.memory_space<vmem>>, vector<16xf32>,
      tpu.vector_store %arg9[%swap3A_374, %swap3A_375], %broadcast_in_dim3A_373 {strides = array<i32>} : memref<24x128xf32, #tpu.memory_space<vmem>>, vector<16xf32>,
      %broadcast_in_dim3A_377 = arith.constant 0.000000e+00 : f32
      %broadcast_in_dim3A_378 = vector.broadcast %broadcast_in_dim3A_377 : f32 to vector<16xf32>
      %swap3A_379 = arith.index_cast %scan3A_367 : i32 to index
      %swap3A_380 = arith.constant 32 : index
      %swap3A_381 = tpu.vector_load %arg9[%swap3A_379, %swap3A_380] {strides = array<i32>} : memref<24x128xf32, #tpu.memory_space<vmem>>, vector<16xf32>,
      tpu.vector_store %arg9[%swap3A_379, %swap3A_380], %broadcast_in_dim3A_378 {strides = array<i32>} : memref<24x128xf32, #tpu.memory_space<vmem>>, vector<16xf32>,
      %broadcast_in_dim3A_382 = arith.constant 0.000000e+00 : f32
      %broadcast_in_dim3A_383 = vector.broadcast %broadcast_in_dim3A_382 : f32 to vector<16xf32>
      %swap3A_384 = arith.index_cast %scan3A_367 : i32 to index
      %swap3A_385 = arith.constant 48 : index
      %swap3A_386 = tpu.vector_load %arg9[%swap3A_384, %swap3A_385] {strides = array<i32>} : memref<24x128xf32, #tpu.memory_space<vmem>>, vector<16xf32>,
      tpu.vector_store %arg9[%swap3A_384, %swap3A_385], %broadcast_in_dim3A_383 {strides = array<i32>} : memref<24x128xf32, #tpu.memory_space<vmem>>, vector<16xf32>,
      %broadcast_in_dim3A_387 = arith.constant 0.000000e+00 : f32
      %broadcast_in_dim3A_388 = vector.broadcast %broadcast_in_dim3A_387 : f32 to vector<16xf32>
      %swap3A_389 = arith.index_cast %scan3A_367 : i32 to index
      %swap3A_390 = arith.constant 64 : index
      %swap3A_391 = tpu.vector_load %arg9[%swap3A_389, %swap3A_390] {strides = array<i32>} : memref<24x128xf32, #tpu.memory_space<vmem>>, vector<16xf32>,
      tpu.vector_store %arg9[%swap3A_389, %swap3A_390], %broadcast_in_dim3A_388 {strides = array<i32>} : memref<24x128xf32, #tpu.memory_space<vmem>>, vector<16xf32>,
      %broadcast_in_dim3A_392 = arith.constant 0.000000e+00 : f32
      %broadcast_in_dim3A_393 = vector.broadcast %broadcast_in_dim3A_392 : f32 to vector<16xf32>
      %swap3A_394 = arith.index_cast %scan3A_367 : i32 to index
      %swap3A_395 = arith.constant 80 : index
      %swap3A_396 = tpu.vector_load %arg9[%swap3A_394, %swap3A_395] {strides = array<i32>} : memref<24x128xf32, #tpu.memory_space<vmem>>, vector<16xf32>,
      tpu.vector_store %arg9[%swap3A_394, %swap3A_395], %broadcast_in_dim3A_393 {strides = array<i32>} : memref<24x128xf32, #tpu.memory_space<vmem>>, vector<16xf32>,
      %broadcast_in_dim3A_397 = arith.constant 0.000000e+00 : f32
      %broadcast_in_dim3A_398 = vector.broadcast %broadcast_in_dim3A_397 : f32 to vector<16xf32>
      %swap3A_399 = arith.index_cast %scan3A_367 : i32 to index
      %swap3A_400 = arith.constant 96 : index
      %swap3A_401 = tpu.vector_load %arg9[%swap3A_399, %swap3A_400] {strides = array<i32>} : memref<24x128xf32, #tpu.memory_space<vmem>>, vector<16xf32>,
      tpu.vector_store %arg9[%swap3A_399, %swap3A_400], %broadcast_in_dim3A_398 {strides = array<i32>} : memref<24x128xf32, #tpu.memory_space<vmem>>, vector<16xf32>,
      %broadcast_in_dim3A_402 = arith.constant 0.000000e+00 : f32
      %broadcast_in_dim3A_403 = vector.broadcast %broadcast_in_dim3A_402 : f32 to vector<16xf32>
      %swap3A_404 = arith.index_cast %scan3A_367 : i32 to index
      %swap3A_405 = arith.constant 112 : index
      %swap3A_406 = tpu.vector_load %arg9[%swap3A_404, %swap3A_405] {strides = array<i32>} : memref<24x128xf32, #tpu.memory_space<vmem>>, vector<16xf32>,
      tpu.vector_store %arg9[%swap3A_404, %swap3A_405], %broadcast_in_dim3A_403 {strides = array<i32>} : memref<24x128xf32, #tpu.memory_space<vmem>>, vector<16xf32>,
    }
    %scan3A_9 = arith.constant 24 : i32
    %mul3A_10 = arith.constant 360 : i32
    %mul3A_11 = arith.muli %arg1, %mul3A_10 : i32
    %add3A = arith.constant 0 : i32
    %add3A_12 = arith.addi %mul3A_11, %add3A : i32
    "tpu.region"() ({
      %run_scoped3A = tpu.sem_alloc : memref<!tpu.dma_semaphore, #tpu.memory_space<semaphore_mem>>
      %dma_start3A_367 = arith.constant 0 : i32
      %dma_start3A_368 = tpu.memref_slice %arg10[%add3A_12, %dma_start3A_367] : memref<5760x128xf32, #tpu.memory_space<vmem_shared>> -> memref<24x128xf32, #tpu.memory_space<vmem_shared>>
      %dma_start3A_369 = arith.constant 0 : i32
      %dma_start3A_370 = tpu.memref_slice %arg10[%add3A_12, %dma_start3A_369] : memref<5760x128xf32, #tpu.memory_space<vmem_shared>> -> memref<24x128xf32, #tpu.memory_space<vmem_shared>>
      tpu.enqueue_dma source(%arg9 : memref<24x128xf32, #tpu.memory_space<vmem>>) target(%dma_start3A_370 : memref<24x128xf32, #tpu.memory_space<vmem_shared>>) target_semaphore(%run_scoped3A : memref<!tpu.dma_semaphore, #tpu.memory_space<semaphore_mem>>)
      %dma_wait3A = arith.constant 0 : i32
      %dma_wait3A_371 = tpu.memref_slice %arg10[%add3A_12, %dma_wait3A] : memref<5760x128xf32, #tpu.memory_space<vmem_shared>> -> memref<24x128xf32, #tpu.memory_space<vmem_shared>>
      %dma_wait3A_372 = arith.constant 0 : i32
      %dma_wait3A_373 = tpu.memref_slice %arg10[%add3A_12, %dma_wait3A_372] : memref<5760x128xf32, #tpu.memory_space<vmem_shared>> -> memref<24x128xf32, #tpu.memory_space<vmem_shared>>
      tpu.wait_dma2 semaphore(%run_scoped3A : memref<!tpu.dma_semaphore, #tpu.memory_space<semaphore_mem>>) src(%arg9 : memref<24x128xf32, #tpu.memory_space<vmem>>) dst(%dma_wait3A_373 : memref<24x128xf32, #tpu.memory_space<vmem_shared>>)
      tpu.yield
    }) : () -> ()
    %mul3A_13 = arith.constant 360 : i32
    %mul3A_14 = arith.muli %arg1, %mul3A_13 : i32
    %add3A_15 = arith.constant 24 : i32
    %add3A_16 = arith.addi %mul3A_14, %add3A_15 : i32
    "tpu.region"() ({
      %run_scoped3A = tpu.sem_alloc : memref<!tpu.dma_semaphore, #tpu.memory_space<semaphore_mem>>
      %dma_start3A_367 = arith.constant 0 : i32
      %dma_start3A_368 = tpu.memref_slice %arg10[%add3A_16, %dma_start3A_367] : memref<5760x128xf32, #tpu.memory_space<vmem_shared>> -> memref<24x128xf32, #tpu.memory_space<vmem_shared>>
      %dma_start3A_369 = arith.constant 0 : i32
      %dma_start3A_370 = tpu.memref_slice %arg10[%add3A_16, %dma_start3A_369] : memref<5760x128xf32, #tpu.memory_space<vmem_shared>> -> memref<24x128xf32, #tpu.memory_space<vmem_shared>>
      tpu.enqueue_dma source(%arg9 : memref<24x128xf32, #tpu.memory_space<vmem>>) target(%dma_start3A_370 : memref<24x128xf32, #tpu.memory_space<vmem_shared>>) target_semaphore(%run_scoped3A : memref<!tpu.dma_semaphore, #tpu.memory_space<semaphore_mem>>)
      %dma_wait3A = arith.constant 0 : i32
      %dma_wait3A_371 = tpu.memref_slice %arg10[%add3A_16, %dma_wait3A] : memref<5760x128xf32, #tpu.memory_space<vmem_shared>> -> memref<24x128xf32, #tpu.memory_space<vmem_shared>>
      %dma_wait3A_372 = arith.constant 0 : i32
      %dma_wait3A_373 = tpu.memref_slice %arg10[%add3A_16, %dma_wait3A_372] : memref<5760x128xf32, #tpu.memory_space<vmem_shared>> -> memref<24x128xf32, #tpu.memory_space<vmem_shared>>
      tpu.wait_dma2 semaphore(%run_scoped3A : memref<!tpu.dma_semaphore, #tpu.memory_space<semaphore_mem>>) src(%arg9 : memref<24x128xf32, #tpu.memory_space<vmem>>) dst(%dma_wait3A_373 : memref<24x128xf32, #tpu.memory_space<vmem_shared>>)
      tpu.yield
    }) : () -> ()
    %mul3A_17 = arith.constant 360 : i32
    %mul3A_18 = arith.muli %arg1, %mul3A_17 : i32
    %add3A_19 = arith.constant 48 : i32
    %add3A_20 = arith.addi %mul3A_18, %add3A_19 : i32
    "tpu.region"() ({
      %run_scoped3A = tpu.sem_alloc : memref<!tpu.dma_semaphore, #tpu.memory_space<semaphore_mem>>
      %dma_start3A_367 = arith.constant 0 : i32
      %dma_start3A_368 = tpu.memref_slice %arg10[%add3A_20, %dma_start3A_367] : memref<5760x128xf32, #tpu.memory_space<vmem_shared>> -> memref<24x128xf32, #tpu.memory_space<vmem_shared>>
      %dma_start3A_369 = arith.constant 0 : i32
      %dma_start3A_370 = tpu.memref_slice %arg10[%add3A_20, %dma_start3A_369] : memref<5760x128xf32, #tpu.memory_space<vmem_shared>> -> memref<24x128xf32, #tpu.memory_space<vmem_shared>>
      tpu.enqueue_dma source(%arg9 : memref<24x128xf32, #tpu.memory_space<vmem>>) target(%dma_start3A_370 : memref<24x128xf32, #tpu.memory_space<vmem_shared>>) target_semaphore(%run_scoped3A : memref<!tpu.dma_semaphore, #tpu.memory_space<semaphore_mem>>)
      %dma_wait3A = arith.constant 0 : i32
      %dma_wait3A_371 = tpu.memref_slice %arg10[%add3A_20, %dma_wait3A] : memref<5760x128xf32, #tpu.memory_space<vmem_shared>> -> memref<24x128xf32, #tpu.memory_space<vmem_shared>>
      %dma_wait3A_372 = arith.constant 0 : i32
      %dma_wait3A_373 = tpu.memref_slice %arg10[%add3A_20, %dma_wait3A_372] : memref<5760x128xf32, #tpu.memory_space<vmem_shared>> -> memref<24x128xf32, #tpu.memory_space<vmem_shared>>
      tpu.wait_dma2 semaphore(%run_scoped3A : memref<!tpu.dma_semaphore, #tpu.memory_space<semaphore_mem>>) src(%arg9 : memref<24x128xf32, #tpu.memory_space<vmem>>) dst(%dma_wait3A_373 : memref<24x128xf32, #tpu.memory_space<vmem_shared>>)
      tpu.yield
    }) : () -> ()
    %mul3A_21 = arith.constant 360 : i32
    %mul3A_22 = arith.muli %arg1, %mul3A_21 : i32
    %add3A_23 = arith.constant 72 : i32
    %add3A_24 = arith.addi %mul3A_22, %add3A_23 : i32
    "tpu.region"() ({
      %run_scoped3A = tpu.sem_alloc : memref<!tpu.dma_semaphore, #tpu.memory_space<semaphore_mem>>
      %dma_start3A_367 = arith.constant 0 : i32
      %dma_start3A_368 = tpu.memref_slice %arg10[%add3A_24, %dma_start3A_367] : memref<5760x128xf32, #tpu.memory_space<vmem_shared>> -> memref<24x128xf32, #tpu.memory_space<vmem_shared>>
      %dma_start3A_369 = arith.constant 0 : i32
      %dma_start3A_370 = tpu.memref_slice %arg10[%add3A_24, %dma_start3A_369] : memref<5760x128xf32, #tpu.memory_space<vmem_shared>> -> memref<24x128xf32, #tpu.memory_space<vmem_shared>>
      tpu.enqueue_dma source(%arg9 : memref<24x128xf32, #tpu.memory_space<vmem>>) target(%dma_start3A_370 : memref<24x128xf32, #tpu.memory_space<vmem_shared>>) target_semaphore(%run_scoped3A : memref<!tpu.dma_semaphore, #tpu.memory_space<semaphore_mem>>)
      %dma_wait3A = arith.constant 0 : i32
      %dma_wait3A_371 = tpu.memref_slice %arg10[%add3A_24, %dma_wait3A] : memref<5760x128xf32, #tpu.memory_space<vmem_shared>> -> memref<24x128xf32, #tpu.memory_space<vmem_shared>>
      %dma_wait3A_372 = arith.constant 0 : i32
      %dma_wait3A_373 = tpu.memref_slice %arg10[%add3A_24, %dma_wait3A_372] : memref<5760x128xf32, #tpu.memory_space<vmem_shared>> -> memref<24x128xf32, #tpu.memory_space<vmem_shared>>
      tpu.wait_dma2 semaphore(%run_scoped3A : memref<!tpu.dma_semaphore, #tpu.memory_space<semaphore_mem>>) src(%arg9 : memref<24x128xf32, #tpu.memory_space<vmem>>) dst(%dma_wait3A_373 : memref<24x128xf32, #tpu.memory_space<vmem_shared>>)
      tpu.yield
    }) : () -> ()
    %mul3A_25 = arith.constant 360 : i32
    %mul3A_26 = arith.muli %arg1, %mul3A_25 : i32
    %add3A_27 = arith.constant 96 : i32
    %add3A_28 = arith.addi %mul3A_26, %add3A_27 : i32
    "tpu.region"() ({
      %run_scoped3A = tpu.sem_alloc : memref<!tpu.dma_semaphore, #tpu.memory_space<semaphore_mem>>
      %dma_start3A_367 = arith.constant 0 : i32
      %dma_start3A_368 = tpu.memref_slice %arg10[%add3A_28, %dma_start3A_367] : memref<5760x128xf32, #tpu.memory_space<vmem_shared>> -> memref<24x128xf32, #tpu.memory_space<vmem_shared>>
      %dma_start3A_369 = arith.constant 0 : i32
      %dma_start3A_370 = tpu.memref_slice %arg10[%add3A_28, %dma_start3A_369] : memref<5760x128xf32, #tpu.memory_space<vmem_shared>> -> memref<24x128xf32, #tpu.memory_space<vmem_shared>>
      tpu.enqueue_dma source(%arg9 : memref<24x128xf32, #tpu.memory_space<vmem>>) target(%dma_start3A_370 : memref<24x128xf32, #tpu.memory_space<vmem_shared>>) target_semaphore(%run_scoped3A : memref<!tpu.dma_semaphore, #tpu.memory_space<semaphore_mem>>)
      %dma_wait3A = arith.constant 0 : i32
      %dma_wait3A_371 = tpu.memref_slice %arg10[%add3A_28, %dma_wait3A] : memref<5760x128xf32, #tpu.memory_space<vmem_shared>> -> memref<24x128xf32, #tpu.memory_space<vmem_shared>>
      %dma_wait3A_372 = arith.constant 0 : i32
      %dma_wait3A_373 = tpu.memref_slice %arg10[%add3A_28, %dma_wait3A_372] : memref<5760x128xf32, #tpu.memory_space<vmem_shared>> -> memref<24x128xf32, #tpu.memory_space<vmem_shared>>
      tpu.wait_dma2 semaphore(%run_scoped3A : memref<!tpu.dma_semaphore, #tpu.memory_space<semaphore_mem>>) src(%arg9 : memref<24x128xf32, #tpu.memory_space<vmem>>) dst(%dma_wait3A_373 : memref<24x128xf32, #tpu.memory_space<vmem_shared>>)
      tpu.yield
    }) : () -> ()
    %mul3A_29 = arith.constant 360 : i32
    %mul3A_30 = arith.muli %arg1, %mul3A_29 : i32
    %add3A_31 = arith.constant 120 : i32
    %add3A_32 = arith.addi %mul3A_30, %add3A_31 : i32
    "tpu.region"() ({
      %run_scoped3A = tpu.sem_alloc : memref<!tpu.dma_semaphore, #tpu.memory_space<semaphore_mem>>
      %dma_start3A_367 = arith.constant 0 : i32
      %dma_start3A_368 = tpu.memref_slice %arg10[%add3A_32, %dma_start3A_367] : memref<5760x128xf32, #tpu.memory_space<vmem_shared>> -> memref<24x128xf32, #tpu.memory_space<vmem_shared>>
      %dma_start3A_369 = arith.constant 0 : i32
      %dma_start3A_370 = tpu.memref_slice %arg10[%add3A_32, %dma_start3A_369] : memref<5760x128xf32, #tpu.memory_space<vmem_shared>> -> memref<24x128xf32, #tpu.memory_space<vmem_shared>>
      tpu.enqueue_dma source(%arg9 : memref<24x128xf32, #tpu.memory_space<vmem>>) target(%dma_start3A_370 : memref<24x128xf32, #tpu.memory_space<vmem_shared>>) target_semaphore(%run_scoped3A : memref<!tpu.dma_semaphore, #tpu.memory_space<semaphore_mem>>)
      %dma_wait3A = arith.constant 0 : i32
      %dma_wait3A_371 = tpu.memref_slice %arg10[%add3A_32, %dma_wait3A] : memref<5760x128xf32, #tpu.memory_space<vmem_shared>> -> memref<24x128xf32, #tpu.memory_space<vmem_shared>>
      %dma_wait3A_372 = arith.constant 0 : i32
      %dma_wait3A_373 = tpu.memref_slice %arg10[%add3A_32, %dma_wait3A_372] : memref<5760x128xf32, #tpu.memory_space<vmem_shared>> -> memref<24x128xf32, #tpu.memory_space<vmem_shared>>
      tpu.wait_dma2 semaphore(%run_scoped3A : memref<!tpu.dma_semaphore, #tpu.memory_space<semaphore_mem>>) src(%arg9 : memref<24x128xf32, #tpu.memory_space<vmem>>) dst(%dma_wait3A_373 : memref<24x128xf32, #tpu.memory_space<vmem_shared>>)
      tpu.yield
    }) : () -> ()
    %mul3A_33 = arith.constant 360 : i32
    %mul3A_34 = arith.muli %arg1, %mul3A_33 : i32
    %add3A_35 = arith.constant 144 : i32
    %add3A_36 = arith.addi %mul3A_34, %add3A_35 : i32
    "tpu.region"() ({
      %run_scoped3A = tpu.sem_alloc : memref<!tpu.dma_semaphore, #tpu.memory_space<semaphore_mem>>
      %dma_start3A_367 = arith.constant 0 : i32
      %dma_start3A_368 = tpu.memref_slice %arg10[%add3A_36, %dma_start3A_367] : memref<5760x128xf32, #tpu.memory_space<vmem_shared>> -> memref<24x128xf32, #tpu.memory_space<vmem_shared>>
      %dma_start3A_369 = arith.constant 0 : i32
      %dma_start3A_370 = tpu.memref_slice %arg10[%add3A_36, %dma_start3A_369] : memref<5760x128xf32, #tpu.memory_space<vmem_shared>> -> memref<24x128xf32, #tpu.memory_space<vmem_shared>>
      tpu.enqueue_dma source(%arg9 : memref<24x128xf32, #tpu.memory_space<vmem>>) target(%dma_start3A_370 : memref<24x128xf32, #tpu.memory_space<vmem_shared>>) target_semaphore(%run_scoped3A : memref<!tpu.dma_semaphore, #tpu.memory_space<semaphore_mem>>)
      %dma_wait3A = arith.constant 0 : i32
      %dma_wait3A_371 = tpu.memref_slice %arg10[%add3A_36, %dma_wait3A] : memref<5760x128xf32, #tpu.memory_space<vmem_shared>> -> memref<24x128xf32, #tpu.memory_space<vmem_shared>>
      %dma_wait3A_372 = arith.constant 0 : i32
      %dma_wait3A_373 = tpu.memref_slice %arg10[%add3A_36, %dma_wait3A_372] : memref<5760x128xf32, #tpu.memory_space<vmem_shared>> -> memref<24x128xf32, #tpu.memory_space<vmem_shared>>
      tpu.wait_dma2 semaphore(%run_scoped3A : memref<!tpu.dma_semaphore, #tpu.memory_space<semaphore_mem>>) src(%arg9 : memref<24x128xf32, #tpu.memory_space<vmem>>) dst(%dma_wait3A_373 : memref<24x128xf32, #tpu.memory_space<vmem_shared>>)
      tpu.yield
    }) : () -> ()
    %mul3A_37 = arith.constant 360 : i32
    %mul3A_38 = arith.muli %arg1, %mul3A_37 : i32
    %add3A_39 = arith.constant 168 : i32
    %add3A_40 = arith.addi %mul3A_38, %add3A_39 : i32
    "tpu.region"() ({
      %run_scoped3A = tpu.sem_alloc : memref<!tpu.dma_semaphore, #tpu.memory_space<semaphore_mem>>
      %dma_start3A_367 = arith.constant 0 : i32
      %dma_start3A_368 = tpu.memref_slice %arg10[%add3A_40, %dma_start3A_367] : memref<5760x128xf32, #tpu.memory_space<vmem_shared>> -> memref<24x128xf32, #tpu.memory_space<vmem_shared>>
      %dma_start3A_369 = arith.constant 0 : i32
      %dma_start3A_370 = tpu.memref_slice %arg10[%add3A_40, %dma_start3A_369] : memref<5760x128xf32, #tpu.memory_space<vmem_shared>> -> memref<24x128xf32, #tpu.memory_space<vmem_shared>>
      tpu.enqueue_dma source(%arg9 : memref<24x128xf32, #tpu.memory_space<vmem>>) target(%dma_start3A_370 : memref<24x128xf32, #tpu.memory_space<vmem_shared>>) target_semaphore(%run_scoped3A : memref<!tpu.dma_semaphore, #tpu.memory_space<semaphore_mem>>)
      %dma_wait3A = arith.constant 0 : i32
      %dma_wait3A_371 = tpu.memref_slice %arg10[%add3A_40, %dma_wait3A] : memref<5760x128xf32, #tpu.memory_space<vmem_shared>> -> memref<24x128xf32, #tpu.memory_space<vmem_shared>>
      %dma_wait3A_372 = arith.constant 0 : i32
      %dma_wait3A_373 = tpu.memref_slice %arg10[%add3A_40, %dma_wait3A_372] : memref<5760x128xf32, #tpu.memory_space<vmem_shared>> -> memref<24x128xf32, #tpu.memory_space<vmem_shared>>
      tpu.wait_dma2 semaphore(%run_scoped3A : memref<!tpu.dma_semaphore, #tpu.memory_space<semaphore_mem>>) src(%arg9 : memref<24x128xf32, #tpu.memory_space<vmem>>) dst(%dma_wait3A_373 : memref<24x128xf32, #tpu.memory_space<vmem_shared>>)
      tpu.yield
    }) : () -> ()
    %mul3A_41 = arith.constant 360 : i32
    %mul3A_42 = arith.muli %arg1, %mul3A_41 : i32
    %add3A_43 = arith.constant 192 : i32
    %add3A_44 = arith.addi %mul3A_42, %add3A_43 : i32
    "tpu.region"() ({
      %run_scoped3A = tpu.sem_alloc : memref<!tpu.dma_semaphore, #tpu.memory_space<semaphore_mem>>
      %dma_start3A_367 = arith.constant 0 : i32
      %dma_start3A_368 = tpu.memref_slice %arg10[%add3A_44, %dma_start3A_367] : memref<5760x128xf32, #tpu.memory_space<vmem_shared>> -> memref<24x128xf32, #tpu.memory_space<vmem_shared>>
      %dma_start3A_369 = arith.constant 0 : i32
      %dma_start3A_370 = tpu.memref_slice %arg10[%add3A_44, %dma_start3A_369] : memref<5760x128xf32, #tpu.memory_space<vmem_shared>> -> memref<24x128xf32, #tpu.memory_space<vmem_shared>>
      tpu.enqueue_dma source(%arg9 : memref<24x128xf32, #tpu.memory_space<vmem>>) target(%dma_start3A_370 : memref<24x128xf32, #tpu.memory_space<vmem_shared>>) target_semaphore(%run_scoped3A : memref<!tpu.dma_semaphore, #tpu.memory_space<semaphore_mem>>)
      %dma_wait3A = arith.constant 0 : i32
      %dma_wait3A_371 = tpu.memref_slice %arg10[%add3A_44, %dma_wait3A] : memref<5760x128xf32, #tpu.memory_space<vmem_shared>> -> memref<24x128xf32, #tpu.memory_space<vmem_shared>>
      %dma_wait3A_372 = arith.constant 0 : i32
      %dma_wait3A_373 = tpu.memref_slice %arg10[%add3A_44, %dma_wait3A_372] : memref<5760x128xf32, #tpu.memory_space<vmem_shared>> -> memref<24x128xf32, #tpu.memory_space<vmem_shared>>
      tpu.wait_dma2 semaphore(%run_scoped3A : memref<!tpu.dma_semaphore, #tpu.memory_space<semaphore_mem>>) src(%arg9 : memref<24x128xf32, #tpu.memory_space<vmem>>) dst(%dma_wait3A_373 : memref<24x128xf32, #tpu.memory_space<vmem_shared>>)
      tpu.yield
    }) : () -> ()
    %mul3A_45 = arith.constant 360 : i32
    %mul3A_46 = arith.muli %arg1, %mul3A_45 : i32
    %add3A_47 = arith.constant 216 : i32
    %add3A_48 = arith.addi %mul3A_46, %add3A_47 : i32
    "tpu.region"() ({
      %run_scoped3A = tpu.sem_alloc : memref<!tpu.dma_semaphore, #tpu.memory_space<semaphore_mem>>
      %dma_start3A_367 = arith.constant 0 : i32
      %dma_start3A_368 = tpu.memref_slice %arg10[%add3A_48, %dma_start3A_367] : memref<5760x128xf32, #tpu.memory_space<vmem_shared>> -> memref<24x128xf32, #tpu.memory_space<vmem_shared>>
      %dma_start3A_369 = arith.constant 0 : i32
      %dma_start3A_370 = tpu.memref_slice %arg10[%add3A_48, %dma_start3A_369] : memref<5760x128xf32, #tpu.memory_space<vmem_shared>> -> memref<24x128xf32, #tpu.memory_space<vmem_shared>>
      tpu.enqueue_dma source(%arg9 : memref<24x128xf32, #tpu.memory_space<vmem>>) target(%dma_start3A_370 : memref<24x128xf32, #tpu.memory_space<vmem_shared>>) target_semaphore(%run_scoped3A : memref<!tpu.dma_semaphore, #tpu.memory_space<semaphore_mem>>)
      %dma_wait3A = arith.constant 0 : i32
      %dma_wait3A_371 = tpu.memref_slice %arg10[%add3A_48, %dma_wait3A] : memref<5760x128xf32, #tpu.memory_space<vmem_shared>> -> memref<24x128xf32, #tpu.memory_space<vmem_shared>>
      %dma_wait3A_372 = arith.constant 0 : i32
      %dma_wait3A_373 = tpu.memref_slice %arg10[%add3A_48, %dma_wait3A_372] : memref<5760x128xf32, #tpu.memory_space<vmem_shared>> -> memref<24x128xf32, #tpu.memory_space<vmem_shared>>
      tpu.wait_dma2 semaphore(%run_scoped3A : memref<!tpu.dma_semaphore, #tpu.memory_space<semaphore_mem>>) src(%arg9 : memref<24x128xf32, #tpu.memory_space<vmem>>) dst(%dma_wait3A_373 : memref<24x128xf32, #tpu.memory_space<vmem_shared>>)
      tpu.yield
    }) : () -> ()
    %mul3A_49 = arith.constant 360 : i32
    %mul3A_50 = arith.muli %arg1, %mul3A_49 : i32
    %add3A_51 = arith.constant 240 : i32
    %add3A_52 = arith.addi %mul3A_50, %add3A_51 : i32
    "tpu.region"() ({
      %run_scoped3A = tpu.sem_alloc : memref<!tpu.dma_semaphore, #tpu.memory_space<semaphore_mem>>
      %dma_start3A_367 = arith.constant 0 : i32
      %dma_start3A_368 = tpu.memref_slice %arg10[%add3A_52, %dma_start3A_367] : memref<5760x128xf32, #tpu.memory_space<vmem_shared>> -> memref<24x128xf32, #tpu.memory_space<vmem_shared>>
      %dma_start3A_369 = arith.constant 0 : i32
      %dma_start3A_370 = tpu.memref_slice %arg10[%add3A_52, %dma_start3A_369] : memref<5760x128xf32, #tpu.memory_space<vmem_shared>> -> memref<24x128xf32, #tpu.memory_space<vmem_shared>>
      tpu.enqueue_dma source(%arg9 : memref<24x128xf32, #tpu.memory_space<vmem>>) target(%dma_start3A_370 : memref<24x128xf32, #tpu.memory_space<vmem_shared>>) target_semaphore(%run_scoped3A : memref<!tpu.dma_semaphore, #tpu.memory_space<semaphore_mem>>)
      %dma_wait3A = arith.constant 0 : i32
      %dma_wait3A_371 = tpu.memref_slice %arg10[%add3A_52, %dma_wait3A] : memref<5760x128xf32, #tpu.memory_space<vmem_shared>> -> memref<24x128xf32, #tpu.memory_space<vmem_shared>>
      %dma_wait3A_372 = arith.constant 0 : i32
      %dma_wait3A_373 = tpu.memref_slice %arg10[%add3A_52, %dma_wait3A_372] : memref<5760x128xf32, #tpu.memory_space<vmem_shared>> -> memref<24x128xf32, #tpu.memory_space<vmem_shared>>
      tpu.wait_dma2 semaphore(%run_scoped3A : memref<!tpu.dma_semaphore, #tpu.memory_space<semaphore_mem>>) src(%arg9 : memref<24x128xf32, #tpu.memory_space<vmem>>) dst(%dma_wait3A_373 : memref<24x128xf32, #tpu.memory_space<vmem_shared>>)
      tpu.yield
    }) : () -> ()
    %mul3A_53 = arith.constant 360 : i32
    %mul3A_54 = arith.muli %arg1, %mul3A_53 : i32
    %add3A_55 = arith.constant 264 : i32
    %add3A_56 = arith.addi %mul3A_54, %add3A_55 : i32
    "tpu.region"() ({
      %run_scoped3A = tpu.sem_alloc : memref<!tpu.dma_semaphore, #tpu.memory_space<semaphore_mem>>
      %dma_start3A_367 = arith.constant 0 : i32
      %dma_start3A_368 = tpu.memref_slice %arg10[%add3A_56, %dma_start3A_367] : memref<5760x128xf32, #tpu.memory_space<vmem_shared>> -> memref<24x128xf32, #tpu.memory_space<vmem_shared>>
      %dma_start3A_369 = arith.constant 0 : i32
      %dma_start3A_370 = tpu.memref_slice %arg10[%add3A_56, %dma_start3A_369] : memref<5760x128xf32, #tpu.memory_space<vmem_shared>> -> memref<24x128xf32, #tpu.memory_space<vmem_shared>>
      tpu.enqueue_dma source(%arg9 : memref<24x128xf32, #tpu.memory_space<vmem>>) target(%dma_start3A_370 : memref<24x128xf32, #tpu.memory_space<vmem_shared>>) target_semaphore(%run_scoped3A : memref<!tpu.dma_semaphore, #tpu.memory_space<semaphore_mem>>)
      %dma_wait3A = arith.constant 0 : i32
      %dma_wait3A_371 = tpu.memref_slice %arg10[%add3A_56, %dma_wait3A] : memref<5760x128xf32, #tpu.memory_space<vmem_shared>> -> memref<24x128xf32, #tpu.memory_space<vmem_shared>>
      %dma_wait3A_372 = arith.constant 0 : i32
      %dma_wait3A_373 = tpu.memref_slice %arg10[%add3A_56, %dma_wait3A_372] : memref<5760x128xf32, #tpu.memory_space<vmem_shared>> -> memref<24x128xf32, #tpu.memory_space<vmem_shared>>
      tpu.wait_dma2 semaphore(%run_scoped3A : memref<!tpu.dma_semaphore, #tpu.memory_space<semaphore_mem>>) src(%arg9 : memref<24x128xf32, #tpu.memory_space<vmem>>) dst(%dma_wait3A_373 : memref<24x128xf32, #tpu.memory_space<vmem_shared>>)
      tpu.yield
    }) : () -> ()
    %mul3A_57 = arith.constant 360 : i32
    %mul3A_58 = arith.muli %arg1, %mul3A_57 : i32
    %add3A_59 = arith.constant 288 : i32
    %add3A_60 = arith.addi %mul3A_58, %add3A_59 : i32
    "tpu.region"() ({
      %run_scoped3A = tpu.sem_alloc : memref<!tpu.dma_semaphore, #tpu.memory_space<semaphore_mem>>
      %dma_start3A_367 = arith.constant 0 : i32
      %dma_start3A_368 = tpu.memref_slice %arg10[%add3A_60, %dma_start3A_367] : memref<5760x128xf32, #tpu.memory_space<vmem_shared>> -> memref<24x128xf32, #tpu.memory_space<vmem_shared>>
      %dma_start3A_369 = arith.constant 0 : i32
      %dma_start3A_370 = tpu.memref_slice %arg10[%add3A_60, %dma_start3A_369] : memref<5760x128xf32, #tpu.memory_space<vmem_shared>> -> memref<24x128xf32, #tpu.memory_space<vmem_shared>>
      tpu.enqueue_dma source(%arg9 : memref<24x128xf32, #tpu.memory_space<vmem>>) target(%dma_start3A_370 : memref<24x128xf32, #tpu.memory_space<vmem_shared>>) target_semaphore(%run_scoped3A : memref<!tpu.dma_semaphore, #tpu.memory_space<semaphore_mem>>)
      %dma_wait3A = arith.constant 0 : i32
      %dma_wait3A_371 = tpu.memref_slice %arg10[%add3A_60, %dma_wait3A] : memref<5760x128xf32, #tpu.memory_space<vmem_shared>> -> memref<24x128xf32, #tpu.memory_space<vmem_shared>>
      %dma_wait3A_372 = arith.constant 0 : i32
      %dma_wait3A_373 = tpu.memref_slice %arg10[%add3A_60, %dma_wait3A_372] : memref<5760x128xf32, #tpu.memory_space<vmem_shared>> -> memref<24x128xf32, #tpu.memory_space<vmem_shared>>
      tpu.wait_dma2 semaphore(%run_scoped3A : memref<!tpu.dma_semaphore, #tpu.memory_space<semaphore_mem>>) src(%arg9 : memref<24x128xf32, #tpu.memory_space<vmem>>) dst(%dma_wait3A_373 : memref<24x128xf32, #tpu.memory_space<vmem_shared>>)
      tpu.yield
    }) : () -> ()
    %mul3A_61 = arith.constant 360 : i32
    %mul3A_62 = arith.muli %arg1, %mul3A_61 : i32
    %add3A_63 = arith.constant 312 : i32
    %add3A_64 = arith.addi %mul3A_62, %add3A_63 : i32
    "tpu.region"() ({
      %run_scoped3A = tpu.sem_alloc : memref<!tpu.dma_semaphore, #tpu.memory_space<semaphore_mem>>
      %dma_start3A_367 = arith.constant 0 : i32
      %dma_start3A_368 = tpu.memref_slice %arg10[%add3A_64, %dma_start3A_367] : memref<5760x128xf32, #tpu.memory_space<vmem_shared>> -> memref<24x128xf32, #tpu.memory_space<vmem_shared>>
      %dma_start3A_369 = arith.constant 0 : i32
      %dma_start3A_370 = tpu.memref_slice %arg10[%add3A_64, %dma_start3A_369] : memref<5760x128xf32, #tpu.memory_space<vmem_shared>> -> memref<24x128xf32, #tpu.memory_space<vmem_shared>>
      tpu.enqueue_dma source(%arg9 : memref<24x128xf32, #tpu.memory_space<vmem>>) target(%dma_start3A_370 : memref<24x128xf32, #tpu.memory_space<vmem_shared>>) target_semaphore(%run_scoped3A : memref<!tpu.dma_semaphore, #tpu.memory_space<semaphore_mem>>)
      %dma_wait3A = arith.constant 0 : i32
      %dma_wait3A_371 = tpu.memref_slice %arg10[%add3A_64, %dma_wait3A] : memref<5760x128xf32, #tpu.memory_space<vmem_shared>> -> memref<24x128xf32, #tpu.memory_space<vmem_shared>>
      %dma_wait3A_372 = arith.constant 0 : i32
      %dma_wait3A_373 = tpu.memref_slice %arg10[%add3A_64, %dma_wait3A_372] : memref<5760x128xf32, #tpu.memory_space<vmem_shared>> -> memref<24x128xf32, #tpu.memory_space<vmem_shared>>
      tpu.wait_dma2 semaphore(%run_scoped3A : memref<!tpu.dma_semaphore, #tpu.memory_space<semaphore_mem>>) src(%arg9 : memref<24x128xf32, #tpu.memory_space<vmem>>) dst(%dma_wait3A_373 : memref<24x128xf32, #tpu.memory_space<vmem_shared>>)
      tpu.yield
    }) : () -> ()
    %mul3A_65 = arith.constant 360 : i32
    %mul3A_66 = arith.muli %arg1, %mul3A_65 : i32
    %add3A_67 = arith.constant 336 : i32
    %add3A_68 = arith.addi %mul3A_66, %add3A_67 : i32
    "tpu.region"() ({
      %run_scoped3A = tpu.sem_alloc : memref<!tpu.dma_semaphore, #tpu.memory_space<semaphore_mem>>
      %dma_start3A_367 = arith.constant 0 : i32
      %dma_start3A_368 = tpu.memref_slice %arg10[%add3A_68, %dma_start3A_367] : memref<5760x128xf32, #tpu.memory_space<vmem_shared>> -> memref<24x128xf32, #tpu.memory_space<vmem_shared>>
      %dma_start3A_369 = arith.constant 0 : i32
      %dma_start3A_370 = tpu.memref_slice %arg10[%add3A_68, %dma_start3A_369] : memref<5760x128xf32, #tpu.memory_space<vmem_shared>> -> memref<24x128xf32, #tpu.memory_space<vmem_shared>>
      tpu.enqueue_dma source(%arg9 : memref<24x128xf32, #tpu.memory_space<vmem>>) target(%dma_start3A_370 : memref<24x128xf32, #tpu.memory_space<vmem_shared>>) target_semaphore(%run_scoped3A : memref<!tpu.dma_semaphore, #tpu.memory_space<semaphore_mem>>)
      %dma_wait3A = arith.constant 0 : i32
      %dma_wait3A_371 = tpu.memref_slice %arg10[%add3A_68, %dma_wait3A] : memref<5760x128xf32, #tpu.memory_space<vmem_shared>> -> memref<24x128xf32, #tpu.memory_space<vmem_shared>>
      %dma_wait3A_372 = arith.constant 0 : i32
      %dma_wait3A_373 = tpu.memref_slice %arg10[%add3A_68, %dma_wait3A_372] : memref<5760x128xf32, #tpu.memory_space<vmem_shared>> -> memref<24x128xf32, #tpu.memory_space<vmem_shared>>
      tpu.wait_dma2 semaphore(%run_scoped3A : memref<!tpu.dma_semaphore, #tpu.memory_space<semaphore_mem>>) src(%arg9 : memref<24x128xf32, #tpu.memory_space<vmem>>) dst(%dma_wait3A_373 : memref<24x128xf32, #tpu.memory_space<vmem_shared>>)
      tpu.yield
    }) : () -> ()
    %scan3A_69 = arith.constant 0 : i32
    %scan3A_70 = arith.constant 0 : i32
    %scan3A_71 = arith.constant 1250 : i32
    %scan3A_72 = arith.addi %scan3A_70, %scan3A_71 : i32
    %scan3A_73 = arith.constant 1 : i32
    %scan3A_74 = scf.for %scan3A_367 = %scan3A_70 to %scan3A_72 step %scan3A_73 iter_args(%scan3A_368 = %scan3A_69) -> (i32)  : i32 {
      %mul3A_369 = arith.constant 16 : i32
      %mul3A_370 = arith.muli %scan3A_367, %mul3A_369 : i32
      %get3A_371 = arith.index_cast %mul3A_370 : i32 to index
      %get3A_372 = tpu.vector_load %arg6[%get3A_371] {strides = array<i32>} : memref<20224xi32, #tpu.memory_space<vmem>>, vector<16xi32>,
      %mul3A_373 = arith.constant 16 : i32
      %mul3A_374 = arith.muli %scan3A_367, %mul3A_373 : i32
      %get3A_375 = arith.index_cast %mul3A_374 : i32 to index
      %get3A_376 = tpu.vector_load %arg7[%get3A_375] {strides = array<i32>} : memref<20224xi32, #tpu.memory_space<vmem>>, vector<16xi32>,
      %sub3A_377 = vector.broadcast %mul3A_0 : i32 to vector<16xi32>
      %sub3A_378 = arith.subi %get3A_376, %sub3A_377 : vector<16xi32>
      %ge3A_379 = arith.constant 0 : i32
      %ge3A_380 = vector.broadcast %ge3A_379 : i32 to vector<16xi32>
      %ge3A_381 = arith.cmpi sge, %sub3A_378, %ge3A_380 : vector<16xi32>
      %lt3A_382 = arith.constant 5120 : i32
      %lt3A_383 = vector.broadcast %lt3A_382 : i32 to vector<16xi32>
      %lt3A_384 = arith.cmpi slt, %sub3A_378, %lt3A_383 : vector<16xi32>
      %and3A_385 = arith.andi %ge3A_381, %lt3A_384 : vector<16xi1>
      %swap3A_386 = arith.index_cast %scan3A_368 : i32 to index
      %swap3A_387 = tpu.vector_load %arg6[%swap3A_386] masked %and3A_385 {strides = array<i32>} : memref<20224xi32, #tpu.memory_space<vmem>>, vector<16xi32>, vector<16xi1>
      tpu.vector_store %arg6[%swap3A_386], %get3A_372 masked %and3A_385 {strides = array<i32>} : memref<20224xi32, #tpu.memory_space<vmem>>, vector<16xi32>, vector<16xi1>
      %swap3A_388 = arith.index_cast %scan3A_368 : i32 to index
      %swap3A_389 = tpu.vector_load %arg7[%swap3A_388] masked %and3A_385 {strides = array<i32>} : memref<20224xi32, #tpu.memory_space<vmem>>, vector<16xi32>, vector<16xi1>
      tpu.vector_store %arg7[%swap3A_388], %sub3A_378 masked %and3A_385 {strides = array<i32>} : memref<20224xi32, #tpu.memory_space<vmem>>, vector<16xi32>, vector<16xi1>
      %convert_element_type3A = arith.extui %and3A_385 : vector<16xi1> to vector<16xi32>
      %reduce_sum3A = arith.constant true
      %reduce_sum3A_390 = vector.broadcast %reduce_sum3A : i1 to vector<16xi1>
      %reduce_sum3A_391 = tpu.scan <sum>, %convert_element_type3A masked %reduce_sum3A_390 : vector<16xi32>, vector<16xi1> -> vector<16xi32>
      %reduce_sum3A_392 = vector.extract %reduce_sum3A_391[15] : i32 from vector<16xi32>
      %add3A_393 = arith.addi %scan3A_368, %reduce_sum3A_392 : i32
      scf.yield %add3A_393 : i32
    }
    %scan3A_75 = arith.constant 1250 : i32
    %add3A_76 = arith.constant 127 : i32
    %add3A_77 = arith.addi %scan3A_74, %add3A_76 : i32
    %jit3A = arith.constant 128 : i32
    %div3A = arith.divsi %add3A_77, %jit3A : i32
    %sign3A = arith.constant 0 : i32
    %sign3A_78 = arith.cmpi sgt, %add3A_77, %sign3A : i32
    %sign3A_79 = arith.extui %sign3A_78 : i1 to i32
    %sign3A_80 = arith.constant 0 : i32
    %sign3A_81 = arith.cmpi slt, %add3A_77, %sign3A_80 : i32
    %sign3A_82 = arith.extui %sign3A_81 : i1 to i32
    %sign3A_83 = arith.subi %sign3A_79, %sign3A_82 : i32
    %sign3A_84 = arith.constant 0 : i32
    %sign3A_85 = arith.cmpi sgt, %jit3A, %sign3A_84 : i32
    %sign3A_86 = arith.extui %sign3A_85 : i1 to i32
    %sign3A_87 = arith.constant 0 : i32
    %sign3A_88 = arith.cmpi slt, %jit3A, %sign3A_87 : i32
    %sign3A_89 = arith.extui %sign3A_88 : i1 to i32
    %sign3A_90 = arith.subi %sign3A_86, %sign3A_89 : i32
    %ne3A = arith.cmpi ne, %sign3A_83, %sign3A_90 : i32
    %rem3A = arith.remsi %add3A_77, %jit3A : i32
    %ne3A_91 = arith.constant 0 : i32
    %ne3A_92 = arith.cmpi ne, %rem3A, %ne3A_91 : i32
    %and3A = arith.andi %ne3A, %ne3A_92 : i1
    %sub3A = arith.constant 1 : i32
    %sub3A_93 = arith.subi %div3A, %sub3A : i32
    %select_n3A = arith.select %and3A, %sub3A_93, %div3A : i32
    %max3A = arith.constant 1 : i32
    %max3A_94 = arith.maxsi %select_n3A, %max3A : i32
    %mul3A_95 = arith.constant 128 : i32
    %mul3A_96 = arith.muli %max3A_94, %mul3A_95 : i32
    %iota3A = tpu.iota {dimensions = array<i32: 0>} : vector<16xi32>
    %jit3A_97 = arith.constant 16 : i32
    %div3A_98 = arith.divsi %scan3A_74, %jit3A_97 : i32
    %sign3A_99 = arith.constant 0 : i32
    %sign3A_100 = arith.cmpi sgt, %scan3A_74, %sign3A_99 : i32
    %sign3A_101 = arith.extui %sign3A_100 : i1 to i32
    %sign3A_102 = arith.constant 0 : i32
    %sign3A_103 = arith.cmpi slt, %scan3A_74, %sign3A_102 : i32
    %sign3A_104 = arith.extui %sign3A_103 : i1 to i32
    %sign3A_105 = arith.subi %sign3A_101, %sign3A_104 : i32
    %sign3A_106 = arith.constant 0 : i32
    %sign3A_107 = arith.cmpi sgt, %jit3A_97, %sign3A_106 : i32
    %sign3A_108 = arith.extui %sign3A_107 : i1 to i32
    %sign3A_109 = arith.constant 0 : i32
    %sign3A_110 = arith.cmpi slt, %jit3A_97, %sign3A_109 : i32
    %sign3A_111 = arith.extui %sign3A_110 : i1 to i32
    %sign3A_112 = arith.subi %sign3A_108, %sign3A_111 : i32
    %ne3A_113 = arith.cmpi ne, %sign3A_105, %sign3A_112 : i32
    %rem3A_114 = arith.remsi %scan3A_74, %jit3A_97 : i32
    %ne3A_115 = arith.constant 0 : i32
    %ne3A_116 = arith.cmpi ne, %rem3A_114, %ne3A_115 : i32
    %and3A_117 = arith.andi %ne3A_113, %ne3A_116 : i1
    %sub3A_118 = arith.constant 1 : i32
    %sub3A_119 = arith.subi %div3A_98, %sub3A_118 : i32
    %select_n3A_120 = arith.select %and3A_117, %sub3A_119, %div3A_98 : i32
    %mul3A_121 = arith.constant 16 : i32
    %mul3A_122 = arith.muli %select_n3A_120, %mul3A_121 : i32
    %add3A_123 = arith.constant 0 : i32
    %add3A_124 = arith.addi %mul3A_122, %add3A_123 : i32
    %add3A_125 = vector.broadcast %add3A_124 : i32 to vector<16xi32>
    %add3A_126 = arith.addi %add3A_125, %iota3A : vector<16xi32>
    %ge3A = vector.broadcast %scan3A_74 : i32 to vector<16xi32>
    %ge3A_127 = arith.cmpi sge, %add3A_126, %ge3A : vector<16xi32>
    %lt3A = vector.broadcast %mul3A_96 : i32 to vector<16xi32>
    %lt3A_128 = arith.cmpi slt, %add3A_126, %lt3A : vector<16xi32>
    %and3A_129 = arith.andi %ge3A_127, %lt3A_128 : vector<16xi1>
    %mul3A_130 = arith.constant 8 : i32
    %mul3A_131 = vector.broadcast %mul3A_130 : i32 to vector<16xi32>
    %mul3A_132 = arith.muli %iota3A, %mul3A_131 : vector<16xi32>
    %get3A = arith.index_cast %add3A_124 : i32 to index
    %get3A_133 = tpu.vector_load %arg6[%get3A] {strides = array<i32>} : memref<20224xi32, #tpu.memory_space<vmem>>, vector<16xi32>,
    %select_n3A_134 = arith.select %and3A_129, %mul3A_132, %get3A_133 : vector<16xi1>, vector<16xi32>
    %swap3A = arith.index_cast %add3A_124 : i32 to index
    %swap3A_135 = tpu.vector_load %arg6[%swap3A] {strides = array<i32>} : memref<20224xi32, #tpu.memory_space<vmem>>, vector<16xi32>,
    tpu.vector_store %arg6[%swap3A], %select_n3A_134 {strides = array<i32>} : memref<20224xi32, #tpu.memory_space<vmem>>, vector<16xi32>,
    %add3A_136 = arith.constant 5632 : i32
    %add3A_137 = vector.broadcast %add3A_136 : i32 to vector<16xi32>
    %add3A_138 = arith.addi %add3A_137, %iota3A : vector<16xi32>
    %get3A_139 = arith.index_cast %add3A_124 : i32 to index
    %get3A_140 = tpu.vector_load %arg7[%get3A_139] {strides = array<i32>} : memref<20224xi32, #tpu.memory_space<vmem>>, vector<16xi32>,
    %select_n3A_141 = arith.select %and3A_129, %add3A_138, %get3A_140 : vector<16xi1>, vector<16xi32>
    %swap3A_142 = arith.index_cast %add3A_124 : i32 to index
    %swap3A_143 = tpu.vector_load %arg7[%swap3A_142] {strides = array<i32>} : memref<20224xi32, #tpu.memory_space<vmem>>, vector<16xi32>,
    tpu.vector_store %arg7[%swap3A_142], %select_n3A_141 {strides = array<i32>} : memref<20224xi32, #tpu.memory_space<vmem>>, vector<16xi32>,
    %add3A_144 = arith.constant 16 : i32
    %add3A_145 = arith.addi %mul3A_122, %add3A_144 : i32
    %add3A_146 = vector.broadcast %add3A_145 : i32 to vector<16xi32>
    %add3A_147 = arith.addi %add3A_146, %iota3A : vector<16xi32>
    %ge3A_148 = vector.broadcast %scan3A_74 : i32 to vector<16xi32>
    %ge3A_149 = arith.cmpi sge, %add3A_147, %ge3A_148 : vector<16xi32>
    %lt3A_150 = vector.broadcast %mul3A_96 : i32 to vector<16xi32>
    %lt3A_151 = arith.cmpi slt, %add3A_147, %lt3A_150 : vector<16xi32>
    %and3A_152 = arith.andi %ge3A_149, %lt3A_151 : vector<16xi1>
    %mul3A_153 = arith.constant 8 : i32
    %mul3A_154 = vector.broadcast %mul3A_153 : i32 to vector<16xi32>
    %mul3A_155 = arith.muli %iota3A, %mul3A_154 : vector<16xi32>
    %get3A_156 = arith.index_cast %add3A_145 : i32 to index
    %get3A_157 = tpu.vector_load %arg6[%get3A_156] {strides = array<i32>} : memref<20224xi32, #tpu.memory_space<vmem>>, vector<16xi32>,
    %select_n3A_158 = arith.select %and3A_152, %mul3A_155, %get3A_157 : vector<16xi1>, vector<16xi32>
    %swap3A_159 = arith.index_cast %add3A_145 : i32 to index
    %swap3A_160 = tpu.vector_load %arg6[%swap3A_159] {strides = array<i32>} : memref<20224xi32, #tpu.memory_space<vmem>>, vector<16xi32>,
    tpu.vector_store %arg6[%swap3A_159], %select_n3A_158 {strides = array<i32>} : memref<20224xi32, #tpu.memory_space<vmem>>, vector<16xi32>,
    %add3A_161 = arith.constant 5632 : i32
    %add3A_162 = vector.broadcast %add3A_161 : i32 to vector<16xi32>
    %add3A_163 = arith.addi %add3A_162, %iota3A : vector<16xi32>
    %get3A_164 = arith.index_cast %add3A_145 : i32 to index
    %get3A_165 = tpu.vector_load %arg7[%get3A_164] {strides = array<i32>} : memref<20224xi32, #tpu.memory_space<vmem>>, vector<16xi32>,
    %select_n3A_166 = arith.select %and3A_152, %add3A_163, %get3A_165 : vector<16xi1>, vector<16xi32>
    %swap3A_167 = arith.index_cast %add3A_145 : i32 to index
    %swap3A_168 = tpu.vector_load %arg7[%swap3A_167] {strides = array<i32>} : memref<20224xi32, #tpu.memory_space<vmem>>, vector<16xi32>,
    tpu.vector_store %arg7[%swap3A_167], %select_n3A_166 {strides = array<i32>} : memref<20224xi32, #tpu.memory_space<vmem>>, vector<16xi32>,
    %add3A_169 = arith.constant 32 : i32
    %add3A_170 = arith.addi %mul3A_122, %add3A_169 : i32
    %add3A_171 = vector.broadcast %add3A_170 : i32 to vector<16xi32>
    %add3A_172 = arith.addi %add3A_171, %iota3A : vector<16xi32>
    %ge3A_173 = vector.broadcast %scan3A_74 : i32 to vector<16xi32>
    %ge3A_174 = arith.cmpi sge, %add3A_172, %ge3A_173 : vector<16xi32>
    %lt3A_175 = vector.broadcast %mul3A_96 : i32 to vector<16xi32>
    %lt3A_176 = arith.cmpi slt, %add3A_172, %lt3A_175 : vector<16xi32>
    %and3A_177 = arith.andi %ge3A_174, %lt3A_176 : vector<16xi1>
    %mul3A_178 = arith.constant 8 : i32
    %mul3A_179 = vector.broadcast %mul3A_178 : i32 to vector<16xi32>
    %mul3A_180 = arith.muli %iota3A, %mul3A_179 : vector<16xi32>
    %get3A_181 = arith.index_cast %add3A_170 : i32 to index
    %get3A_182 = tpu.vector_load %arg6[%get3A_181] {strides = array<i32>} : memref<20224xi32, #tpu.memory_space<vmem>>, vector<16xi32>,
    %select_n3A_183 = arith.select %and3A_177, %mul3A_180, %get3A_182 : vector<16xi1>, vector<16xi32>
    %swap3A_184 = arith.index_cast %add3A_170 : i32 to index
    %swap3A_185 = tpu.vector_load %arg6[%swap3A_184] {strides = array<i32>} : memref<20224xi32, #tpu.memory_space<vmem>>, vector<16xi32>,
    tpu.vector_store %arg6[%swap3A_184], %select_n3A_183 {strides = array<i32>} : memref<20224xi32, #tpu.memory_space<vmem>>, vector<16xi32>,
    %add3A_186 = arith.constant 5632 : i32
    %add3A_187 = vector.broadcast %add3A_186 : i32 to vector<16xi32>
    %add3A_188 = arith.addi %add3A_187, %iota3A : vector<16xi32>
    %get3A_189 = arith.index_cast %add3A_170 : i32 to index
    %get3A_190 = tpu.vector_load %arg7[%get3A_189] {strides = array<i32>} : memref<20224xi32, #tpu.memory_space<vmem>>, vector<16xi32>,
    %select_n3A_191 = arith.select %and3A_177, %add3A_188, %get3A_190 : vector<16xi1>, vector<16xi32>
    %swap3A_192 = arith.index_cast %add3A_170 : i32 to index
    %swap3A_193 = tpu.vector_load %arg7[%swap3A_192] {strides = array<i32>} : memref<20224xi32, #tpu.memory_space<vmem>>, vector<16xi32>,
    tpu.vector_store %arg7[%swap3A_192], %select_n3A_191 {strides = array<i32>} : memref<20224xi32, #tpu.memory_space<vmem>>, vector<16xi32>,
    %add3A_194 = arith.constant 48 : i32
    %add3A_195 = arith.addi %mul3A_122, %add3A_194 : i32
    %add3A_196 = vector.broadcast %add3A_195 : i32 to vector<16xi32>
    %add3A_197 = arith.addi %add3A_196, %iota3A : vector<16xi32>
    %ge3A_198 = vector.broadcast %scan3A_74 : i32 to vector<16xi32>
    %ge3A_199 = arith.cmpi sge, %add3A_197, %ge3A_198 : vector<16xi32>
    %lt3A_200 = vector.broadcast %mul3A_96 : i32 to vector<16xi32>
    %lt3A_201 = arith.cmpi slt, %add3A_197, %lt3A_200 : vector<16xi32>
    %and3A_202 = arith.andi %ge3A_199, %lt3A_201 : vector<16xi1>
    %mul3A_203 = arith.constant 8 : i32
    %mul3A_204 = vector.broadcast %mul3A_203 : i32 to vector<16xi32>
    %mul3A_205 = arith.muli %iota3A, %mul3A_204 : vector<16xi32>
    %get3A_206 = arith.index_cast %add3A_195 : i32 to index
    %get3A_207 = tpu.vector_load %arg6[%get3A_206] {strides = array<i32>} : memref<20224xi32, #tpu.memory_space<vmem>>, vector<16xi32>,
    %select_n3A_208 = arith.select %and3A_202, %mul3A_205, %get3A_207 : vector<16xi1>, vector<16xi32>
    %swap3A_209 = arith.index_cast %add3A_195 : i32 to index
    %swap3A_210 = tpu.vector_load %arg6[%swap3A_209] {strides = array<i32>} : memref<20224xi32, #tpu.memory_space<vmem>>, vector<16xi32>,
    tpu.vector_store %arg6[%swap3A_209], %select_n3A_208 {strides = array<i32>} : memref<20224xi32, #tpu.memory_space<vmem>>, vector<16xi32>,
    %add3A_211 = arith.constant 5632 : i32
    %add3A_212 = vector.broadcast %add3A_211 : i32 to vector<16xi32>
    %add3A_213 = arith.addi %add3A_212, %iota3A : vector<16xi32>
    %get3A_214 = arith.index_cast %add3A_195 : i32 to index
    %get3A_215 = tpu.vector_load %arg7[%get3A_214] {strides = array<i32>} : memref<20224xi32, #tpu.memory_space<vmem>>, vector<16xi32>,
    %select_n3A_216 = arith.select %and3A_202, %add3A_213, %get3A_215 : vector<16xi1>, vector<16xi32>
    %swap3A_217 = arith.index_cast %add3A_195 : i32 to index
    %swap3A_218 = tpu.vector_load %arg7[%swap3A_217] {strides = array<i32>} : memref<20224xi32, #tpu.memory_space<vmem>>, vector<16xi32>,
    tpu.vector_store %arg7[%swap3A_217], %select_n3A_216 {strides = array<i32>} : memref<20224xi32, #tpu.memory_space<vmem>>, vector<16xi32>,
    %add3A_219 = arith.constant 64 : i32
    %add3A_220 = arith.addi %mul3A_122, %add3A_219 : i32
    %add3A_221 = vector.broadcast %add3A_220 : i32 to vector<16xi32>
    %add3A_222 = arith.addi %add3A_221, %iota3A : vector<16xi32>
    %ge3A_223 = vector.broadcast %scan3A_74 : i32 to vector<16xi32>
    %ge3A_224 = arith.cmpi sge, %add3A_222, %ge3A_223 : vector<16xi32>
    %lt3A_225 = vector.broadcast %mul3A_96 : i32 to vector<16xi32>
    %lt3A_226 = arith.cmpi slt, %add3A_222, %lt3A_225 : vector<16xi32>
    %and3A_227 = arith.andi %ge3A_224, %lt3A_226 : vector<16xi1>
    %mul3A_228 = arith.constant 8 : i32
    %mul3A_229 = vector.broadcast %mul3A_228 : i32 to vector<16xi32>
    %mul3A_230 = arith.muli %iota3A, %mul3A_229 : vector<16xi32>
    %get3A_231 = arith.index_cast %add3A_220 : i32 to index
    %get3A_232 = tpu.vector_load %arg6[%get3A_231] {strides = array<i32>} : memref<20224xi32, #tpu.memory_space<vmem>>, vector<16xi32>,
    %select_n3A_233 = arith.select %and3A_227, %mul3A_230, %get3A_232 : vector<16xi1>, vector<16xi32>
    %swap3A_234 = arith.index_cast %add3A_220 : i32 to index
    %swap3A_235 = tpu.vector_load %arg6[%swap3A_234] {strides = array<i32>} : memref<20224xi32, #tpu.memory_space<vmem>>, vector<16xi32>,
    tpu.vector_store %arg6[%swap3A_234], %select_n3A_233 {strides = array<i32>} : memref<20224xi32, #tpu.memory_space<vmem>>, vector<16xi32>,
    %add3A_236 = arith.constant 5632 : i32
    %add3A_237 = vector.broadcast %add3A_236 : i32 to vector<16xi32>
    %add3A_238 = arith.addi %add3A_237, %iota3A : vector<16xi32>
    %get3A_239 = arith.index_cast %add3A_220 : i32 to index
    %get3A_240 = tpu.vector_load %arg7[%get3A_239] {strides = array<i32>} : memref<20224xi32, #tpu.memory_space<vmem>>, vector<16xi32>,
    %select_n3A_241 = arith.select %and3A_227, %add3A_238, %get3A_240 : vector<16xi1>, vector<16xi32>
    %swap3A_242 = arith.index_cast %add3A_220 : i32 to index
    %swap3A_243 = tpu.vector_load %arg7[%swap3A_242] {strides = array<i32>} : memref<20224xi32, #tpu.memory_space<vmem>>, vector<16xi32>,
    tpu.vector_store %arg7[%swap3A_242], %select_n3A_241 {strides = array<i32>} : memref<20224xi32, #tpu.memory_space<vmem>>, vector<16xi32>,
    %add3A_244 = arith.constant 80 : i32
    %add3A_245 = arith.addi %mul3A_122, %add3A_244 : i32
    %add3A_246 = vector.broadcast %add3A_245 : i32 to vector<16xi32>
    %add3A_247 = arith.addi %add3A_246, %iota3A : vector<16xi32>
    %ge3A_248 = vector.broadcast %scan3A_74 : i32 to vector<16xi32>
    %ge3A_249 = arith.cmpi sge, %add3A_247, %ge3A_248 : vector<16xi32>
    %lt3A_250 = vector.broadcast %mul3A_96 : i32 to vector<16xi32>
    %lt3A_251 = arith.cmpi slt, %add3A_247, %lt3A_250 : vector<16xi32>
    %and3A_252 = arith.andi %ge3A_249, %lt3A_251 : vector<16xi1>
    %mul3A_253 = arith.constant 8 : i32
    %mul3A_254 = vector.broadcast %mul3A_253 : i32 to vector<16xi32>
    %mul3A_255 = arith.muli %iota3A, %mul3A_254 : vector<16xi32>
    %get3A_256 = arith.index_cast %add3A_245 : i32 to index
    %get3A_257 = tpu.vector_load %arg6[%get3A_256] {strides = array<i32>} : memref<20224xi32, #tpu.memory_space<vmem>>, vector<16xi32>,
    %select_n3A_258 = arith.select %and3A_252, %mul3A_255, %get3A_257 : vector<16xi1>, vector<16xi32>
    %swap3A_259 = arith.index_cast %add3A_245 : i32 to index
    %swap3A_260 = tpu.vector_load %arg6[%swap3A_259] {strides = array<i32>} : memref<20224xi32, #tpu.memory_space<vmem>>, vector<16xi32>,
    tpu.vector_store %arg6[%swap3A_259], %select_n3A_258 {strides = array<i32>} : memref<20224xi32, #tpu.memory_space<vmem>>, vector<16xi32>,
    %add3A_261 = arith.constant 5632 : i32
    %add3A_262 = vector.broadcast %add3A_261 : i32 to vector<16xi32>
    %add3A_263 = arith.addi %add3A_262, %iota3A : vector<16xi32>
    %get3A_264 = arith.index_cast %add3A_245 : i32 to index
    %get3A_265 = tpu.vector_load %arg7[%get3A_264] {strides = array<i32>} : memref<20224xi32, #tpu.memory_space<vmem>>, vector<16xi32>,
    %select_n3A_266 = arith.select %and3A_252, %add3A_263, %get3A_265 : vector<16xi1>, vector<16xi32>
    %swap3A_267 = arith.index_cast %add3A_245 : i32 to index
    %swap3A_268 = tpu.vector_load %arg7[%swap3A_267] {strides = array<i32>} : memref<20224xi32, #tpu.memory_space<vmem>>, vector<16xi32>,
    tpu.vector_store %arg7[%swap3A_267], %select_n3A_266 {strides = array<i32>} : memref<20224xi32, #tpu.memory_space<vmem>>, vector<16xi32>,
    %add3A_269 = arith.constant 96 : i32
    %add3A_270 = arith.addi %mul3A_122, %add3A_269 : i32
    %add3A_271 = vector.broadcast %add3A_270 : i32 to vector<16xi32>
    %add3A_272 = arith.addi %add3A_271, %iota3A : vector<16xi32>
    %ge3A_273 = vector.broadcast %scan3A_74 : i32 to vector<16xi32>
    %ge3A_274 = arith.cmpi sge, %add3A_272, %ge3A_273 : vector<16xi32>
    %lt3A_275 = vector.broadcast %mul3A_96 : i32 to vector<16xi32>
    %lt3A_276 = arith.cmpi slt, %add3A_272, %lt3A_275 : vector<16xi32>
    %and3A_277 = arith.andi %ge3A_274, %lt3A_276 : vector<16xi1>
    %mul3A_278 = arith.constant 8 : i32
    %mul3A_279 = vector.broadcast %mul3A_278 : i32 to vector<16xi32>
    %mul3A_280 = arith.muli %iota3A, %mul3A_279 : vector<16xi32>
    %get3A_281 = arith.index_cast %add3A_270 : i32 to index
    %get3A_282 = tpu.vector_load %arg6[%get3A_281] {strides = array<i32>} : memref<20224xi32, #tpu.memory_space<vmem>>, vector<16xi32>,
    %select_n3A_283 = arith.select %and3A_277, %mul3A_280, %get3A_282 : vector<16xi1>, vector<16xi32>
    %swap3A_284 = arith.index_cast %add3A_270 : i32 to index
    %swap3A_285 = tpu.vector_load %arg6[%swap3A_284] {strides = array<i32>} : memref<20224xi32, #tpu.memory_space<vmem>>, vector<16xi32>,
    tpu.vector_store %arg6[%swap3A_284], %select_n3A_283 {strides = array<i32>} : memref<20224xi32, #tpu.memory_space<vmem>>, vector<16xi32>,
    %add3A_286 = arith.constant 5632 : i32
    %add3A_287 = vector.broadcast %add3A_286 : i32 to vector<16xi32>
    %add3A_288 = arith.addi %add3A_287, %iota3A : vector<16xi32>
    %get3A_289 = arith.index_cast %add3A_270 : i32 to index
    %get3A_290 = tpu.vector_load %arg7[%get3A_289] {strides = array<i32>} : memref<20224xi32, #tpu.memory_space<vmem>>, vector<16xi32>,
    %select_n3A_291 = arith.select %and3A_277, %add3A_288, %get3A_290 : vector<16xi1>, vector<16xi32>
    %swap3A_292 = arith.index_cast %add3A_270 : i32 to index
    %swap3A_293 = tpu.vector_load %arg7[%swap3A_292] {strides = array<i32>} : memref<20224xi32, #tpu.memory_space<vmem>>, vector<16xi32>,
    tpu.vector_store %arg7[%swap3A_292], %select_n3A_291 {strides = array<i32>} : memref<20224xi32, #tpu.memory_space<vmem>>, vector<16xi32>,
    %add3A_294 = arith.constant 112 : i32
    %add3A_295 = arith.addi %mul3A_122, %add3A_294 : i32
    %add3A_296 = vector.broadcast %add3A_295 : i32 to vector<16xi32>
    %add3A_297 = arith.addi %add3A_296, %iota3A : vector<16xi32>
    %ge3A_298 = vector.broadcast %scan3A_74 : i32 to vector<16xi32>
    %ge3A_299 = arith.cmpi sge, %add3A_297, %ge3A_298 : vector<16xi32>
    %lt3A_300 = vector.broadcast %mul3A_96 : i32 to vector<16xi32>
    %lt3A_301 = arith.cmpi slt, %add3A_297, %lt3A_300 : vector<16xi32>
    %and3A_302 = arith.andi %ge3A_299, %lt3A_301 : vector<16xi1>
    %mul3A_303 = arith.constant 8 : i32
    %mul3A_304 = vector.broadcast %mul3A_303 : i32 to vector<16xi32>
    %mul3A_305 = arith.muli %iota3A, %mul3A_304 : vector<16xi32>
    %get3A_306 = arith.index_cast %add3A_295 : i32 to index
    %get3A_307 = tpu.vector_load %arg6[%get3A_306] {strides = array<i32>} : memref<20224xi32, #tpu.memory_space<vmem>>, vector<16xi32>,
    %select_n3A_308 = arith.select %and3A_302, %mul3A_305, %get3A_307 : vector<16xi1>, vector<16xi32>
    %swap3A_309 = arith.index_cast %add3A_295 : i32 to index
    %swap3A_310 = tpu.vector_load %arg6[%swap3A_309] {strides = array<i32>} : memref<20224xi32, #tpu.memory_space<vmem>>, vector<16xi32>,
    tpu.vector_store %arg6[%swap3A_309], %select_n3A_308 {strides = array<i32>} : memref<20224xi32, #tpu.memory_space<vmem>>, vector<16xi32>,
    %add3A_311 = arith.constant 5632 : i32
    %add3A_312 = vector.broadcast %add3A_311 : i32 to vector<16xi32>
    %add3A_313 = arith.addi %add3A_312, %iota3A : vector<16xi32>
    %get3A_314 = arith.index_cast %add3A_295 : i32 to index
    %get3A_315 = tpu.vector_load %arg7[%get3A_314] {strides = array<i32>} : memref<20224xi32, #tpu.memory_space<vmem>>, vector<16xi32>,
    %select_n3A_316 = arith.select %and3A_302, %add3A_313, %get3A_315 : vector<16xi1>, vector<16xi32>
    %swap3A_317 = arith.index_cast %add3A_295 : i32 to index
    %swap3A_318 = tpu.vector_load %arg7[%swap3A_317] {strides = array<i32>} : memref<20224xi32, #tpu.memory_space<vmem>>, vector<16xi32>,
    tpu.vector_store %arg7[%swap3A_317], %select_n3A_316 {strides = array<i32>} : memref<20224xi32, #tpu.memory_space<vmem>>, vector<16xi32>,
    %add3A_319 = arith.constant 128 : i32
    %add3A_320 = arith.addi %mul3A_122, %add3A_319 : i32
    %add3A_321 = vector.broadcast %add3A_320 : i32 to vector<16xi32>
    %add3A_322 = arith.addi %add3A_321, %iota3A : vector<16xi32>
    %ge3A_323 = vector.broadcast %scan3A_74 : i32 to vector<16xi32>
    %ge3A_324 = arith.cmpi sge, %add3A_322, %ge3A_323 : vector<16xi32>
    %lt3A_325 = vector.broadcast %mul3A_96 : i32 to vector<16xi32>
    %lt3A_326 = arith.cmpi slt, %add3A_322, %lt3A_325 : vector<16xi32>
    %and3A_327 = arith.andi %ge3A_324, %lt3A_326 : vector<16xi1>
    %mul3A_328 = arith.constant 8 : i32
    %mul3A_329 = vector.broadcast %mul3A_328 : i32 to vector<16xi32>
    %mul3A_330 = arith.muli %iota3A, %mul3A_329 : vector<16xi32>
    %get3A_331 = arith.index_cast %add3A_320 : i32 to index
    %get3A_332 = tpu.vector_load %arg6[%get3A_331] {strides = array<i32>} : memref<20224xi32, #tpu.memory_space<vmem>>, vector<16xi32>,
    %select_n3A_333 = arith.select %and3A_327, %mul3A_330, %get3A_332 : vector<16xi1>, vector<16xi32>
    %swap3A_334 = arith.index_cast %add3A_320 : i32 to index
    %swap3A_335 = tpu.vector_load %arg6[%swap3A_334] {strides = array<i32>} : memref<20224xi32, #tpu.memory_space<vmem>>, vector<16xi32>,
    tpu.vector_store %arg6[%swap3A_334], %select_n3A_333 {strides = array<i32>} : memref<20224xi32, #tpu.memory_space<vmem>>, vector<16xi32>,
    %add3A_336 = arith.constant 5632 : i32
    %add3A_337 = vector.broadcast %add3A_336 : i32 to vector<16xi32>
    %add3A_338 = arith.addi %add3A_337, %iota3A : vector<16xi32>
    %get3A_339 = arith.index_cast %add3A_320 : i32 to index
    %get3A_340 = tpu.vector_load %arg7[%get3A_339] {strides = array<i32>} : memref<20224xi32, #tpu.memory_space<vmem>>, vector<16xi32>,
    %select_n3A_341 = arith.select %and3A_327, %add3A_338, %get3A_340 : vector<16xi1>, vector<16xi32>
    %swap3A_342 = arith.index_cast %add3A_320 : i32 to index
    %swap3A_343 = tpu.vector_load %arg7[%swap3A_342] {strides = array<i32>} : memref<20224xi32, #tpu.memory_space<vmem>>, vector<16xi32>,
    tpu.vector_store %arg7[%swap3A_342], %select_n3A_341 {strides = array<i32>} : memref<20224xi32, #tpu.memory_space<vmem>>, vector<16xi32>,
    %barrier3A = arith.constant 0 : index
    tpu.barrier barrier_id(%barrier3A)
    %dma_start3A = arith.constant 0 : i32
    %dma_start3A_344 = arith.constant 0 : i32
    %dma_start3A_345 = arith.constant 0 : i32
    %dma_start3A_346 = tpu.memref_slice %arg8[%dma_start3A, %dma_start3A_344, %dma_start3A_345] : memref<2x128x128xf32, #tpu.memory_space<vmem>> -> memref<1x128x128xf32, #tpu.memory_space<vmem>>
    %dma_start3A_347 = tpu.memref_squeeze %dma_start3A_346 : memref<1x128x128xf32, #tpu.memory_space<vmem>> -> memref<128x128xf32, #tpu.memory_space<vmem>>
    %dma_start3A_348 = arith.constant 0 : i32
    %dma_start3A_349 = tpu.memref_slice %arg6[%dma_start3A_348] : memref<20224xi32, #tpu.memory_space<vmem>> -> memref<128xi32, #tpu.memory_space<vmem>>
    %dma_start3A_350 = arith.constant 0 : i32
    %dma_start3A_351 = arith.constant 0 : i32
    %dma_start3A_352 = tpu.memref_slice %arg2[%dma_start3A_350, %dma_start3A_351] : memref<10240x128xf32, #tpu.memory_space<hbm>> -> memref<10240x128xf32, #tpu.memory_space<hbm>>
    tpu.enqueue_indirect_dma source(%dma_start3A_352 : memref<10240x128xf32, #tpu.memory_space<hbm>>) target(%dma_start3A_347 : memref<128x128xf32, #tpu.memory_space<vmem>>) offsets(%dma_start3A_349 : memref<128xi32, #tpu.memory_space<vmem>>) semaphore(%arg11 : memref<!tpu.dma_semaphore, #tpu.memory_space<semaphore_mem>>)
    %while3A = arith.constant 0 : i32
    %while3A_353 = arith.constant 0 : i32
    %while3A_354 = arith.subi %max3A_94, %while3A_353 : i32
    %while3A_355 = arith.addi %while3A_353, %while3A_354 : i32
    %while3A_356 = arith.constant 1 : i32
    %while3A_357 = arith.divsi %while3A_354, %while3A_356 : i32
    %while3A_358 = arith.muli %while3A_357, %while3A_356 : i32
    %while3A_359 = arith.addi %while3A_353, %while3A_358 : i32
    %while3A_360 = arith.constant 1 : i32
    scf.for %while3A_367 = %while3A_353 to %while3A_359 step %while3A_360  : i32 {
      %rem3A_368 = arith.constant 2 : i32
      %rem3A_369 = arith.remsi %while3A_367, %rem3A_368 : i32
      %add3A_370 = arith.constant 1 : i32
      %add3A_371 = arith.addi %while3A_367, %add3A_370 : i32
      %rem3A_372 = arith.constant 2 : i32
      %rem3A_373 = arith.remsi %add3A_371, %rem3A_372 : i32
      %add3A_374 = arith.constant 1 : i32
      %add3A_375 = arith.addi %while3A_367, %add3A_374 : i32
      %lt3A_376 = arith.cmpi slt, %add3A_375, %max3A_94 : i32
      %convert_element_type3A = arith.extui %lt3A_376 : i1 to i32
      %cond3A = arith.constant 0 : i32
      %cond3A_377 = arith.cmpi ne, %convert_element_type3A, %cond3A : i32
      scf.if %cond3A_377 {
        %add3A_389 = arith.constant 1 : i32
        %add3A_390 = arith.addi %while3A_367, %add3A_389 : i32
        %mul3A_391 = arith.constant 128 : i32
        %mul3A_392 = arith.muli %add3A_390, %mul3A_391 : i32
        %dma_start3A_393 = arith.constant 0 : i32
        %dma_start3A_394 = arith.constant 0 : i32
        %dma_start3A_395 = tpu.memref_slice %arg8[%rem3A_373, %dma_start3A_393, %dma_start3A_394] : memref<2x128x128xf32, #tpu.memory_space<vmem>> -> memref<1x128x128xf32, #tpu.memory_space<vmem>>
        %dma_start3A_396 = tpu.memref_squeeze %dma_start3A_395 : memref<1x128x128xf32, #tpu.memory_space<vmem>> -> memref<128x128xf32, #tpu.memory_space<vmem>>
        %dma_start3A_397 = tpu.memref_slice %arg6[%mul3A_392] : memref<20224xi32, #tpu.memory_space<vmem>> -> memref<128xi32, #tpu.memory_space<vmem>>
        %dma_start3A_398 = arith.constant 0 : i32
        %dma_start3A_399 = arith.constant 0 : i32
        %dma_start3A_400 = tpu.memref_slice %arg2[%dma_start3A_398, %dma_start3A_399] : memref<10240x128xf32, #tpu.memory_space<hbm>> -> memref<10240x128xf32, #tpu.memory_space<hbm>>
        tpu.enqueue_indirect_dma source(%dma_start3A_400 : memref<10240x128xf32, #tpu.memory_space<hbm>>) target(%dma_start3A_396 : memref<128x128xf32, #tpu.memory_space<vmem>>) offsets(%dma_start3A_397 : memref<128xi32, #tpu.memory_space<vmem>>) semaphore(%arg11 : memref<!tpu.dma_semaphore, #tpu.memory_space<semaphore_mem>>)
      } else {
      }
      %mul3A_378 = arith.constant 128 : i32
      %mul3A_379 = arith.muli %while3A_367, %mul3A_378 : i32
      %dma_wait3A = arith.constant 0 : i32
      %dma_wait3A_380 = arith.constant 0 : i32
      %dma_wait3A_381 = tpu.memref_slice %arg8[%rem3A_369, %dma_wait3A, %dma_wait3A_380] : memref<2x128x128xf32, #tpu.memory_space<vmem>> -> memref<1x128x128xf32, #tpu.memory_space<vmem>>
      %dma_wait3A_382 = tpu.memref_squeeze %dma_wait3A_381 : memref<1x128x128xf32, #tpu.memory_space<vmem>> -> memref<128x128xf32, #tpu.memory_space<vmem>>
      %dma_wait3A_383 = tpu.memref_slice %arg6[%mul3A_379] : memref<20224xi32, #tpu.memory_space<vmem>> -> memref<128xi32, #tpu.memory_space<vmem>>
      %dma_wait3A_384 = arith.constant 0 : i32
      %dma_wait3A_385 = arith.constant 0 : i32
      %dma_wait3A_386 = tpu.memref_slice %arg2[%dma_wait3A_384, %dma_wait3A_385] : memref<10240x128xf32, #tpu.memory_space<hbm>> -> memref<10240x128xf32, #tpu.memory_space<hbm>>
      tpu.wait_indirect_dma semaphore(%arg11 : memref<!tpu.dma_semaphore, #tpu.memory_space<semaphore_mem>>) src(%dma_wait3A_386 : memref<10240x128xf32, #tpu.memory_space<hbm>>) dst(%dma_wait3A_382 : memref<128x128xf32, #tpu.memory_space<vmem>>)
      %mul3A_387 = arith.constant 128 : i32
      %mul3A_388 = arith.muli %while3A_367, %mul3A_387 : i32
      "tpu.region"() ({
        %run_scoped3A = tpu.sem_alloc : memref<!tpu.dma_semaphore, #tpu.memory_space<semaphore_mem>>
        %dma_start3A_389 = arith.constant 0 : i32
        %dma_start3A_390 = arith.constant 0 : i32
        %dma_start3A_391 = tpu.memref_slice %arg8[%rem3A_369, %dma_start3A_389, %dma_start3A_390] : memref<2x128x128xf32, #tpu.memory_space<vmem>> -> memref<1x128x128xf32, #tpu.memory_space<vmem>>
        %dma_start3A_392 = tpu.memref_squeeze %dma_start3A_391 : memref<1x128x128xf32, #tpu.memory_space<vmem>> -> memref<128x128xf32, #tpu.memory_space<vmem>>
        %dma_start3A_393 = tpu.memref_slice %arg7[%mul3A_388] : memref<20224xi32, #tpu.memory_space<vmem>> -> memref<128xi32, #tpu.memory_space<vmem>>
        %dma_start3A_394 = arith.constant 0 : i32
        %dma_start3A_395 = arith.constant 0 : i32
        %dma_start3A_396 = tpu.memref_slice %arg10[%dma_start3A_394, %dma_start3A_395] : memref<5760x128xf32, #tpu.memory_space<vmem_shared>> -> memref<5760x128xf32, #tpu.memory_space<vmem_shared>>
        tpu.enqueue_indirect_dma source(%dma_start3A_392 : memref<128x128xf32, #tpu.memory_space<vmem>>) target(%dma_start3A_396 : memref<5760x128xf32, #tpu.memory_space<vmem_shared>>) offsets(%dma_start3A_393 : memref<128xi32, #tpu.memory_space<vmem>>) semaphore(%run_scoped3A : memref<!tpu.dma_semaphore, #tpu.memory_space<semaphore_mem>>) {add = true}
        %dma_wait3A_397 = arith.constant 0 : i32
        %dma_wait3A_398 = arith.constant 0 : i32
        %dma_wait3A_399 = tpu.memref_slice %arg8[%rem3A_369, %dma_wait3A_397, %dma_wait3A_398] : memref<2x128x128xf32, #tpu.memory_space<vmem>> -> memref<1x128x128xf32, #tpu.memory_space<vmem>>
        %dma_wait3A_400 = tpu.memref_squeeze %dma_wait3A_399 : memref<1x128x128xf32, #tpu.memory_space<vmem>> -> memref<128x128xf32, #tpu.memory_space<vmem>>
        %dma_wait3A_401 = tpu.memref_slice %arg7[%mul3A_388] : memref<20224xi32, #tpu.memory_space<vmem>> -> memref<128xi32, #tpu.memory_space<vmem>>
        %dma_wait3A_402 = arith.constant 0 : i32
        %dma_wait3A_403 = arith.constant 0 : i32
        %dma_wait3A_404 = tpu.memref_slice %arg10[%dma_wait3A_402, %dma_wait3A_403] : memref<5760x128xf32, #tpu.memory_space<vmem_shared>> -> memref<5760x128xf32, #tpu.memory_space<vmem_shared>>
        tpu.wait_indirect_dma semaphore(%run_scoped3A : memref<!tpu.dma_semaphore, #tpu.memory_space<semaphore_mem>>) src(%dma_wait3A_400 : memref<128x128xf32, #tpu.memory_space<vmem>>) dst(%dma_wait3A_404 : memref<5760x128xf32, #tpu.memory_space<vmem_shared>>)
        tpu.yield
      }) : () -> ()
    }
    %while3A_361 = arith.constant 1 : i32
    scf.for %while3A_367 = %while3A_359 to %while3A_355 step %while3A_361  : i32 {
      %rem3A_368 = arith.constant 2 : i32
      %rem3A_369 = arith.remsi %while3A_367, %rem3A_368 : i32
      %add3A_370 = arith.constant 1 : i32
      %add3A_371 = arith.addi %while3A_367, %add3A_370 : i32
      %rem3A_372 = arith.constant 2 : i32
      %rem3A_373 = arith.remsi %add3A_371, %rem3A_372 : i32
      %add3A_374 = arith.constant 1 : i32
      %add3A_375 = arith.addi %while3A_367, %add3A_374 : i32
      %lt3A_376 = arith.cmpi slt, %add3A_375, %max3A_94 : i32
      %convert_element_type3A = arith.extui %lt3A_376 : i1 to i32
      %cond3A = arith.constant 0 : i32
      %cond3A_377 = arith.cmpi ne, %convert_element_type3A, %cond3A : i32
      scf.if %cond3A_377 {
        %add3A_389 = arith.constant 1 : i32
        %add3A_390 = arith.addi %while3A_367, %add3A_389 : i32
        %mul3A_391 = arith.constant 128 : i32
        %mul3A_392 = arith.muli %add3A_390, %mul3A_391 : i32
        %dma_start3A_393 = arith.constant 0 : i32
        %dma_start3A_394 = arith.constant 0 : i32
        %dma_start3A_395 = tpu.memref_slice %arg8[%rem3A_373, %dma_start3A_393, %dma_start3A_394] : memref<2x128x128xf32, #tpu.memory_space<vmem>> -> memref<1x128x128xf32, #tpu.memory_space<vmem>>
        %dma_start3A_396 = tpu.memref_squeeze %dma_start3A_395 : memref<1x128x128xf32, #tpu.memory_space<vmem>> -> memref<128x128xf32, #tpu.memory_space<vmem>>
        %dma_start3A_397 = tpu.memref_slice %arg6[%mul3A_392] : memref<20224xi32, #tpu.memory_space<vmem>> -> memref<128xi32, #tpu.memory_space<vmem>>
        %dma_start3A_398 = arith.constant 0 : i32
        %dma_start3A_399 = arith.constant 0 : i32
        %dma_start3A_400 = tpu.memref_slice %arg2[%dma_start3A_398, %dma_start3A_399] : memref<10240x128xf32, #tpu.memory_space<hbm>> -> memref<10240x128xf32, #tpu.memory_space<hbm>>
        tpu.enqueue_indirect_dma source(%dma_start3A_400 : memref<10240x128xf32, #tpu.memory_space<hbm>>) target(%dma_start3A_396 : memref<128x128xf32, #tpu.memory_space<vmem>>) offsets(%dma_start3A_397 : memref<128xi32, #tpu.memory_space<vmem>>) semaphore(%arg11 : memref<!tpu.dma_semaphore, #tpu.memory_space<semaphore_mem>>)
      } else {
      }
      %mul3A_378 = arith.constant 128 : i32
      %mul3A_379 = arith.muli %while3A_367, %mul3A_378 : i32
      %dma_wait3A = arith.constant 0 : i32
      %dma_wait3A_380 = arith.constant 0 : i32
      %dma_wait3A_381 = tpu.memref_slice %arg8[%rem3A_369, %dma_wait3A, %dma_wait3A_380] : memref<2x128x128xf32, #tpu.memory_space<vmem>> -> memref<1x128x128xf32, #tpu.memory_space<vmem>>
      %dma_wait3A_382 = tpu.memref_squeeze %dma_wait3A_381 : memref<1x128x128xf32, #tpu.memory_space<vmem>> -> memref<128x128xf32, #tpu.memory_space<vmem>>
      %dma_wait3A_383 = tpu.memref_slice %arg6[%mul3A_379] : memref<20224xi32, #tpu.memory_space<vmem>> -> memref<128xi32, #tpu.memory_space<vmem>>
      %dma_wait3A_384 = arith.constant 0 : i32
      %dma_wait3A_385 = arith.constant 0 : i32
      %dma_wait3A_386 = tpu.memref_slice %arg2[%dma_wait3A_384, %dma_wait3A_385] : memref<10240x128xf32, #tpu.memory_space<hbm>> -> memref<10240x128xf32, #tpu.memory_space<hbm>>
      tpu.wait_indirect_dma semaphore(%arg11 : memref<!tpu.dma_semaphore, #tpu.memory_space<semaphore_mem>>) src(%dma_wait3A_386 : memref<10240x128xf32, #tpu.memory_space<hbm>>) dst(%dma_wait3A_382 : memref<128x128xf32, #tpu.memory_space<vmem>>)
      %mul3A_387 = arith.constant 128 : i32
      %mul3A_388 = arith.muli %while3A_367, %mul3A_387 : i32
      "tpu.region"() ({
        %run_scoped3A = tpu.sem_alloc : memref<!tpu.dma_semaphore, #tpu.memory_space<semaphore_mem>>
        %dma_start3A_389 = arith.constant 0 : i32
        %dma_start3A_390 = arith.constant 0 : i32
        %dma_start3A_391 = tpu.memref_slice %arg8[%rem3A_369, %dma_start3A_389, %dma_start3A_390] : memref<2x128x128xf32, #tpu.memory_space<vmem>> -> memref<1x128x128xf32, #tpu.memory_space<vmem>>
        %dma_start3A_392 = tpu.memref_squeeze %dma_start3A_391 : memref<1x128x128xf32, #tpu.memory_space<vmem>> -> memref<128x128xf32, #tpu.memory_space<vmem>>
        %dma_start3A_393 = tpu.memref_slice %arg7[%mul3A_388] : memref<20224xi32, #tpu.memory_space<vmem>> -> memref<128xi32, #tpu.memory_space<vmem>>
        %dma_start3A_394 = arith.constant 0 : i32
        %dma_start3A_395 = arith.constant 0 : i32
        %dma_start3A_396 = tpu.memref_slice %arg10[%dma_start3A_394, %dma_start3A_395] : memref<5760x128xf32, #tpu.memory_space<vmem_shared>> -> memref<5760x128xf32, #tpu.memory_space<vmem_shared>>
        tpu.enqueue_indirect_dma source(%dma_start3A_392 : memref<128x128xf32, #tpu.memory_space<vmem>>) target(%dma_start3A_396 : memref<5760x128xf32, #tpu.memory_space<vmem_shared>>) offsets(%dma_start3A_393 : memref<128xi32, #tpu.memory_space<vmem>>) semaphore(%run_scoped3A : memref<!tpu.dma_semaphore, #tpu.memory_space<semaphore_mem>>) {add = true}
        %dma_wait3A_397 = arith.constant 0 : i32
        %dma_wait3A_398 = arith.constant 0 : i32
        %dma_wait3A_399 = tpu.memref_slice %arg8[%rem3A_369, %dma_wait3A_397, %dma_wait3A_398] : memref<2x128x128xf32, #tpu.memory_space<vmem>> -> memref<1x128x128xf32, #tpu.memory_space<vmem>>
        %dma_wait3A_400 = tpu.memref_squeeze %dma_wait3A_399 : memref<1x128x128xf32, #tpu.memory_space<vmem>> -> memref<128x128xf32, #tpu.memory_space<vmem>>
        %dma_wait3A_401 = tpu.memref_slice %arg7[%mul3A_388] : memref<20224xi32, #tpu.memory_space<vmem>> -> memref<128xi32, #tpu.memory_space<vmem>>
        %dma_wait3A_402 = arith.constant 0 : i32
        %dma_wait3A_403 = arith.constant 0 : i32
        %dma_wait3A_404 = tpu.memref_slice %arg10[%dma_wait3A_402, %dma_wait3A_403] : memref<5760x128xf32, #tpu.memory_space<vmem_shared>> -> memref<5760x128xf32, #tpu.memory_space<vmem_shared>>
        tpu.wait_indirect_dma semaphore(%run_scoped3A : memref<!tpu.dma_semaphore, #tpu.memory_space<semaphore_mem>>) src(%dma_wait3A_400 : memref<128x128xf32, #tpu.memory_space<vmem>>) dst(%dma_wait3A_404 : memref<5760x128xf32, #tpu.memory_space<vmem_shared>>)
        tpu.yield
      }) : () -> ()
    }
    %barrier3A_362 = arith.constant 0 : index
    tpu.barrier barrier_id(%barrier3A_362)
    %mul3A_363 = arith.constant 360 : i32
    %mul3A_364 = arith.muli %arg1, %mul3A_363 : i32
    %mul3A_365 = arith.constant 360 : i32
    %mul3A_366 = arith.muli %arg1, %mul3A_365 : i32
    "tpu.region"() ({
      %run_scoped3A = tpu.sem_alloc : memref<!tpu.dma_semaphore, #tpu.memory_space<semaphore_mem>>
      %dma_start3A_367 = arith.constant 0 : i32
      %dma_start3A_368 = tpu.memref_slice %arg5[%arg0, %mul3A_366, %dma_start3A_367] : memref<2x5760x128xf32, #tpu.memory_space<hbm>> -> memref<1x360x128xf32, #tpu.memory_space<hbm>>
      %dma_start3A_369 = tpu.memref_squeeze %dma_start3A_368 : memref<1x360x128xf32, #tpu.memory_space<hbm>> -> memref<360x128xf32, #tpu.memory_space<hbm>>
      %dma_start3A_370 = arith.constant 0 : i32
      %dma_start3A_371 = tpu.memref_slice %arg10[%mul3A_364, %dma_start3A_370] : memref<5760x128xf32, #tpu.memory_space<vmem_shared>> -> memref<360x128xf32, #tpu.memory_space<vmem_shared>>
      tpu.enqueue_dma source(%dma_start3A_371 : memref<360x128xf32, #tpu.memory_space<vmem_shared>>) target(%dma_start3A_369 : memref<360x128xf32, #tpu.memory_space<hbm>>) target_semaphore(%run_scoped3A : memref<!tpu.dma_semaphore, #tpu.memory_space<semaphore_mem>>)
      %dma_wait3A = arith.constant 0 : i32
      %dma_wait3A_372 = tpu.memref_slice %arg5[%arg0, %mul3A_366, %dma_wait3A] : memref<2x5760x128xf32, #tpu.memory_space<hbm>> -> memref<1x360x128xf32, #tpu.memory_space<hbm>>
      %dma_wait3A_373 = tpu.memref_squeeze %dma_wait3A_372 : memref<1x360x128xf32, #tpu.memory_space<hbm>> -> memref<360x128xf32, #tpu.memory_space<hbm>>
      %dma_wait3A_374 = arith.constant 0 : i32
      %dma_wait3A_375 = tpu.memref_slice %arg10[%mul3A_364, %dma_wait3A_374] : memref<5760x128xf32, #tpu.memory_space<vmem_shared>> -> memref<360x128xf32, #tpu.memory_space<vmem_shared>>
      tpu.wait_dma2 semaphore(%run_scoped3A : memref<!tpu.dma_semaphore, #tpu.memory_space<semaphore_mem>>) src(%dma_wait3A_375 : memref<360x128xf32, #tpu.memory_space<vmem_shared>>) dst(%dma_wait3A_373 : memref<360x128xf32, #tpu.memory_space<hbm>>)
      tpu.yield
    }) : () -> ()
    return
  }
}

module attributes {stable_mosaic.version = 14 : i64} {
  func.func @_pre_body(%arg0: i32, %arg1: memref<640x32xf32, #tpu.memory_space<vmem>>, %arg2: memref<640x128xf32, #tpu.memory_space<vmem>>, %arg3: memref<128x128xf32, #tpu.memory_space<vmem>>, %arg4: memref<640x128xf32, #tpu.memory_space<vmem>>, %arg5: memref<640x1xf32, #tpu.memory_space<vmem>>) attributes {dimension_semantics = [#tpu.dimension_semantics<arbitrary>], iteration_bounds = array<i64: 16>, scalar_prefetch = 0 : i64, scratch_operands = 0 : i64, tpu.core_type = #tpu.core_type<tc>, window_params = [{transform_indices = @transform_0, window_bounds = array<i64: 640, 32>}, {transform_indices = @transform_1, window_bounds = array<i64: 640, 128>}, {pipeline_mode = #tpu.pipeline_mode<synchronous>, transform_indices = @transform_2, window_bounds = array<i64: 128, 128>}, {transform_indices = @transform_3, window_bounds = array<i64: 640, 128>}, {transform_indices = @transform_4, window_bounds = array<i64: 640, 1>}]} {
    %get3A = arith.constant 0 : index
    %get3A_0 = arith.constant 0 : index
    %get3A_1 = vector.load %arg1[%get3A, %get3A_0] : memref<640x32xf32, #tpu.memory_space<vmem>>, vector<640x32xf32>
    %reduce_sum3A = arith.constant dense<0.000000e+00> : vector<640xf32>
    %reduce_sum3A_2 = vector.multi_reduction <add>, %get3A_1, %reduce_sum3A [1] : vector<640x32xf32> to vector<640xf32>
    %add3A = arith.constant 1.000000e+00 : f32
    %add3A_3 = vector.broadcast %add3A : f32 to vector<640xf32>
    %add3A_4 = arith.addf %reduce_sum3A_2, %add3A_3 : vector<640xf32>
    %rsqrt3A = math.rsqrt %add3A_4 : vector<640xf32>
    %broadcast_in_dim3A = vector.shape_cast %rsqrt3A : vector<640xf32> to vector<640x1xf32>
    %get3A_5 = arith.constant 0 : index
    %get3A_6 = arith.constant 0 : index
    %get3A_7 = vector.load %arg2[%get3A_5, %get3A_6] : memref<640x128xf32, #tpu.memory_space<vmem>>, vector<640x128xf32>
    %get3A_8 = arith.constant 0 : index
    %get3A_9 = arith.constant 0 : index
    %get3A_10 = vector.load %arg3[%get3A_8, %get3A_9] : memref<128x128xf32, #tpu.memory_space<vmem>>, vector<128x128xf32>
    %dot_general3A = arith.constant dense<0.000000e+00> : vector<640x128xf32>
    %dot_general3A_11 = tpu.matmul %get3A_7, %get3A_10, %dot_general3A {dimension_numbers = #tpu.dot_dimension_numbers<[1], [0], [0], [1], [0, 0, 1, 1], [], []>, precision = #tpu.contract_precision<fp32>, transpose_lhs_hint = false} : vector<640x128xf32>, vector<128x128xf32>, vector<640x128xf32> -> vector<640x128xf32>
    %mul3A = vector.broadcast %broadcast_in_dim3A : vector<640x1xf32> to vector<640x128xf32>
    %mul3A_12 = arith.mulf %dot_general3A_11, %mul3A : vector<640x128xf32>
    %swap3A = arith.constant 0 : index
    %swap3A_13 = arith.constant 0 : index
    %swap3A_14 = vector.load %arg4[%swap3A, %swap3A_13] : memref<640x128xf32, #tpu.memory_space<vmem>>, vector<640x128xf32>
    tpu.vector_store %arg4[%swap3A, %swap3A_13], %mul3A_12 {strides = array<i32>} : memref<640x128xf32, #tpu.memory_space<vmem>>, vector<640x128xf32>,
    %swap3A_15 = arith.constant 0 : index
    %swap3A_16 = arith.constant 0 : index
    %swap3A_17 = vector.load %arg5[%swap3A_15, %swap3A_16] : memref<640x1xf32, #tpu.memory_space<vmem>>, vector<640x1xf32>
    tpu.vector_store %arg5[%swap3A_15, %swap3A_16], %broadcast_in_dim3A {strides = array<i32>} : memref<640x1xf32, #tpu.memory_space<vmem>>, vector<640x1xf32>,
    return
  }
  func.func @transform_0(%arg0: i32) -> (i32, i32) {
    %c0_i32 = arith.constant 0 : i32
    %c0_i32_0 = arith.constant 0 : i32
    return %arg0, %c0_i32 : i32, i32
  }
  func.func @transform_1(%arg0: i32) -> (i32, i32) {
    %c0_i32 = arith.constant 0 : i32
    %c0_i32_0 = arith.constant 0 : i32
    return %arg0, %c0_i32 : i32, i32
  }
  func.func @transform_2(%arg0: i32) -> (i32, i32) {
    %c0_i32 = arith.constant 0 : i32
    %c0_i32_0 = arith.constant 0 : i32
    %c0_i32_1 = arith.constant 0 : i32
    return %c0_i32, %c0_i32_0 : i32, i32
  }
  func.func @transform_3(%arg0: i32) -> (i32, i32) {
    %c0_i32 = arith.constant 0 : i32
    %c0_i32_0 = arith.constant 0 : i32
    return %arg0, %c0_i32 : i32, i32
  }
  func.func @transform_4(%arg0: i32) -> (i32, i32) {
    %c0_i32 = arith.constant 0 : i32
    %c0_i32_0 = arith.constant 0 : i32
    return %arg0, %c0_i32 : i32, i32
  }
}

module attributes {stable_mosaic.version = 14 : i64} {
  func.func @_mid_body(%arg0: i32, %arg1: memref<1x640x128xf32, #tpu.memory_space<vmem>>, %arg2: memref<640x128xf32, #tpu.memory_space<vmem>>, %arg3: memref<640x1xf32, #tpu.memory_space<vmem>>, %arg4: memref<640x128xf32, #tpu.memory_space<vmem>>, %arg5: memref<640x128xf32, #tpu.memory_space<vmem>>, %arg6: memref<1x128xf32, #tpu.memory_space<vmem>>, %arg7: memref<128x128xf32, #tpu.memory_space<vmem>>, %arg8: memref<640x128xf32, #tpu.memory_space<vmem>>, %arg9: memref<640x128xf32, #tpu.memory_space<vmem>>, %arg10: memref<640x128xf32, #tpu.memory_space<vmem>>) attributes {dimension_semantics = [#tpu.dimension_semantics<arbitrary>], iteration_bounds = array<i64: 16>, scalar_prefetch = 0 : i64, scratch_operands = 0 : i64, tpu.core_type = #tpu.core_type<tc>, window_params = [{transform_indices = @transform_0, window_bounds = array<i64: 1, 640, 128>}, {transform_indices = @transform_1, window_bounds = array<i64: 640, 128>}, {transform_indices = @transform_2, window_bounds = array<i64: 640, 1>}, {transform_indices = @transform_3, window_bounds = array<i64: 640, 128>}, {transform_indices = @transform_4, window_bounds = array<i64: 640, 128>}, {pipeline_mode = #tpu.pipeline_mode<synchronous>, transform_indices = @transform_5, window_bounds = array<i64: 1, 128>}, {pipeline_mode = #tpu.pipeline_mode<synchronous>, transform_indices = @transform_6, window_bounds = array<i64: 128, 128>}, {transform_indices = @transform_7, window_bounds = array<i64: 640, 128>}, {transform_indices = @transform_8, window_bounds = array<i64: 640, 128>}, {transform_indices = @transform_9, window_bounds = array<i64: 640, 128>}]} {
    %get3A = arith.constant 0 : index
    %get3A_0 = arith.constant 0 : index
    %get3A_1 = vector.load %arg3[%get3A, %get3A_0] : memref<640x1xf32, #tpu.memory_space<vmem>>, vector<640x1xf32>
    %get3A_2 = arith.constant 0 : index
    %get3A_3 = arith.constant 0 : index
    %get3A_4 = arith.constant 0 : index
    %get3A_5 = vector.load %arg1[%get3A_2, %get3A_3, %get3A_4] : memref<1x640x128xf32, #tpu.memory_space<vmem>>, vector<1x640x128xf32>
    %get3A_6 = vector.shape_cast %get3A_5 : vector<1x640x128xf32> to vector<640x128xf32>
    %get3A_7 = arith.constant 0 : index
    %get3A_8 = arith.constant 0 : index
    %get3A_9 = vector.load %arg2[%get3A_7, %get3A_8] : memref<640x128xf32, #tpu.memory_space<vmem>>, vector<640x128xf32>
    %add3A = arith.addf %get3A_6, %get3A_9 : vector<640x128xf32>
    %mul3A = vector.broadcast %get3A_1 : vector<640x1xf32> to vector<640x128xf32>
    %mul3A_10 = arith.mulf %add3A, %mul3A : vector<640x128xf32>
    %get3A_11 = arith.constant 0 : index
    %get3A_12 = arith.constant 0 : index
    %get3A_13 = vector.load %arg6[%get3A_11, %get3A_12] : memref<1x128xf32, #tpu.memory_space<vmem>>, vector<1x128xf32>
    %add3A_14 = vector.broadcast %get3A_13 : vector<1x128xf32> to vector<640x128xf32>
    %add3A_15 = arith.addf %mul3A_10, %add3A_14 : vector<640x128xf32>
    %ge3A = arith.constant 0.000000e+00 : f32
    %ge3A_16 = vector.broadcast %ge3A : f32 to vector<640x128xf32>
    %ge3A_17 = arith.cmpf oge, %add3A_15, %ge3A_16 : vector<640x128xf32>
    %mul3A_18 = arith.constant 0.00999999977 : f32
    %mul3A_19 = vector.broadcast %mul3A_18 : f32 to vector<640x128xf32>
    %mul3A_20 = arith.mulf %mul3A_19, %add3A_15 : vector<640x128xf32>
    %select_n3A = arith.select %ge3A_17, %add3A_15, %mul3A_20 : vector<640x128xi1>, vector<640x128xf32>
    %get3A_21 = arith.constant 0 : index
    %get3A_22 = arith.constant 0 : index
    %get3A_23 = vector.load %arg4[%get3A_21, %get3A_22] : memref<640x128xf32, #tpu.memory_space<vmem>>, vector<640x128xf32>
    %add3A_24 = arith.addf %select_n3A, %get3A_23 : vector<640x128xf32>
    %swap3A = arith.constant 0 : index
    %swap3A_25 = arith.constant 0 : index
    %swap3A_26 = vector.load %arg8[%swap3A, %swap3A_25] : memref<640x128xf32, #tpu.memory_space<vmem>>, vector<640x128xf32>
    tpu.vector_store %arg8[%swap3A, %swap3A_25], %add3A_24 {strides = array<i32>} : memref<640x128xf32, #tpu.memory_space<vmem>>, vector<640x128xf32>,
    %get3A_27 = arith.constant 0 : index
    %get3A_28 = arith.constant 0 : index
    %get3A_29 = vector.load %arg5[%get3A_27, %get3A_28] : memref<640x128xf32, #tpu.memory_space<vmem>>, vector<640x128xf32>
    %mul3A_30 = arith.constant 5.000000e-01 : f32
    %mul3A_31 = vector.broadcast %mul3A_30 : f32 to vector<640x128xf32>
    %mul3A_32 = arith.mulf %add3A_24, %mul3A_31 : vector<640x128xf32>
    %add3A_33 = arith.addf %get3A_29, %mul3A_32 : vector<640x128xf32>
    %swap3A_34 = arith.constant 0 : index
    %swap3A_35 = arith.constant 0 : index
    %swap3A_36 = vector.load %arg9[%swap3A_34, %swap3A_35] : memref<640x128xf32, #tpu.memory_space<vmem>>, vector<640x128xf32>
    tpu.vector_store %arg9[%swap3A_34, %swap3A_35], %add3A_33 {strides = array<i32>} : memref<640x128xf32, #tpu.memory_space<vmem>>, vector<640x128xf32>,
    %get3A_37 = arith.constant 0 : index
    %get3A_38 = arith.constant 0 : index
    %get3A_39 = vector.load %arg7[%get3A_37, %get3A_38] : memref<128x128xf32, #tpu.memory_space<vmem>>, vector<128x128xf32>
    %dot_general3A = arith.constant dense<0.000000e+00> : vector<640x128xf32>
    %dot_general3A_40 = tpu.matmul %add3A_24, %get3A_39, %dot_general3A {dimension_numbers = #tpu.dot_dimension_numbers<[1], [0], [0], [1], [0, 0, 1, 1], [], []>, precision = #tpu.contract_precision<fp32>, transpose_lhs_hint = false} : vector<640x128xf32>, vector<128x128xf32>, vector<640x128xf32> -> vector<640x128xf32>
    %mul3A_41 = vector.broadcast %get3A_1 : vector<640x1xf32> to vector<640x128xf32>
    %mul3A_42 = arith.mulf %dot_general3A_40, %mul3A_41 : vector<640x128xf32>
    %swap3A_43 = arith.constant 0 : index
    %swap3A_44 = arith.constant 0 : index
    %swap3A_45 = vector.load %arg10[%swap3A_43, %swap3A_44] : memref<640x128xf32, #tpu.memory_space<vmem>>, vector<640x128xf32>
    tpu.vector_store %arg10[%swap3A_43, %swap3A_44], %mul3A_42 {strides = array<i32>} : memref<640x128xf32, #tpu.memory_space<vmem>>, vector<640x128xf32>,
    return
  }
  func.func @transform_0(%arg0: i32) -> (i32, i32, i32) {
    %jit3A = arith.constant 8 : i32
    %div3A = arith.divsi %arg0, %jit3A : i32
    %sign3A = arith.constant 0 : i32
    %sign3A_0 = arith.cmpi sgt, %arg0, %sign3A : i32
    %sign3A_1 = arith.extui %sign3A_0 : i1 to i32
    %sign3A_2 = arith.constant 0 : i32
    %sign3A_3 = arith.cmpi slt, %arg0, %sign3A_2 : i32
    %sign3A_4 = arith.extui %sign3A_3 : i1 to i32
    %sign3A_5 = arith.subi %sign3A_1, %sign3A_4 : i32
    %sign3A_6 = arith.constant 0 : i32
    %sign3A_7 = arith.cmpi sgt, %jit3A, %sign3A_6 : i32
    %sign3A_8 = arith.extui %sign3A_7 : i1 to i32
    %sign3A_9 = arith.constant 0 : i32
    %sign3A_10 = arith.cmpi slt, %jit3A, %sign3A_9 : i32
    %sign3A_11 = arith.extui %sign3A_10 : i1 to i32
    %sign3A_12 = arith.subi %sign3A_8, %sign3A_11 : i32
    %ne3A = arith.cmpi ne, %sign3A_5, %sign3A_12 : i32
    %rem3A = arith.remsi %arg0, %jit3A : i32
    %ne3A_13 = arith.constant 0 : i32
    %ne3A_14 = arith.cmpi ne, %rem3A, %ne3A_13 : i32
    %and3A = arith.andi %ne3A, %ne3A_14 : i1
    %sub3A = arith.constant 1 : i32
    %sub3A_15 = arith.subi %div3A, %sub3A : i32
    %select_n3A = arith.select %and3A, %sub3A_15, %div3A : i32
    %jit3A_16 = arith.constant 8 : i32
    %eq3A = arith.constant 0 : i32
    %eq3A_17 = arith.cmpi eq, %jit3A_16, %eq3A : i32
    %jit3A_18 = arith.constant 1 : i32
    %select_n3A_19 = arith.select %eq3A_17, %jit3A_18, %jit3A_16 : i32
    %rem3A_20 = arith.remsi %arg0, %select_n3A_19 : i32
    %ne3A_21 = arith.constant 0 : i32
    %ne3A_22 = arith.cmpi ne, %rem3A_20, %ne3A_21 : i32
    %lt3A = arith.constant 0 : i32
    %lt3A_23 = arith.cmpi slt, %rem3A_20, %lt3A : i32
    %lt3A_24 = arith.constant 0 : i32
    %lt3A_25 = arith.cmpi slt, %select_n3A_19, %lt3A_24 : i32
    %ne3A_26 = arith.xori %lt3A_23, %lt3A_25 : i1
    %and3A_27 = arith.andi %ne3A_26, %ne3A_22 : i1
    %add3A = arith.addi %rem3A_20, %select_n3A_19 : i32
    %select_n3A_28 = arith.select %and3A_27, %add3A, %rem3A_20 : i32
    %c0_i32 = arith.constant 0 : i32
    %c0_i32_29 = arith.constant 0 : i32
    return %select_n3A, %select_n3A_28, %c0_i32 : i32, i32, i32
  }
  func.func @transform_1(%arg0: i32) -> (i32, i32) {
    %c0_i32 = arith.constant 0 : i32
    %c0_i32_0 = arith.constant 0 : i32
    return %arg0, %c0_i32 : i32, i32
  }
  func.func @transform_2(%arg0: i32) -> (i32, i32) {
    %c0_i32 = arith.constant 0 : i32
    %c0_i32_0 = arith.constant 0 : i32
    return %arg0, %c0_i32 : i32, i32
  }
  func.func @transform_3(%arg0: i32) -> (i32, i32) {
    %c0_i32 = arith.constant 0 : i32
    %c0_i32_0 = arith.constant 0 : i32
    return %arg0, %c0_i32 : i32, i32
  }
  func.func @transform_4(%arg0: i32) -> (i32, i32) {
    %c0_i32 = arith.constant 0 : i32
    %c0_i32_0 = arith.constant 0 : i32
    return %arg0, %c0_i32 : i32, i32
  }
  func.func @transform_5(%arg0: i32) -> (i32, i32) {
    %c0_i32 = arith.constant 0 : i32
    %c0_i32_0 = arith.constant 0 : i32
    %c0_i32_1 = arith.constant 0 : i32
    return %c0_i32, %c0_i32_0 : i32, i32
  }
  func.func @transform_6(%arg0: i32) -> (i32, i32) {
    %c0_i32 = arith.constant 0 : i32
    %c0_i32_0 = arith.constant 0 : i32
    %c0_i32_1 = arith.constant 0 : i32
    return %c0_i32, %c0_i32_0 : i32, i32
  }
  func.func @transform_7(%arg0: i32) -> (i32, i32) {
    %c0_i32 = arith.constant 0 : i32
    %c0_i32_0 = arith.constant 0 : i32
    return %arg0, %c0_i32 : i32, i32
  }
  func.func @transform_8(%arg0: i32) -> (i32, i32) {
    %c0_i32 = arith.constant 0 : i32
    %c0_i32_0 = arith.constant 0 : i32
    return %arg0, %c0_i32 : i32, i32
  }
  func.func @transform_9(%arg0: i32) -> (i32, i32) {
    %c0_i32 = arith.constant 0 : i32
    %c0_i32_0 = arith.constant 0 : i32
    return %arg0, %c0_i32 : i32, i32
  }
}

module attributes {stable_mosaic.version = 14 : i64} {
  func.func @_mid_body(%arg0: i32, %arg1: memref<1x640x128xf32, #tpu.memory_space<vmem>>, %arg2: memref<640x128xf32, #tpu.memory_space<vmem>>, %arg3: memref<640x1xf32, #tpu.memory_space<vmem>>, %arg4: memref<640x128xf32, #tpu.memory_space<vmem>>, %arg5: memref<640x128xf32, #tpu.memory_space<vmem>>, %arg6: memref<1x128xf32, #tpu.memory_space<vmem>>, %arg7: memref<128x128xf32, #tpu.memory_space<vmem>>, %arg8: memref<640x128xf32, #tpu.memory_space<vmem>>, %arg9: memref<640x128xf32, #tpu.memory_space<vmem>>, %arg10: memref<640x128xf32, #tpu.memory_space<vmem>>) attributes {dimension_semantics = [#tpu.dimension_semantics<arbitrary>], iteration_bounds = array<i64: 16>, scalar_prefetch = 0 : i64, scratch_operands = 0 : i64, tpu.core_type = #tpu.core_type<tc>, window_params = [{transform_indices = @transform_0, window_bounds = array<i64: 1, 640, 128>}, {transform_indices = @transform_1, window_bounds = array<i64: 640, 128>}, {transform_indices = @transform_2, window_bounds = array<i64: 640, 1>}, {transform_indices = @transform_3, window_bounds = array<i64: 640, 128>}, {transform_indices = @transform_4, window_bounds = array<i64: 640, 128>}, {pipeline_mode = #tpu.pipeline_mode<synchronous>, transform_indices = @transform_5, window_bounds = array<i64: 1, 128>}, {pipeline_mode = #tpu.pipeline_mode<synchronous>, transform_indices = @transform_6, window_bounds = array<i64: 128, 128>}, {transform_indices = @transform_7, window_bounds = array<i64: 640, 128>}, {transform_indices = @transform_8, window_bounds = array<i64: 640, 128>}, {transform_indices = @transform_9, window_bounds = array<i64: 640, 128>}]} {
    %get3A = arith.constant 0 : index
    %get3A_0 = arith.constant 0 : index
    %get3A_1 = vector.load %arg3[%get3A, %get3A_0] : memref<640x1xf32, #tpu.memory_space<vmem>>, vector<640x1xf32>
    %get3A_2 = arith.constant 0 : index
    %get3A_3 = arith.constant 0 : index
    %get3A_4 = arith.constant 0 : index
    %get3A_5 = vector.load %arg1[%get3A_2, %get3A_3, %get3A_4] : memref<1x640x128xf32, #tpu.memory_space<vmem>>, vector<1x640x128xf32>
    %get3A_6 = vector.shape_cast %get3A_5 : vector<1x640x128xf32> to vector<640x128xf32>
    %get3A_7 = arith.constant 0 : index
    %get3A_8 = arith.constant 0 : index
    %get3A_9 = vector.load %arg2[%get3A_7, %get3A_8] : memref<640x128xf32, #tpu.memory_space<vmem>>, vector<640x128xf32>
    %add3A = arith.addf %get3A_6, %get3A_9 : vector<640x128xf32>
    %mul3A = vector.broadcast %get3A_1 : vector<640x1xf32> to vector<640x128xf32>
    %mul3A_10 = arith.mulf %add3A, %mul3A : vector<640x128xf32>
    %get3A_11 = arith.constant 0 : index
    %get3A_12 = arith.constant 0 : index
    %get3A_13 = vector.load %arg6[%get3A_11, %get3A_12] : memref<1x128xf32, #tpu.memory_space<vmem>>, vector<1x128xf32>
    %add3A_14 = vector.broadcast %get3A_13 : vector<1x128xf32> to vector<640x128xf32>
    %add3A_15 = arith.addf %mul3A_10, %add3A_14 : vector<640x128xf32>
    %ge3A = arith.constant 0.000000e+00 : f32
    %ge3A_16 = vector.broadcast %ge3A : f32 to vector<640x128xf32>
    %ge3A_17 = arith.cmpf oge, %add3A_15, %ge3A_16 : vector<640x128xf32>
    %mul3A_18 = arith.constant 0.00999999977 : f32
    %mul3A_19 = vector.broadcast %mul3A_18 : f32 to vector<640x128xf32>
    %mul3A_20 = arith.mulf %mul3A_19, %add3A_15 : vector<640x128xf32>
    %select_n3A = arith.select %ge3A_17, %add3A_15, %mul3A_20 : vector<640x128xi1>, vector<640x128xf32>
    %get3A_21 = arith.constant 0 : index
    %get3A_22 = arith.constant 0 : index
    %get3A_23 = vector.load %arg4[%get3A_21, %get3A_22] : memref<640x128xf32, #tpu.memory_space<vmem>>, vector<640x128xf32>
    %add3A_24 = arith.addf %select_n3A, %get3A_23 : vector<640x128xf32>
    %swap3A = arith.constant 0 : index
    %swap3A_25 = arith.constant 0 : index
    %swap3A_26 = vector.load %arg8[%swap3A, %swap3A_25] : memref<640x128xf32, #tpu.memory_space<vmem>>, vector<640x128xf32>
    tpu.vector_store %arg8[%swap3A, %swap3A_25], %add3A_24 {strides = array<i32>} : memref<640x128xf32, #tpu.memory_space<vmem>>, vector<640x128xf32>,
    %get3A_27 = arith.constant 0 : index
    %get3A_28 = arith.constant 0 : index
    %get3A_29 = vector.load %arg5[%get3A_27, %get3A_28] : memref<640x128xf32, #tpu.memory_space<vmem>>, vector<640x128xf32>
    %mul3A_30 = arith.constant 0.333333343 : f32
    %mul3A_31 = vector.broadcast %mul3A_30 : f32 to vector<640x128xf32>
    %mul3A_32 = arith.mulf %add3A_24, %mul3A_31 : vector<640x128xf32>
    %add3A_33 = arith.addf %get3A_29, %mul3A_32 : vector<640x128xf32>
    %swap3A_34 = arith.constant 0 : index
    %swap3A_35 = arith.constant 0 : index
    %swap3A_36 = vector.load %arg9[%swap3A_34, %swap3A_35] : memref<640x128xf32, #tpu.memory_space<vmem>>, vector<640x128xf32>
    tpu.vector_store %arg9[%swap3A_34, %swap3A_35], %add3A_33 {strides = array<i32>} : memref<640x128xf32, #tpu.memory_space<vmem>>, vector<640x128xf32>,
    %get3A_37 = arith.constant 0 : index
    %get3A_38 = arith.constant 0 : index
    %get3A_39 = vector.load %arg7[%get3A_37, %get3A_38] : memref<128x128xf32, #tpu.memory_space<vmem>>, vector<128x128xf32>
    %dot_general3A = arith.constant dense<0.000000e+00> : vector<640x128xf32>
    %dot_general3A_40 = tpu.matmul %add3A_24, %get3A_39, %dot_general3A {dimension_numbers = #tpu.dot_dimension_numbers<[1], [0], [0], [1], [0, 0, 1, 1], [], []>, precision = #tpu.contract_precision<fp32>, transpose_lhs_hint = false} : vector<640x128xf32>, vector<128x128xf32>, vector<640x128xf32> -> vector<640x128xf32>
    %mul3A_41 = vector.broadcast %get3A_1 : vector<640x1xf32> to vector<640x128xf32>
    %mul3A_42 = arith.mulf %dot_general3A_40, %mul3A_41 : vector<640x128xf32>
    %swap3A_43 = arith.constant 0 : index
    %swap3A_44 = arith.constant 0 : index
    %swap3A_45 = vector.load %arg10[%swap3A_43, %swap3A_44] : memref<640x128xf32, #tpu.memory_space<vmem>>, vector<640x128xf32>
    tpu.vector_store %arg10[%swap3A_43, %swap3A_44], %mul3A_42 {strides = array<i32>} : memref<640x128xf32, #tpu.memory_space<vmem>>, vector<640x128xf32>,
    return
  }
  func.func @transform_0(%arg0: i32) -> (i32, i32, i32) {
    %jit3A = arith.constant 8 : i32
    %div3A = arith.divsi %arg0, %jit3A : i32
    %sign3A = arith.constant 0 : i32
    %sign3A_0 = arith.cmpi sgt, %arg0, %sign3A : i32
    %sign3A_1 = arith.extui %sign3A_0 : i1 to i32
    %sign3A_2 = arith.constant 0 : i32
    %sign3A_3 = arith.cmpi slt, %arg0, %sign3A_2 : i32
    %sign3A_4 = arith.extui %sign3A_3 : i1 to i32
    %sign3A_5 = arith.subi %sign3A_1, %sign3A_4 : i32
    %sign3A_6 = arith.constant 0 : i32
    %sign3A_7 = arith.cmpi sgt, %jit3A, %sign3A_6 : i32
    %sign3A_8 = arith.extui %sign3A_7 : i1 to i32
    %sign3A_9 = arith.constant 0 : i32
    %sign3A_10 = arith.cmpi slt, %jit3A, %sign3A_9 : i32
    %sign3A_11 = arith.extui %sign3A_10 : i1 to i32
    %sign3A_12 = arith.subi %sign3A_8, %sign3A_11 : i32
    %ne3A = arith.cmpi ne, %sign3A_5, %sign3A_12 : i32
    %rem3A = arith.remsi %arg0, %jit3A : i32
    %ne3A_13 = arith.constant 0 : i32
    %ne3A_14 = arith.cmpi ne, %rem3A, %ne3A_13 : i32
    %and3A = arith.andi %ne3A, %ne3A_14 : i1
    %sub3A = arith.constant 1 : i32
    %sub3A_15 = arith.subi %div3A, %sub3A : i32
    %select_n3A = arith.select %and3A, %sub3A_15, %div3A : i32
    %jit3A_16 = arith.constant 8 : i32
    %eq3A = arith.constant 0 : i32
    %eq3A_17 = arith.cmpi eq, %jit3A_16, %eq3A : i32
    %jit3A_18 = arith.constant 1 : i32
    %select_n3A_19 = arith.select %eq3A_17, %jit3A_18, %jit3A_16 : i32
    %rem3A_20 = arith.remsi %arg0, %select_n3A_19 : i32
    %ne3A_21 = arith.constant 0 : i32
    %ne3A_22 = arith.cmpi ne, %rem3A_20, %ne3A_21 : i32
    %lt3A = arith.constant 0 : i32
    %lt3A_23 = arith.cmpi slt, %rem3A_20, %lt3A : i32
    %lt3A_24 = arith.constant 0 : i32
    %lt3A_25 = arith.cmpi slt, %select_n3A_19, %lt3A_24 : i32
    %ne3A_26 = arith.xori %lt3A_23, %lt3A_25 : i1
    %and3A_27 = arith.andi %ne3A_26, %ne3A_22 : i1
    %add3A = arith.addi %rem3A_20, %select_n3A_19 : i32
    %select_n3A_28 = arith.select %and3A_27, %add3A, %rem3A_20 : i32
    %c0_i32 = arith.constant 0 : i32
    %c0_i32_29 = arith.constant 0 : i32
    return %select_n3A, %select_n3A_28, %c0_i32 : i32, i32, i32
  }
  func.func @transform_1(%arg0: i32) -> (i32, i32) {
    %c0_i32 = arith.constant 0 : i32
    %c0_i32_0 = arith.constant 0 : i32
    return %arg0, %c0_i32 : i32, i32
  }
  func.func @transform_2(%arg0: i32) -> (i32, i32) {
    %c0_i32 = arith.constant 0 : i32
    %c0_i32_0 = arith.constant 0 : i32
    return %arg0, %c0_i32 : i32, i32
  }
  func.func @transform_3(%arg0: i32) -> (i32, i32) {
    %c0_i32 = arith.constant 0 : i32
    %c0_i32_0 = arith.constant 0 : i32
    return %arg0, %c0_i32 : i32, i32
  }
  func.func @transform_4(%arg0: i32) -> (i32, i32) {
    %c0_i32 = arith.constant 0 : i32
    %c0_i32_0 = arith.constant 0 : i32
    return %arg0, %c0_i32 : i32, i32
  }
  func.func @transform_5(%arg0: i32) -> (i32, i32) {
    %c0_i32 = arith.constant 0 : i32
    %c0_i32_0 = arith.constant 0 : i32
    %c0_i32_1 = arith.constant 0 : i32
    return %c0_i32, %c0_i32_0 : i32, i32
  }
  func.func @transform_6(%arg0: i32) -> (i32, i32) {
    %c0_i32 = arith.constant 0 : i32
    %c0_i32_0 = arith.constant 0 : i32
    %c0_i32_1 = arith.constant 0 : i32
    return %c0_i32, %c0_i32_0 : i32, i32
  }
  func.func @transform_7(%arg0: i32) -> (i32, i32) {
    %c0_i32 = arith.constant 0 : i32
    %c0_i32_0 = arith.constant 0 : i32
    return %arg0, %c0_i32 : i32, i32
  }
  func.func @transform_8(%arg0: i32) -> (i32, i32) {
    %c0_i32 = arith.constant 0 : i32
    %c0_i32_0 = arith.constant 0 : i32
    return %arg0, %c0_i32 : i32, i32
  }
  func.func @transform_9(%arg0: i32) -> (i32, i32) {
    %c0_i32 = arith.constant 0 : i32
    %c0_i32_0 = arith.constant 0 : i32
    return %arg0, %c0_i32 : i32, i32
  }
}

module attributes {stable_mosaic.version = 14 : i64} {
  func.func @_last_body(%arg0: i32, %arg1: memref<1x640x128xf32, #tpu.memory_space<vmem>>, %arg2: memref<640x128xf32, #tpu.memory_space<vmem>>, %arg3: memref<640x1xf32, #tpu.memory_space<vmem>>, %arg4: memref<640x128xf32, #tpu.memory_space<vmem>>, %arg5: memref<640x128xf32, #tpu.memory_space<vmem>>, %arg6: memref<1x128xf32, #tpu.memory_space<vmem>>, %arg7: memref<640x128xf32, #tpu.memory_space<vmem>>) attributes {dimension_semantics = [#tpu.dimension_semantics<arbitrary>], iteration_bounds = array<i64: 16>, scalar_prefetch = 0 : i64, scratch_operands = 0 : i64, tpu.core_type = #tpu.core_type<tc>, window_params = [{transform_indices = @transform_0, window_bounds = array<i64: 1, 640, 128>}, {transform_indices = @transform_1, window_bounds = array<i64: 640, 128>}, {transform_indices = @transform_2, window_bounds = array<i64: 640, 1>}, {transform_indices = @transform_3, window_bounds = array<i64: 640, 128>}, {transform_indices = @transform_4, window_bounds = array<i64: 640, 128>}, {pipeline_mode = #tpu.pipeline_mode<synchronous>, transform_indices = @transform_5, window_bounds = array<i64: 1, 128>}, {transform_indices = @transform_6, window_bounds = array<i64: 640, 128>}]} {
    %get3A = arith.constant 0 : index
    %get3A_0 = arith.constant 0 : index
    %get3A_1 = vector.load %arg3[%get3A, %get3A_0] : memref<640x1xf32, #tpu.memory_space<vmem>>, vector<640x1xf32>
    %get3A_2 = arith.constant 0 : index
    %get3A_3 = arith.constant 0 : index
    %get3A_4 = arith.constant 0 : index
    %get3A_5 = vector.load %arg1[%get3A_2, %get3A_3, %get3A_4] : memref<1x640x128xf32, #tpu.memory_space<vmem>>, vector<1x640x128xf32>
    %get3A_6 = vector.shape_cast %get3A_5 : vector<1x640x128xf32> to vector<640x128xf32>
    %get3A_7 = arith.constant 0 : index
    %get3A_8 = arith.constant 0 : index
    %get3A_9 = vector.load %arg2[%get3A_7, %get3A_8] : memref<640x128xf32, #tpu.memory_space<vmem>>, vector<640x128xf32>
    %add3A = arith.addf %get3A_6, %get3A_9 : vector<640x128xf32>
    %mul3A = vector.broadcast %get3A_1 : vector<640x1xf32> to vector<640x128xf32>
    %mul3A_10 = arith.mulf %add3A, %mul3A : vector<640x128xf32>
    %get3A_11 = arith.constant 0 : index
    %get3A_12 = arith.constant 0 : index
    %get3A_13 = vector.load %arg6[%get3A_11, %get3A_12] : memref<1x128xf32, #tpu.memory_space<vmem>>, vector<1x128xf32>
    %add3A_14 = vector.broadcast %get3A_13 : vector<1x128xf32> to vector<640x128xf32>
    %add3A_15 = arith.addf %mul3A_10, %add3A_14 : vector<640x128xf32>
    %ge3A = arith.constant 0.000000e+00 : f32
    %ge3A_16 = vector.broadcast %ge3A : f32 to vector<640x128xf32>
    %ge3A_17 = arith.cmpf oge, %add3A_15, %ge3A_16 : vector<640x128xf32>
    %mul3A_18 = arith.constant 0.00999999977 : f32
    %mul3A_19 = vector.broadcast %mul3A_18 : f32 to vector<640x128xf32>
    %mul3A_20 = arith.mulf %mul3A_19, %add3A_15 : vector<640x128xf32>
    %select_n3A = arith.select %ge3A_17, %add3A_15, %mul3A_20 : vector<640x128xi1>, vector<640x128xf32>
    %get3A_21 = arith.constant 0 : index
    %get3A_22 = arith.constant 0 : index
    %get3A_23 = vector.load %arg4[%get3A_21, %get3A_22] : memref<640x128xf32, #tpu.memory_space<vmem>>, vector<640x128xf32>
    %add3A_24 = arith.addf %select_n3A, %get3A_23 : vector<640x128xf32>
    %get3A_25 = arith.constant 0 : index
    %get3A_26 = arith.constant 0 : index
    %get3A_27 = vector.load %arg5[%get3A_25, %get3A_26] : memref<640x128xf32, #tpu.memory_space<vmem>>, vector<640x128xf32>
    %mul3A_28 = arith.constant 2.500000e-01 : f32
    %mul3A_29 = vector.broadcast %mul3A_28 : f32 to vector<640x128xf32>
    %mul3A_30 = arith.mulf %add3A_24, %mul3A_29 : vector<640x128xf32>
    %add3A_31 = arith.addf %get3A_27, %mul3A_30 : vector<640x128xf32>
    %swap3A = arith.constant 0 : index
    %swap3A_32 = arith.constant 0 : index
    %swap3A_33 = vector.load %arg7[%swap3A, %swap3A_32] : memref<640x128xf32, #tpu.memory_space<vmem>>, vector<640x128xf32>
    tpu.vector_store %arg7[%swap3A, %swap3A_32], %add3A_31 {strides = array<i32>} : memref<640x128xf32, #tpu.memory_space<vmem>>, vector<640x128xf32>,
    return
  }
  func.func @transform_0(%arg0: i32) -> (i32, i32, i32) {
    %jit3A = arith.constant 8 : i32
    %div3A = arith.divsi %arg0, %jit3A : i32
    %sign3A = arith.constant 0 : i32
    %sign3A_0 = arith.cmpi sgt, %arg0, %sign3A : i32
    %sign3A_1 = arith.extui %sign3A_0 : i1 to i32
    %sign3A_2 = arith.constant 0 : i32
    %sign3A_3 = arith.cmpi slt, %arg0, %sign3A_2 : i32
    %sign3A_4 = arith.extui %sign3A_3 : i1 to i32
    %sign3A_5 = arith.subi %sign3A_1, %sign3A_4 : i32
    %sign3A_6 = arith.constant 0 : i32
    %sign3A_7 = arith.cmpi sgt, %jit3A, %sign3A_6 : i32
    %sign3A_8 = arith.extui %sign3A_7 : i1 to i32
    %sign3A_9 = arith.constant 0 : i32
    %sign3A_10 = arith.cmpi slt, %jit3A, %sign3A_9 : i32
    %sign3A_11 = arith.extui %sign3A_10 : i1 to i32
    %sign3A_12 = arith.subi %sign3A_8, %sign3A_11 : i32
    %ne3A = arith.cmpi ne, %sign3A_5, %sign3A_12 : i32
    %rem3A = arith.remsi %arg0, %jit3A : i32
    %ne3A_13 = arith.constant 0 : i32
    %ne3A_14 = arith.cmpi ne, %rem3A, %ne3A_13 : i32
    %and3A = arith.andi %ne3A, %ne3A_14 : i1
    %sub3A = arith.constant 1 : i32
    %sub3A_15 = arith.subi %div3A, %sub3A : i32
    %select_n3A = arith.select %and3A, %sub3A_15, %div3A : i32
    %jit3A_16 = arith.constant 8 : i32
    %eq3A = arith.constant 0 : i32
    %eq3A_17 = arith.cmpi eq, %jit3A_16, %eq3A : i32
    %jit3A_18 = arith.constant 1 : i32
    %select_n3A_19 = arith.select %eq3A_17, %jit3A_18, %jit3A_16 : i32
    %rem3A_20 = arith.remsi %arg0, %select_n3A_19 : i32
    %ne3A_21 = arith.constant 0 : i32
    %ne3A_22 = arith.cmpi ne, %rem3A_20, %ne3A_21 : i32
    %lt3A = arith.constant 0 : i32
    %lt3A_23 = arith.cmpi slt, %rem3A_20, %lt3A : i32
    %lt3A_24 = arith.constant 0 : i32
    %lt3A_25 = arith.cmpi slt, %select_n3A_19, %lt3A_24 : i32
    %ne3A_26 = arith.xori %lt3A_23, %lt3A_25 : i1
    %and3A_27 = arith.andi %ne3A_26, %ne3A_22 : i1
    %add3A = arith.addi %rem3A_20, %select_n3A_19 : i32
    %select_n3A_28 = arith.select %and3A_27, %add3A, %rem3A_20 : i32
    %c0_i32 = arith.constant 0 : i32
    %c0_i32_29 = arith.constant 0 : i32
    return %select_n3A, %select_n3A_28, %c0_i32 : i32, i32, i32
  }
  func.func @transform_1(%arg0: i32) -> (i32, i32) {
    %c0_i32 = arith.constant 0 : i32
    %c0_i32_0 = arith.constant 0 : i32
    return %arg0, %c0_i32 : i32, i32
  }
  func.func @transform_2(%arg0: i32) -> (i32, i32) {
    %c0_i32 = arith.constant 0 : i32
    %c0_i32_0 = arith.constant 0 : i32
    return %arg0, %c0_i32 : i32, i32
  }
  func.func @transform_3(%arg0: i32) -> (i32, i32) {
    %c0_i32 = arith.constant 0 : i32
    %c0_i32_0 = arith.constant 0 : i32
    return %arg0, %c0_i32 : i32, i32
  }
  func.func @transform_4(%arg0: i32) -> (i32, i32) {
    %c0_i32 = arith.constant 0 : i32
    %c0_i32_0 = arith.constant 0 : i32
    return %arg0, %c0_i32 : i32, i32
  }
  func.func @transform_5(%arg0: i32) -> (i32, i32) {
    %c0_i32 = arith.constant 0 : i32
    %c0_i32_0 = arith.constant 0 : i32
    %c0_i32_1 = arith.constant 0 : i32
    return %c0_i32, %c0_i32_0 : i32, i32
  }
  func.func @transform_6(%arg0: i32) -> (i32, i32) {
    %c0_i32 = arith.constant 0 : i32
    %c0_i32_0 = arith.constant 0 : i32
    return %arg0, %c0_i32 : i32, i32
  }
}

</mosaic_0001>

<sc_bundles>
// kernel: kernel.10.cloned.1.call-start
scs
__scs_entry_jumppad:
0x0: {  	(pc) =	sbr.rel $0x88, $3  }
0x1: {  	(tag) =	ssettag $0x0;
	lr =	simm.s32 $0x1  }
0x2: {  	[smem:$0x3F99] =	sst lr;
	_ =	strace $0xD0000000  }
0x3: {  	_ = 	snop  }
0x4: {  	_ = 	snop  }
0x5: {  	_ = 	snop  }
0x6: {  	_ = 	snop  }
0x7: {  	_ = 	snop  }
__scs_overlays_trampoline_lowered:
0x8: {  	[smem:$0x3FA8] =	sst s0  }
0x9: {  	[smem:$0x3FA9] =	sst s1  }
0xa: {  	[smem:$0x3FAA] =	sst s2  }
0xb: {  	[smem:$0x3FAB] =	sst s3  }
0xc: {  	[smem:$0x3FAC] =	sst s4  }
0xd: {  	[smem:$0x3FAD] =	sst s5  }
0xe: {  	[smem:$0x3FAE] =	sst s6  }
0xf: {  	[smem:$0x3FAF] =	sst s7  }
0x10: {  	[smem:$0x3FB0] =	sst s8  }
0x11: {  	[smem:$0x3FB1] =	sst s9;
	s0 =	simm.s32 @!p0 $0x0  }
0x12: {  	s1 =	sld [smem:$0x3F97];
	s0 =	simm.s32 @p0 $0x1  }
0x13: {  	[smem:$0x3FB2] =	sst s0;
	s0 =	simm.s32 @!p1 $0x0  }
0x14: {  	s2 =	sld [smem:$0x3F96];
	s0 =	simm.s32 @p1 $0x1  }
0x15: {  	[smem:$0x3FB3] =	sst s0;
	s0 =	simm.s32 @!p2 $0x0  }
0x16: {  	s3 =	sld [smem:$0x3FDB];
	s0 =	simm.s32 @p2 $0x1  }
0x17: {  	s4 =	simm.s32 $0x1BF5;
	[smem:$0x3FB5] =	sst s0  }
0x18: {  	s0 =	sld [smem:$0x3F98];
	_ =	swait.ge [sflag:s4], $0x0  }
0x19: {  	s7 =	sld [smem:$0x3F99]  }
0x1a: {  	s8 =	sadd.s32 $0xFFFFE003, lr  }
0x1b: {  	s9 =	sadd.s32 $0xFFFFFEF7, lr;
	s5 =	simm.s32 $0xFFFFFFFF;
	p2 =	slt.u32 s8, $0xFFFFF086  }
0x1c: {  	p1 =	slt.u32 s9, $0xF7A;
	s5 =	simm.s32 @!p2 $0x0  }
0x1d: {  	s5 =	simm.s32 @p1 $0x1;
	p0 =	seq.s32 s7, s2  }
0x1e: {  	s7 =	smul.u32 @!p0 $0xF7A, s2;
	p2 =	seq.s32 @!p0 s5, $0x0  }
0x1f: {  	s9 =	smul.u32 $0xF7A, s1;
	s8 =	simm.s32 @!p0 $0x1BF5;
	p2 =	por !p2, p0  }
0x20: {  	[sflag:s8] =	ssyncset.s32 @!p0 $0xFFFFF086;
	s6 =	sadd.s32 @!p0 s3, s7;
	s7 =	simm.s32 @!p0 $0x108  }
0x21: {  	s3 =	sadd.s32 s3, s9;
	s6 =	sadd.s32 @!p0 $0x88, s6;
	s7 =	simm.s32 @p2 $0x1082  }
0x22: {  	[simem:s7], [sflag:s8] =	dma.local @!p0 [hbm:s6], $0xF7A  }
0x23: {  	s9 =	sor.u32 $0xD0000000, s2;
	s6 =	simm.s32 $0x108;
	_ =	swait.ge @!p0 [sflag:s8], $0x0  }
0x24: {  	s3 =	sadd.s32 $0x88, s3;
	s6 =	simm.s32 @!p1 $0x1082;
	[sflag:s4] =	ssyncset.s32 $0xFFFFF086  }
0x25: {  	[simem:s6], [sflag:s4] =	dma.local [hbm:s3], $0xF7A  }
0x26: {  	[smem:$0x3F99] =	sst s1;
	(tag) =	ssettag s2;
	_ =	strace s9  }
0x27: {  	s1 =	sld [smem:$0x3FA9]  }
0x28: {  	s2 =	sld [smem:$0x3FAA]  }
0x29: {  	s4 =	sld [smem:$0x3FAC]  }
0x2a: {  	p0 =	seq.s32 s5, $0x0;
	s5 =	sld [smem:$0x3FAD]  }
0x2b: {  	s6 =	sld [smem:$0x3FAE]  }
0x2c: {  	s7 =	sld [smem:$0x3FAF]  }
0x2d: {  	s3 =	simm.s32 $0x108;
	s8 =	sld [smem:$0x3FB0]  }
0x2e: {  	s3 =	simm.s32 @!p0 $0x1082;
	s9 =	sld [smem:$0x3FB1]  }
0x2f: {  	lr =	sadd.s32 s0, s3;
	s0 =	sld [smem:$0x3FA8]  }
0x30: {  	s3 =	sld [smem:$0x3FAB]  }
0x31: {  	[smem:$0x3FB4] =	sst s10  }
0x32: {  	s10 =	sld [smem:$0x3FB2];
	_ =	sdelay $0x3  }
0x33: {  	p0 =	seq.s32 s10, $0x1;
	s10 =	sld [smem:$0x3FB4];
	_ =	sdelay $0x3  }
0x34: {  	[smem:$0x3FB4] =	sst s10  }
0x35: {  	s10 =	sld [smem:$0x3FB3];
	_ =	sdelay $0x3  }
0x36: {  	p1 =	seq.s32 s10, $0x1;
	s10 =	sld [smem:$0x3FB4];
	_ =	sdelay $0x3  }
0x37: {  	[smem:$0x3FB4] =	sst s10  }
0x38: {  	s10 =	sld [smem:$0x3FB5]  }
0x39: {  	_ = 	snop;
	(pc) =	sbr.ind lr, $3  }
0x3a: {  	_ = 	snop  }
0x3b: {  	_ = 	snop  }
0x3c: {  	p2 =	seq.s32 s10, $0x1;
	s10 =	sld [smem:$0x3FB4]  }
0x3d: {  	_ =	shalt  }
0x3e: {  	_ =	shalt  }
0x3f: {  	_ =	shalt  }
0x40: {  	_ =	shalt  }
0x41: {  	_ =	shalt  }
0x42: {  	_ =	shalt  }
0x43: {  	_ =	shalt  }
0x44: {  	_ =	shalt  }
0x45: {  	_ =	shalt  }
0x46: {  	_ =	shalt  }
0x47: {  	_ =	shalt  }
0x48: {  	_ =	shalt  }
0x49: {  	_ =	shalt  }
0x4a: {  	_ =	shalt  }
0x4b: {  	_ =	shalt  }
0x4c: {  	_ =	shalt  }
0x4d: {  	_ =	shalt  }
0x4e: {  	_ =	shalt  }
0x4f: {  	_ =	shalt  }
0x50: {  	_ =	shalt  }
0x51: {  	_ =	shalt  }
0x52: {  	_ =	shalt  }
0x53: {  	_ =	shalt  }
0x54: {  	_ =	shalt  }
0x55: {  	_ =	shalt  }
0x56: {  	_ =	shalt  }
0x57: {  	_ =	shalt  }
0x58: {  	_ =	shalt  }
0x59: {  	_ =	shalt  }
0x5a: {  	_ =	shalt  }
0x5b: {  	_ =	shalt  }
0x5c: {  	_ =	shalt  }
0x5d: {  	_ =	shalt  }
0x5e: {  	_ =	shalt  }
0x5f: {  	_ =	shalt  }
0x60: {  	_ =	shalt  }
0x61: {  	_ =	shalt  }
0x62: {  	_ =	shalt  }
0x63: {  	_ =	shalt  }
0x64: {  	_ =	shalt  }
0x65: {  	_ =	shalt  }
0x66: {  	_ =	shalt  }
0x67: {  	_ =	shalt  }
0x68: {  	_ =	shalt  }
0x69: {  	_ =	shalt  }
0x6a: {  	_ =	shalt  }
0x6b: {  	_ =	shalt  }
0x6c: {  	_ =	shalt  }
0x6d: {  	_ =	shalt  }
0x6e: {  	_ =	shalt  }
0x6f: {  	_ =	shalt  }
0x70: {  	_ =	shalt  }
0x71: {  	_ =	shalt  }
0x72: {  	_ =	shalt  }
0x73: {  	_ =	shalt  }
0x74: {  	_ =	shalt  }
0x75: {  	_ =	shalt  }
0x76: {  	_ =	shalt  }
0x77: {  	_ =	shalt  }
0x78: {  	_ =	shalt  }
0x79: {  	_ =	shalt  }
0x7a: {  	_ =	shalt  }
0x7b: {  	_ =	shalt  }
0x7c: {  	_ =	shalt  }
0x7d: {  	_ =	shalt  }
0x7e: {  	_ =	shalt  }
0x7f: {  	_ =	shalt  }
0x80: {  	_ =	shalt  }
0x81: {  	_ =	shalt  }
0x82: {  	_ =	shalt  }
0x83: {  	_ =	shalt  }
0x84: {  	_ =	shalt  }
0x85: {  	_ =	shalt  }
0x86: {  	_ =	shalt  }
0x87: {  	_ =	shalt  }
.Lfunc_end0:
.L_simem_size_0:
called_computation_lowered:
.L_overlay_start_0:
0x88: {  	s2 =	sld [smem:$0x3FD9]  }
0x89: {  	s3 =	sld [smem:$0x3FFE];
	_ =	sdelay $0x1  }
0x8a: {  	s1 =	srdreg.scid  }
0x8b: {  	s0 =	sand.u32 $0x1, s1  }
0x8c: {  	s16 =	sshll.u32 s0, $0xA;
	s2 =	sadd.s32 s3, s2  }
0x8d: {  	s2 =	sadd.s32 s2, s16  }
0x8e: {  	[smem:$0x3FC0] =	sst s2  }
0x8f: {  	_ = 	snop  }
0x90: {  	(tm) =	ssettm $0x1  }
0x91: {  	s17 =	sld [smem:$0x3FFB];
	_ =	sdelay $0x3  }
0x92: {  	_ =	strace s17  }
0x93: {  	s2 =	sld [smem:$0x3FFC];
	_ =	sdelay $0x3  }
0x94: {  	_ =	strace s2  }
0x95: {  	s2 =	sld [smem:$0x3FFD];
	_ =	sdelay $0x3  }
0x96: {  	_ =	strace s2  }
0x97: {  	_ =	strace $0x8FFFFFFF  }
0x98: {  	s18 =	sld [smem:$0x3FDB];
	_ =	sdelay $0x1  }
0x99: {  	s19 =	simm.s32 $_scs_section_size  }
0x9a: {  	s4 =	simm.s32 $_size__tile_overlayer_lowered;
	s5 =	simm.s32 $_tile_overlayer_lowered  }
0x9b: {  	s22 =	simm.s32 $0x1BFF;
	s21 =	sshll.u32 s5, $0x1;
	s2 =	sadd.s32 s19, s18  }
0x9c: {  	s6 =	simm.s32 $0x0;
	s20 =	sshll.u32 s4, $0x1;
	s4 =	sadd.s32 s21, s2  }
0x9d: {  	[timem:s6], [sflag:s22] =	dma.local [hbm:s4], s20  }
0x9e: {  	_ =	swait.ge [sflag:s22], s20  }
0x9f: {  	s3 =	ssub.s32 $0x0, s20;
	[sflag:s22] =	ssyncset.done $0x0  }
0xa0: {  	[sflag:s22] =	ssyncadd.s32 s3;
	_ =	sdelay $0x1  }
0xa1: {  	s23 =	simm.s32 $0x1B8B  }
0xa2: {  	_ =	swait.ge [sflag:s23], $0x1  }
0xa3: {  	[sflag:s23] =	ssyncset.done $0x0  }
0xa4: {  	s25 =	simm.s32 $0x1B8E;
	s24 =	sld [smem:$0x3FFE];
	[sflag:s23] =	ssyncadd.s32 $0xFFFFFFFF  }
0xa5: {  	s26 =	simm.s32 $execute0_lowered;
	[smem:$0x3FD2] =	sst s25  }
0xa6: {  	s4 =	sshll.u32 s26, $0x1;
	_ =	strace $0x80000046;
	[dreg:$0x1] =	wrdreg $0xFFFFFFFF  }
0xa7: {  	s28 =	simm.s32 $_size_execute0_lowered;
	s2 =	sadd.s32 s2, s4;
	[dreg:$0x0] =	wrdreg $0x0  }
0xa8: {  	s4 =	sshll.u32 s28, $0x1;
	[dreg:$0x2] =	wrdreg s2  }
0xa9: {  	[dreg:$0x3] =	wrdreg s4  }
0xaa: {  	[dreg:$0x4] =	wrdreg $0xC0  }
0xab: {  	_ =	task [dreg:s6], $0x5FFFF  }
0xac: {  	[dreg:$0x1] =	wrdreg $0xFFFFFFFF  }
0xad: {  	[dreg:$0x0] =	wrdreg $0x60  }
0xae: {  	[dreg:$0x2] =	wrdreg s24  }
0xaf: {  	[dreg:$0x3] =	wrdreg $0x9  }
0xb0: {  	_ =	task.clear_ibuf [dreg:s6], $0x4FFFF;
	_ =	strace $0x90000046  }
0xb1: {  	s29 =	simm.s32 $0x9;
	_ =	strace $0x80000048  }
0xb2: {  	_ =	swait.ge [sflag:s29], $0x1  }
0xb3: {  	[sflag:s29] =	ssyncadd.s32 $0xFFFFFFFF  }
0xb4: {  	_ =	strace $0x90000048  }
0xb5: {  	_ =	sfence  }
0xb6: {  	s30 =	sld [smem:$0x0];
	_ =	sdelay $0x2  }
0xb7: {  	s31 =	sshll.u32 s1, $0xD;
	s1 =	sshrl.u32 s1, $0x2  }
0xb8: {  	s3 =	sand.u32 $0x4000, s31;
	s1 =	sadd.s32 s1, s30  }
0xb9: {  	s0 =	sor.u32 s3, s0;
	s1 =	sshll.u32 s1, $0x11  }
0xba: {  	s0 =	sor.u32 s1, s0  }
0xbb: {  	s0 =	sadd.s32 $0x8F2B, s0  }
0xbc: {  	[sflag:s0] =	ssyncadd.remote.s32 $0x1  }
0xbd: {  	_ =	sfence.sel $0xFFFF  }
0xbe: {  	[dreg:$0x0] =	wrdreg $0xFFFFFFFF;
	(pc) =	sbr.abs _section_cstart, $3  }
0xbf: {  	[dreg:$0x1] =	wrdreg $0xFFFFFFFF  }
0xc0: {  	_ =	task.clear_ibuf [dreg:s6], $0x2FFFF;
	_ =	strace $0x9FFFFFFF  }
0xc1: {  	(tm) =	ssettm $0x7FFFFFFF  }
tec
execute0_lowered:
.L_overlay_start_1:
0x0: {  	(tag) =	ssettag $0x1  }
0x1: {  	s0 =	srdreg.scid  }
0x2: {  	s4 =	rddreg [dreg:$0x0];
	s3 =	sand.u32 $0x1, s0  }
0x3: {  	s1 =	stileid.u32;
	s7 =	simm.s32 $0x2780;
	s2 =	sshll.u32 s3, $0x4  }
0x4: {  	s0 =	rddreg [dreg:$0x1];
	s3 =	ssub.s32 $0x2, s3;
	s5 =	sor.u32 s1, s2  }
0x5: {  	s2 =	simm.s32 $0x0;
	s6 =	sshrl.u32 s3, $0x1;
	s5 =	smul.u32 $0x4E2, s5  }
0x6: {  	s8 =	simm.s32 $0x0;
	[smem:$0x7FF] =	sst s2;
	s31 =	ssub.s32 s3, s6  }
0x7: {  	s6 =	simm.s32 $0x1;
	_ =	strace $0x80000047;
	s4 =	sadd.s32 s5, s4  }
0x8: {  	v0 =	vimm.f32 $0.0e+00;
	v1 =	vimm.f32 $1.000000000e+00;
	s5 =	smax.u32 s31, $0x1;
	s3 =	sadd.s32 $0x4000, s4;
	s4 =	sadd.s32 $0xDE00, s4  }
.LBB2_1:
0x9: {  	[tilespmem:s2], [sflag:$0x1] =	stream.linear.gather [hbm4b:s3+s2], $0x2710, $0x38;
	[tilespmem:$0x4F00] =	vst v63  }
0xa: {  	_ =	swait.ge [sflag:s6], $0x2710  }
0xb: {  	[sflag:s6] =	ssyncset.done $0x0  }
0xc: {  	s9 =	simm.s32 $0x0;
	[sflag:s6] =	ssyncadd.s32 $0xFFFFD8F0  }
.LBB2_2:
0xd: {  	p0 =	sne.s32 s9, $0x9C00  }
.Ltmp0:
0xe: {  	_ = 	snop;
	(pc) =	sbr.rel @p0 .LBB2_2-.Ltmp0, $3  }
0xf: {  	_ =	sdelay $0x1  }
0x10: {  	s10 =	sshra.s32 s9, $0x2  }
0x11: {  	s9 =	sadd.s32 $0x40, s9;
	[tilespmem:s10+$0x2780] =	vst v0  }
0x12: {  	s10 =	simm.s32 $0x0;
	s9 =	simm.s32 $0x40  }
.LBB2_4:
0x13: {  	p0 =	sne.s32 s9, $0x9C00;
	v2 =	vld [tilespmem:s10+$0x0];
	_ =	sdelay $0x3  }
.Ltmp1:
0x14: {  	(pc) =	sbr.rel @p0 .LBB2_4-.Ltmp1, $2  }
0x15: {  	_ =	sdelay $0x2  }
0x16: {  	s10 =	sshra.s32 s9, $0x2;
	s9 =	sadd.s32 $0x40, s9;
	[tilespmem:v2+s7+$0x0] =	vst.idx.add.f32.msk $0xffff, v1  }
0x17: {  	v2 =	vld [tilespmem:s10+$0x0];
	_ =	sdelay $0x5  }
0x18: {  	s8 =	sadd.s32 $0x1, s8  }
0x19: {  	p0 =	sne.s32 s8, s5  }
.Ltmp2:
0x1a: {  	[tilespmem:v2+s7+$0x0] =	vst.idx.add.f32.msk $0xffff, v1;
	(pc) =	sbr.rel @p0 .LBB2_1-.Ltmp2, $4  }
0x1b: {  	[hbm4b:s4+s2] =	stream.linear.scatter [tilespmem:s7], [sflag:$0x1], $0x2710, $0x38;
	[tilespmem:$0x4F00] =	vst v63  }
0x1c: {  	_ =	swait.ge [sflag:s6], $0x2710  }
0x1d: {  	[sflag:s6] =	ssyncset.done $0x0  }
0x1e: {  	[sflag:s6] =	ssyncadd.s32 $0xFFFFD8F0  }
0x1f: {  	_ =	sfence.sel $0x180000  }
0x20: {  	[bflag:$0x0] =	sbarrier.arrive $0xFFFF  }
0x21: {  	p0 =	sne.s32 s1, $0x0;
	_ =	strace $0x90000047  }
0x22: {  	s0 =	sadd.s32 @!p0 $0x100000, s0;
	[bflag:$0x2] =	sbarrier.arrive $0xFFFF  }
0x23: {  	[sflag:s0] =	ssyncadd.tile.s32 @!p0 $0x1;
	_ =	shalt  }
.Lfunc_end2:
_tile_overlayer_lowered:
.L_overlay_start_2:
0x24: {  	(tag) =	ssettag $0x2  }
0x25: {  	s0 =	rddreg [dreg:$0x0];
	s2 =	stileid.u32  }
0x26: {  	s1 =	rddreg [dreg:$0x1];
	p0 =	sne.s32 s2, $0x0  }
0x27: {  	s3 =	rddreg [dreg:$0x2];
	[bflag:$0x3] =	sbarrier.arrive $0xFFFF;
	s2 =	simm.s32 @!p0 $0x1C01  }
0x28: {  	[timem:s3], [sflag:s2] =	dma.local @!p0 [hbm:s0], s1  }
0x29: {  	s0 =	simm.s32 @!p0 $0x1  }
0x2a: {  	_ =	swait.ge @!p0 [sflag:s0], s1  }
0x2b: {  	s1 =	ssub.s32 @!p0 $0x0, s1;
	[sflag:s0] =	ssyncset.done @!p0 $0x0  }
0x2c: {  	[sflag:s0] =	ssyncadd.s32 @!p0 s1  }
0x2d: {  	[bflag:$0x3] =	sbarrier.arrive $0xFFFF  }
0x2e: {  	_ =	shalt  }

// kernel: kernel.13.cloned.1.call-start
scs
__scs_entry_jumppad:
0x0: {  	(pc) =	sbr.rel $0x88, $3  }
0x1: {  	(tag) =	ssettag $0x0;
	lr =	simm.s32 $0x1  }
0x2: {  	[smem:$0x3F99] =	sst lr;
	_ =	strace $0xD0000000  }
0x3: {  	_ = 	snop  }
0x4: {  	_ = 	snop  }
0x5: {  	_ = 	snop  }
0x6: {  	_ = 	snop  }
0x7: {  	_ = 	snop  }
__scs_overlays_trampoline_lowered:
0x8: {  	[smem:$0x3FA8] =	sst s0  }
0x9: {  	[smem:$0x3FA9] =	sst s1  }
0xa: {  	[smem:$0x3FAA] =	sst s2  }
0xb: {  	[smem:$0x3FAB] =	sst s3  }
0xc: {  	[smem:$0x3FAC] =	sst s4  }
0xd: {  	[smem:$0x3FAD] =	sst s5  }
0xe: {  	[smem:$0x3FAE] =	sst s6  }
0xf: {  	[smem:$0x3FAF] =	sst s7  }
0x10: {  	[smem:$0x3FB0] =	sst s8  }
0x11: {  	[smem:$0x3FB1] =	sst s9;
	s0 =	simm.s32 @!p0 $0x0  }
0x12: {  	s1 =	sld [smem:$0x3F97];
	s0 =	simm.s32 @p0 $0x1  }
0x13: {  	[smem:$0x3FB2] =	sst s0;
	s0 =	simm.s32 @!p1 $0x0  }
0x14: {  	s2 =	sld [smem:$0x3F96];
	s0 =	simm.s32 @p1 $0x1  }
0x15: {  	[smem:$0x3FB3] =	sst s0;
	s0 =	simm.s32 @!p2 $0x0  }
0x16: {  	s3 =	sld [smem:$0x3FDB];
	s0 =	simm.s32 @p2 $0x1  }
0x17: {  	s4 =	simm.s32 $0x1BF5;
	[smem:$0x3FB5] =	sst s0  }
0x18: {  	s0 =	sld [smem:$0x3F98];
	_ =	swait.ge [sflag:s4], $0x0  }
0x19: {  	s7 =	sld [smem:$0x3F99]  }
0x1a: {  	s8 =	sadd.s32 $0xFFFFE003, lr  }
0x1b: {  	s9 =	sadd.s32 $0xFFFFFEF7, lr;
	s5 =	simm.s32 $0xFFFFFFFF;
	p2 =	slt.u32 s8, $0xFFFFF086  }
0x1c: {  	p1 =	slt.u32 s9, $0xF7A;
	s5 =	simm.s32 @!p2 $0x0  }
0x1d: {  	s5 =	simm.s32 @p1 $0x1;
	p0 =	seq.s32 s7, s2  }
0x1e: {  	s7 =	smul.u32 @!p0 $0xF7A, s2;
	p2 =	seq.s32 @!p0 s5, $0x0  }
0x1f: {  	s9 =	smul.u32 $0xF7A, s1;
	s8 =	simm.s32 @!p0 $0x1BF5;
	p2 =	por !p2, p0  }
0x20: {  	[sflag:s8] =	ssyncset.s32 @!p0 $0xFFFFF086;
	s6 =	sadd.s32 @!p0 s3, s7;
	s7 =	simm.s32 @!p0 $0x108  }
0x21: {  	s3 =	sadd.s32 s3, s9;
	s6 =	sadd.s32 @!p0 $0x88, s6;
	s7 =	simm.s32 @p2 $0x1082  }
0x22: {  	[simem:s7], [sflag:s8] =	dma.local @!p0 [hbm:s6], $0xF7A  }
0x23: {  	s9 =	sor.u32 $0xD0000000, s2;
	s6 =	simm.s32 $0x108;
	_ =	swait.ge @!p0 [sflag:s8], $0x0  }
0x24: {  	s3 =	sadd.s32 $0x88, s3;
	s6 =	simm.s32 @!p1 $0x1082;
	[sflag:s4] =	ssyncset.s32 $0xFFFFF086  }
0x25: {  	[simem:s6], [sflag:s4] =	dma.local [hbm:s3], $0xF7A  }
0x26: {  	[smem:$0x3F99] =	sst s1;
	(tag) =	ssettag s2;
	_ =	strace s9  }
0x27: {  	s1 =	sld [smem:$0x3FA9]  }
0x28: {  	s2 =	sld [smem:$0x3FAA]  }
0x29: {  	s4 =	sld [smem:$0x3FAC]  }
0x2a: {  	p0 =	seq.s32 s5, $0x0;
	s5 =	sld [smem:$0x3FAD]  }
0x2b: {  	s6 =	sld [smem:$0x3FAE]  }
0x2c: {  	s7 =	sld [smem:$0x3FAF]  }
0x2d: {  	s3 =	simm.s32 $0x108;
	s8 =	sld [smem:$0x3FB0]  }
0x2e: {  	s3 =	simm.s32 @!p0 $0x1082;
	s9 =	sld [smem:$0x3FB1]  }
0x2f: {  	lr =	sadd.s32 s0, s3;
	s0 =	sld [smem:$0x3FA8]  }
0x30: {  	s3 =	sld [smem:$0x3FAB]  }
0x31: {  	[smem:$0x3FB4] =	sst s10  }
0x32: {  	s10 =	sld [smem:$0x3FB2];
	_ =	sdelay $0x3  }
0x33: {  	p0 =	seq.s32 s10, $0x1;
	s10 =	sld [smem:$0x3FB4];
	_ =	sdelay $0x3  }
0x34: {  	[smem:$0x3FB4] =	sst s10  }
0x35: {  	s10 =	sld [smem:$0x3FB3];
	_ =	sdelay $0x3  }
0x36: {  	p1 =	seq.s32 s10, $0x1;
	s10 =	sld [smem:$0x3FB4];
	_ =	sdelay $0x3  }
0x37: {  	[smem:$0x3FB4] =	sst s10  }
0x38: {  	s10 =	sld [smem:$0x3FB5]  }
0x39: {  	_ = 	snop;
	(pc) =	sbr.ind lr, $3  }
0x3a: {  	_ = 	snop  }
0x3b: {  	_ = 	snop  }
0x3c: {  	p2 =	seq.s32 s10, $0x1;
	s10 =	sld [smem:$0x3FB4]  }
0x3d: {  	_ =	shalt  }
0x3e: {  	_ =	shalt  }
0x3f: {  	_ =	shalt  }
0x40: {  	_ =	shalt  }
0x41: {  	_ =	shalt  }
0x42: {  	_ =	shalt  }
0x43: {  	_ =	shalt  }
0x44: {  	_ =	shalt  }
0x45: {  	_ =	shalt  }
0x46: {  	_ =	shalt  }
0x47: {  	_ =	shalt  }
0x48: {  	_ =	shalt  }
0x49: {  	_ =	shalt  }
0x4a: {  	_ =	shalt  }
0x4b: {  	_ =	shalt  }
0x4c: {  	_ =	shalt  }
0x4d: {  	_ =	shalt  }
0x4e: {  	_ =	shalt  }
0x4f: {  	_ =	shalt  }
0x50: {  	_ =	shalt  }
0x51: {  	_ =	shalt  }
0x52: {  	_ =	shalt  }
0x53: {  	_ =	shalt  }
0x54: {  	_ =	shalt  }
0x55: {  	_ =	shalt  }
0x56: {  	_ =	shalt  }
0x57: {  	_ =	shalt  }
0x58: {  	_ =	shalt  }
0x59: {  	_ =	shalt  }
0x5a: {  	_ =	shalt  }
0x5b: {  	_ =	shalt  }
0x5c: {  	_ =	shalt  }
0x5d: {  	_ =	shalt  }
0x5e: {  	_ =	shalt  }
0x5f: {  	_ =	shalt  }
0x60: {  	_ =	shalt  }
0x61: {  	_ =	shalt  }
0x62: {  	_ =	shalt  }
0x63: {  	_ =	shalt  }
0x64: {  	_ =	shalt  }
0x65: {  	_ =	shalt  }
0x66: {  	_ =	shalt  }
0x67: {  	_ =	shalt  }
0x68: {  	_ =	shalt  }
0x69: {  	_ =	shalt  }
0x6a: {  	_ =	shalt  }
0x6b: {  	_ =	shalt  }
0x6c: {  	_ =	shalt  }
0x6d: {  	_ =	shalt  }
0x6e: {  	_ =	shalt  }
0x6f: {  	_ =	shalt  }
0x70: {  	_ =	shalt  }
0x71: {  	_ =	shalt  }
0x72: {  	_ =	shalt  }
0x73: {  	_ =	shalt  }
0x74: {  	_ =	shalt  }
0x75: {  	_ =	shalt  }
0x76: {  	_ =	shalt  }
0x77: {  	_ =	shalt  }
0x78: {  	_ =	shalt  }
0x79: {  	_ =	shalt  }
0x7a: {  	_ =	shalt  }
0x7b: {  	_ =	shalt  }
0x7c: {  	_ =	shalt  }
0x7d: {  	_ =	shalt  }
0x7e: {  	_ =	shalt  }
0x7f: {  	_ =	shalt  }
0x80: {  	_ =	shalt  }
0x81: {  	_ =	shalt  }
0x82: {  	_ =	shalt  }
0x83: {  	_ =	shalt  }
0x84: {  	_ =	shalt  }
0x85: {  	_ =	shalt  }
0x86: {  	_ =	shalt  }
0x87: {  	_ =	shalt  }
.Lfunc_end0:
.L_simem_size_0:
called_computation.1_lowered:
.L_overlay_start_0:
0x88: {  	s2 =	sld [smem:$0x3FD9]  }
0x89: {  	s3 =	sld [smem:$0x3FFE];
	_ =	sdelay $0x1  }
0x8a: {  	s1 =	srdreg.scid  }
0x8b: {  	s0 =	sand.u32 $0x1, s1  }
0x8c: {  	s17 =	sshll.u32 s0, $0xA;
	s2 =	sadd.s32 s3, s2  }
0x8d: {  	s2 =	sadd.s32 s2, s17  }
0x8e: {  	[smem:$0x3FC0] =	sst s2  }
0x8f: {  	_ = 	snop  }
0x90: {  	s2 =	sld [smem:$0x3FD0];
	(tm) =	ssettm $0x1  }
0x91: {  	s18 =	sld [smem:$0x3FFB];
	_ =	sdelay $0x3  }
0x92: {  	_ =	strace s18  }
0x93: {  	s3 =	sld [smem:$0x3FFC];
	_ =	sdelay $0x3  }
0x94: {  	_ =	strace s3  }
0x95: {  	s3 =	sld [smem:$0x3FFD];
	_ =	sdelay $0x3  }
0x96: {  	_ =	strace s3  }
0x97: {  	_ =	strace $0x8FFFFFFF  }
0x98: {  	s19 =	sld [smem:$0x3FDB];
	_ =	sdelay $0x1  }
0x99: {  	s4 =	simm.s32 $_scs_section_size  }
0x9a: {  	s5 =	simm.s32 $_size__tile_overlayer_lowered;
	s6 =	simm.s32 $_tile_overlayer_lowered  }
0x9b: {  	s22 =	simm.s32 $0x1BFF;
	s21 =	sshll.u32 s6, $0x1;
	s3 =	sadd.s32 s4, s19  }
0x9c: {  	s7 =	simm.s32 $0x0;
	s20 =	sshll.u32 s5, $0x1;
	s5 =	sadd.s32 s21, s3  }
0x9d: {  	[timem:s7], [sflag:s22] =	dma.local [hbm:s5], s20  }
0x9e: {  	_ =	swait.ge [sflag:s22], s20  }
0x9f: {  	s4 =	ssub.s32 $0x0, s20;
	[sflag:s22] =	ssyncset.done $0x0  }
0xa0: {  	[sflag:s22] =	ssyncadd.s32 s4;
	_ =	sdelay $0x1  }
0xa1: {  	s23 =	simm.s32 $0x1B8B  }
0xa2: {  	_ =	swait.ge [sflag:s23], $0x1  }
0xa3: {  	[sflag:s23] =	ssyncset.done $0x0  }
0xa4: {  	s25 =	simm.s32 $0x1B8E;
	s24 =	sld [smem:$0x3FFE];
	[sflag:s23] =	ssyncadd.s32 $0xFFFFFFFF  }
0xa5: {  	s26 =	simm.s32 $execute0_lowered;
	[smem:$0x3FD2] =	sst s25  }
0xa6: {  	s5 =	sshll.u32 s26, $0x1;
	_ =	strace $0x80000049;
	[dreg:$0x1] =	wrdreg $0xFFFFFFFF  }
0xa7: {  	s28 =	simm.s32 $_size_execute0_lowered;
	s3 =	sadd.s32 s3, s5;
	[dreg:$0x0] =	wrdreg $0x0  }
0xa8: {  	s5 =	sshll.u32 s28, $0x1;
	[dreg:$0x2] =	wrdreg s3  }
0xa9: {  	[dreg:$0x3] =	wrdreg s5  }
0xaa: {  	[dreg:$0x4] =	wrdreg $0xC0  }
0xab: {  	_ =	task [dreg:s7], $0x5FFFF  }
0xac: {  	[dreg:$0x1] =	wrdreg $0xFFFFFFFF  }
0xad: {  	[dreg:$0x0] =	wrdreg $0x60  }
0xae: {  	[dreg:$0x2] =	wrdreg s24  }
0xaf: {  	[dreg:$0x3] =	wrdreg s2  }
0xb0: {  	[dreg:$0x4] =	wrdreg $0x12A000  }
0xb1: {  	[dreg:$0x5] =	wrdreg $0x9  }
0xb2: {  	_ =	task.clear_ibuf [dreg:s7], $0x6FFFF;
	_ =	strace $0x90000049  }
0xb3: {  	s29 =	simm.s32 $0x9;
	_ =	strace $0x8000004B  }
0xb4: {  	_ =	swait.ge [sflag:s29], $0x1  }
0xb5: {  	[sflag:s29] =	ssyncadd.s32 $0xFFFFFFFF  }
0xb6: {  	_ =	strace $0x9000004B  }
0xb7: {  	_ =	sfence  }
0xb8: {  	s30 =	sld [smem:$0x0];
	_ =	sdelay $0x2  }
0xb9: {  	s31 =	sshll.u32 s1, $0xD;
	s1 =	sshrl.u32 s1, $0x2  }
0xba: {  	s3 =	sand.u32 $0x4000, s31;
	s1 =	sadd.s32 s1, s30  }
0xbb: {  	s0 =	sor.u32 s3, s0;
	s1 =	sshll.u32 s1, $0x11  }
0xbc: {  	s0 =	sor.u32 s1, s0  }
0xbd: {  	s0 =	sadd.s32 $0x8F2B, s0  }
0xbe: {  	[sflag:s0] =	ssyncadd.remote.s32 $0x1  }
0xbf: {  	_ =	sfence.sel $0xFFFF  }
0xc0: {  	[dreg:$0x0] =	wrdreg $0xFFFFFFFF;
	(pc) =	sbr.abs _section_cstart, $3  }
0xc1: {  	[dreg:$0x1] =	wrdreg $0xFFFFFFFF  }
0xc2: {  	_ =	task.clear_ibuf [dreg:s7], $0x2FFFF;
	_ =	strace $0x9FFFFFFF  }
0xc3: {  	(tm) =	ssettm $0x7FFFFFFF  }
tec
execute0_lowered:
.L_overlay_start_1:
0x0: {  	(tag) =	ssettag $0x1  }
0x1: {  	s0 =	rddreg [dreg:$0x0]  }
0x2: {  	s2 =	rddreg [dreg:$0x1]  }
0x3: {  	s1 =	rddreg [dreg:$0x2]  }
0x4: {  	s3 =	srdreg.scid;
	s4 =	simm.s32 $0x0;
	s8 =	stileid.u32  }
0x5: {  	s28 =	simm.s32 $0x1;
	s30 =	simm.s32 $0x80;
	s6 =	smul.u32 $0xB400, s8  }
0x6: {  	s31 =	simm.s32 $0x0;
	s3 =	sand.u32 $0x1, s3;
	s7 =	smul.u32 $0x9C4, s8  }
0x7: {  	[smem:$0x7FF] =	sst s4;
	s4 =	sadd.s32 $0x3FC00, s0;
	s8 =	smul.u32 $0x2D000, s8  }
0x8: {  	s5 =	smul.u32 $0xB4000, s3;
	_ =	strace $0x8000004A;
	s22 =	ssub.s32 $0x2, s3  }
0x9: {  	s3 =	smul.u32 $0xFFFFEC00, s3;
	s9 =	sadd.s32 s7, s0;
	s10 =	sshrl.u32 s22, $0x1  }
0xa: {  	s24 =	sshrl.u32 s8, $0x2;
	s2 =	sadd.s32 s2, s7;
	s5 =	sadd.s32 s6, s5  }
0xb: {  	s23 =	ssub.s32 s22, s10;
	[dreg:$0x4] =	wrdreg s2;
	s6 =	sadd.s32 s24, s1  }
0xc: {  	s25 =	sadd.s32 $0x4000, s9;
	s24 =	simm.s32 $0x2;
	s5 =	sshrl.u32 s5, $0x3  }
0xd: {  	[dreg:$0x5] =	wrdreg s25;
	s26 =	sadd.s32 $0xC00, s6;
	s29 =	sadd.s32 $0x1800, s6  }
0xe: {  	s10 =	sadd.s32 $0x2400, s6;
	s11 =	sadd.s32 $0x3000, s6;
	s12 =	sadd.s32 $0x3C00, s6  }
0xf: {  	s13 =	sadd.s32 $0x4800, s6;
	s14 =	sadd.s32 $0x5400, s6;
	s15 =	sadd.s32 $0x6000, s6  }
0x10: {  	s16 =	sadd.s32 $0x6C00, s6;
	s17 =	sadd.s32 $0x7800, s6;
	s18 =	sadd.s32 $0x8400, s6  }
0x11: {  	s19 =	sadd.s32 $0x9000, s6;
	s20 =	sadd.s32 $0x9C00, s6;
	s21 =	sadd.s32 $0xA800, s6  }
0x12: {  	v1 =	vimm.f32 $0.0e+00;
	v2 =	vlaneseq.u32;
	v3 =	vimm.s32 $0x0;
	s23 =	smax.u32 s23, $0x1;
	s0 =	sadd.s32 s5, s0;
	[dreg:$0x6] =	wrdreg s26  }
0x13: {  	v4 =	vmul.u32 $0x8, v2;
	v5 =	vor.u32 $0x1600, v2;
	v0 =	vmov s3;
	[dreg:$0x7] =	wrdreg s29;
	s26 =	simm.s32 $0x11E00;
	s22 =	sadd.s32 $0x8FC00, s0  }
.LBB2_1:
0x14: {  	s0 =	simm.s32 $0x0;
	s2 =	rddreg [dreg:$0x4]  }
0x15: {  	[tilespmem:s0], [sflag:$0x2] =	stream.linear.gather [hbm4b:s2+s0], $0x4E20, $0x38;
	[tilespmem:$0x1DE00] =	vst v63  }
0x16: {  	_ =	swait.ge [sflag:s24], $0x4E20  }
0x17: {  	[sflag:s24] =	ssyncset.done $0x0  }
0x18: {  	s3 =	simm.s32 $0x4F00;
	s29 =	rddreg [dreg:$0x5];
	[sflag:s24] =	ssyncadd.s32 $0xFFFFB1E0  }
0x19: {  	[tilespmem:s3], [sflag:$0x2] =	stream.linear.gather [hbm4b:s29+s0], $0x4E20, $0x38;
	[tilespmem:$0x1DE00] =	vst v63  }
0x1a: {  	_ =	swait.ge [sflag:s24], $0x4E20  }
0x1b: {  	[sflag:s24] =	ssyncset.done $0x0  }
0x1c: {  	s2 =	simm.s32 $0x200;
	s0 =	simm.s32 $0x0;
	[sflag:s24] =	ssyncadd.s32 $0xFFFFB1E0  }
.LBB2_2:
0x1d: {  	p0 =	sne.s32 s2, $0x2E00;
	[tilespmem:s0+$0x11E70] =	vst v1  }
0x1e: {  	[tilespmem:s0+$0x11E00] =	vst v1  }
0x1f: {  	[tilespmem:s0+$0x11E10] =	vst v1  }
.Ltmp0:
0x20: {  	[tilespmem:s0+$0x11E20] =	vst v1;
	(pc) =	sbr.rel @p0 .LBB2_2-.Ltmp0, $4  }
0x21: {  	[tilespmem:s0+$0x11E30] =	vst v1  }
0x22: {  	[tilespmem:s0+$0x11E40] =	vst v1  }
0x23: {  	[tilespmem:s0+$0x11E50] =	vst v1  }
0x24: {  	[tilespmem:s0+$0x11E60] =	vst v1;
	s0 =	sshra.s32 s2, $0x2;
	s2 =	sadd.s32 $0x200, s2  }
0x25: {  	[tilespmem:s0+$0x11E70] =	vst v1  }
0x26: {  	[tilespmem:s0+$0x11E00] =	vst v1  }
0x27: {  	[tilespmem:s0+$0x11E10] =	vst v1  }
0x28: {  	[tilespmem:s0+$0x11E20] =	vst v1  }
0x29: {  	[tilespmem:s0+$0x11E30] =	vst v1  }
0x2a: {  	[tilespmem:s0+$0x11E40] =	vst v1  }
0x2b: {  	[tilespmem:s0+$0x11E50] =	vst v1  }
0x2c: {  	[tilespmem:s0+$0x11E60] =	vst v1  }
0x2d: {  	[spmem:s6] =	stream.linear.scatter [tilespmem:s26], [sflag:$0x2], $0xC00, $0x38;
	[tilespmem:$0x1DE00] =	vst v63  }
0x2e: {  	_ =	swait.ge [sflag:s24], $0xC00  }
0x2f: {  	[sflag:s24] =	ssyncset.done $0x0  }
0x30: {  	s9 =	rddreg [dreg:$0x6];
	[sflag:s24] =	ssyncadd.s32 $0xFFFFF400  }
0x31: {  	[spmem:s9] =	stream.linear.scatter [tilespmem:s26], [sflag:$0x2], $0xC00, $0x38;
	[tilespmem:$0x1DE00] =	vst v63  }
0x32: {  	_ =	swait.ge [sflag:s24], $0xC00  }
0x33: {  	[sflag:s24] =	ssyncset.done $0x0  }
0x34: {  	s25 =	rddreg [dreg:$0x7];
	[sflag:s24] =	ssyncadd.s32 $0xFFFFF400  }
0x35: {  	[spmem:s25] =	stream.linear.scatter [tilespmem:s26], [sflag:$0x2], $0xC00, $0x38;
	[tilespmem:$0x1DE00] =	vst v63  }
0x36: {  	_ =	swait.ge [sflag:s24], $0xC00  }
0x37: {  	[sflag:s24] =	ssyncset.done $0x0  }
0x38: {  	[sflag:s24] =	ssyncadd.s32 $0xFFFFF400  }
0x39: {  	[spmem:s10] =	stream.linear.scatter [tilespmem:s26], [sflag:$0x2], $0xC00, $0x38;
	[tilespmem:$0x1DE00] =	vst v63  }
0x3a: {  	_ =	swait.ge [sflag:s24], $0xC00  }
0x3b: {  	[sflag:s24] =	ssyncset.done $0x0  }
0x3c: {  	[sflag:s24] =	ssyncadd.s32 $0xFFFFF400  }
0x3d: {  	[spmem:s11] =	stream.linear.scatter [tilespmem:s26], [sflag:$0x2], $0xC00, $0x38;
	[tilespmem:$0x1DE00] =	vst v63  }
0x3e: {  	_ =	swait.ge [sflag:s24], $0xC00  }
0x3f: {  	[sflag:s24] =	ssyncset.done $0x0  }
0x40: {  	[sflag:s24] =	ssyncadd.s32 $0xFFFFF400  }
0x41: {  	[spmem:s12] =	stream.linear.scatter [tilespmem:s26], [sflag:$0x2], $0xC00, $0x38;
	[tilespmem:$0x1DE00] =	vst v63  }
0x42: {  	_ =	swait.ge [sflag:s24], $0xC00  }
0x43: {  	[sflag:s24] =	ssyncset.done $0x0  }
0x44: {  	[sflag:s24] =	ssyncadd.s32 $0xFFFFF400  }
0x45: {  	[spmem:s13] =	stream.linear.scatter [tilespmem:s26], [sflag:$0x2], $0xC00, $0x38;
	[tilespmem:$0x1DE00] =	vst v63  }
0x46: {  	_ =	swait.ge [sflag:s24], $0xC00  }
0x47: {  	[sflag:s24] =	ssyncset.done $0x0  }
0x48: {  	[sflag:s24] =	ssyncadd.s32 $0xFFFFF400  }
0x49: {  	[spmem:s14] =	stream.linear.scatter [tilespmem:s26], [sflag:$0x2], $0xC00, $0x38;
	[tilespmem:$0x1DE00] =	vst v63  }
0x4a: {  	_ =	swait.ge [sflag:s24], $0xC00  }
0x4b: {  	[sflag:s24] =	ssyncset.done $0x0  }
0x4c: {  	[sflag:s24] =	ssyncadd.s32 $0xFFFFF400  }
0x4d: {  	[spmem:s15] =	stream.linear.scatter [tilespmem:s26], [sflag:$0x2], $0xC00, $0x38;
	[tilespmem:$0x1DE00] =	vst v63  }
0x4e: {  	_ =	swait.ge [sflag:s24], $0xC00  }
0x4f: {  	[sflag:s24] =	ssyncset.done $0x0  }
0x50: {  	[sflag:s24] =	ssyncadd.s32 $0xFFFFF400  }
0x51: {  	[spmem:s16] =	stream.linear.scatter [tilespmem:s26], [sflag:$0x2], $0xC00, $0x38;
	[tilespmem:$0x1DE00] =	vst v63  }
0x52: {  	_ =	swait.ge [sflag:s24], $0xC00  }
0x53: {  	[sflag:s24] =	ssyncset.done $0x0  }
0x54: {  	[sflag:s24] =	ssyncadd.s32 $0xFFFFF400  }
0x55: {  	[spmem:s17] =	stream.linear.scatter [tilespmem:s26], [sflag:$0x2], $0xC00, $0x38;
	[tilespmem:$0x1DE00] =	vst v63  }
0x56: {  	_ =	swait.ge [sflag:s24], $0xC00  }
0x57: {  	[sflag:s24] =	ssyncset.done $0x0  }
0x58: {  	[sflag:s24] =	ssyncadd.s32 $0xFFFFF400  }
0x59: {  	[spmem:s18] =	stream.linear.scatter [tilespmem:s26], [sflag:$0x2], $0xC00, $0x38;
	[tilespmem:$0x1DE00] =	vst v63  }
0x5a: {  	_ =	swait.ge [sflag:s24], $0xC00  }
0x5b: {  	[sflag:s24] =	ssyncset.done $0x0  }
0x5c: {  	[sflag:s24] =	ssyncadd.s32 $0xFFFFF400  }
0x5d: {  	[spmem:s19] =	stream.linear.scatter [tilespmem:s26], [sflag:$0x2], $0xC00, $0x38;
	[tilespmem:$0x1DE00] =	vst v63  }
0x5e: {  	_ =	swait.ge [sflag:s24], $0xC00  }
0x5f: {  	[sflag:s24] =	ssyncset.done $0x0  }
0x60: {  	[sflag:s24] =	ssyncadd.s32 $0xFFFFF400  }
0x61: {  	[spmem:s20] =	stream.linear.scatter [tilespmem:s26], [sflag:$0x2], $0xC00, $0x38;
	[tilespmem:$0x1DE00] =	vst v63  }
0x62: {  	_ =	swait.ge [sflag:s24], $0xC00  }
0x63: {  	[sflag:s24] =	ssyncset.done $0x0  }
0x64: {  	[sflag:s24] =	ssyncadd.s32 $0xFFFFF400  }
0x65: {  	[spmem:s21] =	stream.linear.scatter [tilespmem:s26], [sflag:$0x2], $0xC00, $0x38;
	[tilespmem:$0x1DE00] =	vst v63  }
0x66: {  	_ =	swait.ge [sflag:s24], $0xC00  }
0x67: {  	[sflag:s24] =	ssyncset.done $0x0  }
0x68: {  	s29 =	simm.s32 $0x0;
	[sflag:s24] =	ssyncadd.s32 $0xFFFFF400  }
0x69: {  	v6 =	vld [tilespmem:s29+$0x4F00];
	_ =	sdelay $0x4  }
0x6a: {  	v6 =	vadd.s32 v0, v6  }
0x6b: {  	vm0 =	vlt.u32 v6, $0x1400  }
0x6c: {  	v7 =	vsel vm0, $0x1, v3  }
0x6d: {  	(xrf0) =	vadd.scan.msk.s32 $0xffff, v7;
	_ =	sdelay $0x1  }
0x6e: {  	v7 =	vld [tilespmem:s29+$0x0];
	_ =	sdelay $0x3  }
0x6f: {  	s0 =	simm.s32 $0x0;
	v8, _, _ =	vpop (xrf0)  }
0x70: {  	[tilespmem:s0+$0x0] =	vst.msk vm0, v7;
	(v2sf) =	vpush v8, $0xF  }
0x71: {  	s3 =	simm.s32 $0x10;
	s2 =	simm.s32 $0x80;
	[tilespmem:s0+$0x4F00] =	vst.msk vm0, v6  }
.LBB2_4:
0x72: {  	p0 =	sne.s32 s2, $0x13840;
	v6 =	vld [tilespmem:s3+$0x4F00];
	_ =	sdelay $0x4  }
0x73: {  	v6 =	vadd.s32 v0, v6  }
0x74: {  	vm0 =	vlt.u32 v6, $0x1400  }
0x75: {  	v7 =	vsel vm0, $0x1, v3  }
0x76: {  	(xrf0) =	vadd.scan.msk.s32 $0xffff, v7;
	_ =	sdelay $0x1  }
0x77: {  	v7 =	vld [tilespmem:s3+$0x0];
	_ =	sdelay $0x1  }
.Ltmp1:
0x78: {  	(pc) =	sbr.rel @p0 .LBB2_4-.Ltmp1, $4  }
0x79: {  	s3 =	spop (v2sf)  }
0x7a: {  	v8, _, _ =	vpop (xrf0);
	s0 =	sadd.s32 s0, s3  }
0x7b: {  	[tilespmem:s0+$0x0] =	vst.msk vm0, v7;
	(v2sf) =	vpush v8, $0xF  }
0x7c: {  	s3 =	sshra.s32 s2, $0x2;
	s2 =	sadd.s32 $0x40, s2;
	[tilespmem:s0+$0x4F00] =	vst.msk vm0, v6  }
0x7d: {  	v6 =	vld [tilespmem:s3+$0x4F00];
	_ =	sdelay $0x4  }
0x7e: {  	v6 =	vadd.s32 v0, v6  }
0x7f: {  	vm0 =	vlt.u32 v6, $0x1400  }
0x80: {  	v7 =	vsel vm0, $0x1, v3  }
0x81: {  	(xrf0) =	vadd.scan.msk.s32 $0xffff, v7;
	_ =	sdelay $0x5  }
0x82: {  	v7, _, _ =	vpop (xrf0)  }
0x83: {  	(v2sf) =	vpush v7, $0xF;
	_ =	sdelay $0xd  }
0x84: {  	s2 =	spop (v2sf)  }
0x85: {  	s0 =	sadd.s32 s0, s2;
	s7 =	spop (v2sf)  }
0x86: {  	s2 =	sadd.s32 s0, s7  }
0x87: {  	s5 =	sadd.s32 $0x7F, s2;
	s8 =	sand.u32 $0xF, s2;
	p6 =	slt.s32 s2, $0x1  }
0x88: {  	s7 =	sshra.s32 s5, $0x1F;
	s25 =	sand.u32 $0x7F, s5;
	p0 =	slt.s32 s5, $0x1  }
0x89: {  	v7 =	vld [tilespmem:s3+$0x0];
	p2 =	sne.s32 s8, $0x0;
	p1 =	sne.s32 s25, $0x0;
	s9 =	sshrl.u32 s7, $0x19  }
0x8a: {  	s25 =	sshra.s32 s2, $0x1F;
	s7 =	simm.s32 $0x1;
	p0 =	por !p0, !p1  }
0x8b: {  	p1 =	por !p6, !p2;
	s3 =	sadd.s32 s9, s5;
	s8 =	sshrl.u32 s25, $0x1C  }
0x8c: {  	s25 =	simm.s32 $0x1;
	s5 =	sadd.s32 s8, s2;
	p1 =	por !p1, !p1  }
0x8d: {  	p0 =	por !p0, !p0;
	s5 =	sshrl.u32 s5, $0x4;
	s7 =	simm.s32 @!p1 $0x0  }
0x8e: {  	[tilespmem:s0+$0x0] =	vst.msk vm0, v7;
	s3 =	sshra.s32 s3, $0x7;
	s25 =	simm.s32 @!p0 $0x0;
	s5 =	ssub.s32 s5, s7  }
0x8f: {  	[tilespmem:s0+$0x4F00] =	vst.msk vm0, v6;
	s25 =	ssub.s32 s3, s25;
	s3 =	sshll.u32 s5, $0x4  }
0x90: {  	p0 =	sgt.s32 s25, $0x1;
	s0 =	smov.u32 s25;
	v6 =	vld [tilespmem:s3+$0x0]  }
0x91: {  	s0 =	simm.s32 @!p0 $0x1;
	v7 =	vld [tilespmem:s3+$0x4F00]  }
0x92: {  	v8 =	vor.u32 s3, v2;
	v9 =	vld [tilespmem:s3+$0x10];
	s29 =	sshll.u32 s0, $0x7  }
0x93: {  	s5 =	sadd.s32 $0x10, s3;
	v50 =	vld [tilespmem:s3+$0x4F10];
	vm5 =	vge.s32 v8, s2;
	vm1 =	vlt.s32 v8, s29  }
0x94: {  	v11 =	vld [tilespmem:s3+$0x20];
	v10 =	vor.u32 s5, v2;
	vm0 =	vmand vm5, vm1  }
0x95: {  	s9 =	sadd.s32 $0x20, s3;
	v51 =	vld [tilespmem:s3+$0x4F20];
	vm6 =	vge.s32 v10, s2;
	vm2 =	vlt.s32 v10, s29;
	v6 =	vsel vm0, v4, v6  }
0x96: {  	v12 =	vld [tilespmem:s3+$0x30];
	vm7 =	vmand vm6, vm2;
	[tilespmem:s3+$0x0] =	vst v6;
	v6 =	vsel vm0, v5, v7;
	v7 =	vor.u32 s9, v2  }
0x97: {  	s7 =	sadd.s32 $0x30, s3;
	[tilespmem:s3+$0x4F00] =	vst v6;
	v6 =	vsel vm7, v4, v9;
	vm8 =	vge.s32 v7, s2;
	vm9 =	vlt.s32 v7, s29;
	v7 =	vld [tilespmem:s3+$0x4F30]  }
0x98: {  	v53 =	vld [tilespmem:s3+$0x40];
	v52 =	vor.u32 s7, v2;
	[tilespmem:s3+$0x10] =	vst v6;
	v6 =	vsel vm7, v5, v50;
	vm10 =	vmand vm8, vm9  }
0x99: {  	s8 =	sadd.s32 $0x40, s3;
	v54 =	vld [tilespmem:s3+$0x4F40];
	vm11 =	vge.s32 v52, s2;
	vm12 =	vlt.s32 v52, s29;
	[tilespmem:s3+$0x4F10] =	vst v6;
	v6 =	vsel vm10, v4, v11  }
0x9a: {  	v56 =	vld [tilespmem:s3+$0x50];
	v55 =	vor.u32 s8, v2;
	vm13 =	vmand vm11, vm12;
	[tilespmem:s3+$0x20] =	vst v6;
	v6 =	vsel vm10, v5, v51  }
0x9b: {  	v57 =	vld [tilespmem:s3+$0x4F50];
	vm14 =	vge.s32 v55, s2;
	vm15 =	vlt.s32 v55, s29;
	s9 =	sadd.s32 $0x50, s3;
	[tilespmem:s3+$0x4F20] =	vst v6;
	v6 =	vsel vm13, v4, v12  }
0x9c: {  	v58 =	vld [tilespmem:s3+$0x60];
	vm4 =	vmand vm14, vm15;
	[tilespmem:s3+$0x30] =	vst v6;
	v6 =	vsel vm13, v5, v7;
	v7 =	vor.u32 s9, v2  }
0x9d: {  	s7 =	sadd.s32 $0x60, s3;
	[tilespmem:s3+$0x4F30] =	vst v6;
	v6 =	vsel vm4, v4, v53;
	vm5 =	vge.s32 v7, s2;
	vm6 =	vlt.s32 v7, s29;
	v7 =	vld [tilespmem:s3+$0x4F60]  }
0x9e: {  	v60 =	vld [tilespmem:s3+$0x70];
	v59 =	vor.u32 s7, v2;
	[tilespmem:s3+$0x40] =	vst v6;
	v6 =	vsel vm4, v5, v54;
	vm7 =	vmand vm5, vm6  }
0x9f: {  	v61 =	vld [tilespmem:s3+$0x4F70];
	s8 =	sadd.s32 $0x70, s3;
	vm8 =	vge.s32 v59, s2;
	vm9 =	vlt.s32 v59, s29;
	[tilespmem:s3+$0x4F40] =	vst v6;
	v6 =	vsel vm7, v4, v56  }
0xa0: {  	v62 =	vor.u32 s8, v2;
	vm10 =	vmand vm8, vm9;
	[tilespmem:s3+$0x50] =	vst v6;
	v6 =	vsel vm7, v5, v57  }
0xa1: {  	vm11 =	vge.s32 v62, s2;
	vm12 =	vlt.s32 v62, s29;
	[tilespmem:s3+$0x4F50] =	vst v6;
	v6 =	vsel vm10, v4, v58  }
0xa2: {  	vm13 =	vmand vm11, vm12;
	v7 =	vsel vm10, v5, v7;
	[tilespmem:s3+$0x60] =	vst v6  }
0xa3: {  	s5 =	sadd.s32 $0x80, s3;
	v6 =	vsel vm13, v4, v60;
	[tilespmem:s3+$0x4F60] =	vst v7  }
0xa4: {  	s8 =	sand.u32 $0x70, s3;
	s9 =	sand.u32 $0xFFFFFF80, s5;
	[tilespmem:s3+$0x70] =	vst v6;
	v6 =	vsel vm13, v5, v61  }
0xa5: {  	s9 =	sor.u32 s8, s9;
	[tilespmem:s3+$0x4F70] =	vst v6  }
0xa6: {  	v6 =	vld [tilespmem:s9+$0x0]  }
0xa7: {  	v7 =	vld [tilespmem:s9+$0x4F00]  }
0xa8: {  	v63 =	vor.u32 s5, v2  }
0xa9: {  	vm14 =	vge.s32 v63, s2;
	vm15 =	vlt.s32 v63, s29  }
0xaa: {  	vm0 =	vmand vm14, vm15  }
0xab: {  	v6 =	vsel vm0, v4, v6  }
0xac: {  	p0 =	sle.s32 s25, $0x1;
	s3 =	simm.s32 $0x10000;
	[tilespmem:s9+$0x0] =	vst v6;
	v6 =	vsel vm0, v5, v7  }
0xad: {  	s7 =	simm.s32 $0x0;
	s2 =	simm.s32 $0x80;
	s5 =	sand.u32 @!p0 $0x10000, s3;
	[tilespmem:s9+$0x4F00] =	vst v6  }
0xae: {  	s8 =	simm.s32 $0x9E00;
	s5 =	sshrl.u32 @!p0 s5, $0x2;
	[bflag:$0x0] =	sbarrier.arrive $0xFFFF  }
0xaf: {  	[tilespmem:s8], [sflag:$0x1] =	stream.indirect.gather [hbm4b:s4+s2], $0x80, s7, s2, $0xb8;
	[tilespmem:$0x1DE00] =	vst v63  }
0xb0: {  	s5 =	sor.u32 @!p0 $0x9E00, s5;
	s7 =	simm.s32 @!p0 $0x80  }
0xb1: {  	[tilespmem:s5], [sflag:$0x1] =	stream.indirect.gather @!p0 [hbm4b:s4+s7], $0x80, s2, s7, $0xb8;
	[tilespmem:$0x1DE00] =	vst v63  }
0xb2: {  	p0 =	sne.s32 s0, $0x1  }
.Ltmp2:
0xb3: {  	_ = 	snop;
	(pc) =	sbr.rel @!p0 .LBB2_7-.Ltmp2, $4  }
0xb4: {  	_ = 	snop  }
0xb5: {  	s29 =	simm.s32 $0x1;
	s9 =	simm.s32 $0x0  }
0xb6: {  	s3 =	simm.s32 $0x4F00;
	s9 =	sand.u32 $0x10000, s9;
	_ =	swait.ge [sflag:s28], $0x4000  }
0xb7: {  	s7 =	sshrl.u32 s9, $0x2;
	s5 =	simm.s32 $0x20000;
	[sflag:s28] =	ssyncset.done $0x0  }
.LBB2_6:
0xb8: {  	s29 =	sadd.s32 $0x1, s29;
	[sflag:s28] =	ssyncadd.s32 $0xFFFFC000;
	s7 =	sor.u32 $0x9E00, s7  }
0xb9: {  	[spmem:s1] =	stream.indirect.scatter.add.f32 [tilespmem:s7], [sflag:$0x2], $0x80, s3, s30, $0xb8;
	[tilespmem:$0x1DE00] =	vst v63  }
0xba: {  	p1 =	sle.s32 s25, s29;
	p0 =	sne.s32 s0, s29;
	_ =	swait.ge [sflag:s24], $0x4000  }
0xbb: {  	s2 =	sadd.s32 $0x80, s2;
	s7 =	sand.u32 @!p1 $0x10000, s5;
	[sflag:s24] =	ssyncset.done $0x0  }
.Ltmp3:
0xbc: {  	s7 =	sshrl.u32 @!p1 s7, $0x2;
	[sflag:s24] =	ssyncadd.s32 $0xFFFFC000;
	(pc) =	sbr.rel @p0 .LBB2_6-.Ltmp3, $4  }
0xbd: {  	s9 =	sadd.s32 $0xFFFF0000, s5;
	s8 =	simm.s32 @!p1 $0x80;
	s7 =	sor.u32 @!p1 $0x9E00, s7  }
0xbe: {  	[tilespmem:s7], [sflag:$0x1] =	stream.indirect.gather @!p1 [hbm4b:s4+s8], $0x80, s2, s8, $0xb8;
	[tilespmem:$0x1DE00] =	vst v63  }
0xbf: {  	s3 =	sadd.s32 $0x80, s3;
	s7 =	sand.u32 $0x10000, s9;
	_ =	swait.ge [sflag:s28], $0x4000  }
0xc0: {  	s5 =	sadd.s32 $0x10000, s5;
	s7 =	sshrl.u32 s7, $0x2;
	[sflag:s28] =	ssyncset.done $0x0  }
.LBB2_7:
0xc1: {  	[sflag:s28] =	ssyncadd.s32 $0xFFFFC000;
	s0 =	sor.u32 $0x9E00, s7  }
0xc2: {  	[spmem:s1] =	stream.indirect.scatter.add.f32 [tilespmem:s0], [sflag:$0x2], $0x80, s3, s30, $0xb8;
	[tilespmem:$0x1DE00] =	vst v63  }
0xc3: {  	s29 =	stileid.u32;
	_ =	swait.ge [sflag:s24], $0x4000  }
0xc4: {  	s2 =	sshrl.u32 s6, $0x3;
	s31 =	sadd.s32 $0x1, s31;
	[sflag:s24] =	ssyncset.done $0x0  }
0xc5: {  	s0 =	sshll.u32 s29, $0x6;
	p0 =	sne.s32 s31, s23;
	[sflag:s24] =	ssyncadd.s32 $0xFFFFC000  }
.Ltmp4:
0xc6: {  	s0 =	sor.u32 $0x1C02, s0;
	[bflag:$0x0] =	sbarrier.arrive $0xFFFF;
	(pc) =	sbr.rel @p0 .LBB2_1-.Ltmp4, $4  }
0xc7: {  	[hbm:s22], [sflag:s0] =	dma.local [spmem:s2], $0x1680  }
0xc8: {  	_ =	swait.ge [sflag:s24], $0x1680  }
0xc9: {  	[sflag:s24] =	ssyncset.done $0x0  }
0xca: {  	[sflag:s24] =	ssyncadd.s32 $0xFFFFE980  }
0xcb: {  	_ =	sfence.sel $0x180000  }
0xcc: {  	[bflag:$0x0] =	sbarrier.arrive $0xFFFF  }
0xcd: {  	_ =	strace $0x9000004A  }
0xce: {  	s0 =	stileid.u32;
	[bflag:$0x2] =	sbarrier.arrive $0xFFFF  }
0xcf: {  	p0 =	sne.s32 s0, $0x0;
	s0 =	rddreg [dreg:$0x3]  }
0xd0: {  	s0 =	sadd.s32 @!p0 $0x100000, s0  }
0xd1: {  	[sflag:s0] =	ssyncadd.tile.s32 @!p0 $0x1;
	_ =	shalt  }
.Lfunc_end2:
_tile_overlayer_lowered:
.L_overlay_start_2:
0xd2: {  	(tag) =	ssettag $0x2  }
0xd3: {  	s0 =	rddreg [dreg:$0x0];
	s2 =	stileid.u32  }
0xd4: {  	s1 =	rddreg [dreg:$0x1];
	p0 =	sne.s32 s2, $0x0  }
0xd5: {  	s3 =	rddreg [dreg:$0x2];
	[bflag:$0x3] =	sbarrier.arrive $0xFFFF;
	s2 =	simm.s32 @!p0 $0x1C02  }
0xd6: {  	[timem:s3], [sflag:s2] =	dma.local @!p0 [hbm:s0], s1  }
0xd7: {  	s0 =	simm.s32 @!p0 $0x2  }
0xd8: {  	_ =	swait.ge @!p0 [sflag:s0], s1  }
0xd9: {  	s1 =	ssub.s32 @!p0 $0x0, s1;
	[sflag:s0] =	ssyncset.done @!p0 $0x0  }
0xda: {  	[sflag:s0] =	ssyncadd.s32 @!p0 s1  }
0xdb: {  	[bflag:$0x3] =	sbarrier.arrive $0xFFFF  }
0xdc: {  	_ =	shalt  }

// kernel: kernel.16.cloned.1.call-start
scs
__scs_entry_jumppad:
0x0: {  	(pc) =	sbr.rel $0x88, $3  }
0x1: {  	(tag) =	ssettag $0x0;
	lr =	simm.s32 $0x1  }
0x2: {  	[smem:$0x3F99] =	sst lr;
	_ =	strace $0xD0000000  }
0x3: {  	_ = 	snop  }
0x4: {  	_ = 	snop  }
0x5: {  	_ = 	snop  }
0x6: {  	_ = 	snop  }
0x7: {  	_ = 	snop  }
__scs_overlays_trampoline_lowered:
0x8: {  	[smem:$0x3FA8] =	sst s0  }
0x9: {  	[smem:$0x3FA9] =	sst s1  }
0xa: {  	[smem:$0x3FAA] =	sst s2  }
0xb: {  	[smem:$0x3FAB] =	sst s3  }
0xc: {  	[smem:$0x3FAC] =	sst s4  }
0xd: {  	[smem:$0x3FAD] =	sst s5  }
0xe: {  	[smem:$0x3FAE] =	sst s6  }
0xf: {  	[smem:$0x3FAF] =	sst s7  }
0x10: {  	[smem:$0x3FB0] =	sst s8  }
0x11: {  	[smem:$0x3FB1] =	sst s9;
	s0 =	simm.s32 @!p0 $0x0  }
0x12: {  	s1 =	sld [smem:$0x3F97];
	s0 =	simm.s32 @p0 $0x1  }
0x13: {  	[smem:$0x3FB2] =	sst s0;
	s0 =	simm.s32 @!p1 $0x0  }
0x14: {  	s2 =	sld [smem:$0x3F96];
	s0 =	simm.s32 @p1 $0x1  }
0x15: {  	[smem:$0x3FB3] =	sst s0;
	s0 =	simm.s32 @!p2 $0x0  }
0x16: {  	s3 =	sld [smem:$0x3FDB];
	s0 =	simm.s32 @p2 $0x1  }
0x17: {  	s4 =	simm.s32 $0x1BF5;
	[smem:$0x3FB5] =	sst s0  }
0x18: {  	s0 =	sld [smem:$0x3F98];
	_ =	swait.ge [sflag:s4], $0x0  }
0x19: {  	s7 =	sld [smem:$0x3F99]  }
0x1a: {  	s8 =	sadd.s32 $0xFFFFE003, lr  }
0x1b: {  	s9 =	sadd.s32 $0xFFFFFEF7, lr;
	s5 =	simm.s32 $0xFFFFFFFF;
	p2 =	slt.u32 s8, $0xFFFFF086  }
0x1c: {  	p1 =	slt.u32 s9, $0xF7A;
	s5 =	simm.s32 @!p2 $0x0  }
0x1d: {  	s5 =	simm.s32 @p1 $0x1;
	p0 =	seq.s32 s7, s2  }
0x1e: {  	s7 =	smul.u32 @!p0 $0xF7A, s2;
	p2 =	seq.s32 @!p0 s5, $0x0  }
0x1f: {  	s9 =	smul.u32 $0xF7A, s1;
	s8 =	simm.s32 @!p0 $0x1BF5;
	p2 =	por !p2, p0  }
0x20: {  	[sflag:s8] =	ssyncset.s32 @!p0 $0xFFFFF086;
	s6 =	sadd.s32 @!p0 s3, s7;
	s7 =	simm.s32 @!p0 $0x108  }
0x21: {  	s3 =	sadd.s32 s3, s9;
	s6 =	sadd.s32 @!p0 $0x88, s6;
	s7 =	simm.s32 @p2 $0x1082  }
0x22: {  	[simem:s7], [sflag:s8] =	dma.local @!p0 [hbm:s6], $0xF7A  }
0x23: {  	s9 =	sor.u32 $0xD0000000, s2;
	s6 =	simm.s32 $0x108;
	_ =	swait.ge @!p0 [sflag:s8], $0x0  }
0x24: {  	s3 =	sadd.s32 $0x88, s3;
	s6 =	simm.s32 @!p1 $0x1082;
	[sflag:s4] =	ssyncset.s32 $0xFFFFF086  }
0x25: {  	[simem:s6], [sflag:s4] =	dma.local [hbm:s3], $0xF7A  }
0x26: {  	[smem:$0x3F99] =	sst s1;
	(tag) =	ssettag s2;
	_ =	strace s9  }
0x27: {  	s1 =	sld [smem:$0x3FA9]  }
0x28: {  	s2 =	sld [smem:$0x3FAA]  }
0x29: {  	s4 =	sld [smem:$0x3FAC]  }
0x2a: {  	p0 =	seq.s32 s5, $0x0;
	s5 =	sld [smem:$0x3FAD]  }
0x2b: {  	s6 =	sld [smem:$0x3FAE]  }
0x2c: {  	s7 =	sld [smem:$0x3FAF]  }
0x2d: {  	s3 =	simm.s32 $0x108;
	s8 =	sld [smem:$0x3FB0]  }
0x2e: {  	s3 =	simm.s32 @!p0 $0x1082;
	s9 =	sld [smem:$0x3FB1]  }
0x2f: {  	lr =	sadd.s32 s0, s3;
	s0 =	sld [smem:$0x3FA8]  }
0x30: {  	s3 =	sld [smem:$0x3FAB]  }
0x31: {  	[smem:$0x3FB4] =	sst s10  }
0x32: {  	s10 =	sld [smem:$0x3FB2];
	_ =	sdelay $0x3  }
0x33: {  	p0 =	seq.s32 s10, $0x1;
	s10 =	sld [smem:$0x3FB4];
	_ =	sdelay $0x3  }
0x34: {  	[smem:$0x3FB4] =	sst s10  }
0x35: {  	s10 =	sld [smem:$0x3FB3];
	_ =	sdelay $0x3  }
0x36: {  	p1 =	seq.s32 s10, $0x1;
	s10 =	sld [smem:$0x3FB4];
	_ =	sdelay $0x3  }
0x37: {  	[smem:$0x3FB4] =	sst s10  }
0x38: {  	s10 =	sld [smem:$0x3FB5]  }
0x39: {  	_ = 	snop;
	(pc) =	sbr.ind lr, $3  }
0x3a: {  	_ = 	snop  }
0x3b: {  	_ = 	snop  }
0x3c: {  	p2 =	seq.s32 s10, $0x1;
	s10 =	sld [smem:$0x3FB4]  }
0x3d: {  	_ =	shalt  }
0x3e: {  	_ =	shalt  }
0x3f: {  	_ =	shalt  }
0x40: {  	_ =	shalt  }
0x41: {  	_ =	shalt  }
0x42: {  	_ =	shalt  }
0x43: {  	_ =	shalt  }
0x44: {  	_ =	shalt  }
0x45: {  	_ =	shalt  }
0x46: {  	_ =	shalt  }
0x47: {  	_ =	shalt  }
0x48: {  	_ =	shalt  }
0x49: {  	_ =	shalt  }
0x4a: {  	_ =	shalt  }
0x4b: {  	_ =	shalt  }
0x4c: {  	_ =	shalt  }
0x4d: {  	_ =	shalt  }
0x4e: {  	_ =	shalt  }
0x4f: {  	_ =	shalt  }
0x50: {  	_ =	shalt  }
0x51: {  	_ =	shalt  }
0x52: {  	_ =	shalt  }
0x53: {  	_ =	shalt  }
0x54: {  	_ =	shalt  }
0x55: {  	_ =	shalt  }
0x56: {  	_ =	shalt  }
0x57: {  	_ =	shalt  }
0x58: {  	_ =	shalt  }
0x59: {  	_ =	shalt  }
0x5a: {  	_ =	shalt  }
0x5b: {  	_ =	shalt  }
0x5c: {  	_ =	shalt  }
0x5d: {  	_ =	shalt  }
0x5e: {  	_ =	shalt  }
0x5f: {  	_ =	shalt  }
0x60: {  	_ =	shalt  }
0x61: {  	_ =	shalt  }
0x62: {  	_ =	shalt  }
0x63: {  	_ =	shalt  }
0x64: {  	_ =	shalt  }
0x65: {  	_ =	shalt  }
0x66: {  	_ =	shalt  }
0x67: {  	_ =	shalt  }
0x68: {  	_ =	shalt  }
0x69: {  	_ =	shalt  }
0x6a: {  	_ =	shalt  }
0x6b: {  	_ =	shalt  }
0x6c: {  	_ =	shalt  }
0x6d: {  	_ =	shalt  }
0x6e: {  	_ =	shalt  }
0x6f: {  	_ =	shalt  }
0x70: {  	_ =	shalt  }
0x71: {  	_ =	shalt  }
0x72: {  	_ =	shalt  }
0x73: {  	_ =	shalt  }
0x74: {  	_ =	shalt  }
0x75: {  	_ =	shalt  }
0x76: {  	_ =	shalt  }
0x77: {  	_ =	shalt  }
0x78: {  	_ =	shalt  }
0x79: {  	_ =	shalt  }
0x7a: {  	_ =	shalt  }
0x7b: {  	_ =	shalt  }
0x7c: {  	_ =	shalt  }
0x7d: {  	_ =	shalt  }
0x7e: {  	_ =	shalt  }
0x7f: {  	_ =	shalt  }
0x80: {  	_ =	shalt  }
0x81: {  	_ =	shalt  }
0x82: {  	_ =	shalt  }
0x83: {  	_ =	shalt  }
0x84: {  	_ =	shalt  }
0x85: {  	_ =	shalt  }
0x86: {  	_ =	shalt  }
0x87: {  	_ =	shalt  }
.Lfunc_end0:
.L_simem_size_0:
called_computation.2_lowered:
.L_overlay_start_0:
0x88: {  	s2 =	sld [smem:$0x3FD9]  }
0x89: {  	s3 =	sld [smem:$0x3FFE];
	_ =	sdelay $0x1  }
0x8a: {  	s1 =	srdreg.scid  }
0x8b: {  	s0 =	sand.u32 $0x1, s1  }
0x8c: {  	s17 =	sshll.u32 s0, $0xA;
	s2 =	sadd.s32 s3, s2  }
0x8d: {  	s2 =	sadd.s32 s2, s17  }
0x8e: {  	[smem:$0x3FC0] =	sst s2  }
0x8f: {  	_ = 	snop  }
0x90: {  	s2 =	sld [smem:$0x3FD0];
	(tm) =	ssettm $0x1  }
0x91: {  	s18 =	sld [smem:$0x3FFB];
	_ =	sdelay $0x3  }
0x92: {  	_ =	strace s18  }
0x93: {  	s3 =	sld [smem:$0x3FFC];
	_ =	sdelay $0x3  }
0x94: {  	_ =	strace s3  }
0x95: {  	s3 =	sld [smem:$0x3FFD];
	_ =	sdelay $0x3  }
0x96: {  	_ =	strace s3  }
0x97: {  	_ =	strace $0x8FFFFFFF  }
0x98: {  	s19 =	sld [smem:$0x3FDB];
	_ =	sdelay $0x1  }
0x99: {  	s4 =	simm.s32 $_scs_section_size  }
0x9a: {  	s5 =	simm.s32 $_size__tile_overlayer_lowered;
	s6 =	simm.s32 $_tile_overlayer_lowered  }
0x9b: {  	s22 =	simm.s32 $0x1BFF;
	s21 =	sshll.u32 s6, $0x1;
	s3 =	sadd.s32 s4, s19  }
0x9c: {  	s7 =	simm.s32 $0x0;
	s20 =	sshll.u32 s5, $0x1;
	s5 =	sadd.s32 s21, s3  }
0x9d: {  	[timem:s7], [sflag:s22] =	dma.local [hbm:s5], s20  }
0x9e: {  	_ =	swait.ge [sflag:s22], s20  }
0x9f: {  	s4 =	ssub.s32 $0x0, s20;
	[sflag:s22] =	ssyncset.done $0x0  }
0xa0: {  	[sflag:s22] =	ssyncadd.s32 s4;
	_ =	sdelay $0x1  }
0xa1: {  	s23 =	simm.s32 $0x1B8B  }
0xa2: {  	_ =	swait.ge [sflag:s23], $0x1  }
0xa3: {  	[sflag:s23] =	ssyncset.done $0x0  }
0xa4: {  	s25 =	simm.s32 $0x1B8E;
	s24 =	sld [smem:$0x3FFE];
	[sflag:s23] =	ssyncadd.s32 $0xFFFFFFFF  }
0xa5: {  	s26 =	simm.s32 $execute0_lowered;
	[smem:$0x3FD2] =	sst s25  }
0xa6: {  	s5 =	sshll.u32 s26, $0x1;
	_ =	strace $0x8000004C;
	[dreg:$0x1] =	wrdreg $0xFFFFFFFF  }
0xa7: {  	s28 =	simm.s32 $_size_execute0_lowered;
	s3 =	sadd.s32 s3, s5;
	[dreg:$0x0] =	wrdreg $0x0  }
0xa8: {  	s5 =	sshll.u32 s28, $0x1;
	[dreg:$0x2] =	wrdreg s3  }
0xa9: {  	[dreg:$0x3] =	wrdreg s5  }
0xaa: {  	[dreg:$0x4] =	wrdreg $0xC0  }
0xab: {  	_ =	task [dreg:s7], $0x5FFFF  }
0xac: {  	[dreg:$0x1] =	wrdreg $0xFFFFFFFF  }
0xad: {  	[dreg:$0x0] =	wrdreg $0x60  }
0xae: {  	[dreg:$0x2] =	wrdreg s24  }
0xaf: {  	[dreg:$0x3] =	wrdreg s2  }
0xb0: {  	[dreg:$0x4] =	wrdreg $0x12A000  }
0xb1: {  	[dreg:$0x5] =	wrdreg $0x9  }
0xb2: {  	_ =	task.clear_ibuf [dreg:s7], $0x6FFFF;
	_ =	strace $0x9000004C  }
0xb3: {  	s29 =	simm.s32 $0x9;
	_ =	strace $0x8000004E  }
0xb4: {  	_ =	swait.ge [sflag:s29], $0x1  }
0xb5: {  	[sflag:s29] =	ssyncadd.s32 $0xFFFFFFFF  }
0xb6: {  	_ =	strace $0x9000004E  }
0xb7: {  	_ =	sfence  }
0xb8: {  	s30 =	sld [smem:$0x0];
	_ =	sdelay $0x2  }
0xb9: {  	s31 =	sshll.u32 s1, $0xD;
	s1 =	sshrl.u32 s1, $0x2  }
0xba: {  	s3 =	sand.u32 $0x4000, s31;
	s1 =	sadd.s32 s1, s30  }
0xbb: {  	s0 =	sor.u32 s3, s0;
	s1 =	sshll.u32 s1, $0x11  }
0xbc: {  	s0 =	sor.u32 s1, s0  }
0xbd: {  	s0 =	sadd.s32 $0x8F2B, s0  }
0xbe: {  	[sflag:s0] =	ssyncadd.remote.s32 $0x1  }
0xbf: {  	_ =	sfence.sel $0xFFFF  }
0xc0: {  	[dreg:$0x0] =	wrdreg $0xFFFFFFFF;
	(pc) =	sbr.abs _section_cstart, $3  }
0xc1: {  	[dreg:$0x1] =	wrdreg $0xFFFFFFFF  }
0xc2: {  	_ =	task.clear_ibuf [dreg:s7], $0x2FFFF;
	_ =	strace $0x9FFFFFFF  }
0xc3: {  	(tm) =	ssettm $0x7FFFFFFF  }
tec
execute0_lowered:
.L_overlay_start_1:
0x0: {  	(tag) =	ssettag $0x1  }
0x1: {  	s0 =	rddreg [dreg:$0x0]  }
0x2: {  	s2 =	rddreg [dreg:$0x1]  }
0x3: {  	s1 =	rddreg [dreg:$0x2]  }
0x4: {  	s3 =	srdreg.scid;
	s4 =	simm.s32 $0x0;
	s8 =	stileid.u32  }
0x5: {  	s28 =	simm.s32 $0x1;
	s30 =	simm.s32 $0x80;
	s6 =	smul.u32 $0xB400, s8  }
0x6: {  	s31 =	simm.s32 $0x0;
	s3 =	sand.u32 $0x1, s3;
	s7 =	smul.u32 $0x9C4, s8  }
0x7: {  	[smem:$0x7FF] =	sst s4;
	s4 =	sadd.s32 $0xDE00, s0;
	s8 =	smul.u32 $0x2D000, s8  }
0x8: {  	s5 =	smul.u32 $0xB4000, s3;
	_ =	strace $0x8000004D;
	s22 =	ssub.s32 $0x2, s3  }
0x9: {  	s3 =	smul.u32 $0xFFFFEC00, s3;
	s9 =	sadd.s32 s7, s0;
	s10 =	sshrl.u32 s22, $0x1  }
0xa: {  	s24 =	sshrl.u32 s8, $0x2;
	s2 =	sadd.s32 s2, s7;
	s5 =	sadd.s32 s6, s5  }
0xb: {  	s23 =	ssub.s32 s22, s10;
	[dreg:$0x4] =	wrdreg s2;
	s6 =	sadd.s32 s24, s1  }
0xc: {  	s25 =	sadd.s32 $0x4000, s9;
	s24 =	simm.s32 $0x2;
	s5 =	sshrl.u32 s5, $0x3  }
0xd: {  	[dreg:$0x5] =	wrdreg s25;
	s26 =	sadd.s32 $0xC00, s6;
	s29 =	sadd.s32 $0x1800, s6  }
0xe: {  	s10 =	sadd.s32 $0x2400, s6;
	s11 =	sadd.s32 $0x3000, s6;
	s12 =	sadd.s32 $0x3C00, s6  }
0xf: {  	s13 =	sadd.s32 $0x4800, s6;
	s14 =	sadd.s32 $0x5400, s6;
	s15 =	sadd.s32 $0x6000, s6  }
0x10: {  	s16 =	sadd.s32 $0x6C00, s6;
	s17 =	sadd.s32 $0x7800, s6;
	s18 =	sadd.s32 $0x8400, s6  }
0x11: {  	s19 =	sadd.s32 $0x9000, s6;
	s20 =	sadd.s32 $0x9C00, s6;
	s21 =	sadd.s32 $0xA800, s6  }
0x12: {  	v1 =	vimm.f32 $0.0e+00;
	v2 =	vlaneseq.u32;
	v3 =	vimm.s32 $0x0;
	s23 =	smax.u32 s23, $0x1;
	s0 =	sadd.s32 s5, s0;
	[dreg:$0x6] =	wrdreg s26  }
0x13: {  	v4 =	vmul.u32 $0x8, v2;
	v5 =	vor.u32 $0x1600, v2;
	v0 =	vmov s3;
	[dreg:$0x7] =	wrdreg s29;
	s26 =	simm.s32 $0x11E00;
	s22 =	sadd.s32 $0xB7C00, s0  }
.LBB2_1:
0x14: {  	s0 =	simm.s32 $0x0;
	s2 =	rddreg [dreg:$0x4]  }
0x15: {  	[tilespmem:s0], [sflag:$0x2] =	stream.linear.gather [hbm4b:s2+s0], $0x4E20, $0x38;
	[tilespmem:$0x1DE00] =	vst v63  }
0x16: {  	_ =	swait.ge [sflag:s24], $0x4E20  }
0x17: {  	[sflag:s24] =	ssyncset.done $0x0  }
0x18: {  	s3 =	simm.s32 $0x4F00;
	s29 =	rddreg [dreg:$0x5];
	[sflag:s24] =	ssyncadd.s32 $0xFFFFB1E0  }
0x19: {  	[tilespmem:s3], [sflag:$0x2] =	stream.linear.gather [hbm4b:s29+s0], $0x4E20, $0x38;
	[tilespmem:$0x1DE00] =	vst v63  }
0x1a: {  	_ =	swait.ge [sflag:s24], $0x4E20  }
0x1b: {  	[sflag:s24] =	ssyncset.done $0x0  }
0x1c: {  	s2 =	simm.s32 $0x200;
	s0 =	simm.s32 $0x0;
	[sflag:s24] =	ssyncadd.s32 $0xFFFFB1E0  }
.LBB2_2:
0x1d: {  	p0 =	sne.s32 s2, $0x2E00;
	[tilespmem:s0+$0x11E70] =	vst v1  }
0x1e: {  	[tilespmem:s0+$0x11E00] =	vst v1  }
0x1f: {  	[tilespmem:s0+$0x11E10] =	vst v1  }
.Ltmp0:
0x20: {  	[tilespmem:s0+$0x11E20] =	vst v1;
	(pc) =	sbr.rel @p0 .LBB2_2-.Ltmp0, $4  }
0x21: {  	[tilespmem:s0+$0x11E30] =	vst v1  }
0x22: {  	[tilespmem:s0+$0x11E40] =	vst v1  }
0x23: {  	[tilespmem:s0+$0x11E50] =	vst v1  }
0x24: {  	[tilespmem:s0+$0x11E60] =	vst v1;
	s0 =	sshra.s32 s2, $0x2;
	s2 =	sadd.s32 $0x200, s2  }
0x25: {  	[tilespmem:s0+$0x11E70] =	vst v1  }
0x26: {  	[tilespmem:s0+$0x11E00] =	vst v1  }
0x27: {  	[tilespmem:s0+$0x11E10] =	vst v1  }
0x28: {  	[tilespmem:s0+$0x11E20] =	vst v1  }
0x29: {  	[tilespmem:s0+$0x11E30] =	vst v1  }
0x2a: {  	[tilespmem:s0+$0x11E40] =	vst v1  }
0x2b: {  	[tilespmem:s0+$0x11E50] =	vst v1  }
0x2c: {  	[tilespmem:s0+$0x11E60] =	vst v1  }
0x2d: {  	[spmem:s6] =	stream.linear.scatter [tilespmem:s26], [sflag:$0x2], $0xC00, $0x38;
	[tilespmem:$0x1DE00] =	vst v63  }
0x2e: {  	_ =	swait.ge [sflag:s24], $0xC00  }
0x2f: {  	[sflag:s24] =	ssyncset.done $0x0  }
0x30: {  	s9 =	rddreg [dreg:$0x6];
	[sflag:s24] =	ssyncadd.s32 $0xFFFFF400  }
0x31: {  	[spmem:s9] =	stream.linear.scatter [tilespmem:s26], [sflag:$0x2], $0xC00, $0x38;
	[tilespmem:$0x1DE00] =	vst v63  }
0x32: {  	_ =	swait.ge [sflag:s24], $0xC00  }
0x33: {  	[sflag:s24] =	ssyncset.done $0x0  }
0x34: {  	s25 =	rddreg [dreg:$0x7];
	[sflag:s24] =	ssyncadd.s32 $0xFFFFF400  }
0x35: {  	[spmem:s25] =	stream.linear.scatter [tilespmem:s26], [sflag:$0x2], $0xC00, $0x38;
	[tilespmem:$0x1DE00] =	vst v63  }
0x36: {  	_ =	swait.ge [sflag:s24], $0xC00  }
0x37: {  	[sflag:s24] =	ssyncset.done $0x0  }
0x38: {  	[sflag:s24] =	ssyncadd.s32 $0xFFFFF400  }
0x39: {  	[spmem:s10] =	stream.linear.scatter [tilespmem:s26], [sflag:$0x2], $0xC00, $0x38;
	[tilespmem:$0x1DE00] =	vst v63  }
0x3a: {  	_ =	swait.ge [sflag:s24], $0xC00  }
0x3b: {  	[sflag:s24] =	ssyncset.done $0x0  }
0x3c: {  	[sflag:s24] =	ssyncadd.s32 $0xFFFFF400  }
0x3d: {  	[spmem:s11] =	stream.linear.scatter [tilespmem:s26], [sflag:$0x2], $0xC00, $0x38;
	[tilespmem:$0x1DE00] =	vst v63  }
0x3e: {  	_ =	swait.ge [sflag:s24], $0xC00  }
0x3f: {  	[sflag:s24] =	ssyncset.done $0x0  }
0x40: {  	[sflag:s24] =	ssyncadd.s32 $0xFFFFF400  }
0x41: {  	[spmem:s12] =	stream.linear.scatter [tilespmem:s26], [sflag:$0x2], $0xC00, $0x38;
	[tilespmem:$0x1DE00] =	vst v63  }
0x42: {  	_ =	swait.ge [sflag:s24], $0xC00  }
0x43: {  	[sflag:s24] =	ssyncset.done $0x0  }
0x44: {  	[sflag:s24] =	ssyncadd.s32 $0xFFFFF400  }
0x45: {  	[spmem:s13] =	stream.linear.scatter [tilespmem:s26], [sflag:$0x2], $0xC00, $0x38;
	[tilespmem:$0x1DE00] =	vst v63  }
0x46: {  	_ =	swait.ge [sflag:s24], $0xC00  }
0x47: {  	[sflag:s24] =	ssyncset.done $0x0  }
0x48: {  	[sflag:s24] =	ssyncadd.s32 $0xFFFFF400  }
0x49: {  	[spmem:s14] =	stream.linear.scatter [tilespmem:s26], [sflag:$0x2], $0xC00, $0x38;
	[tilespmem:$0x1DE00] =	vst v63  }
0x4a: {  	_ =	swait.ge [sflag:s24], $0xC00  }
0x4b: {  	[sflag:s24] =	ssyncset.done $0x0  }
0x4c: {  	[sflag:s24] =	ssyncadd.s32 $0xFFFFF400  }
0x4d: {  	[spmem:s15] =	stream.linear.scatter [tilespmem:s26], [sflag:$0x2], $0xC00, $0x38;
	[tilespmem:$0x1DE00] =	vst v63  }
0x4e: {  	_ =	swait.ge [sflag:s24], $0xC00  }
0x4f: {  	[sflag:s24] =	ssyncset.done $0x0  }
0x50: {  	[sflag:s24] =	ssyncadd.s32 $0xFFFFF400  }
0x51: {  	[spmem:s16] =	stream.linear.scatter [tilespmem:s26], [sflag:$0x2], $0xC00, $0x38;
	[tilespmem:$0x1DE00] =	vst v63  }
0x52: {  	_ =	swait.ge [sflag:s24], $0xC00  }
0x53: {  	[sflag:s24] =	ssyncset.done $0x0  }
0x54: {  	[sflag:s24] =	ssyncadd.s32 $0xFFFFF400  }
0x55: {  	[spmem:s17] =	stream.linear.scatter [tilespmem:s26], [sflag:$0x2], $0xC00, $0x38;
	[tilespmem:$0x1DE00] =	vst v63  }
0x56: {  	_ =	swait.ge [sflag:s24], $0xC00  }
0x57: {  	[sflag:s24] =	ssyncset.done $0x0  }
0x58: {  	[sflag:s24] =	ssyncadd.s32 $0xFFFFF400  }
0x59: {  	[spmem:s18] =	stream.linear.scatter [tilespmem:s26], [sflag:$0x2], $0xC00, $0x38;
	[tilespmem:$0x1DE00] =	vst v63  }
0x5a: {  	_ =	swait.ge [sflag:s24], $0xC00  }
0x5b: {  	[sflag:s24] =	ssyncset.done $0x0  }
0x5c: {  	[sflag:s24] =	ssyncadd.s32 $0xFFFFF400  }
0x5d: {  	[spmem:s19] =	stream.linear.scatter [tilespmem:s26], [sflag:$0x2], $0xC00, $0x38;
	[tilespmem:$0x1DE00] =	vst v63  }
0x5e: {  	_ =	swait.ge [sflag:s24], $0xC00  }
0x5f: {  	[sflag:s24] =	ssyncset.done $0x0  }
0x60: {  	[sflag:s24] =	ssyncadd.s32 $0xFFFFF400  }
0x61: {  	[spmem:s20] =	stream.linear.scatter [tilespmem:s26], [sflag:$0x2], $0xC00, $0x38;
	[tilespmem:$0x1DE00] =	vst v63  }
0x62: {  	_ =	swait.ge [sflag:s24], $0xC00  }
0x63: {  	[sflag:s24] =	ssyncset.done $0x0  }
0x64: {  	[sflag:s24] =	ssyncadd.s32 $0xFFFFF400  }
0x65: {  	[spmem:s21] =	stream.linear.scatter [tilespmem:s26], [sflag:$0x2], $0xC00, $0x38;
	[tilespmem:$0x1DE00] =	vst v63  }
0x66: {  	_ =	swait.ge [sflag:s24], $0xC00  }
0x67: {  	[sflag:s24] =	ssyncset.done $0x0  }
0x68: {  	s29 =	simm.s32 $0x0;
	[sflag:s24] =	ssyncadd.s32 $0xFFFFF400  }
0x69: {  	v6 =	vld [tilespmem:s29+$0x4F00];
	_ =	sdelay $0x4  }
0x6a: {  	v6 =	vadd.s32 v0, v6  }
0x6b: {  	vm0 =	vlt.u32 v6, $0x1400  }
0x6c: {  	v7 =	vsel vm0, $0x1, v3  }
0x6d: {  	(xrf0) =	vadd.scan.msk.s32 $0xffff, v7;
	_ =	sdelay $0x1  }
0x6e: {  	v7 =	vld [tilespmem:s29+$0x0];
	_ =	sdelay $0x3  }
0x6f: {  	s0 =	simm.s32 $0x0;
	v8, _, _ =	vpop (xrf0)  }
0x70: {  	[tilespmem:s0+$0x0] =	vst.msk vm0, v7;
	(v2sf) =	vpush v8, $0xF  }
0x71: {  	s3 =	simm.s32 $0x10;
	s2 =	simm.s32 $0x80;
	[tilespmem:s0+$0x4F00] =	vst.msk vm0, v6  }
.LBB2_4:
0x72: {  	p0 =	sne.s32 s2, $0x13840;
	v6 =	vld [tilespmem:s3+$0x4F00];
	_ =	sdelay $0x4  }
0x73: {  	v6 =	vadd.s32 v0, v6  }
0x74: {  	vm0 =	vlt.u32 v6, $0x1400  }
0x75: {  	v7 =	vsel vm0, $0x1, v3  }
0x76: {  	(xrf0) =	vadd.scan.msk.s32 $0xffff, v7;
	_ =	sdelay $0x1  }
0x77: {  	v7 =	vld [tilespmem:s3+$0x0];
	_ =	sdelay $0x1  }
.Ltmp1:
0x78: {  	(pc) =	sbr.rel @p0 .LBB2_4-.Ltmp1, $4  }
0x79: {  	s3 =	spop (v2sf)  }
0x7a: {  	v8, _, _ =	vpop (xrf0);
	s0 =	sadd.s32 s0, s3  }
0x7b: {  	[tilespmem:s0+$0x0] =	vst.msk vm0, v7;
	(v2sf) =	vpush v8, $0xF  }
0x7c: {  	s3 =	sshra.s32 s2, $0x2;
	s2 =	sadd.s32 $0x40, s2;
	[tilespmem:s0+$0x4F00] =	vst.msk vm0, v6  }
0x7d: {  	v6 =	vld [tilespmem:s3+$0x4F00];
	_ =	sdelay $0x4  }
0x7e: {  	v6 =	vadd.s32 v0, v6  }
0x7f: {  	vm0 =	vlt.u32 v6, $0x1400  }
0x80: {  	v7 =	vsel vm0, $0x1, v3  }
0x81: {  	(xrf0) =	vadd.scan.msk.s32 $0xffff, v7;
	_ =	sdelay $0x5  }
0x82: {  	v7, _, _ =	vpop (xrf0)  }
0x83: {  	(v2sf) =	vpush v7, $0xF;
	_ =	sdelay $0xd  }
0x84: {  	s2 =	spop (v2sf)  }
0x85: {  	s0 =	sadd.s32 s0, s2;
	s7 =	spop (v2sf)  }
0x86: {  	s2 =	sadd.s32 s0, s7  }
0x87: {  	s5 =	sadd.s32 $0x7F, s2;
	s8 =	sand.u32 $0xF, s2;
	p6 =	slt.s32 s2, $0x1  }
0x88: {  	s7 =	sshra.s32 s5, $0x1F;
	s25 =	sand.u32 $0x7F, s5;
	p0 =	slt.s32 s5, $0x1  }
0x89: {  	v7 =	vld [tilespmem:s3+$0x0];
	p2 =	sne.s32 s8, $0x0;
	p1 =	sne.s32 s25, $0x0;
	s9 =	sshrl.u32 s7, $0x19  }
0x8a: {  	s25 =	sshra.s32 s2, $0x1F;
	s7 =	simm.s32 $0x1;
	p0 =	por !p0, !p1  }
0x8b: {  	p1 =	por !p6, !p2;
	s3 =	sadd.s32 s9, s5;
	s8 =	sshrl.u32 s25, $0x1C  }
0x8c: {  	s25 =	simm.s32 $0x1;
	s5 =	sadd.s32 s8, s2;
	p1 =	por !p1, !p1  }
0x8d: {  	p0 =	por !p0, !p0;
	s5 =	sshrl.u32 s5, $0x4;
	s7 =	simm.s32 @!p1 $0x0  }
0x8e: {  	[tilespmem:s0+$0x0] =	vst.msk vm0, v7;
	s3 =	sshra.s32 s3, $0x7;
	s25 =	simm.s32 @!p0 $0x0;
	s5 =	ssub.s32 s5, s7  }
0x8f: {  	[tilespmem:s0+$0x4F00] =	vst.msk vm0, v6;
	s25 =	ssub.s32 s3, s25;
	s3 =	sshll.u32 s5, $0x4  }
0x90: {  	p0 =	sgt.s32 s25, $0x1;
	s0 =	smov.u32 s25;
	v6 =	vld [tilespmem:s3+$0x0]  }
0x91: {  	s0 =	simm.s32 @!p0 $0x1;
	v7 =	vld [tilespmem:s3+$0x4F00]  }
0x92: {  	v8 =	vor.u32 s3, v2;
	v9 =	vld [tilespmem:s3+$0x10];
	s29 =	sshll.u32 s0, $0x7  }
0x93: {  	s5 =	sadd.s32 $0x10, s3;
	v50 =	vld [tilespmem:s3+$0x4F10];
	vm5 =	vge.s32 v8, s2;
	vm1 =	vlt.s32 v8, s29  }
0x94: {  	v11 =	vld [tilespmem:s3+$0x20];
	v10 =	vor.u32 s5, v2;
	vm0 =	vmand vm5, vm1  }
0x95: {  	s9 =	sadd.s32 $0x20, s3;
	v51 =	vld [tilespmem:s3+$0x4F20];
	vm6 =	vge.s32 v10, s2;
	vm2 =	vlt.s32 v10, s29;
	v6 =	vsel vm0, v4, v6  }
0x96: {  	v12 =	vld [tilespmem:s3+$0x30];
	vm7 =	vmand vm6, vm2;
	[tilespmem:s3+$0x0] =	vst v6;
	v6 =	vsel vm0, v5, v7;
	v7 =	vor.u32 s9, v2  }
0x97: {  	s7 =	sadd.s32 $0x30, s3;
	[tilespmem:s3+$0x4F00] =	vst v6;
	v6 =	vsel vm7, v4, v9;
	vm8 =	vge.s32 v7, s2;
	vm9 =	vlt.s32 v7, s29;
	v7 =	vld [tilespmem:s3+$0x4F30]  }
0x98: {  	v53 =	vld [tilespmem:s3+$0x40];
	v52 =	vor.u32 s7, v2;
	[tilespmem:s3+$0x10] =	vst v6;
	v6 =	vsel vm7, v5, v50;
	vm10 =	vmand vm8, vm9  }
0x99: {  	s8 =	sadd.s32 $0x40, s3;
	v54 =	vld [tilespmem:s3+$0x4F40];
	vm11 =	vge.s32 v52, s2;
	vm12 =	vlt.s32 v52, s29;
	[tilespmem:s3+$0x4F10] =	vst v6;
	v6 =	vsel vm10, v4, v11  }
0x9a: {  	v56 =	vld [tilespmem:s3+$0x50];
	v55 =	vor.u32 s8, v2;
	vm13 =	vmand vm11, vm12;
	[tilespmem:s3+$0x20] =	vst v6;
	v6 =	vsel vm10, v5, v51  }
0x9b: {  	v57 =	vld [tilespmem:s3+$0x4F50];
	vm14 =	vge.s32 v55, s2;
	vm15 =	vlt.s32 v55, s29;
	s9 =	sadd.s32 $0x50, s3;
	[tilespmem:s3+$0x4F20] =	vst v6;
	v6 =	vsel vm13, v4, v12  }
0x9c: {  	v58 =	vld [tilespmem:s3+$0x60];
	vm4 =	vmand vm14, vm15;
	[tilespmem:s3+$0x30] =	vst v6;
	v6 =	vsel vm13, v5, v7;
	v7 =	vor.u32 s9, v2  }
0x9d: {  	s7 =	sadd.s32 $0x60, s3;
	[tilespmem:s3+$0x4F30] =	vst v6;
	v6 =	vsel vm4, v4, v53;
	vm5 =	vge.s32 v7, s2;
	vm6 =	vlt.s32 v7, s29;
	v7 =	vld [tilespmem:s3+$0x4F60]  }
0x9e: {  	v60 =	vld [tilespmem:s3+$0x70];
	v59 =	vor.u32 s7, v2;
	[tilespmem:s3+$0x40] =	vst v6;
	v6 =	vsel vm4, v5, v54;
	vm7 =	vmand vm5, vm6  }
0x9f: {  	v61 =	vld [tilespmem:s3+$0x4F70];
	s8 =	sadd.s32 $0x70, s3;
	vm8 =	vge.s32 v59, s2;
	vm9 =	vlt.s32 v59, s29;
	[tilespmem:s3+$0x4F40] =	vst v6;
	v6 =	vsel vm7, v4, v56  }
0xa0: {  	v62 =	vor.u32 s8, v2;
	vm10 =	vmand vm8, vm9;
	[tilespmem:s3+$0x50] =	vst v6;
	v6 =	vsel vm7, v5, v57  }
0xa1: {  	vm11 =	vge.s32 v62, s2;
	vm12 =	vlt.s32 v62, s29;
	[tilespmem:s3+$0x4F50] =	vst v6;
	v6 =	vsel vm10, v4, v58  }
0xa2: {  	vm13 =	vmand vm11, vm12;
	v7 =	vsel vm10, v5, v7;
	[tilespmem:s3+$0x60] =	vst v6  }
0xa3: {  	s5 =	sadd.s32 $0x80, s3;
	v6 =	vsel vm13, v4, v60;
	[tilespmem:s3+$0x4F60] =	vst v7  }
0xa4: {  	s8 =	sand.u32 $0x70, s3;
	s9 =	sand.u32 $0xFFFFFF80, s5;
	[tilespmem:s3+$0x70] =	vst v6;
	v6 =	vsel vm13, v5, v61  }
0xa5: {  	s9 =	sor.u32 s8, s9;
	[tilespmem:s3+$0x4F70] =	vst v6  }
0xa6: {  	v6 =	vld [tilespmem:s9+$0x0]  }
0xa7: {  	v7 =	vld [tilespmem:s9+$0x4F00]  }
0xa8: {  	v63 =	vor.u32 s5, v2  }
0xa9: {  	vm14 =	vge.s32 v63, s2;
	vm15 =	vlt.s32 v63, s29  }
0xaa: {  	vm0 =	vmand vm14, vm15  }
0xab: {  	v6 =	vsel vm0, v4, v6  }
0xac: {  	p0 =	sle.s32 s25, $0x1;
	s3 =	simm.s32 $0x10000;
	[tilespmem:s9+$0x0] =	vst v6;
	v6 =	vsel vm0, v5, v7  }
0xad: {  	s7 =	simm.s32 $0x0;
	s2 =	simm.s32 $0x80;
	s5 =	sand.u32 @!p0 $0x10000, s3;
	[tilespmem:s9+$0x4F00] =	vst v6  }
0xae: {  	s8 =	simm.s32 $0x9E00;
	s5 =	sshrl.u32 @!p0 s5, $0x2;
	[bflag:$0x0] =	sbarrier.arrive $0xFFFF  }
0xaf: {  	[tilespmem:s8], [sflag:$0x1] =	stream.indirect.gather [hbm4b:s4+s2], $0x80, s7, s2, $0xb8;
	[tilespmem:$0x1DE00] =	vst v63  }
0xb0: {  	s5 =	sor.u32 @!p0 $0x9E00, s5;
	s7 =	simm.s32 @!p0 $0x80  }
0xb1: {  	[tilespmem:s5], [sflag:$0x1] =	stream.indirect.gather @!p0 [hbm4b:s4+s7], $0x80, s2, s7, $0xb8;
	[tilespmem:$0x1DE00] =	vst v63  }
0xb2: {  	p0 =	sne.s32 s0, $0x1  }
.Ltmp2:
0xb3: {  	_ = 	snop;
	(pc) =	sbr.rel @!p0 .LBB2_7-.Ltmp2, $4  }
0xb4: {  	_ = 	snop  }
0xb5: {  	s29 =	simm.s32 $0x1;
	s9 =	simm.s32 $0x0  }
0xb6: {  	s3 =	simm.s32 $0x4F00;
	s9 =	sand.u32 $0x10000, s9;
	_ =	swait.ge [sflag:s28], $0x4000  }
0xb7: {  	s7 =	sshrl.u32 s9, $0x2;
	s5 =	simm.s32 $0x20000;
	[sflag:s28] =	ssyncset.done $0x0  }
.LBB2_6:
0xb8: {  	s29 =	sadd.s32 $0x1, s29;
	[sflag:s28] =	ssyncadd.s32 $0xFFFFC000;
	s7 =	sor.u32 $0x9E00, s7  }
0xb9: {  	[spmem:s1] =	stream.indirect.scatter.add.f32 [tilespmem:s7], [sflag:$0x2], $0x80, s3, s30, $0xb8;
	[tilespmem:$0x1DE00] =	vst v63  }
0xba: {  	p1 =	sle.s32 s25, s29;
	p0 =	sne.s32 s0, s29;
	_ =	swait.ge [sflag:s24], $0x4000  }
0xbb: {  	s2 =	sadd.s32 $0x80, s2;
	s7 =	sand.u32 @!p1 $0x10000, s5;
	[sflag:s24] =	ssyncset.done $0x0  }
.Ltmp3:
0xbc: {  	s7 =	sshrl.u32 @!p1 s7, $0x2;
	[sflag:s24] =	ssyncadd.s32 $0xFFFFC000;
	(pc) =	sbr.rel @p0 .LBB2_6-.Ltmp3, $4  }
0xbd: {  	s9 =	sadd.s32 $0xFFFF0000, s5;
	s8 =	simm.s32 @!p1 $0x80;
	s7 =	sor.u32 @!p1 $0x9E00, s7  }
0xbe: {  	[tilespmem:s7], [sflag:$0x1] =	stream.indirect.gather @!p1 [hbm4b:s4+s8], $0x80, s2, s8, $0xb8;
	[tilespmem:$0x1DE00] =	vst v63  }
0xbf: {  	s3 =	sadd.s32 $0x80, s3;
	s7 =	sand.u32 $0x10000, s9;
	_ =	swait.ge [sflag:s28], $0x4000  }
0xc0: {  	s5 =	sadd.s32 $0x10000, s5;
	s7 =	sshrl.u32 s7, $0x2;
	[sflag:s28] =	ssyncset.done $0x0  }
.LBB2_7:
0xc1: {  	[sflag:s28] =	ssyncadd.s32 $0xFFFFC000;
	s0 =	sor.u32 $0x9E00, s7  }
0xc2: {  	[spmem:s1] =	stream.indirect.scatter.add.f32 [tilespmem:s0], [sflag:$0x2], $0x80, s3, s30, $0xb8;
	[tilespmem:$0x1DE00] =	vst v63  }
0xc3: {  	s29 =	stileid.u32;
	_ =	swait.ge [sflag:s24], $0x4000  }
0xc4: {  	s2 =	sshrl.u32 s6, $0x3;
	s31 =	sadd.s32 $0x1, s31;
	[sflag:s24] =	ssyncset.done $0x0  }
0xc5: {  	s0 =	sshll.u32 s29, $0x6;
	p0 =	sne.s32 s31, s23;
	[sflag:s24] =	ssyncadd.s32 $0xFFFFC000  }
.Ltmp4:
0xc6: {  	s0 =	sor.u32 $0x1C02, s0;
	[bflag:$0x0] =	sbarrier.arrive $0xFFFF;
	(pc) =	sbr.rel @p0 .LBB2_1-.Ltmp4, $4  }
0xc7: {  	[hbm:s22], [sflag:s0] =	dma.local [spmem:s2], $0x1680  }
0xc8: {  	_ =	swait.ge [sflag:s24], $0x1680  }
0xc9: {  	[sflag:s24] =	ssyncset.done $0x0  }
0xca: {  	[sflag:s24] =	ssyncadd.s32 $0xFFFFE980  }
0xcb: {  	_ =	sfence.sel $0x180000  }
0xcc: {  	[bflag:$0x0] =	sbarrier.arrive $0xFFFF  }
0xcd: {  	_ =	strace $0x9000004D  }
0xce: {  	s0 =	stileid.u32;
	[bflag:$0x2] =	sbarrier.arrive $0xFFFF  }
0xcf: {  	p0 =	sne.s32 s0, $0x0;
	s0 =	rddreg [dreg:$0x3]  }
0xd0: {  	s0 =	sadd.s32 @!p0 $0x100000, s0  }
0xd1: {  	[sflag:s0] =	ssyncadd.tile.s32 @!p0 $0x1;
	_ =	shalt  }
.Lfunc_end2:
_tile_overlayer_lowered:
.L_overlay_start_2:
0xd2: {  	(tag) =	ssettag $0x2  }
0xd3: {  	s0 =	rddreg [dreg:$0x0];
	s2 =	stileid.u32  }
0xd4: {  	s1 =	rddreg [dreg:$0x1];
	p0 =	sne.s32 s2, $0x0  }
0xd5: {  	s3 =	rddreg [dreg:$0x2];
	[bflag:$0x3] =	sbarrier.arrive $0xFFFF;
	s2 =	simm.s32 @!p0 $0x1C02  }
0xd6: {  	[timem:s3], [sflag:s2] =	dma.local @!p0 [hbm:s0], s1  }
0xd7: {  	s0 =	simm.s32 @!p0 $0x2  }
0xd8: {  	_ =	swait.ge @!p0 [sflag:s0], s1  }
0xd9: {  	s1 =	ssub.s32 @!p0 $0x0, s1;
	[sflag:s0] =	ssyncset.done @!p0 $0x0  }
0xda: {  	[sflag:s0] =	ssyncadd.s32 @!p0 s1  }
0xdb: {  	[bflag:$0x3] =	sbarrier.arrive $0xFFFF  }
0xdc: {  	_ =	shalt  }

// kernel: kernel.19.cloned.1.call-start
scs
__scs_entry_jumppad:
0x0: {  	(pc) =	sbr.rel $0x88, $3  }
0x1: {  	(tag) =	ssettag $0x0;
	lr =	simm.s32 $0x1  }
0x2: {  	[smem:$0x3F99] =	sst lr;
	_ =	strace $0xD0000000  }
0x3: {  	_ = 	snop  }
0x4: {  	_ = 	snop  }
0x5: {  	_ = 	snop  }
0x6: {  	_ = 	snop  }
0x7: {  	_ = 	snop  }
__scs_overlays_trampoline_lowered:
0x8: {  	[smem:$0x3FA8] =	sst s0  }
0x9: {  	[smem:$0x3FA9] =	sst s1  }
0xa: {  	[smem:$0x3FAA] =	sst s2  }
0xb: {  	[smem:$0x3FAB] =	sst s3  }
0xc: {  	[smem:$0x3FAC] =	sst s4  }
0xd: {  	[smem:$0x3FAD] =	sst s5  }
0xe: {  	[smem:$0x3FAE] =	sst s6  }
0xf: {  	[smem:$0x3FAF] =	sst s7  }
0x10: {  	[smem:$0x3FB0] =	sst s8  }
0x11: {  	[smem:$0x3FB1] =	sst s9;
	s0 =	simm.s32 @!p0 $0x0  }
0x12: {  	s1 =	sld [smem:$0x3F97];
	s0 =	simm.s32 @p0 $0x1  }
0x13: {  	[smem:$0x3FB2] =	sst s0;
	s0 =	simm.s32 @!p1 $0x0  }
0x14: {  	s2 =	sld [smem:$0x3F96];
	s0 =	simm.s32 @p1 $0x1  }
0x15: {  	[smem:$0x3FB3] =	sst s0;
	s0 =	simm.s32 @!p2 $0x0  }
0x16: {  	s3 =	sld [smem:$0x3FDB];
	s0 =	simm.s32 @p2 $0x1  }
0x17: {  	s4 =	simm.s32 $0x1BF5;
	[smem:$0x3FB5] =	sst s0  }
0x18: {  	s0 =	sld [smem:$0x3F98];
	_ =	swait.ge [sflag:s4], $0x0  }
0x19: {  	s7 =	sld [smem:$0x3F99]  }
0x1a: {  	s8 =	sadd.s32 $0xFFFFE003, lr  }
0x1b: {  	s9 =	sadd.s32 $0xFFFFFEF7, lr;
	s5 =	simm.s32 $0xFFFFFFFF;
	p2 =	slt.u32 s8, $0xFFFFF086  }
0x1c: {  	p1 =	slt.u32 s9, $0xF7A;
	s5 =	simm.s32 @!p2 $0x0  }
0x1d: {  	s5 =	simm.s32 @p1 $0x1;
	p0 =	seq.s32 s7, s2  }
0x1e: {  	s7 =	smul.u32 @!p0 $0xF7A, s2;
	p2 =	seq.s32 @!p0 s5, $0x0  }
0x1f: {  	s9 =	smul.u32 $0xF7A, s1;
	s8 =	simm.s32 @!p0 $0x1BF5;
	p2 =	por !p2, p0  }
0x20: {  	[sflag:s8] =	ssyncset.s32 @!p0 $0xFFFFF086;
	s6 =	sadd.s32 @!p0 s3, s7;
	s7 =	simm.s32 @!p0 $0x108  }
0x21: {  	s3 =	sadd.s32 s3, s9;
	s6 =	sadd.s32 @!p0 $0x88, s6;
	s7 =	simm.s32 @p2 $0x1082  }
0x22: {  	[simem:s7], [sflag:s8] =	dma.local @!p0 [hbm:s6], $0xF7A  }
0x23: {  	s9 =	sor.u32 $0xD0000000, s2;
	s6 =	simm.s32 $0x108;
	_ =	swait.ge @!p0 [sflag:s8], $0x0  }
0x24: {  	s3 =	sadd.s32 $0x88, s3;
	s6 =	simm.s32 @!p1 $0x1082;
	[sflag:s4] =	ssyncset.s32 $0xFFFFF086  }
0x25: {  	[simem:s6], [sflag:s4] =	dma.local [hbm:s3], $0xF7A  }
0x26: {  	[smem:$0x3F99] =	sst s1;
	(tag) =	ssettag s2;
	_ =	strace s9  }
0x27: {  	s1 =	sld [smem:$0x3FA9]  }
0x28: {  	s2 =	sld [smem:$0x3FAA]  }
0x29: {  	s4 =	sld [smem:$0x3FAC]  }
0x2a: {  	p0 =	seq.s32 s5, $0x0;
	s5 =	sld [smem:$0x3FAD]  }
0x2b: {  	s6 =	sld [smem:$0x3FAE]  }
0x2c: {  	s7 =	sld [smem:$0x3FAF]  }
0x2d: {  	s3 =	simm.s32 $0x108;
	s8 =	sld [smem:$0x3FB0]  }
0x2e: {  	s3 =	simm.s32 @!p0 $0x1082;
	s9 =	sld [smem:$0x3FB1]  }
0x2f: {  	lr =	sadd.s32 s0, s3;
	s0 =	sld [smem:$0x3FA8]  }
0x30: {  	s3 =	sld [smem:$0x3FAB]  }
0x31: {  	[smem:$0x3FB4] =	sst s10  }
0x32: {  	s10 =	sld [smem:$0x3FB2];
	_ =	sdelay $0x3  }
0x33: {  	p0 =	seq.s32 s10, $0x1;
	s10 =	sld [smem:$0x3FB4];
	_ =	sdelay $0x3  }
0x34: {  	[smem:$0x3FB4] =	sst s10  }
0x35: {  	s10 =	sld [smem:$0x3FB3];
	_ =	sdelay $0x3  }
0x36: {  	p1 =	seq.s32 s10, $0x1;
	s10 =	sld [smem:$0x3FB4];
	_ =	sdelay $0x3  }
0x37: {  	[smem:$0x3FB4] =	sst s10  }
0x38: {  	s10 =	sld [smem:$0x3FB5]  }
0x39: {  	_ = 	snop;
	(pc) =	sbr.ind lr, $3  }
0x3a: {  	_ = 	snop  }
0x3b: {  	_ = 	snop  }
0x3c: {  	p2 =	seq.s32 s10, $0x1;
	s10 =	sld [smem:$0x3FB4]  }
0x3d: {  	_ =	shalt  }
0x3e: {  	_ =	shalt  }
0x3f: {  	_ =	shalt  }
0x40: {  	_ =	shalt  }
0x41: {  	_ =	shalt  }
0x42: {  	_ =	shalt  }
0x43: {  	_ =	shalt  }
0x44: {  	_ =	shalt  }
0x45: {  	_ =	shalt  }
0x46: {  	_ =	shalt  }
0x47: {  	_ =	shalt  }
0x48: {  	_ =	shalt  }
0x49: {  	_ =	shalt  }
0x4a: {  	_ =	shalt  }
0x4b: {  	_ =	shalt  }
0x4c: {  	_ =	shalt  }
0x4d: {  	_ =	shalt  }
0x4e: {  	_ =	shalt  }
0x4f: {  	_ =	shalt  }
0x50: {  	_ =	shalt  }
0x51: {  	_ =	shalt  }
0x52: {  	_ =	shalt  }
0x53: {  	_ =	shalt  }
0x54: {  	_ =	shalt  }
0x55: {  	_ =	shalt  }
0x56: {  	_ =	shalt  }
0x57: {  	_ =	shalt  }
0x58: {  	_ =	shalt  }
0x59: {  	_ =	shalt  }
0x5a: {  	_ =	shalt  }
0x5b: {  	_ =	shalt  }
0x5c: {  	_ =	shalt  }
0x5d: {  	_ =	shalt  }
0x5e: {  	_ =	shalt  }
0x5f: {  	_ =	shalt  }
0x60: {  	_ =	shalt  }
0x61: {  	_ =	shalt  }
0x62: {  	_ =	shalt  }
0x63: {  	_ =	shalt  }
0x64: {  	_ =	shalt  }
0x65: {  	_ =	shalt  }
0x66: {  	_ =	shalt  }
0x67: {  	_ =	shalt  }
0x68: {  	_ =	shalt  }
0x69: {  	_ =	shalt  }
0x6a: {  	_ =	shalt  }
0x6b: {  	_ =	shalt  }
0x6c: {  	_ =	shalt  }
0x6d: {  	_ =	shalt  }
0x6e: {  	_ =	shalt  }
0x6f: {  	_ =	shalt  }
0x70: {  	_ =	shalt  }
0x71: {  	_ =	shalt  }
0x72: {  	_ =	shalt  }
0x73: {  	_ =	shalt  }
0x74: {  	_ =	shalt  }
0x75: {  	_ =	shalt  }
0x76: {  	_ =	shalt  }
0x77: {  	_ =	shalt  }
0x78: {  	_ =	shalt  }
0x79: {  	_ =	shalt  }
0x7a: {  	_ =	shalt  }
0x7b: {  	_ =	shalt  }
0x7c: {  	_ =	shalt  }
0x7d: {  	_ =	shalt  }
0x7e: {  	_ =	shalt  }
0x7f: {  	_ =	shalt  }
0x80: {  	_ =	shalt  }
0x81: {  	_ =	shalt  }
0x82: {  	_ =	shalt  }
0x83: {  	_ =	shalt  }
0x84: {  	_ =	shalt  }
0x85: {  	_ =	shalt  }
0x86: {  	_ =	shalt  }
0x87: {  	_ =	shalt  }
.Lfunc_end0:
.L_simem_size_0:
called_computation.3_lowered:
.L_overlay_start_0:
0x88: {  	s2 =	sld [smem:$0x3FD9]  }
0x89: {  	s3 =	sld [smem:$0x3FFE];
	_ =	sdelay $0x1  }
0x8a: {  	s1 =	srdreg.scid  }
0x8b: {  	s0 =	sand.u32 $0x1, s1  }
0x8c: {  	s17 =	sshll.u32 s0, $0xA;
	s2 =	sadd.s32 s3, s2  }
0x8d: {  	s2 =	sadd.s32 s2, s17  }
0x8e: {  	[smem:$0x3FC0] =	sst s2  }
0x8f: {  	_ = 	snop  }
0x90: {  	s2 =	sld [smem:$0x3FD0];
	(tm) =	ssettm $0x1  }
0x91: {  	s18 =	sld [smem:$0x3FFB];
	_ =	sdelay $0x3  }
0x92: {  	_ =	strace s18  }
0x93: {  	s3 =	sld [smem:$0x3FFC];
	_ =	sdelay $0x3  }
0x94: {  	_ =	strace s3  }
0x95: {  	s3 =	sld [smem:$0x3FFD];
	_ =	sdelay $0x3  }
0x96: {  	_ =	strace s3  }
0x97: {  	_ =	strace $0x8FFFFFFF  }
0x98: {  	s19 =	sld [smem:$0x3FDB];
	_ =	sdelay $0x1  }
0x99: {  	s4 =	simm.s32 $_scs_section_size  }
0x9a: {  	s5 =	simm.s32 $_size__tile_overlayer_lowered;
	s6 =	simm.s32 $_tile_overlayer_lowered  }
0x9b: {  	s22 =	simm.s32 $0x1BFF;
	s21 =	sshll.u32 s6, $0x1;
	s3 =	sadd.s32 s4, s19  }
0x9c: {  	s7 =	simm.s32 $0x0;
	s20 =	sshll.u32 s5, $0x1;
	s5 =	sadd.s32 s21, s3  }
0x9d: {  	[timem:s7], [sflag:s22] =	dma.local [hbm:s5], s20  }
0x9e: {  	_ =	swait.ge [sflag:s22], s20  }
0x9f: {  	s4 =	ssub.s32 $0x0, s20;
	[sflag:s22] =	ssyncset.done $0x0  }
0xa0: {  	[sflag:s22] =	ssyncadd.s32 s4;
	_ =	sdelay $0x1  }
0xa1: {  	s23 =	simm.s32 $0x1B8B  }
0xa2: {  	_ =	swait.ge [sflag:s23], $0x1  }
0xa3: {  	[sflag:s23] =	ssyncset.done $0x0  }
0xa4: {  	s25 =	simm.s32 $0x1B8E;
	s24 =	sld [smem:$0x3FFE];
	[sflag:s23] =	ssyncadd.s32 $0xFFFFFFFF  }
0xa5: {  	s26 =	simm.s32 $execute0_lowered;
	[smem:$0x3FD2] =	sst s25  }
0xa6: {  	s5 =	sshll.u32 s26, $0x1;
	_ =	strace $0x8000004F;
	[dreg:$0x1] =	wrdreg $0xFFFFFFFF  }
0xa7: {  	s28 =	simm.s32 $_size_execute0_lowered;
	s3 =	sadd.s32 s3, s5;
	[dreg:$0x0] =	wrdreg $0x0  }
0xa8: {  	s5 =	sshll.u32 s28, $0x1;
	[dreg:$0x2] =	wrdreg s3  }
0xa9: {  	[dreg:$0x3] =	wrdreg s5  }
0xaa: {  	[dreg:$0x4] =	wrdreg $0xC0  }
0xab: {  	_ =	task [dreg:s7], $0x5FFFF  }
0xac: {  	[dreg:$0x1] =	wrdreg $0xFFFFFFFF  }
0xad: {  	[dreg:$0x0] =	wrdreg $0x60  }
0xae: {  	[dreg:$0x2] =	wrdreg s24  }
0xaf: {  	[dreg:$0x3] =	wrdreg s2  }
0xb0: {  	[dreg:$0x4] =	wrdreg $0x12A000  }
0xb1: {  	[dreg:$0x5] =	wrdreg $0x9  }
0xb2: {  	_ =	task.clear_ibuf [dreg:s7], $0x6FFFF;
	_ =	strace $0x9000004F  }
0xb3: {  	s29 =	simm.s32 $0x9;
	_ =	strace $0x80000051  }
0xb4: {  	_ =	swait.ge [sflag:s29], $0x1  }
0xb5: {  	[sflag:s29] =	ssyncadd.s32 $0xFFFFFFFF  }
0xb6: {  	_ =	strace $0x90000051  }
0xb7: {  	_ =	sfence  }
0xb8: {  	s30 =	sld [smem:$0x0];
	_ =	sdelay $0x2  }
0xb9: {  	s31 =	sshll.u32 s1, $0xD;
	s1 =	sshrl.u32 s1, $0x2  }
0xba: {  	s3 =	sand.u32 $0x4000, s31;
	s1 =	sadd.s32 s1, s30  }
0xbb: {  	s0 =	sor.u32 s3, s0;
	s1 =	sshll.u32 s1, $0x11  }
0xbc: {  	s0 =	sor.u32 s1, s0  }
0xbd: {  	s0 =	sadd.s32 $0x8F2B, s0  }
0xbe: {  	[sflag:s0] =	ssyncadd.remote.s32 $0x1  }
0xbf: {  	_ =	sfence.sel $0xFFFF  }
0xc0: {  	[dreg:$0x0] =	wrdreg $0xFFFFFFFF;
	(pc) =	sbr.abs _section_cstart, $3  }
0xc1: {  	[dreg:$0x1] =	wrdreg $0xFFFFFFFF  }
0xc2: {  	_ =	task.clear_ibuf [dreg:s7], $0x2FFFF;
	_ =	strace $0x9FFFFFFF  }
0xc3: {  	(tm) =	ssettm $0x7FFFFFFF  }
tec
execute0_lowered:
.L_overlay_start_1:
0x0: {  	(tag) =	ssettag $0x1  }
0x1: {  	s0 =	rddreg [dreg:$0x0]  }
0x2: {  	s2 =	rddreg [dreg:$0x1]  }
0x3: {  	s1 =	rddreg [dreg:$0x2]  }
0x4: {  	s3 =	srdreg.scid;
	s4 =	simm.s32 $0x0;
	s8 =	stileid.u32  }
0x5: {  	s28 =	simm.s32 $0x1;
	s30 =	simm.s32 $0x80;
	s6 =	smul.u32 $0xB400, s8  }
0x6: {  	s31 =	simm.s32 $0x0;
	s3 =	sand.u32 $0x1, s3;
	s7 =	smul.u32 $0x9C4, s8  }
0x7: {  	[smem:$0x7FF] =	sst s4;
	s4 =	sadd.s32 $0xDE00, s0;
	s8 =	smul.u32 $0x2D000, s8  }
0x8: {  	s5 =	smul.u32 $0xB4000, s3;
	_ =	strace $0x80000050;
	s22 =	ssub.s32 $0x2, s3  }
0x9: {  	s3 =	smul.u32 $0xFFFFEC00, s3;
	s9 =	sadd.s32 s7, s0;
	s10 =	sshrl.u32 s22, $0x1  }
0xa: {  	s24 =	sshrl.u32 s8, $0x2;
	s2 =	sadd.s32 s2, s7;
	s5 =	sadd.s32 s6, s5  }
0xb: {  	s23 =	ssub.s32 s22, s10;
	[dreg:$0x4] =	wrdreg s2;
	s6 =	sadd.s32 s24, s1  }
0xc: {  	s25 =	sadd.s32 $0x4000, s9;
	s24 =	simm.s32 $0x2;
	s5 =	sshrl.u32 s5, $0x3  }
0xd: {  	[dreg:$0x5] =	wrdreg s25;
	s26 =	sadd.s32 $0xC00, s6;
	s29 =	sadd.s32 $0x1800, s6  }
0xe: {  	s10 =	sadd.s32 $0x2400, s6;
	s11 =	sadd.s32 $0x3000, s6;
	s12 =	sadd.s32 $0x3C00, s6  }
0xf: {  	s13 =	sadd.s32 $0x4800, s6;
	s14 =	sadd.s32 $0x5400, s6;
	s15 =	sadd.s32 $0x6000, s6  }
0x10: {  	s16 =	sadd.s32 $0x6C00, s6;
	s17 =	sadd.s32 $0x7800, s6;
	s18 =	sadd.s32 $0x8400, s6  }
0x11: {  	s19 =	sadd.s32 $0x9000, s6;
	s20 =	sadd.s32 $0x9C00, s6;
	s21 =	sadd.s32 $0xA800, s6  }
0x12: {  	v1 =	vimm.f32 $0.0e+00;
	v2 =	vlaneseq.u32;
	v3 =	vimm.s32 $0x0;
	s23 =	smax.u32 s23, $0x1;
	s0 =	sadd.s32 s5, s0;
	[dreg:$0x6] =	wrdreg s26  }
0x13: {  	v4 =	vmul.u32 $0x8, v2;
	v5 =	vor.u32 $0x1600, v2;
	v0 =	vmov s3;
	[dreg:$0x7] =	wrdreg s29;
	s26 =	simm.s32 $0x11E00;
	s22 =	sadd.s32 $0x8FC00, s0  }
.LBB2_1:
0x14: {  	s0 =	simm.s32 $0x0;
	s2 =	rddreg [dreg:$0x4]  }
0x15: {  	[tilespmem:s0], [sflag:$0x2] =	stream.linear.gather [hbm4b:s2+s0], $0x4E20, $0x38;
	[tilespmem:$0x1DE00] =	vst v63  }
0x16: {  	_ =	swait.ge [sflag:s24], $0x4E20  }
0x17: {  	[sflag:s24] =	ssyncset.done $0x0  }
0x18: {  	s3 =	simm.s32 $0x4F00;
	s29 =	rddreg [dreg:$0x5];
	[sflag:s24] =	ssyncadd.s32 $0xFFFFB1E0  }
0x19: {  	[tilespmem:s3], [sflag:$0x2] =	stream.linear.gather [hbm4b:s29+s0], $0x4E20, $0x38;
	[tilespmem:$0x1DE00] =	vst v63  }
0x1a: {  	_ =	swait.ge [sflag:s24], $0x4E20  }
0x1b: {  	[sflag:s24] =	ssyncset.done $0x0  }
0x1c: {  	s2 =	simm.s32 $0x200;
	s0 =	simm.s32 $0x0;
	[sflag:s24] =	ssyncadd.s32 $0xFFFFB1E0  }
.LBB2_2:
0x1d: {  	p0 =	sne.s32 s2, $0x2E00;
	[tilespmem:s0+$0x11E70] =	vst v1  }
0x1e: {  	[tilespmem:s0+$0x11E00] =	vst v1  }
0x1f: {  	[tilespmem:s0+$0x11E10] =	vst v1  }
.Ltmp0:
0x20: {  	[tilespmem:s0+$0x11E20] =	vst v1;
	(pc) =	sbr.rel @p0 .LBB2_2-.Ltmp0, $4  }
0x21: {  	[tilespmem:s0+$0x11E30] =	vst v1  }
0x22: {  	[tilespmem:s0+$0x11E40] =	vst v1  }
0x23: {  	[tilespmem:s0+$0x11E50] =	vst v1  }
0x24: {  	[tilespmem:s0+$0x11E60] =	vst v1;
	s0 =	sshra.s32 s2, $0x2;
	s2 =	sadd.s32 $0x200, s2  }
0x25: {  	[tilespmem:s0+$0x11E70] =	vst v1  }
0x26: {  	[tilespmem:s0+$0x11E00] =	vst v1  }
0x27: {  	[tilespmem:s0+$0x11E10] =	vst v1  }
0x28: {  	[tilespmem:s0+$0x11E20] =	vst v1  }
0x29: {  	[tilespmem:s0+$0x11E30] =	vst v1  }
0x2a: {  	[tilespmem:s0+$0x11E40] =	vst v1  }
0x2b: {  	[tilespmem:s0+$0x11E50] =	vst v1  }
0x2c: {  	[tilespmem:s0+$0x11E60] =	vst v1  }
0x2d: {  	[spmem:s6] =	stream.linear.scatter [tilespmem:s26], [sflag:$0x2], $0xC00, $0x38;
	[tilespmem:$0x1DE00] =	vst v63  }
0x2e: {  	_ =	swait.ge [sflag:s24], $0xC00  }
0x2f: {  	[sflag:s24] =	ssyncset.done $0x0  }
0x30: {  	s9 =	rddreg [dreg:$0x6];
	[sflag:s24] =	ssyncadd.s32 $0xFFFFF400  }
0x31: {  	[spmem:s9] =	stream.linear.scatter [tilespmem:s26], [sflag:$0x2], $0xC00, $0x38;
	[tilespmem:$0x1DE00] =	vst v63  }
0x32: {  	_ =	swait.ge [sflag:s24], $0xC00  }
0x33: {  	[sflag:s24] =	ssyncset.done $0x0  }
0x34: {  	s25 =	rddreg [dreg:$0x7];
	[sflag:s24] =	ssyncadd.s32 $0xFFFFF400  }
0x35: {  	[spmem:s25] =	stream.linear.scatter [tilespmem:s26], [sflag:$0x2], $0xC00, $0x38;
	[tilespmem:$0x1DE00] =	vst v63  }
0x36: {  	_ =	swait.ge [sflag:s24], $0xC00  }
0x37: {  	[sflag:s24] =	ssyncset.done $0x0  }
0x38: {  	[sflag:s24] =	ssyncadd.s32 $0xFFFFF400  }
0x39: {  	[spmem:s10] =	stream.linear.scatter [tilespmem:s26], [sflag:$0x2], $0xC00, $0x38;
	[tilespmem:$0x1DE00] =	vst v63  }
0x3a: {  	_ =	swait.ge [sflag:s24], $0xC00  }
0x3b: {  	[sflag:s24] =	ssyncset.done $0x0  }
0x3c: {  	[sflag:s24] =	ssyncadd.s32 $0xFFFFF400  }
0x3d: {  	[spmem:s11] =	stream.linear.scatter [tilespmem:s26], [sflag:$0x2], $0xC00, $0x38;
	[tilespmem:$0x1DE00] =	vst v63  }
0x3e: {  	_ =	swait.ge [sflag:s24], $0xC00  }
0x3f: {  	[sflag:s24] =	ssyncset.done $0x0  }
0x40: {  	[sflag:s24] =	ssyncadd.s32 $0xFFFFF400  }
0x41: {  	[spmem:s12] =	stream.linear.scatter [tilespmem:s26], [sflag:$0x2], $0xC00, $0x38;
	[tilespmem:$0x1DE00] =	vst v63  }
0x42: {  	_ =	swait.ge [sflag:s24], $0xC00  }
0x43: {  	[sflag:s24] =	ssyncset.done $0x0  }
0x44: {  	[sflag:s24] =	ssyncadd.s32 $0xFFFFF400  }
0x45: {  	[spmem:s13] =	stream.linear.scatter [tilespmem:s26], [sflag:$0x2], $0xC00, $0x38;
	[tilespmem:$0x1DE00] =	vst v63  }
0x46: {  	_ =	swait.ge [sflag:s24], $0xC00  }
0x47: {  	[sflag:s24] =	ssyncset.done $0x0  }
0x48: {  	[sflag:s24] =	ssyncadd.s32 $0xFFFFF400  }
0x49: {  	[spmem:s14] =	stream.linear.scatter [tilespmem:s26], [sflag:$0x2], $0xC00, $0x38;
	[tilespmem:$0x1DE00] =	vst v63  }
0x4a: {  	_ =	swait.ge [sflag:s24], $0xC00  }
0x4b: {  	[sflag:s24] =	ssyncset.done $0x0  }
0x4c: {  	[sflag:s24] =	ssyncadd.s32 $0xFFFFF400  }
0x4d: {  	[spmem:s15] =	stream.linear.scatter [tilespmem:s26], [sflag:$0x2], $0xC00, $0x38;
	[tilespmem:$0x1DE00] =	vst v63  }
0x4e: {  	_ =	swait.ge [sflag:s24], $0xC00  }
0x4f: {  	[sflag:s24] =	ssyncset.done $0x0  }
0x50: {  	[sflag:s24] =	ssyncadd.s32 $0xFFFFF400  }
0x51: {  	[spmem:s16] =	stream.linear.scatter [tilespmem:s26], [sflag:$0x2], $0xC00, $0x38;
	[tilespmem:$0x1DE00] =	vst v63  }
0x52: {  	_ =	swait.ge [sflag:s24], $0xC00  }
0x53: {  	[sflag:s24] =	ssyncset.done $0x0  }
0x54: {  	[sflag:s24] =	ssyncadd.s32 $0xFFFFF400  }
0x55: {  	[spmem:s17] =	stream.linear.scatter [tilespmem:s26], [sflag:$0x2], $0xC00, $0x38;
	[tilespmem:$0x1DE00] =	vst v63  }
0x56: {  	_ =	swait.ge [sflag:s24], $0xC00  }
0x57: {  	[sflag:s24] =	ssyncset.done $0x0  }
0x58: {  	[sflag:s24] =	ssyncadd.s32 $0xFFFFF400  }
0x59: {  	[spmem:s18] =	stream.linear.scatter [tilespmem:s26], [sflag:$0x2], $0xC00, $0x38;
	[tilespmem:$0x1DE00] =	vst v63  }
0x5a: {  	_ =	swait.ge [sflag:s24], $0xC00  }
0x5b: {  	[sflag:s24] =	ssyncset.done $0x0  }
0x5c: {  	[sflag:s24] =	ssyncadd.s32 $0xFFFFF400  }
0x5d: {  	[spmem:s19] =	stream.linear.scatter [tilespmem:s26], [sflag:$0x2], $0xC00, $0x38;
	[tilespmem:$0x1DE00] =	vst v63  }
0x5e: {  	_ =	swait.ge [sflag:s24], $0xC00  }
0x5f: {  	[sflag:s24] =	ssyncset.done $0x0  }
0x60: {  	[sflag:s24] =	ssyncadd.s32 $0xFFFFF400  }
0x61: {  	[spmem:s20] =	stream.linear.scatter [tilespmem:s26], [sflag:$0x2], $0xC00, $0x38;
	[tilespmem:$0x1DE00] =	vst v63  }
0x62: {  	_ =	swait.ge [sflag:s24], $0xC00  }
0x63: {  	[sflag:s24] =	ssyncset.done $0x0  }
0x64: {  	[sflag:s24] =	ssyncadd.s32 $0xFFFFF400  }
0x65: {  	[spmem:s21] =	stream.linear.scatter [tilespmem:s26], [sflag:$0x2], $0xC00, $0x38;
	[tilespmem:$0x1DE00] =	vst v63  }
0x66: {  	_ =	swait.ge [sflag:s24], $0xC00  }
0x67: {  	[sflag:s24] =	ssyncset.done $0x0  }
0x68: {  	s29 =	simm.s32 $0x0;
	[sflag:s24] =	ssyncadd.s32 $0xFFFFF400  }
0x69: {  	v6 =	vld [tilespmem:s29+$0x4F00];
	_ =	sdelay $0x4  }
0x6a: {  	v6 =	vadd.s32 v0, v6  }
0x6b: {  	vm0 =	vlt.u32 v6, $0x1400  }
0x6c: {  	v7 =	vsel vm0, $0x1, v3  }
0x6d: {  	(xrf0) =	vadd.scan.msk.s32 $0xffff, v7;
	_ =	sdelay $0x1  }
0x6e: {  	v7 =	vld [tilespmem:s29+$0x0];
	_ =	sdelay $0x3  }
0x6f: {  	s0 =	simm.s32 $0x0;
	v8, _, _ =	vpop (xrf0)  }
0x70: {  	[tilespmem:s0+$0x0] =	vst.msk vm0, v7;
	(v2sf) =	vpush v8, $0xF  }
0x71: {  	s3 =	simm.s32 $0x10;
	s2 =	simm.s32 $0x80;
	[tilespmem:s0+$0x4F00] =	vst.msk vm0, v6  }
.LBB2_4:
0x72: {  	p0 =	sne.s32 s2, $0x13840;
	v6 =	vld [tilespmem:s3+$0x4F00];
	_ =	sdelay $0x4  }
0x73: {  	v6 =	vadd.s32 v0, v6  }
0x74: {  	vm0 =	vlt.u32 v6, $0x1400  }
0x75: {  	v7 =	vsel vm0, $0x1, v3  }
0x76: {  	(xrf0) =	vadd.scan.msk.s32 $0xffff, v7;
	_ =	sdelay $0x1  }
0x77: {  	v7 =	vld [tilespmem:s3+$0x0];
	_ =	sdelay $0x1  }
.Ltmp1:
0x78: {  	(pc) =	sbr.rel @p0 .LBB2_4-.Ltmp1, $4  }
0x79: {  	s3 =	spop (v2sf)  }
0x7a: {  	v8, _, _ =	vpop (xrf0);
	s0 =	sadd.s32 s0, s3  }
0x7b: {  	[tilespmem:s0+$0x0] =	vst.msk vm0, v7;
	(v2sf) =	vpush v8, $0xF  }
0x7c: {  	s3 =	sshra.s32 s2, $0x2;
	s2 =	sadd.s32 $0x40, s2;
	[tilespmem:s0+$0x4F00] =	vst.msk vm0, v6  }
0x7d: {  	v6 =	vld [tilespmem:s3+$0x4F00];
	_ =	sdelay $0x4  }
0x7e: {  	v6 =	vadd.s32 v0, v6  }
0x7f: {  	vm0 =	vlt.u32 v6, $0x1400  }
0x80: {  	v7 =	vsel vm0, $0x1, v3  }
0x81: {  	(xrf0) =	vadd.scan.msk.s32 $0xffff, v7;
	_ =	sdelay $0x5  }
0x82: {  	v7, _, _ =	vpop (xrf0)  }
0x83: {  	(v2sf) =	vpush v7, $0xF;
	_ =	sdelay $0xd  }
0x84: {  	s2 =	spop (v2sf)  }
0x85: {  	s0 =	sadd.s32 s0, s2;
	s7 =	spop (v2sf)  }
0x86: {  	s2 =	sadd.s32 s0, s7  }
0x87: {  	s5 =	sadd.s32 $0x7F, s2;
	s8 =	sand.u32 $0xF, s2;
	p6 =	slt.s32 s2, $0x1  }
0x88: {  	s7 =	sshra.s32 s5, $0x1F;
	s25 =	sand.u32 $0x7F, s5;
	p0 =	slt.s32 s5, $0x1  }
0x89: {  	v7 =	vld [tilespmem:s3+$0x0];
	p2 =	sne.s32 s8, $0x0;
	p1 =	sne.s32 s25, $0x0;
	s9 =	sshrl.u32 s7, $0x19  }
0x8a: {  	s25 =	sshra.s32 s2, $0x1F;
	s7 =	simm.s32 $0x1;
	p0 =	por !p0, !p1  }
0x8b: {  	p1 =	por !p6, !p2;
	s3 =	sadd.s32 s9, s5;
	s8 =	sshrl.u32 s25, $0x1C  }
0x8c: {  	s25 =	simm.s32 $0x1;
	s5 =	sadd.s32 s8, s2;
	p1 =	por !p1, !p1  }
0x8d: {  	p0 =	por !p0, !p0;
	s5 =	sshrl.u32 s5, $0x4;
	s7 =	simm.s32 @!p1 $0x0  }
0x8e: {  	[tilespmem:s0+$0x0] =	vst.msk vm0, v7;
	s3 =	sshra.s32 s3, $0x7;
	s25 =	simm.s32 @!p0 $0x0;
	s5 =	ssub.s32 s5, s7  }
0x8f: {  	[tilespmem:s0+$0x4F00] =	vst.msk vm0, v6;
	s25 =	ssub.s32 s3, s25;
	s3 =	sshll.u32 s5, $0x4  }
0x90: {  	p0 =	sgt.s32 s25, $0x1;
	s0 =	smov.u32 s25;
	v6 =	vld [tilespmem:s3+$0x0]  }
0x91: {  	s0 =	simm.s32 @!p0 $0x1;
	v7 =	vld [tilespmem:s3+$0x4F00]  }
0x92: {  	v8 =	vor.u32 s3, v2;
	v9 =	vld [tilespmem:s3+$0x10];
	s29 =	sshll.u32 s0, $0x7  }
0x93: {  	s5 =	sadd.s32 $0x10, s3;
	v50 =	vld [tilespmem:s3+$0x4F10];
	vm5 =	vge.s32 v8, s2;
	vm1 =	vlt.s32 v8, s29  }
0x94: {  	v11 =	vld [tilespmem:s3+$0x20];
	v10 =	vor.u32 s5, v2;
	vm0 =	vmand vm5, vm1  }
0x95: {  	s9 =	sadd.s32 $0x20, s3;
	v51 =	vld [tilespmem:s3+$0x4F20];
	vm6 =	vge.s32 v10, s2;
	vm2 =	vlt.s32 v10, s29;
	v6 =	vsel vm0, v4, v6  }
0x96: {  	v12 =	vld [tilespmem:s3+$0x30];
	vm7 =	vmand vm6, vm2;
	[tilespmem:s3+$0x0] =	vst v6;
	v6 =	vsel vm0, v5, v7;
	v7 =	vor.u32 s9, v2  }
0x97: {  	s7 =	sadd.s32 $0x30, s3;
	[tilespmem:s3+$0x4F00] =	vst v6;
	v6 =	vsel vm7, v4, v9;
	vm8 =	vge.s32 v7, s2;
	vm9 =	vlt.s32 v7, s29;
	v7 =	vld [tilespmem:s3+$0x4F30]  }
0x98: {  	v53 =	vld [tilespmem:s3+$0x40];
	v52 =	vor.u32 s7, v2;
	[tilespmem:s3+$0x10] =	vst v6;
	v6 =	vsel vm7, v5, v50;
	vm10 =	vmand vm8, vm9  }
0x99: {  	s8 =	sadd.s32 $0x40, s3;
	v54 =	vld [tilespmem:s3+$0x4F40];
	vm11 =	vge.s32 v52, s2;
	vm12 =	vlt.s32 v52, s29;
	[tilespmem:s3+$0x4F10] =	vst v6;
	v6 =	vsel vm10, v4, v11  }
0x9a: {  	v56 =	vld [tilespmem:s3+$0x50];
	v55 =	vor.u32 s8, v2;
	vm13 =	vmand vm11, vm12;
	[tilespmem:s3+$0x20] =	vst v6;
	v6 =	vsel vm10, v5, v51  }
0x9b: {  	v57 =	vld [tilespmem:s3+$0x4F50];
	vm14 =	vge.s32 v55, s2;
	vm15 =	vlt.s32 v55, s29;
	s9 =	sadd.s32 $0x50, s3;
	[tilespmem:s3+$0x4F20] =	vst v6;
	v6 =	vsel vm13, v4, v12  }
0x9c: {  	v58 =	vld [tilespmem:s3+$0x60];
	vm4 =	vmand vm14, vm15;
	[tilespmem:s3+$0x30] =	vst v6;
	v6 =	vsel vm13, v5, v7;
	v7 =	vor.u32 s9, v2  }
0x9d: {  	s7 =	sadd.s32 $0x60, s3;
	[tilespmem:s3+$0x4F30] =	vst v6;
	v6 =	vsel vm4, v4, v53;
	vm5 =	vge.s32 v7, s2;
	vm6 =	vlt.s32 v7, s29;
	v7 =	vld [tilespmem:s3+$0x4F60]  }
0x9e: {  	v60 =	vld [tilespmem:s3+$0x70];
	v59 =	vor.u32 s7, v2;
	[tilespmem:s3+$0x40] =	vst v6;
	v6 =	vsel vm4, v5, v54;
	vm7 =	vmand vm5, vm6  }
0x9f: {  	v61 =	vld [tilespmem:s3+$0x4F70];
	s8 =	sadd.s32 $0x70, s3;
	vm8 =	vge.s32 v59, s2;
	vm9 =	vlt.s32 v59, s29;
	[tilespmem:s3+$0x4F40] =	vst v6;
	v6 =	vsel vm7, v4, v56  }
0xa0: {  	v62 =	vor.u32 s8, v2;
	vm10 =	vmand vm8, vm9;
	[tilespmem:s3+$0x50] =	vst v6;
	v6 =	vsel vm7, v5, v57  }
0xa1: {  	vm11 =	vge.s32 v62, s2;
	vm12 =	vlt.s32 v62, s29;
	[tilespmem:s3+$0x4F50] =	vst v6;
	v6 =	vsel vm10, v4, v58  }
0xa2: {  	vm13 =	vmand vm11, vm12;
	v7 =	vsel vm10, v5, v7;
	[tilespmem:s3+$0x60] =	vst v6  }
0xa3: {  	s5 =	sadd.s32 $0x80, s3;
	v6 =	vsel vm13, v4, v60;
	[tilespmem:s3+$0x4F60] =	vst v7  }
0xa4: {  	s8 =	sand.u32 $0x70, s3;
	s9 =	sand.u32 $0xFFFFFF80, s5;
	[tilespmem:s3+$0x70] =	vst v6;
	v6 =	vsel vm13, v5, v61  }
0xa5: {  	s9 =	sor.u32 s8, s9;
	[tilespmem:s3+$0x4F70] =	vst v6  }
0xa6: {  	v6 =	vld [tilespmem:s9+$0x0]  }
0xa7: {  	v7 =	vld [tilespmem:s9+$0x4F00]  }
0xa8: {  	v63 =	vor.u32 s5, v2  }
0xa9: {  	vm14 =	vge.s32 v63, s2;
	vm15 =	vlt.s32 v63, s29  }
0xaa: {  	vm0 =	vmand vm14, vm15  }
0xab: {  	v6 =	vsel vm0, v4, v6  }
0xac: {  	p0 =	sle.s32 s25, $0x1;
	s3 =	simm.s32 $0x10000;
	[tilespmem:s9+$0x0] =	vst v6;
	v6 =	vsel vm0, v5, v7  }
0xad: {  	s7 =	simm.s32 $0x0;
	s2 =	simm.s32 $0x80;
	s5 =	sand.u32 @!p0 $0x10000, s3;
	[tilespmem:s9+$0x4F00] =	vst v6  }
0xae: {  	s8 =	simm.s32 $0x9E00;
	s5 =	sshrl.u32 @!p0 s5, $0x2;
	[bflag:$0x0] =	sbarrier.arrive $0xFFFF  }
0xaf: {  	[tilespmem:s8], [sflag:$0x1] =	stream.indirect.gather [hbm4b:s4+s2], $0x80, s7, s2, $0xb8;
	[tilespmem:$0x1DE00] =	vst v63  }
0xb0: {  	s5 =	sor.u32 @!p0 $0x9E00, s5;
	s7 =	simm.s32 @!p0 $0x80  }
0xb1: {  	[tilespmem:s5], [sflag:$0x1] =	stream.indirect.gather @!p0 [hbm4b:s4+s7], $0x80, s2, s7, $0xb8;
	[tilespmem:$0x1DE00] =	vst v63  }
0xb2: {  	p0 =	sne.s32 s0, $0x1  }
.Ltmp2:
0xb3: {  	_ = 	snop;
	(pc) =	sbr.rel @!p0 .LBB2_7-.Ltmp2, $4  }
0xb4: {  	_ = 	snop  }
0xb5: {  	s29 =	simm.s32 $0x1;
	s9 =	simm.s32 $0x0  }
0xb6: {  	s3 =	simm.s32 $0x4F00;
	s9 =	sand.u32 $0x10000, s9;
	_ =	swait.ge [sflag:s28], $0x4000  }
0xb7: {  	s7 =	sshrl.u32 s9, $0x2;
	s5 =	simm.s32 $0x20000;
	[sflag:s28] =	ssyncset.done $0x0  }
.LBB2_6:
0xb8: {  	s29 =	sadd.s32 $0x1, s29;
	[sflag:s28] =	ssyncadd.s32 $0xFFFFC000;
	s7 =	sor.u32 $0x9E00, s7  }
0xb9: {  	[spmem:s1] =	stream.indirect.scatter.add.f32 [tilespmem:s7], [sflag:$0x2], $0x80, s3, s30, $0xb8;
	[tilespmem:$0x1DE00] =	vst v63  }
0xba: {  	p1 =	sle.s32 s25, s29;
	p0 =	sne.s32 s0, s29;
	_ =	swait.ge [sflag:s24], $0x4000  }
0xbb: {  	s2 =	sadd.s32 $0x80, s2;
	s7 =	sand.u32 @!p1 $0x10000, s5;
	[sflag:s24] =	ssyncset.done $0x0  }
.Ltmp3:
0xbc: {  	s7 =	sshrl.u32 @!p1 s7, $0x2;
	[sflag:s24] =	ssyncadd.s32 $0xFFFFC000;
	(pc) =	sbr.rel @p0 .LBB2_6-.Ltmp3, $4  }
0xbd: {  	s9 =	sadd.s32 $0xFFFF0000, s5;
	s8 =	simm.s32 @!p1 $0x80;
	s7 =	sor.u32 @!p1 $0x9E00, s7  }
0xbe: {  	[tilespmem:s7], [sflag:$0x1] =	stream.indirect.gather @!p1 [hbm4b:s4+s8], $0x80, s2, s8, $0xb8;
	[tilespmem:$0x1DE00] =	vst v63  }
0xbf: {  	s3 =	sadd.s32 $0x80, s3;
	s7 =	sand.u32 $0x10000, s9;
	_ =	swait.ge [sflag:s28], $0x4000  }
0xc0: {  	s5 =	sadd.s32 $0x10000, s5;
	s7 =	sshrl.u32 s7, $0x2;
	[sflag:s28] =	ssyncset.done $0x0  }
.LBB2_7:
0xc1: {  	[sflag:s28] =	ssyncadd.s32 $0xFFFFC000;
	s0 =	sor.u32 $0x9E00, s7  }
0xc2: {  	[spmem:s1] =	stream.indirect.scatter.add.f32 [tilespmem:s0], [sflag:$0x2], $0x80, s3, s30, $0xb8;
	[tilespmem:$0x1DE00] =	vst v63  }
0xc3: {  	s29 =	stileid.u32;
	_ =	swait.ge [sflag:s24], $0x4000  }
0xc4: {  	s2 =	sshrl.u32 s6, $0x3;
	s31 =	sadd.s32 $0x1, s31;
	[sflag:s24] =	ssyncset.done $0x0  }
0xc5: {  	s0 =	sshll.u32 s29, $0x6;
	p0 =	sne.s32 s31, s23;
	[sflag:s24] =	ssyncadd.s32 $0xFFFFC000  }
.Ltmp4:
0xc6: {  	s0 =	sor.u32 $0x1C02, s0;
	[bflag:$0x0] =	sbarrier.arrive $0xFFFF;
	(pc) =	sbr.rel @p0 .LBB2_1-.Ltmp4, $4  }
0xc7: {  	[hbm:s22], [sflag:s0] =	dma.local [spmem:s2], $0x1680  }
0xc8: {  	_ =	swait.ge [sflag:s24], $0x1680  }
0xc9: {  	[sflag:s24] =	ssyncset.done $0x0  }
0xca: {  	[sflag:s24] =	ssyncadd.s32 $0xFFFFE980  }
0xcb: {  	_ =	sfence.sel $0x180000  }
0xcc: {  	[bflag:$0x0] =	sbarrier.arrive $0xFFFF  }
0xcd: {  	_ =	strace $0x90000050  }
0xce: {  	s0 =	stileid.u32;
	[bflag:$0x2] =	sbarrier.arrive $0xFFFF  }
0xcf: {  	p0 =	sne.s32 s0, $0x0;
	s0 =	rddreg [dreg:$0x3]  }
0xd0: {  	s0 =	sadd.s32 @!p0 $0x100000, s0  }
0xd1: {  	[sflag:s0] =	ssyncadd.tile.s32 @!p0 $0x1;
	_ =	shalt  }
.Lfunc_end2:
_tile_overlayer_lowered:
.L_overlay_start_2:
0xd2: {  	(tag) =	ssettag $0x2  }
0xd3: {  	s0 =	rddreg [dreg:$0x0];
	s2 =	stileid.u32  }
0xd4: {  	s1 =	rddreg [dreg:$0x1];
	p0 =	sne.s32 s2, $0x0  }
0xd5: {  	s3 =	rddreg [dreg:$0x2];
	[bflag:$0x3] =	sbarrier.arrive $0xFFFF;
	s2 =	simm.s32 @!p0 $0x1C02  }
0xd6: {  	[timem:s3], [sflag:s2] =	dma.local @!p0 [hbm:s0], s1  }
0xd7: {  	s0 =	simm.s32 @!p0 $0x2  }
0xd8: {  	_ =	swait.ge @!p0 [sflag:s0], s1  }
0xd9: {  	s1 =	ssub.s32 @!p0 $0x0, s1;
	[sflag:s0] =	ssyncset.done @!p0 $0x0  }
0xda: {  	[sflag:s0] =	ssyncadd.s32 @!p0 s1  }
0xdb: {  	[bflag:$0x3] =	sbarrier.arrive $0xFFFF  }
0xdc: {  	_ =	shalt  }

</sc_bundles>
